<compile_context>
chip_gen: v7x
topology: tpu7x:2x2x1
jax: 0.10.2.dev20260603
libtpu: 0.0.44.dev20260713+nightly
codegen_flags: <defaults>
</compile_context>

<pallas_src>
import functools

import jax
import jax.numpy as jnp
from jax import lax
from jax.experimental import pallas as pl
from jax.experimental.pallas import tpu as pltpu
from jax.experimental.pallas import tpu_sc as plsc

N_EMB = 1000000
D_EMB = 64
BATCH = 16384

_info = plsc.get_sparse_core_info()
_NC, _NS = _info.num_cores, _info.num_subcores
_NW = _NC * _NS
_SHARD = 31232
_CHUNK = 512
_NCHUNK = _SHARD // _CHUNK
_DUMP = BATCH
_SEG = 1152
_REG = _NS * _SEG

_mesh = plsc.VectorSubcoreMesh(core_axis_name="c", subcore_axis_name="s")
_params = pltpu.CompilerParams(needs_layout_passes=False)


@functools.partial(
    pl.kernel,
    mesh=_mesh,
    out_type=(
        jax.ShapeDtypeStruct((2 * _REG, 128), jnp.float32),
        jax.ShapeDtypeStruct((2 * _REG,), jnp.int32),
    ),
    compiler_params=_params,
    scratch_types=[
        pltpu.VMEM((BATCH,), jnp.int32),
        pltpu.VMEM((BATCH + 16,), jnp.int32),
        pltpu.VMEM((BATCH + 16,), jnp.int32),
        pltpu.VMEM((BATCH + 16,), jnp.int32),
        pltpu.VMEM((D_EMB, _CHUNK), jnp.float32),
        pltpu.VMEM((2, 64, 128), jnp.float32),
        pltpu.VMEM((2, 64), jnp.int32),
        pltpu.SMEM((1,), jnp.int32),
        pltpu.SemaphoreType.DMA,
        pltpu.SemaphoreType.DMA,
    ],
)
def _scan_gather(x_hbm, embt_hbm, tail_hbm, rows_hbm, side_hbm,
                 idx_v, mb_v, cb_v, cr_v, stage_v, acc_v, aidx_v,
                 cnt_s, sem, sem_sc):
    sid = lax.axis_index("s")
    cid = lax.axis_index("c")
    wid = sid * _NC + cid
    lo = wid * _SHARD
    hi = jnp.where(wid == _NW - 1, N_EMB, lo + _SHARD).astype(jnp.int32)
    iota = lax.iota(jnp.int32, 16)

    pltpu.sync_copy(x_hbm, idx_v)

    def prefilter(g, off):
        v = idx_v[pl.ds(g * 16, 16)]
        m = (v >= lo) & (v < hi)
        plsc.store_compressed(mb_v.at[pl.ds(off, 16)], g * 16 + iota, mask=m)
        return off + plsc.all_reduce_population_count(m)[0]

    n_match = lax.fori_loop(0, BATCH // 16, prefilter, jnp.int32(0))
    n_groups = (n_match + 15) // 16

    for k16 in range(4):
        aidx_v[0, pl.ds(k16 * 16, 16)] = jnp.full((16,), _DUMP, jnp.int32)
    pre0 = cid * _REG + sid * _SEG
    for k in range(_SEG // 64):
        pltpu.sync_copy(aidx_v.at[0],
                        side_hbm.at[pl.ds(pre0 + k * 64, 64)])

    @pl.when(sid == 0)
    def _():
        cnt_s[0] = 0

    plsc.subcore_barrier()
    seg = plsc.fetch_and_add(cnt_s.at[0], (n_match + 63) // 64 * 64,
                             subcore_id=0)
    base = cid * _REG + seg

    def drain_one():
        pltpu.make_async_copy(
            embt_hbm.at[pl.ds(0, 64), pl.ds(0, 128)], acc_v.at[0],
            sem_sc).wait()
        pltpu.make_async_copy(
            x_hbm.at[pl.ds(0, 64)], aidx_v.at[0], sem_sc).wait()

    def flush(slot, nblk):
        row0 = pl.multiple_of(base + nblk * 64, 8)
        pltpu.async_copy(acc_v.at[slot], rows_hbm.at[pl.ds(row0, 64)],
                         sem_sc)
        pltpu.async_copy(aidx_v.at[slot], side_hbm.at[pl.ds(row0, 64)],
                         sem_sc)

    def process_chunk(rlo, carry):
        rhi = rlo + _CHUNK

        def rescan(g, off):
            mg = (g * 16 + iota) < n_match
            bv = jnp.where(mg, mb_v[pl.ds(g * 16, 16)], 0)
            rv = plsc.load_gather(idx_v, [bv])
            m = mg & (rv >= rlo) & (rv < rhi)
            plsc.store_compressed(cb_v.at[pl.ds(off, 16)], bv, mask=m)
            plsc.store_compressed(cr_v.at[pl.ds(off, 16)], rv, mask=m)
            return off + plsc.all_reduce_population_count(m)[0]

        n2 = lax.fori_loop(0, n_groups, rescan, jnp.int32(0))

        def extract(h, ec):
            fill, slot, o, nblk = ec
            fresh = (fill == 0) & (o >= 2)

            @pl.when(fresh)
            def _():
                drain_one()

            o = jnp.where(fresh, o - 1, o)
            b16 = cb_v[pl.ds(h * 16, 16)]
            r16 = cr_v[pl.ds(h * 16, 16)] - rlo
            mk = (h * 16 + iota) < n2
            r16 = jnp.where(mk, r16, 0)
            slot16 = jnp.full((16,), 0, jnp.int32) + slot
            f16 = fill + iota

            def move_d(dd, _):
                dsplat = jnp.full((16,), 0, jnp.int32) + dd
                val = plsc.load_gather(stage_v, [dsplat, r16], mask=mk)
                plsc.store_scatter(acc_v, [slot16, f16, dsplat], val, mask=mk)
                return 0

            lax.fori_loop(0, D_EMB, move_d, 0)
            plsc.store_scatter(aidx_v, [slot16, f16],
                               jnp.where(mk, b16, _DUMP))
            fill = fill + 16
            fl = fill == 64

            @pl.when(fl)
            def _():
                flush(slot, nblk)

            fli = fl.astype(jnp.int32)
            return (jnp.where(fl, 0, fill), jnp.where(fl, 1 - slot, slot),
                    o + fli, nblk + fli)

        return lax.fori_loop(0, (n2 + 15) // 16, extract, carry)

    def stage_chunk(rlo):
        cps = [
            pltpu.async_copy(
                embt_hbm.at[pl.ds(i * 8, 8),
                            pl.ds(pl.multiple_of(rlo, 128), _CHUNK)],
                stage_v.at[pl.ds(i * 8, 8), pl.ds(0, _CHUNK)],
                sem)
            for i in range(8)
        ]
        for cp in cps:
            cp.wait()

    def chunk_body(c, carry):
        rlo = lo + c * _CHUNK

        @pl.when(c < _NCHUNK + 1)
        def _():
            stage_chunk(rlo)

        @pl.when(c == _NCHUNK + 1)
        def _():
            pltpu.sync_copy(tail_hbm, stage_v.at[:, pl.ds(0, 128)])

        return process_chunk(rlo, carry)

    n_chunks = jnp.where(wid == _NW - 1, _NCHUNK + 2, _NCHUNK)
    fill, slot, o, nblk = lax.fori_loop(
        0, n_chunks, chunk_body,
        (jnp.int32(0), jnp.int32(0), jnp.int32(0), jnp.int32(0)))

    fresh = (fill > 0) & (o >= 2)

    @pl.when(fresh)
    def _():
        drain_one()

    o = jnp.where(fresh, o - 1, o)

    @pl.when(fill > 0)
    def _():
        slot16 = jnp.full((16,), 0, jnp.int32) + slot

        def pad(k, _):
            plsc.store_scatter(aidx_v, [slot16, fill + k * 16 + iota],
                               jnp.full((16,), _DUMP, jnp.int32))
            return 0

        lax.fori_loop(0, (64 - fill) // 16, pad, 0)
        flush(slot, nblk)

    o = o + (fill > 0).astype(jnp.int32)

    def fdrain(k, _):
        drain_one()
        return 0

    lax.fori_loop(0, o, fdrain, 0)


_BPW = BATCH // _NW


@functools.partial(
    pl.kernel,
    mesh=_mesh,
    out_type=jax.ShapeDtypeStruct((D_EMB, BATCH), jnp.float32),
    compiler_params=_params,
    scratch_types=[
        pltpu.VMEM((_REG,), jnp.int32),
        pltpu.VMEM((_BPW + 16,), jnp.int32),
        pltpu.VMEM((_BPW + 16,), jnp.int32),
        pltpu.VMEM((_BPW, 128), jnp.float32),
        pltpu.VMEM((D_EMB, _BPW), jnp.float32),
        pltpu.SemaphoreType.DMA,
    ],
)
def _route_out(rows_hbm, side_hbm, out_hbm, sc_v, pos_v, pb_v, st_v, ob_v,
               sem):
    wid = lax.axis_index("s") * _NC + lax.axis_index("c")
    b0 = wid * _BPW
    iota = lax.iota(jnp.int32, 16)

    def init(g, _):
        pos_v[pl.ds(g * 16, 16)] = jnp.zeros((16,), jnp.int32)
        pb_v[pl.ds(g * 16, 16)] = jnp.full((16,), _DUMP, jnp.int32)
        return 0

    lax.fori_loop(0, _BPW // 16, init, 0)

    off = jnp.int32(0)
    for reg in range(2):
        pltpu.sync_copy(side_hbm.at[pl.ds(reg * _REG, _REG)], sc_v)

        def scan(g, off, reg=reg):
            sv = sc_v[pl.ds(g * 16, 16)]
            m = (sv >= b0) & (sv < b0 + _BPW)
            plsc.store_compressed(pos_v.at[pl.ds(off, 16)],
                                  reg * _REG + g * 16 + iota, mask=m)
            plsc.store_compressed(pb_v.at[pl.ds(off, 16)], sv, mask=m)
            return off + plsc.all_reduce_population_count(m)[0]

        off = lax.fori_loop(0, _REG // 16, scan, off)

    cps = [
        pltpu.async_copy(
            rows_hbm.at[pos_v.at[pl.ds(k * 128, 128)]],
            st_v.at[pl.ds(k * 128, 128)], sem)
        for k in range(_BPW // 128)
    ]
    for cp in cps:
        cp.wait()

    def grp(h, _):
        p16 = h * 16 + iota
        col16 = pb_v[pl.ds(h * 16, 16)] - b0
        mk = (col16 >= 0) & (col16 < _BPW)
        col16 = jnp.where(mk, col16, 0)
        for dd in range(D_EMB):
            dsplat = jnp.full((16,), dd, jnp.int32)
            val = plsc.load_gather(st_v, [p16, dsplat], mask=mk)
            plsc.store_scatter(ob_v, [dsplat, col16], val, mask=mk)
        return 0

    lax.fori_loop(0, _BPW // 16, grp, 0)
    pltpu.sync_copy(ob_v, out_hbm.at[:, pl.ds(pl.multiple_of(b0, 128), _BPW)])


def kernel(x, emb):
    tail = jnp.zeros((D_EMB, 128), jnp.float32)
    tail = tail.at[:, : N_EMB - _NW * _SHARD - _CHUNK].set(
        emb[_NW * _SHARD + _CHUNK:].T)
    rows, side = _scan_gather(x.astype(jnp.int32), emb.T, tail)
    out_t = _route_out(rows, side)
    return out_t.T

# --- scband reference (transcript-rebuilt; emitter-appended) ---
"""Pipeline reference for scband-embedding-12232066859354 (READ-ONLY COPY).

The authoritative reference and input builder live on the scoring server;
editing this copy changes nothing except your own understanding.
"""

import jax, jax.numpy as jnp
import numpy as np

N_EMB = 1000000
D_EMB = 64
BATCH = 16384

def setup_inputs(seed: int = 0) -> dict:
    key = jax.random.key(seed)
    k1, k2 = jax.random.split(key)
    x = jax.random.randint(k1, (BATCH,), 0, N_EMB, dtype=jnp.int64 if jax.config.jax_enable_x64 else jnp.int32)
    emb = jax.random.normal(k2, (N_EMB, D_EMB), dtype=jnp.float32)
    return {"x": x, "emb": emb}

def reference(x, emb):
    # emb[x] -> gather rows
    return jnp.take(emb, x, axis=0)

if __name__ == "__main__":
    import jax
    _d = setup_inputs()
    print(jax.jit(kernel)(*tuple(_d.values())))

</pallas_src>

<mosaic_0001>
#map = affine_map<(d0, d1) -> (0)>
#map1 = affine_map<(d0, d1) -> (0, 0)>
module attributes {stable_mosaic.version = 14 : i64} {
  func.func @_scan_gather(%arg0: i32, %arg1: i32, %arg2: memref<16384xi32, #tpu.memory_space<hbm>>, %arg3: memref<64x1000000xf32, #tpu.memory_space<hbm>>, %arg4: memref<64x128xf32, #tpu.memory_space<hbm>>, %arg5: memref<36864x128xf32, #tpu.memory_space<hbm>>, %arg6: memref<36864xi32, #tpu.memory_space<hbm>>, %arg7: memref<16384xi32, #tpu.memory_space<vmem>>, %arg8: memref<16400xi32, #tpu.memory_space<vmem>>, %arg9: memref<16400xi32, #tpu.memory_space<vmem>>, %arg10: memref<16400xi32, #tpu.memory_space<vmem>>, %arg11: memref<64x512xf32, #tpu.memory_space<vmem>>, %arg12: memref<2x64x128xf32, #tpu.memory_space<vmem>>, %arg13: memref<2x64xi32, #tpu.memory_space<vmem>>, %arg14: memref<1xi32, #tpu.memory_space<smem>>, %arg15: memref<!tpu.dma_semaphore, #tpu.memory_space<semaphore_mem>>, %arg16: memref<!tpu.dma_semaphore, #tpu.memory_space<semaphore_mem>>) attributes {dimension_semantics = [#tpu.dimension_semantics<core_parallel>, #tpu.dimension_semantics<subcore_parallel>], iteration_bounds = array<i64: 2, 16>, scalar_prefetch = 0 : i64, scratch_operands = 10 : i64, tpu.core_type = #tpu.core_type<sc_vector_subcore>, window_params = [{transform_indices = #map}, {transform_indices = #map1}, {transform_indices = #map1}, {transform_indices = #map1}, {transform_indices = #map}]} {
    %mul3A = arith.constant 2 : i32
    %mul3A_0 = arith.muli %arg1, %mul3A : i32
    %add3A = arith.addi %mul3A_0, %arg0 : i32
    %mul3A_1 = arith.constant 31232 : i32
    %mul3A_2 = arith.muli %add3A, %mul3A_1 : i32
    %eq3A = arith.constant 31 : i32
    %eq3A_3 = arith.cmpi eq, %add3A, %eq3A : i32
    %add3A_4 = arith.constant 31232 : i32
    %add3A_5 = arith.addi %mul3A_2, %add3A_4 : i32
    %jit3A = arith.constant 1000000 : i32
    %select_n3A = arith.select %eq3A_3, %jit3A, %add3A_5 : i32
    %iota3A = tpu.iota {dimensions = array<i32: 0>} : vector<16xi32>
    "tpu.region"() ({
      %run_scoped3A_197 = tpu.sem_alloc : memref<!tpu.dma_semaphore, #tpu.memory_space<semaphore_mem>>
      tpu.enqueue_dma source(%arg2 : memref<16384xi32, #tpu.memory_space<hbm>>) target(%arg7 : memref<16384xi32, #tpu.memory_space<vmem>>) target_semaphore(%run_scoped3A_197 : memref<!tpu.dma_semaphore, #tpu.memory_space<semaphore_mem>>)
      tpu.wait_dma2 semaphore(%run_scoped3A_197 : memref<!tpu.dma_semaphore, #tpu.memory_space<semaphore_mem>>) src(%arg2 : memref<16384xi32, #tpu.memory_space<hbm>>) dst(%arg7 : memref<16384xi32, #tpu.memory_space<vmem>>)
      tpu.yield
    }) : () -> ()
    %scan3A = arith.constant 0 : i32
    %scan3A_6 = arith.constant 0 : i32
    %scan3A_7 = arith.constant 1024 : i32
    %scan3A_8 = arith.addi %scan3A_6, %scan3A_7 : i32
    %scan3A_9 = arith.constant 1 : i32
    %scan3A_10 = scf.for %scan3A_197 = %scan3A_6 to %scan3A_8 step %scan3A_9 iter_args(%scan3A_198 = %scan3A) -> (i32)  : i32 {
      %mul3A_199 = arith.constant 16 : i32
      %mul3A_200 = arith.muli %scan3A_197, %mul3A_199 : i32
      %get3A = arith.index_cast %mul3A_200 : i32 to index
      %get3A_201 = tpu.vector_load %arg7[%get3A] {strides = array<i32>} : memref<16384xi32, #tpu.memory_space<vmem>>, vector<16xi32>,
      %ge3A_202 = vector.broadcast %mul3A_2 : i32 to vector<16xi32>
      %ge3A_203 = arith.cmpi sge, %get3A_201, %ge3A_202 : vector<16xi32>
      %lt3A = vector.broadcast %select_n3A : i32 to vector<16xi32>
      %lt3A_204 = arith.cmpi slt, %get3A_201, %lt3A : vector<16xi32>
      %and3A_205 = arith.andi %ge3A_203, %lt3A_204 : vector<16xi1>
      %mul3A_206 = arith.constant 16 : i32
      %mul3A_207 = arith.muli %scan3A_197, %mul3A_206 : i32
      %add3A_208 = vector.broadcast %mul3A_207 : i32 to vector<16xi32>
      %add3A_209 = arith.addi %add3A_208, %iota3A : vector<16xi32>
      %swap3A_210 = arith.index_cast %scan3A_198 : i32 to index
      %swap3A_211 = tpu.vector_load %arg8[%swap3A_210] masked %and3A_205 {strides = array<i32>} : memref<16400xi32, #tpu.memory_space<vmem>>, vector<16xi32>, vector<16xi1>
      tpu.vector_store %arg8[%swap3A_210], %add3A_209 masked %and3A_205 {strides = array<i32>} : memref<16400xi32, #tpu.memory_space<vmem>>, vector<16xi32>, vector<16xi1>
      %all_reduce_population_count3A = tpu.all_reduce %and3A_205 {dim = 0 : i64, kind = #tpu.reduction_kind<sum>} : vector<16xi1> -> vector<16xi32>
      %slice3A = vector.extract_strided_slice %all_reduce_population_count3A {offsets = [0], sizes = [1], strides = [1]} : vector<16xi32> to vector<1xi32>
      %squeeze3A = vector.extract %slice3A[0] : i32 from vector<1xi32>
      %add3A_212 = arith.addi %scan3A_198, %squeeze3A : i32
      scf.yield %add3A_212 : i32
    }
    %scan3A_11 = arith.constant 1024 : i32
    %add3A_12 = arith.constant 15 : i32
    %add3A_13 = arith.addi %scan3A_10, %add3A_12 : i32
    %jit3A_14 = arith.constant 16 : i32
    %div3A = arith.divsi %add3A_13, %jit3A_14 : i32
    %sign3A = arith.constant 0 : i32
    %sign3A_15 = arith.cmpi sgt, %add3A_13, %sign3A : i32
    %sign3A_16 = arith.extui %sign3A_15 : i1 to i32
    %sign3A_17 = arith.constant 0 : i32
    %sign3A_18 = arith.cmpi slt, %add3A_13, %sign3A_17 : i32
    %sign3A_19 = arith.extui %sign3A_18 : i1 to i32
    %sign3A_20 = arith.subi %sign3A_16, %sign3A_19 : i32
    %sign3A_21 = arith.constant 0 : i32
    %sign3A_22 = arith.cmpi sgt, %jit3A_14, %sign3A_21 : i32
    %sign3A_23 = arith.extui %sign3A_22 : i1 to i32
    %sign3A_24 = arith.constant 0 : i32
    %sign3A_25 = arith.cmpi slt, %jit3A_14, %sign3A_24 : i32
    %sign3A_26 = arith.extui %sign3A_25 : i1 to i32
    %sign3A_27 = arith.subi %sign3A_23, %sign3A_26 : i32
    %ne3A = arith.cmpi ne, %sign3A_20, %sign3A_27 : i32
    %rem3A = arith.remsi %add3A_13, %jit3A_14 : i32
    %ne3A_28 = arith.constant 0 : i32
    %ne3A_29 = arith.cmpi ne, %rem3A, %ne3A_28 : i32
    %and3A = arith.andi %ne3A, %ne3A_29 : i1
    %sub3A = arith.constant 1 : i32
    %sub3A_30 = arith.subi %div3A, %sub3A : i32
    %select_n3A_31 = arith.select %and3A, %sub3A_30, %div3A : i32
    %broadcast_in_dim3A = arith.constant 16384 : i32
    %broadcast_in_dim3A_32 = vector.broadcast %broadcast_in_dim3A : i32 to vector<16xi32>
    %swap3A = arith.constant 0 : i32
    %swap3A_33 = arith.index_cast %swap3A : i32 to index
    %swap3A_34 = arith.constant 0 : index
    %swap3A_35 = tpu.vector_load %arg13[%swap3A_33, %swap3A_34] {strides = array<i32>} : memref<2x64xi32, #tpu.memory_space<vmem>>, vector<16xi32>,
    tpu.vector_store %arg13[%swap3A_33, %swap3A_34], %broadcast_in_dim3A_32 {strides = array<i32>} : memref<2x64xi32, #tpu.memory_space<vmem>>, vector<16xi32>,
    %broadcast_in_dim3A_36 = arith.constant 16384 : i32
    %broadcast_in_dim3A_37 = vector.broadcast %broadcast_in_dim3A_36 : i32 to vector<16xi32>
    %swap3A_38 = arith.constant 0 : i32
    %swap3A_39 = arith.index_cast %swap3A_38 : i32 to index
    %swap3A_40 = arith.constant 16 : index
    %swap3A_41 = tpu.vector_load %arg13[%swap3A_39, %swap3A_40] {strides = array<i32>} : memref<2x64xi32, #tpu.memory_space<vmem>>, vector<16xi32>,
    tpu.vector_store %arg13[%swap3A_39, %swap3A_40], %broadcast_in_dim3A_37 {strides = array<i32>} : memref<2x64xi32, #tpu.memory_space<vmem>>, vector<16xi32>,
    %broadcast_in_dim3A_42 = arith.constant 16384 : i32
    %broadcast_in_dim3A_43 = vector.broadcast %broadcast_in_dim3A_42 : i32 to vector<16xi32>
    %swap3A_44 = arith.constant 0 : i32
    %swap3A_45 = arith.index_cast %swap3A_44 : i32 to index
    %swap3A_46 = arith.constant 32 : index
    %swap3A_47 = tpu.vector_load %arg13[%swap3A_45, %swap3A_46] {strides = array<i32>} : memref<2x64xi32, #tpu.memory_space<vmem>>, vector<16xi32>,
    tpu.vector_store %arg13[%swap3A_45, %swap3A_46], %broadcast_in_dim3A_43 {strides = array<i32>} : memref<2x64xi32, #tpu.memory_space<vmem>>, vector<16xi32>,
    %broadcast_in_dim3A_48 = arith.constant 16384 : i32
    %broadcast_in_dim3A_49 = vector.broadcast %broadcast_in_dim3A_48 : i32 to vector<16xi32>
    %swap3A_50 = arith.constant 0 : i32
    %swap3A_51 = arith.index_cast %swap3A_50 : i32 to index
    %swap3A_52 = arith.constant 48 : index
    %swap3A_53 = tpu.vector_load %arg13[%swap3A_51, %swap3A_52] {strides = array<i32>} : memref<2x64xi32, #tpu.memory_space<vmem>>, vector<16xi32>,
    tpu.vector_store %arg13[%swap3A_51, %swap3A_52], %broadcast_in_dim3A_49 {strides = array<i32>} : memref<2x64xi32, #tpu.memory_space<vmem>>, vector<16xi32>,
    %mul3A_54 = arith.constant 18432 : i32
    %mul3A_55 = arith.muli %arg0, %mul3A_54 : i32
    %mul3A_56 = arith.constant 1152 : i32
    %mul3A_57 = arith.muli %arg1, %mul3A_56 : i32
    %add3A_58 = arith.addi %mul3A_55, %mul3A_57 : i32
    %add3A_59 = arith.constant 0 : i32
    %add3A_60 = arith.addi %add3A_58, %add3A_59 : i32
    %run_scoped3A = arith.constant 0 : i32
    "tpu.region"() ({
      %run_scoped3A_197 = tpu.sem_alloc : memref<!tpu.dma_semaphore, #tpu.memory_space<semaphore_mem>>
      %dma_start3A = arith.constant 0 : i32
      %dma_start3A_198 = tpu.memref_slice %arg13[%run_scoped3A, %dma_start3A] : memref<2x64xi32, #tpu.memory_space<vmem>> -> memref<1x64xi32, #tpu.memory_space<vmem>>
      %dma_start3A_199 = tpu.memref_squeeze %dma_start3A_198 : memref<1x64xi32, #tpu.memory_space<vmem>> -> memref<64xi32, #tpu.memory_space<vmem>>
      %dma_start3A_200 = tpu.memref_slice %arg6[%add3A_60] : memref<36864xi32, #tpu.memory_space<hbm>> -> memref<64xi32, #tpu.memory_space<hbm>>
      %dma_start3A_201 = tpu.memref_slice %arg6[%add3A_60] : memref<36864xi32, #tpu.memory_space<hbm>> -> memref<64xi32, #tpu.memory_space<hbm>>
      %dma_start3A_202 = arith.constant 0 : i32
      %dma_start3A_203 = tpu.memref_slice %arg13[%run_scoped3A, %dma_start3A_202] : memref<2x64xi32, #tpu.memory_space<vmem>> -> memref<1x64xi32, #tpu.memory_space<vmem>>
      %dma_start3A_204 = tpu.memref_squeeze %dma_start3A_203 : memref<1x64xi32, #tpu.memory_space<vmem>> -> memref<64xi32, #tpu.memory_space<vmem>>
      tpu.enqueue_dma source(%dma_start3A_204 : memref<64xi32, #tpu.memory_space<vmem>>) target(%dma_start3A_201 : memref<64xi32, #tpu.memory_space<hbm>>) target_semaphore(%run_scoped3A_197 : memref<!tpu.dma_semaphore, #tpu.memory_space<semaphore_mem>>)
      %dma_wait3A = arith.constant 0 : i32
      %dma_wait3A_205 = tpu.memref_slice %arg13[%run_scoped3A, %dma_wait3A] : memref<2x64xi32, #tpu.memory_space<vmem>> -> memref<1x64xi32, #tpu.memory_space<vmem>>
      %dma_wait3A_206 = tpu.memref_squeeze %dma_wait3A_205 : memref<1x64xi32, #tpu.memory_space<vmem>> -> memref<64xi32, #tpu.memory_space<vmem>>
      %dma_wait3A_207 = tpu.memref_slice %arg6[%add3A_60] : memref<36864xi32, #tpu.memory_space<hbm>> -> memref<64xi32, #tpu.memory_space<hbm>>
      %dma_wait3A_208 = tpu.memref_slice %arg6[%add3A_60] : memref<36864xi32, #tpu.memory_space<hbm>> -> memref<64xi32, #tpu.memory_space<hbm>>
      %dma_wait3A_209 = arith.constant 0 : i32
      %dma_wait3A_210 = tpu.memref_slice %arg13[%run_scoped3A, %dma_wait3A_209] : memref<2x64xi32, #tpu.memory_space<vmem>> -> memref<1x64xi32, #tpu.memory_space<vmem>>
      %dma_wait3A_211 = tpu.memref_squeeze %dma_wait3A_210 : memref<1x64xi32, #tpu.memory_space<vmem>> -> memref<64xi32, #tpu.memory_space<vmem>>
      tpu.wait_dma2 semaphore(%run_scoped3A_197 : memref<!tpu.dma_semaphore, #tpu.memory_space<semaphore_mem>>) src(%dma_wait3A_211 : memref<64xi32, #tpu.memory_space<vmem>>) dst(%dma_wait3A_208 : memref<64xi32, #tpu.memory_space<hbm>>)
      tpu.yield
    }) : () -> ()
    %add3A_61 = arith.constant 64 : i32
    %add3A_62 = arith.addi %add3A_58, %add3A_61 : i32
    %run_scoped3A_63 = arith.constant 0 : i32
    "tpu.region"() ({
      %run_scoped3A_197 = tpu.sem_alloc : memref<!tpu.dma_semaphore, #tpu.memory_space<semaphore_mem>>
      %dma_start3A = arith.constant 0 : i32
      %dma_start3A_198 = tpu.memref_slice %arg13[%run_scoped3A_63, %dma_start3A] : memref<2x64xi32, #tpu.memory_space<vmem>> -> memref<1x64xi32, #tpu.memory_space<vmem>>
      %dma_start3A_199 = tpu.memref_squeeze %dma_start3A_198 : memref<1x64xi32, #tpu.memory_space<vmem>> -> memref<64xi32, #tpu.memory_space<vmem>>
      %dma_start3A_200 = tpu.memref_slice %arg6[%add3A_62] : memref<36864xi32, #tpu.memory_space<hbm>> -> memref<64xi32, #tpu.memory_space<hbm>>
      %dma_start3A_201 = tpu.memref_slice %arg6[%add3A_62] : memref<36864xi32, #tpu.memory_space<hbm>> -> memref<64xi32, #tpu.memory_space<hbm>>
      %dma_start3A_202 = arith.constant 0 : i32
      %dma_start3A_203 = tpu.memref_slice %arg13[%run_scoped3A_63, %dma_start3A_202] : memref<2x64xi32, #tpu.memory_space<vmem>> -> memref<1x64xi32, #tpu.memory_space<vmem>>
      %dma_start3A_204 = tpu.memref_squeeze %dma_start3A_203 : memref<1x64xi32, #tpu.memory_space<vmem>> -> memref<64xi32, #tpu.memory_space<vmem>>
      tpu.enqueue_dma source(%dma_start3A_204 : memref<64xi32, #tpu.memory_space<vmem>>) target(%dma_start3A_201 : memref<64xi32, #tpu.memory_space<hbm>>) target_semaphore(%run_scoped3A_197 : memref<!tpu.dma_semaphore, #tpu.memory_space<semaphore_mem>>)
      %dma_wait3A = arith.constant 0 : i32
      %dma_wait3A_205 = tpu.memref_slice %arg13[%run_scoped3A_63, %dma_wait3A] : memref<2x64xi32, #tpu.memory_space<vmem>> -> memref<1x64xi32, #tpu.memory_space<vmem>>
      %dma_wait3A_206 = tpu.memref_squeeze %dma_wait3A_205 : memref<1x64xi32, #tpu.memory_space<vmem>> -> memref<64xi32, #tpu.memory_space<vmem>>
      %dma_wait3A_207 = tpu.memref_slice %arg6[%add3A_62] : memref<36864xi32, #tpu.memory_space<hbm>> -> memref<64xi32, #tpu.memory_space<hbm>>
      %dma_wait3A_208 = tpu.memref_slice %arg6[%add3A_62] : memref<36864xi32, #tpu.memory_space<hbm>> -> memref<64xi32, #tpu.memory_space<hbm>>
      %dma_wait3A_209 = arith.constant 0 : i32
      %dma_wait3A_210 = tpu.memref_slice %arg13[%run_scoped3A_63, %dma_wait3A_209] : memref<2x64xi32, #tpu.memory_space<vmem>> -> memref<1x64xi32, #tpu.memory_space<vmem>>
      %dma_wait3A_211 = tpu.memref_squeeze %dma_wait3A_210 : memref<1x64xi32, #tpu.memory_space<vmem>> -> memref<64xi32, #tpu.memory_space<vmem>>
      tpu.wait_dma2 semaphore(%run_scoped3A_197 : memref<!tpu.dma_semaphore, #tpu.memory_space<semaphore_mem>>) src(%dma_wait3A_211 : memref<64xi32, #tpu.memory_space<vmem>>) dst(%dma_wait3A_208 : memref<64xi32, #tpu.memory_space<hbm>>)
      tpu.yield
    }) : () -> ()
    %add3A_64 = arith.constant 128 : i32
    %add3A_65 = arith.addi %add3A_58, %add3A_64 : i32
    %run_scoped3A_66 = arith.constant 0 : i32
    "tpu.region"() ({
      %run_scoped3A_197 = tpu.sem_alloc : memref<!tpu.dma_semaphore, #tpu.memory_space<semaphore_mem>>
      %dma_start3A = arith.constant 0 : i32
      %dma_start3A_198 = tpu.memref_slice %arg13[%run_scoped3A_66, %dma_start3A] : memref<2x64xi32, #tpu.memory_space<vmem>> -> memref<1x64xi32, #tpu.memory_space<vmem>>
      %dma_start3A_199 = tpu.memref_squeeze %dma_start3A_198 : memref<1x64xi32, #tpu.memory_space<vmem>> -> memref<64xi32, #tpu.memory_space<vmem>>
      %dma_start3A_200 = tpu.memref_slice %arg6[%add3A_65] : memref<36864xi32, #tpu.memory_space<hbm>> -> memref<64xi32, #tpu.memory_space<hbm>>
      %dma_start3A_201 = tpu.memref_slice %arg6[%add3A_65] : memref<36864xi32, #tpu.memory_space<hbm>> -> memref<64xi32, #tpu.memory_space<hbm>>
      %dma_start3A_202 = arith.constant 0 : i32
      %dma_start3A_203 = tpu.memref_slice %arg13[%run_scoped3A_66, %dma_start3A_202] : memref<2x64xi32, #tpu.memory_space<vmem>> -> memref<1x64xi32, #tpu.memory_space<vmem>>
      %dma_start3A_204 = tpu.memref_squeeze %dma_start3A_203 : memref<1x64xi32, #tpu.memory_space<vmem>> -> memref<64xi32, #tpu.memory_space<vmem>>
      tpu.enqueue_dma source(%dma_start3A_204 : memref<64xi32, #tpu.memory_space<vmem>>) target(%dma_start3A_201 : memref<64xi32, #tpu.memory_space<hbm>>) target_semaphore(%run_scoped3A_197 : memref<!tpu.dma_semaphore, #tpu.memory_space<semaphore_mem>>)
      %dma_wait3A = arith.constant 0 : i32
      %dma_wait3A_205 = tpu.memref_slice %arg13[%run_scoped3A_66, %dma_wait3A] : memref<2x64xi32, #tpu.memory_space<vmem>> -> memref<1x64xi32, #tpu.memory_space<vmem>>
      %dma_wait3A_206 = tpu.memref_squeeze %dma_wait3A_205 : memref<1x64xi32, #tpu.memory_space<vmem>> -> memref<64xi32, #tpu.memory_space<vmem>>
      %dma_wait3A_207 = tpu.memref_slice %arg6[%add3A_65] : memref<36864xi32, #tpu.memory_space<hbm>> -> memref<64xi32, #tpu.memory_space<hbm>>
      %dma_wait3A_208 = tpu.memref_slice %arg6[%add3A_65] : memref<36864xi32, #tpu.memory_space<hbm>> -> memref<64xi32, #tpu.memory_space<hbm>>
      %dma_wait3A_209 = arith.constant 0 : i32
      %dma_wait3A_210 = tpu.memref_slice %arg13[%run_scoped3A_66, %dma_wait3A_209] : memref<2x64xi32, #tpu.memory_space<vmem>> -> memref<1x64xi32, #tpu.memory_space<vmem>>
      %dma_wait3A_211 = tpu.memref_squeeze %dma_wait3A_210 : memref<1x64xi32, #tpu.memory_space<vmem>> -> memref<64xi32, #tpu.memory_space<vmem>>
      tpu.wait_dma2 semaphore(%run_scoped3A_197 : memref<!tpu.dma_semaphore, #tpu.memory_space<semaphore_mem>>) src(%dma_wait3A_211 : memref<64xi32, #tpu.memory_space<vmem>>) dst(%dma_wait3A_208 : memref<64xi32, #tpu.memory_space<hbm>>)
      tpu.yield
    }) : () -> ()
    %add3A_67 = arith.constant 192 : i32
    %add3A_68 = arith.addi %add3A_58, %add3A_67 : i32
    %run_scoped3A_69 = arith.constant 0 : i32
    "tpu.region"() ({
      %run_scoped3A_197 = tpu.sem_alloc : memref<!tpu.dma_semaphore, #tpu.memory_space<semaphore_mem>>
      %dma_start3A = arith.constant 0 : i32
      %dma_start3A_198 = tpu.memref_slice %arg13[%run_scoped3A_69, %dma_start3A] : memref<2x64xi32, #tpu.memory_space<vmem>> -> memref<1x64xi32, #tpu.memory_space<vmem>>
      %dma_start3A_199 = tpu.memref_squeeze %dma_start3A_198 : memref<1x64xi32, #tpu.memory_space<vmem>> -> memref<64xi32, #tpu.memory_space<vmem>>
      %dma_start3A_200 = tpu.memref_slice %arg6[%add3A_68] : memref<36864xi32, #tpu.memory_space<hbm>> -> memref<64xi32, #tpu.memory_space<hbm>>
      %dma_start3A_201 = tpu.memref_slice %arg6[%add3A_68] : memref<36864xi32, #tpu.memory_space<hbm>> -> memref<64xi32, #tpu.memory_space<hbm>>
      %dma_start3A_202 = arith.constant 0 : i32
      %dma_start3A_203 = tpu.memref_slice %arg13[%run_scoped3A_69, %dma_start3A_202] : memref<2x64xi32, #tpu.memory_space<vmem>> -> memref<1x64xi32, #tpu.memory_space<vmem>>
      %dma_start3A_204 = tpu.memref_squeeze %dma_start3A_203 : memref<1x64xi32, #tpu.memory_space<vmem>> -> memref<64xi32, #tpu.memory_space<vmem>>
      tpu.enqueue_dma source(%dma_start3A_204 : memref<64xi32, #tpu.memory_space<vmem>>) target(%dma_start3A_201 : memref<64xi32, #tpu.memory_space<hbm>>) target_semaphore(%run_scoped3A_197 : memref<!tpu.dma_semaphore, #tpu.memory_space<semaphore_mem>>)
      %dma_wait3A = arith.constant 0 : i32
      %dma_wait3A_205 = tpu.memref_slice %arg13[%run_scoped3A_69, %dma_wait3A] : memref<2x64xi32, #tpu.memory_space<vmem>> -> memref<1x64xi32, #tpu.memory_space<vmem>>
      %dma_wait3A_206 = tpu.memref_squeeze %dma_wait3A_205 : memref<1x64xi32, #tpu.memory_space<vmem>> -> memref<64xi32, #tpu.memory_space<vmem>>
      %dma_wait3A_207 = tpu.memref_slice %arg6[%add3A_68] : memref<36864xi32, #tpu.memory_space<hbm>> -> memref<64xi32, #tpu.memory_space<hbm>>
      %dma_wait3A_208 = tpu.memref_slice %arg6[%add3A_68] : memref<36864xi32, #tpu.memory_space<hbm>> -> memref<64xi32, #tpu.memory_space<hbm>>
      %dma_wait3A_209 = arith.constant 0 : i32
      %dma_wait3A_210 = tpu.memref_slice %arg13[%run_scoped3A_69, %dma_wait3A_209] : memref<2x64xi32, #tpu.memory_space<vmem>> -> memref<1x64xi32, #tpu.memory_space<vmem>>
      %dma_wait3A_211 = tpu.memref_squeeze %dma_wait3A_210 : memref<1x64xi32, #tpu.memory_space<vmem>> -> memref<64xi32, #tpu.memory_space<vmem>>
      tpu.wait_dma2 semaphore(%run_scoped3A_197 : memref<!tpu.dma_semaphore, #tpu.memory_space<semaphore_mem>>) src(%dma_wait3A_211 : memref<64xi32, #tpu.memory_space<vmem>>) dst(%dma_wait3A_208 : memref<64xi32, #tpu.memory_space<hbm>>)
      tpu.yield
    }) : () -> ()
    %add3A_70 = arith.constant 256 : i32
    %add3A_71 = arith.addi %add3A_58, %add3A_70 : i32
    %run_scoped3A_72 = arith.constant 0 : i32
    "tpu.region"() ({
      %run_scoped3A_197 = tpu.sem_alloc : memref<!tpu.dma_semaphore, #tpu.memory_space<semaphore_mem>>
      %dma_start3A = arith.constant 0 : i32
      %dma_start3A_198 = tpu.memref_slice %arg13[%run_scoped3A_72, %dma_start3A] : memref<2x64xi32, #tpu.memory_space<vmem>> -> memref<1x64xi32, #tpu.memory_space<vmem>>
      %dma_start3A_199 = tpu.memref_squeeze %dma_start3A_198 : memref<1x64xi32, #tpu.memory_space<vmem>> -> memref<64xi32, #tpu.memory_space<vmem>>
      %dma_start3A_200 = tpu.memref_slice %arg6[%add3A_71] : memref<36864xi32, #tpu.memory_space<hbm>> -> memref<64xi32, #tpu.memory_space<hbm>>
      %dma_start3A_201 = tpu.memref_slice %arg6[%add3A_71] : memref<36864xi32, #tpu.memory_space<hbm>> -> memref<64xi32, #tpu.memory_space<hbm>>
      %dma_start3A_202 = arith.constant 0 : i32
      %dma_start3A_203 = tpu.memref_slice %arg13[%run_scoped3A_72, %dma_start3A_202] : memref<2x64xi32, #tpu.memory_space<vmem>> -> memref<1x64xi32, #tpu.memory_space<vmem>>
      %dma_start3A_204 = tpu.memref_squeeze %dma_start3A_203 : memref<1x64xi32, #tpu.memory_space<vmem>> -> memref<64xi32, #tpu.memory_space<vmem>>
      tpu.enqueue_dma source(%dma_start3A_204 : memref<64xi32, #tpu.memory_space<vmem>>) target(%dma_start3A_201 : memref<64xi32, #tpu.memory_space<hbm>>) target_semaphore(%run_scoped3A_197 : memref<!tpu.dma_semaphore, #tpu.memory_space<semaphore_mem>>)
      %dma_wait3A = arith.constant 0 : i32
      %dma_wait3A_205 = tpu.memref_slice %arg13[%run_scoped3A_72, %dma_wait3A] : memref<2x64xi32, #tpu.memory_space<vmem>> -> memref<1x64xi32, #tpu.memory_space<vmem>>
      %dma_wait3A_206 = tpu.memref_squeeze %dma_wait3A_205 : memref<1x64xi32, #tpu.memory_space<vmem>> -> memref<64xi32, #tpu.memory_space<vmem>>
      %dma_wait3A_207 = tpu.memref_slice %arg6[%add3A_71] : memref<36864xi32, #tpu.memory_space<hbm>> -> memref<64xi32, #tpu.memory_space<hbm>>
      %dma_wait3A_208 = tpu.memref_slice %arg6[%add3A_71] : memref<36864xi32, #tpu.memory_space<hbm>> -> memref<64xi32, #tpu.memory_space<hbm>>
      %dma_wait3A_209 = arith.constant 0 : i32
      %dma_wait3A_210 = tpu.memref_slice %arg13[%run_scoped3A_72, %dma_wait3A_209] : memref<2x64xi32, #tpu.memory_space<vmem>> -> memref<1x64xi32, #tpu.memory_space<vmem>>
      %dma_wait3A_211 = tpu.memref_squeeze %dma_wait3A_210 : memref<1x64xi32, #tpu.memory_space<vmem>> -> memref<64xi32, #tpu.memory_space<vmem>>
      tpu.wait_dma2 semaphore(%run_scoped3A_197 : memref<!tpu.dma_semaphore, #tpu.memory_space<semaphore_mem>>) src(%dma_wait3A_211 : memref<64xi32, #tpu.memory_space<vmem>>) dst(%dma_wait3A_208 : memref<64xi32, #tpu.memory_space<hbm>>)
      tpu.yield
    }) : () -> ()
    %add3A_73 = arith.constant 320 : i32
    %add3A_74 = arith.addi %add3A_58, %add3A_73 : i32
    %run_scoped3A_75 = arith.constant 0 : i32
    "tpu.region"() ({
      %run_scoped3A_197 = tpu.sem_alloc : memref<!tpu.dma_semaphore, #tpu.memory_space<semaphore_mem>>
      %dma_start3A = arith.constant 0 : i32
      %dma_start3A_198 = tpu.memref_slice %arg13[%run_scoped3A_75, %dma_start3A] : memref<2x64xi32, #tpu.memory_space<vmem>> -> memref<1x64xi32, #tpu.memory_space<vmem>>
      %dma_start3A_199 = tpu.memref_squeeze %dma_start3A_198 : memref<1x64xi32, #tpu.memory_space<vmem>> -> memref<64xi32, #tpu.memory_space<vmem>>
      %dma_start3A_200 = tpu.memref_slice %arg6[%add3A_74] : memref<36864xi32, #tpu.memory_space<hbm>> -> memref<64xi32, #tpu.memory_space<hbm>>
      %dma_start3A_201 = tpu.memref_slice %arg6[%add3A_74] : memref<36864xi32, #tpu.memory_space<hbm>> -> memref<64xi32, #tpu.memory_space<hbm>>
      %dma_start3A_202 = arith.constant 0 : i32
      %dma_start3A_203 = tpu.memref_slice %arg13[%run_scoped3A_75, %dma_start3A_202] : memref<2x64xi32, #tpu.memory_space<vmem>> -> memref<1x64xi32, #tpu.memory_space<vmem>>
      %dma_start3A_204 = tpu.memref_squeeze %dma_start3A_203 : memref<1x64xi32, #tpu.memory_space<vmem>> -> memref<64xi32, #tpu.memory_space<vmem>>
      tpu.enqueue_dma source(%dma_start3A_204 : memref<64xi32, #tpu.memory_space<vmem>>) target(%dma_start3A_201 : memref<64xi32, #tpu.memory_space<hbm>>) target_semaphore(%run_scoped3A_197 : memref<!tpu.dma_semaphore, #tpu.memory_space<semaphore_mem>>)
      %dma_wait3A = arith.constant 0 : i32
      %dma_wait3A_205 = tpu.memref_slice %arg13[%run_scoped3A_75, %dma_wait3A] : memref<2x64xi32, #tpu.memory_space<vmem>> -> memref<1x64xi32, #tpu.memory_space<vmem>>
      %dma_wait3A_206 = tpu.memref_squeeze %dma_wait3A_205 : memref<1x64xi32, #tpu.memory_space<vmem>> -> memref<64xi32, #tpu.memory_space<vmem>>
      %dma_wait3A_207 = tpu.memref_slice %arg6[%add3A_74] : memref<36864xi32, #tpu.memory_space<hbm>> -> memref<64xi32, #tpu.memory_space<hbm>>
      %dma_wait3A_208 = tpu.memref_slice %arg6[%add3A_74] : memref<36864xi32, #tpu.memory_space<hbm>> -> memref<64xi32, #tpu.memory_space<hbm>>
      %dma_wait3A_209 = arith.constant 0 : i32
      %dma_wait3A_210 = tpu.memref_slice %arg13[%run_scoped3A_75, %dma_wait3A_209] : memref<2x64xi32, #tpu.memory_space<vmem>> -> memref<1x64xi32, #tpu.memory_space<vmem>>
      %dma_wait3A_211 = tpu.memref_squeeze %dma_wait3A_210 : memref<1x64xi32, #tpu.memory_space<vmem>> -> memref<64xi32, #tpu.memory_space<vmem>>
      tpu.wait_dma2 semaphore(%run_scoped3A_197 : memref<!tpu.dma_semaphore, #tpu.memory_space<semaphore_mem>>) src(%dma_wait3A_211 : memref<64xi32, #tpu.memory_space<vmem>>) dst(%dma_wait3A_208 : memref<64xi32, #tpu.memory_space<hbm>>)
      tpu.yield
    }) : () -> ()
    %add3A_76 = arith.constant 384 : i32
    %add3A_77 = arith.addi %add3A_58, %add3A_76 : i32
    %run_scoped3A_78 = arith.constant 0 : i32
    "tpu.region"() ({
      %run_scoped3A_197 = tpu.sem_alloc : memref<!tpu.dma_semaphore, #tpu.memory_space<semaphore_mem>>
      %dma_start3A = arith.constant 0 : i32
      %dma_start3A_198 = tpu.memref_slice %arg13[%run_scoped3A_78, %dma_start3A] : memref<2x64xi32, #tpu.memory_space<vmem>> -> memref<1x64xi32, #tpu.memory_space<vmem>>
      %dma_start3A_199 = tpu.memref_squeeze %dma_start3A_198 : memref<1x64xi32, #tpu.memory_space<vmem>> -> memref<64xi32, #tpu.memory_space<vmem>>
      %dma_start3A_200 = tpu.memref_slice %arg6[%add3A_77] : memref<36864xi32, #tpu.memory_space<hbm>> -> memref<64xi32, #tpu.memory_space<hbm>>
      %dma_start3A_201 = tpu.memref_slice %arg6[%add3A_77] : memref<36864xi32, #tpu.memory_space<hbm>> -> memref<64xi32, #tpu.memory_space<hbm>>
      %dma_start3A_202 = arith.constant 0 : i32
      %dma_start3A_203 = tpu.memref_slice %arg13[%run_scoped3A_78, %dma_start3A_202] : memref<2x64xi32, #tpu.memory_space<vmem>> -> memref<1x64xi32, #tpu.memory_space<vmem>>
      %dma_start3A_204 = tpu.memref_squeeze %dma_start3A_203 : memref<1x64xi32, #tpu.memory_space<vmem>> -> memref<64xi32, #tpu.memory_space<vmem>>
      tpu.enqueue_dma source(%dma_start3A_204 : memref<64xi32, #tpu.memory_space<vmem>>) target(%dma_start3A_201 : memref<64xi32, #tpu.memory_space<hbm>>) target_semaphore(%run_scoped3A_197 : memref<!tpu.dma_semaphore, #tpu.memory_space<semaphore_mem>>)
      %dma_wait3A = arith.constant 0 : i32
      %dma_wait3A_205 = tpu.memref_slice %arg13[%run_scoped3A_78, %dma_wait3A] : memref<2x64xi32, #tpu.memory_space<vmem>> -> memref<1x64xi32, #tpu.memory_space<vmem>>
      %dma_wait3A_206 = tpu.memref_squeeze %dma_wait3A_205 : memref<1x64xi32, #tpu.memory_space<vmem>> -> memref<64xi32, #tpu.memory_space<vmem>>
      %dma_wait3A_207 = tpu.memref_slice %arg6[%add3A_77] : memref<36864xi32, #tpu.memory_space<hbm>> -> memref<64xi32, #tpu.memory_space<hbm>>
      %dma_wait3A_208 = tpu.memref_slice %arg6[%add3A_77] : memref<36864xi32, #tpu.memory_space<hbm>> -> memref<64xi32, #tpu.memory_space<hbm>>
      %dma_wait3A_209 = arith.constant 0 : i32
      %dma_wait3A_210 = tpu.memref_slice %arg13[%run_scoped3A_78, %dma_wait3A_209] : memref<2x64xi32, #tpu.memory_space<vmem>> -> memref<1x64xi32, #tpu.memory_space<vmem>>
      %dma_wait3A_211 = tpu.memref_squeeze %dma_wait3A_210 : memref<1x64xi32, #tpu.memory_space<vmem>> -> memref<64xi32, #tpu.memory_space<vmem>>
      tpu.wait_dma2 semaphore(%run_scoped3A_197 : memref<!tpu.dma_semaphore, #tpu.memory_space<semaphore_mem>>) src(%dma_wait3A_211 : memref<64xi32, #tpu.memory_space<vmem>>) dst(%dma_wait3A_208 : memref<64xi32, #tpu.memory_space<hbm>>)
      tpu.yield
    }) : () -> ()
    %add3A_79 = arith.constant 448 : i32
    %add3A_80 = arith.addi %add3A_58, %add3A_79 : i32
    %run_scoped3A_81 = arith.constant 0 : i32
    "tpu.region"() ({
      %run_scoped3A_197 = tpu.sem_alloc : memref<!tpu.dma_semaphore, #tpu.memory_space<semaphore_mem>>
      %dma_start3A = arith.constant 0 : i32
      %dma_start3A_198 = tpu.memref_slice %arg13[%run_scoped3A_81, %dma_start3A] : memref<2x64xi32, #tpu.memory_space<vmem>> -> memref<1x64xi32, #tpu.memory_space<vmem>>
      %dma_start3A_199 = tpu.memref_squeeze %dma_start3A_198 : memref<1x64xi32, #tpu.memory_space<vmem>> -> memref<64xi32, #tpu.memory_space<vmem>>
      %dma_start3A_200 = tpu.memref_slice %arg6[%add3A_80] : memref<36864xi32, #tpu.memory_space<hbm>> -> memref<64xi32, #tpu.memory_space<hbm>>
      %dma_start3A_201 = tpu.memref_slice %arg6[%add3A_80] : memref<36864xi32, #tpu.memory_space<hbm>> -> memref<64xi32, #tpu.memory_space<hbm>>
      %dma_start3A_202 = arith.constant 0 : i32
      %dma_start3A_203 = tpu.memref_slice %arg13[%run_scoped3A_81, %dma_start3A_202] : memref<2x64xi32, #tpu.memory_space<vmem>> -> memref<1x64xi32, #tpu.memory_space<vmem>>
      %dma_start3A_204 = tpu.memref_squeeze %dma_start3A_203 : memref<1x64xi32, #tpu.memory_space<vmem>> -> memref<64xi32, #tpu.memory_space<vmem>>
      tpu.enqueue_dma source(%dma_start3A_204 : memref<64xi32, #tpu.memory_space<vmem>>) target(%dma_start3A_201 : memref<64xi32, #tpu.memory_space<hbm>>) target_semaphore(%run_scoped3A_197 : memref<!tpu.dma_semaphore, #tpu.memory_space<semaphore_mem>>)
      %dma_wait3A = arith.constant 0 : i32
      %dma_wait3A_205 = tpu.memref_slice %arg13[%run_scoped3A_81, %dma_wait3A] : memref<2x64xi32, #tpu.memory_space<vmem>> -> memref<1x64xi32, #tpu.memory_space<vmem>>
      %dma_wait3A_206 = tpu.memref_squeeze %dma_wait3A_205 : memref<1x64xi32, #tpu.memory_space<vmem>> -> memref<64xi32, #tpu.memory_space<vmem>>
      %dma_wait3A_207 = tpu.memref_slice %arg6[%add3A_80] : memref<36864xi32, #tpu.memory_space<hbm>> -> memref<64xi32, #tpu.memory_space<hbm>>
      %dma_wait3A_208 = tpu.memref_slice %arg6[%add3A_80] : memref<36864xi32, #tpu.memory_space<hbm>> -> memref<64xi32, #tpu.memory_space<hbm>>
      %dma_wait3A_209 = arith.constant 0 : i32
      %dma_wait3A_210 = tpu.memref_slice %arg13[%run_scoped3A_81, %dma_wait3A_209] : memref<2x64xi32, #tpu.memory_space<vmem>> -> memref<1x64xi32, #tpu.memory_space<vmem>>
      %dma_wait3A_211 = tpu.memref_squeeze %dma_wait3A_210 : memref<1x64xi32, #tpu.memory_space<vmem>> -> memref<64xi32, #tpu.memory_space<vmem>>
      tpu.wait_dma2 semaphore(%run_scoped3A_197 : memref<!tpu.dma_semaphore, #tpu.memory_space<semaphore_mem>>) src(%dma_wait3A_211 : memref<64xi32, #tpu.memory_space<vmem>>) dst(%dma_wait3A_208 : memref<64xi32, #tpu.memory_space<hbm>>)
      tpu.yield
    }) : () -> ()
    %add3A_82 = arith.constant 512 : i32
    %add3A_83 = arith.addi %add3A_58, %add3A_82 : i32
    %run_scoped3A_84 = arith.constant 0 : i32
    "tpu.region"() ({
      %run_scoped3A_197 = tpu.sem_alloc : memref<!tpu.dma_semaphore, #tpu.memory_space<semaphore_mem>>
      %dma_start3A = arith.constant 0 : i32
      %dma_start3A_198 = tpu.memref_slice %arg13[%run_scoped3A_84, %dma_start3A] : memref<2x64xi32, #tpu.memory_space<vmem>> -> memref<1x64xi32, #tpu.memory_space<vmem>>
      %dma_start3A_199 = tpu.memref_squeeze %dma_start3A_198 : memref<1x64xi32, #tpu.memory_space<vmem>> -> memref<64xi32, #tpu.memory_space<vmem>>
      %dma_start3A_200 = tpu.memref_slice %arg6[%add3A_83] : memref<36864xi32, #tpu.memory_space<hbm>> -> memref<64xi32, #tpu.memory_space<hbm>>
      %dma_start3A_201 = tpu.memref_slice %arg6[%add3A_83] : memref<36864xi32, #tpu.memory_space<hbm>> -> memref<64xi32, #tpu.memory_space<hbm>>
      %dma_start3A_202 = arith.constant 0 : i32
      %dma_start3A_203 = tpu.memref_slice %arg13[%run_scoped3A_84, %dma_start3A_202] : memref<2x64xi32, #tpu.memory_space<vmem>> -> memref<1x64xi32, #tpu.memory_space<vmem>>
      %dma_start3A_204 = tpu.memref_squeeze %dma_start3A_203 : memref<1x64xi32, #tpu.memory_space<vmem>> -> memref<64xi32, #tpu.memory_space<vmem>>
      tpu.enqueue_dma source(%dma_start3A_204 : memref<64xi32, #tpu.memory_space<vmem>>) target(%dma_start3A_201 : memref<64xi32, #tpu.memory_space<hbm>>) target_semaphore(%run_scoped3A_197 : memref<!tpu.dma_semaphore, #tpu.memory_space<semaphore_mem>>)
      %dma_wait3A = arith.constant 0 : i32
      %dma_wait3A_205 = tpu.memref_slice %arg13[%run_scoped3A_84, %dma_wait3A] : memref<2x64xi32, #tpu.memory_space<vmem>> -> memref<1x64xi32, #tpu.memory_space<vmem>>
      %dma_wait3A_206 = tpu.memref_squeeze %dma_wait3A_205 : memref<1x64xi32, #tpu.memory_space<vmem>> -> memref<64xi32, #tpu.memory_space<vmem>>
      %dma_wait3A_207 = tpu.memref_slice %arg6[%add3A_83] : memref<36864xi32, #tpu.memory_space<hbm>> -> memref<64xi32, #tpu.memory_space<hbm>>
      %dma_wait3A_208 = tpu.memref_slice %arg6[%add3A_83] : memref<36864xi32, #tpu.memory_space<hbm>> -> memref<64xi32, #tpu.memory_space<hbm>>
      %dma_wait3A_209 = arith.constant 0 : i32
      %dma_wait3A_210 = tpu.memref_slice %arg13[%run_scoped3A_84, %dma_wait3A_209] : memref<2x64xi32, #tpu.memory_space<vmem>> -> memref<1x64xi32, #tpu.memory_space<vmem>>
      %dma_wait3A_211 = tpu.memref_squeeze %dma_wait3A_210 : memref<1x64xi32, #tpu.memory_space<vmem>> -> memref<64xi32, #tpu.memory_space<vmem>>
      tpu.wait_dma2 semaphore(%run_scoped3A_197 : memref<!tpu.dma_semaphore, #tpu.memory_space<semaphore_mem>>) src(%dma_wait3A_211 : memref<64xi32, #tpu.memory_space<vmem>>) dst(%dma_wait3A_208 : memref<64xi32, #tpu.memory_space<hbm>>)
      tpu.yield
    }) : () -> ()
    %add3A_85 = arith.constant 576 : i32
    %add3A_86 = arith.addi %add3A_58, %add3A_85 : i32
    %run_scoped3A_87 = arith.constant 0 : i32
    "tpu.region"() ({
      %run_scoped3A_197 = tpu.sem_alloc : memref<!tpu.dma_semaphore, #tpu.memory_space<semaphore_mem>>
      %dma_start3A = arith.constant 0 : i32
      %dma_start3A_198 = tpu.memref_slice %arg13[%run_scoped3A_87, %dma_start3A] : memref<2x64xi32, #tpu.memory_space<vmem>> -> memref<1x64xi32, #tpu.memory_space<vmem>>
      %dma_start3A_199 = tpu.memref_squeeze %dma_start3A_198 : memref<1x64xi32, #tpu.memory_space<vmem>> -> memref<64xi32, #tpu.memory_space<vmem>>
      %dma_start3A_200 = tpu.memref_slice %arg6[%add3A_86] : memref<36864xi32, #tpu.memory_space<hbm>> -> memref<64xi32, #tpu.memory_space<hbm>>
      %dma_start3A_201 = tpu.memref_slice %arg6[%add3A_86] : memref<36864xi32, #tpu.memory_space<hbm>> -> memref<64xi32, #tpu.memory_space<hbm>>
      %dma_start3A_202 = arith.constant 0 : i32
      %dma_start3A_203 = tpu.memref_slice %arg13[%run_scoped3A_87, %dma_start3A_202] : memref<2x64xi32, #tpu.memory_space<vmem>> -> memref<1x64xi32, #tpu.memory_space<vmem>>
      %dma_start3A_204 = tpu.memref_squeeze %dma_start3A_203 : memref<1x64xi32, #tpu.memory_space<vmem>> -> memref<64xi32, #tpu.memory_space<vmem>>
      tpu.enqueue_dma source(%dma_start3A_204 : memref<64xi32, #tpu.memory_space<vmem>>) target(%dma_start3A_201 : memref<64xi32, #tpu.memory_space<hbm>>) target_semaphore(%run_scoped3A_197 : memref<!tpu.dma_semaphore, #tpu.memory_space<semaphore_mem>>)
      %dma_wait3A = arith.constant 0 : i32
      %dma_wait3A_205 = tpu.memref_slice %arg13[%run_scoped3A_87, %dma_wait3A] : memref<2x64xi32, #tpu.memory_space<vmem>> -> memref<1x64xi32, #tpu.memory_space<vmem>>
      %dma_wait3A_206 = tpu.memref_squeeze %dma_wait3A_205 : memref<1x64xi32, #tpu.memory_space<vmem>> -> memref<64xi32, #tpu.memory_space<vmem>>
      %dma_wait3A_207 = tpu.memref_slice %arg6[%add3A_86] : memref<36864xi32, #tpu.memory_space<hbm>> -> memref<64xi32, #tpu.memory_space<hbm>>
      %dma_wait3A_208 = tpu.memref_slice %arg6[%add3A_86] : memref<36864xi32, #tpu.memory_space<hbm>> -> memref<64xi32, #tpu.memory_space<hbm>>
      %dma_wait3A_209 = arith.constant 0 : i32
      %dma_wait3A_210 = tpu.memref_slice %arg13[%run_scoped3A_87, %dma_wait3A_209] : memref<2x64xi32, #tpu.memory_space<vmem>> -> memref<1x64xi32, #tpu.memory_space<vmem>>
      %dma_wait3A_211 = tpu.memref_squeeze %dma_wait3A_210 : memref<1x64xi32, #tpu.memory_space<vmem>> -> memref<64xi32, #tpu.memory_space<vmem>>
      tpu.wait_dma2 semaphore(%run_scoped3A_197 : memref<!tpu.dma_semaphore, #tpu.memory_space<semaphore_mem>>) src(%dma_wait3A_211 : memref<64xi32, #tpu.memory_space<vmem>>) dst(%dma_wait3A_208 : memref<64xi32, #tpu.memory_space<hbm>>)
      tpu.yield
    }) : () -> ()
    %add3A_88 = arith.constant 640 : i32
    %add3A_89 = arith.addi %add3A_58, %add3A_88 : i32
    %run_scoped3A_90 = arith.constant 0 : i32
    "tpu.region"() ({
      %run_scoped3A_197 = tpu.sem_alloc : memref<!tpu.dma_semaphore, #tpu.memory_space<semaphore_mem>>
      %dma_start3A = arith.constant 0 : i32
      %dma_start3A_198 = tpu.memref_slice %arg13[%run_scoped3A_90, %dma_start3A] : memref<2x64xi32, #tpu.memory_space<vmem>> -> memref<1x64xi32, #tpu.memory_space<vmem>>
      %dma_start3A_199 = tpu.memref_squeeze %dma_start3A_198 : memref<1x64xi32, #tpu.memory_space<vmem>> -> memref<64xi32, #tpu.memory_space<vmem>>
      %dma_start3A_200 = tpu.memref_slice %arg6[%add3A_89] : memref<36864xi32, #tpu.memory_space<hbm>> -> memref<64xi32, #tpu.memory_space<hbm>>
      %dma_start3A_201 = tpu.memref_slice %arg6[%add3A_89] : memref<36864xi32, #tpu.memory_space<hbm>> -> memref<64xi32, #tpu.memory_space<hbm>>
      %dma_start3A_202 = arith.constant 0 : i32
      %dma_start3A_203 = tpu.memref_slice %arg13[%run_scoped3A_90, %dma_start3A_202] : memref<2x64xi32, #tpu.memory_space<vmem>> -> memref<1x64xi32, #tpu.memory_space<vmem>>
      %dma_start3A_204 = tpu.memref_squeeze %dma_start3A_203 : memref<1x64xi32, #tpu.memory_space<vmem>> -> memref<64xi32, #tpu.memory_space<vmem>>
      tpu.enqueue_dma source(%dma_start3A_204 : memref<64xi32, #tpu.memory_space<vmem>>) target(%dma_start3A_201 : memref<64xi32, #tpu.memory_space<hbm>>) target_semaphore(%run_scoped3A_197 : memref<!tpu.dma_semaphore, #tpu.memory_space<semaphore_mem>>)
      %dma_wait3A = arith.constant 0 : i32
      %dma_wait3A_205 = tpu.memref_slice %arg13[%run_scoped3A_90, %dma_wait3A] : memref<2x64xi32, #tpu.memory_space<vmem>> -> memref<1x64xi32, #tpu.memory_space<vmem>>
      %dma_wait3A_206 = tpu.memref_squeeze %dma_wait3A_205 : memref<1x64xi32, #tpu.memory_space<vmem>> -> memref<64xi32, #tpu.memory_space<vmem>>
      %dma_wait3A_207 = tpu.memref_slice %arg6[%add3A_89] : memref<36864xi32, #tpu.memory_space<hbm>> -> memref<64xi32, #tpu.memory_space<hbm>>
      %dma_wait3A_208 = tpu.memref_slice %arg6[%add3A_89] : memref<36864xi32, #tpu.memory_space<hbm>> -> memref<64xi32, #tpu.memory_space<hbm>>
      %dma_wait3A_209 = arith.constant 0 : i32
      %dma_wait3A_210 = tpu.memref_slice %arg13[%run_scoped3A_90, %dma_wait3A_209] : memref<2x64xi32, #tpu.memory_space<vmem>> -> memref<1x64xi32, #tpu.memory_space<vmem>>
      %dma_wait3A_211 = tpu.memref_squeeze %dma_wait3A_210 : memref<1x64xi32, #tpu.memory_space<vmem>> -> memref<64xi32, #tpu.memory_space<vmem>>
      tpu.wait_dma2 semaphore(%run_scoped3A_197 : memref<!tpu.dma_semaphore, #tpu.memory_space<semaphore_mem>>) src(%dma_wait3A_211 : memref<64xi32, #tpu.memory_space<vmem>>) dst(%dma_wait3A_208 : memref<64xi32, #tpu.memory_space<hbm>>)
      tpu.yield
    }) : () -> ()
    %add3A_91 = arith.constant 704 : i32
    %add3A_92 = arith.addi %add3A_58, %add3A_91 : i32
    %run_scoped3A_93 = arith.constant 0 : i32
    "tpu.region"() ({
      %run_scoped3A_197 = tpu.sem_alloc : memref<!tpu.dma_semaphore, #tpu.memory_space<semaphore_mem>>
      %dma_start3A = arith.constant 0 : i32
      %dma_start3A_198 = tpu.memref_slice %arg13[%run_scoped3A_93, %dma_start3A] : memref<2x64xi32, #tpu.memory_space<vmem>> -> memref<1x64xi32, #tpu.memory_space<vmem>>
      %dma_start3A_199 = tpu.memref_squeeze %dma_start3A_198 : memref<1x64xi32, #tpu.memory_space<vmem>> -> memref<64xi32, #tpu.memory_space<vmem>>
      %dma_start3A_200 = tpu.memref_slice %arg6[%add3A_92] : memref<36864xi32, #tpu.memory_space<hbm>> -> memref<64xi32, #tpu.memory_space<hbm>>
      %dma_start3A_201 = tpu.memref_slice %arg6[%add3A_92] : memref<36864xi32, #tpu.memory_space<hbm>> -> memref<64xi32, #tpu.memory_space<hbm>>
      %dma_start3A_202 = arith.constant 0 : i32
      %dma_start3A_203 = tpu.memref_slice %arg13[%run_scoped3A_93, %dma_start3A_202] : memref<2x64xi32, #tpu.memory_space<vmem>> -> memref<1x64xi32, #tpu.memory_space<vmem>>
      %dma_start3A_204 = tpu.memref_squeeze %dma_start3A_203 : memref<1x64xi32, #tpu.memory_space<vmem>> -> memref<64xi32, #tpu.memory_space<vmem>>
      tpu.enqueue_dma source(%dma_start3A_204 : memref<64xi32, #tpu.memory_space<vmem>>) target(%dma_start3A_201 : memref<64xi32, #tpu.memory_space<hbm>>) target_semaphore(%run_scoped3A_197 : memref<!tpu.dma_semaphore, #tpu.memory_space<semaphore_mem>>)
      %dma_wait3A = arith.constant 0 : i32
      %dma_wait3A_205 = tpu.memref_slice %arg13[%run_scoped3A_93, %dma_wait3A] : memref<2x64xi32, #tpu.memory_space<vmem>> -> memref<1x64xi32, #tpu.memory_space<vmem>>
      %dma_wait3A_206 = tpu.memref_squeeze %dma_wait3A_205 : memref<1x64xi32, #tpu.memory_space<vmem>> -> memref<64xi32, #tpu.memory_space<vmem>>
      %dma_wait3A_207 = tpu.memref_slice %arg6[%add3A_92] : memref<36864xi32, #tpu.memory_space<hbm>> -> memref<64xi32, #tpu.memory_space<hbm>>
      %dma_wait3A_208 = tpu.memref_slice %arg6[%add3A_92] : memref<36864xi32, #tpu.memory_space<hbm>> -> memref<64xi32, #tpu.memory_space<hbm>>
      %dma_wait3A_209 = arith.constant 0 : i32
      %dma_wait3A_210 = tpu.memref_slice %arg13[%run_scoped3A_93, %dma_wait3A_209] : memref<2x64xi32, #tpu.memory_space<vmem>> -> memref<1x64xi32, #tpu.memory_space<vmem>>
      %dma_wait3A_211 = tpu.memref_squeeze %dma_wait3A_210 : memref<1x64xi32, #tpu.memory_space<vmem>> -> memref<64xi32, #tpu.memory_space<vmem>>
      tpu.wait_dma2 semaphore(%run_scoped3A_197 : memref<!tpu.dma_semaphore, #tpu.memory_space<semaphore_mem>>) src(%dma_wait3A_211 : memref<64xi32, #tpu.memory_space<vmem>>) dst(%dma_wait3A_208 : memref<64xi32, #tpu.memory_space<hbm>>)
      tpu.yield
    }) : () -> ()
    %add3A_94 = arith.constant 768 : i32
    %add3A_95 = arith.addi %add3A_58, %add3A_94 : i32
    %run_scoped3A_96 = arith.constant 0 : i32
    "tpu.region"() ({
      %run_scoped3A_197 = tpu.sem_alloc : memref<!tpu.dma_semaphore, #tpu.memory_space<semaphore_mem>>
      %dma_start3A = arith.constant 0 : i32
      %dma_start3A_198 = tpu.memref_slice %arg13[%run_scoped3A_96, %dma_start3A] : memref<2x64xi32, #tpu.memory_space<vmem>> -> memref<1x64xi32, #tpu.memory_space<vmem>>
      %dma_start3A_199 = tpu.memref_squeeze %dma_start3A_198 : memref<1x64xi32, #tpu.memory_space<vmem>> -> memref<64xi32, #tpu.memory_space<vmem>>
      %dma_start3A_200 = tpu.memref_slice %arg6[%add3A_95] : memref<36864xi32, #tpu.memory_space<hbm>> -> memref<64xi32, #tpu.memory_space<hbm>>
      %dma_start3A_201 = tpu.memref_slice %arg6[%add3A_95] : memref<36864xi32, #tpu.memory_space<hbm>> -> memref<64xi32, #tpu.memory_space<hbm>>
      %dma_start3A_202 = arith.constant 0 : i32
      %dma_start3A_203 = tpu.memref_slice %arg13[%run_scoped3A_96, %dma_start3A_202] : memref<2x64xi32, #tpu.memory_space<vmem>> -> memref<1x64xi32, #tpu.memory_space<vmem>>
      %dma_start3A_204 = tpu.memref_squeeze %dma_start3A_203 : memref<1x64xi32, #tpu.memory_space<vmem>> -> memref<64xi32, #tpu.memory_space<vmem>>
      tpu.enqueue_dma source(%dma_start3A_204 : memref<64xi32, #tpu.memory_space<vmem>>) target(%dma_start3A_201 : memref<64xi32, #tpu.memory_space<hbm>>) target_semaphore(%run_scoped3A_197 : memref<!tpu.dma_semaphore, #tpu.memory_space<semaphore_mem>>)
      %dma_wait3A = arith.constant 0 : i32
      %dma_wait3A_205 = tpu.memref_slice %arg13[%run_scoped3A_96, %dma_wait3A] : memref<2x64xi32, #tpu.memory_space<vmem>> -> memref<1x64xi32, #tpu.memory_space<vmem>>
      %dma_wait3A_206 = tpu.memref_squeeze %dma_wait3A_205 : memref<1x64xi32, #tpu.memory_space<vmem>> -> memref<64xi32, #tpu.memory_space<vmem>>
      %dma_wait3A_207 = tpu.memref_slice %arg6[%add3A_95] : memref<36864xi32, #tpu.memory_space<hbm>> -> memref<64xi32, #tpu.memory_space<hbm>>
      %dma_wait3A_208 = tpu.memref_slice %arg6[%add3A_95] : memref<36864xi32, #tpu.memory_space<hbm>> -> memref<64xi32, #tpu.memory_space<hbm>>
      %dma_wait3A_209 = arith.constant 0 : i32
      %dma_wait3A_210 = tpu.memref_slice %arg13[%run_scoped3A_96, %dma_wait3A_209] : memref<2x64xi32, #tpu.memory_space<vmem>> -> memref<1x64xi32, #tpu.memory_space<vmem>>
      %dma_wait3A_211 = tpu.memref_squeeze %dma_wait3A_210 : memref<1x64xi32, #tpu.memory_space<vmem>> -> memref<64xi32, #tpu.memory_space<vmem>>
      tpu.wait_dma2 semaphore(%run_scoped3A_197 : memref<!tpu.dma_semaphore, #tpu.memory_space<semaphore_mem>>) src(%dma_wait3A_211 : memref<64xi32, #tpu.memory_space<vmem>>) dst(%dma_wait3A_208 : memref<64xi32, #tpu.memory_space<hbm>>)
      tpu.yield
    }) : () -> ()
    %add3A_97 = arith.constant 832 : i32
    %add3A_98 = arith.addi %add3A_58, %add3A_97 : i32
    %run_scoped3A_99 = arith.constant 0 : i32
    "tpu.region"() ({
      %run_scoped3A_197 = tpu.sem_alloc : memref<!tpu.dma_semaphore, #tpu.memory_space<semaphore_mem>>
      %dma_start3A = arith.constant 0 : i32
      %dma_start3A_198 = tpu.memref_slice %arg13[%run_scoped3A_99, %dma_start3A] : memref<2x64xi32, #tpu.memory_space<vmem>> -> memref<1x64xi32, #tpu.memory_space<vmem>>
      %dma_start3A_199 = tpu.memref_squeeze %dma_start3A_198 : memref<1x64xi32, #tpu.memory_space<vmem>> -> memref<64xi32, #tpu.memory_space<vmem>>
      %dma_start3A_200 = tpu.memref_slice %arg6[%add3A_98] : memref<36864xi32, #tpu.memory_space<hbm>> -> memref<64xi32, #tpu.memory_space<hbm>>
      %dma_start3A_201 = tpu.memref_slice %arg6[%add3A_98] : memref<36864xi32, #tpu.memory_space<hbm>> -> memref<64xi32, #tpu.memory_space<hbm>>
      %dma_start3A_202 = arith.constant 0 : i32
      %dma_start3A_203 = tpu.memref_slice %arg13[%run_scoped3A_99, %dma_start3A_202] : memref<2x64xi32, #tpu.memory_space<vmem>> -> memref<1x64xi32, #tpu.memory_space<vmem>>
      %dma_start3A_204 = tpu.memref_squeeze %dma_start3A_203 : memref<1x64xi32, #tpu.memory_space<vmem>> -> memref<64xi32, #tpu.memory_space<vmem>>
      tpu.enqueue_dma source(%dma_start3A_204 : memref<64xi32, #tpu.memory_space<vmem>>) target(%dma_start3A_201 : memref<64xi32, #tpu.memory_space<hbm>>) target_semaphore(%run_scoped3A_197 : memref<!tpu.dma_semaphore, #tpu.memory_space<semaphore_mem>>)
      %dma_wait3A = arith.constant 0 : i32
      %dma_wait3A_205 = tpu.memref_slice %arg13[%run_scoped3A_99, %dma_wait3A] : memref<2x64xi32, #tpu.memory_space<vmem>> -> memref<1x64xi32, #tpu.memory_space<vmem>>
      %dma_wait3A_206 = tpu.memref_squeeze %dma_wait3A_205 : memref<1x64xi32, #tpu.memory_space<vmem>> -> memref<64xi32, #tpu.memory_space<vmem>>
      %dma_wait3A_207 = tpu.memref_slice %arg6[%add3A_98] : memref<36864xi32, #tpu.memory_space<hbm>> -> memref<64xi32, #tpu.memory_space<hbm>>
      %dma_wait3A_208 = tpu.memref_slice %arg6[%add3A_98] : memref<36864xi32, #tpu.memory_space<hbm>> -> memref<64xi32, #tpu.memory_space<hbm>>
      %dma_wait3A_209 = arith.constant 0 : i32
      %dma_wait3A_210 = tpu.memref_slice %arg13[%run_scoped3A_99, %dma_wait3A_209] : memref<2x64xi32, #tpu.memory_space<vmem>> -> memref<1x64xi32, #tpu.memory_space<vmem>>
      %dma_wait3A_211 = tpu.memref_squeeze %dma_wait3A_210 : memref<1x64xi32, #tpu.memory_space<vmem>> -> memref<64xi32, #tpu.memory_space<vmem>>
      tpu.wait_dma2 semaphore(%run_scoped3A_197 : memref<!tpu.dma_semaphore, #tpu.memory_space<semaphore_mem>>) src(%dma_wait3A_211 : memref<64xi32, #tpu.memory_space<vmem>>) dst(%dma_wait3A_208 : memref<64xi32, #tpu.memory_space<hbm>>)
      tpu.yield
    }) : () -> ()
    %add3A_100 = arith.constant 896 : i32
    %add3A_101 = arith.addi %add3A_58, %add3A_100 : i32
    %run_scoped3A_102 = arith.constant 0 : i32
    "tpu.region"() ({
      %run_scoped3A_197 = tpu.sem_alloc : memref<!tpu.dma_semaphore, #tpu.memory_space<semaphore_mem>>
      %dma_start3A = arith.constant 0 : i32
      %dma_start3A_198 = tpu.memref_slice %arg13[%run_scoped3A_102, %dma_start3A] : memref<2x64xi32, #tpu.memory_space<vmem>> -> memref<1x64xi32, #tpu.memory_space<vmem>>
      %dma_start3A_199 = tpu.memref_squeeze %dma_start3A_198 : memref<1x64xi32, #tpu.memory_space<vmem>> -> memref<64xi32, #tpu.memory_space<vmem>>
      %dma_start3A_200 = tpu.memref_slice %arg6[%add3A_101] : memref<36864xi32, #tpu.memory_space<hbm>> -> memref<64xi32, #tpu.memory_space<hbm>>
      %dma_start3A_201 = tpu.memref_slice %arg6[%add3A_101] : memref<36864xi32, #tpu.memory_space<hbm>> -> memref<64xi32, #tpu.memory_space<hbm>>
      %dma_start3A_202 = arith.constant 0 : i32
      %dma_start3A_203 = tpu.memref_slice %arg13[%run_scoped3A_102, %dma_start3A_202] : memref<2x64xi32, #tpu.memory_space<vmem>> -> memref<1x64xi32, #tpu.memory_space<vmem>>
      %dma_start3A_204 = tpu.memref_squeeze %dma_start3A_203 : memref<1x64xi32, #tpu.memory_space<vmem>> -> memref<64xi32, #tpu.memory_space<vmem>>
      tpu.enqueue_dma source(%dma_start3A_204 : memref<64xi32, #tpu.memory_space<vmem>>) target(%dma_start3A_201 : memref<64xi32, #tpu.memory_space<hbm>>) target_semaphore(%run_scoped3A_197 : memref<!tpu.dma_semaphore, #tpu.memory_space<semaphore_mem>>)
      %dma_wait3A = arith.constant 0 : i32
      %dma_wait3A_205 = tpu.memref_slice %arg13[%run_scoped3A_102, %dma_wait3A] : memref<2x64xi32, #tpu.memory_space<vmem>> -> memref<1x64xi32, #tpu.memory_space<vmem>>
      %dma_wait3A_206 = tpu.memref_squeeze %dma_wait3A_205 : memref<1x64xi32, #tpu.memory_space<vmem>> -> memref<64xi32, #tpu.memory_space<vmem>>
      %dma_wait3A_207 = tpu.memref_slice %arg6[%add3A_101] : memref<36864xi32, #tpu.memory_space<hbm>> -> memref<64xi32, #tpu.memory_space<hbm>>
      %dma_wait3A_208 = tpu.memref_slice %arg6[%add3A_101] : memref<36864xi32, #tpu.memory_space<hbm>> -> memref<64xi32, #tpu.memory_space<hbm>>
      %dma_wait3A_209 = arith.constant 0 : i32
      %dma_wait3A_210 = tpu.memref_slice %arg13[%run_scoped3A_102, %dma_wait3A_209] : memref<2x64xi32, #tpu.memory_space<vmem>> -> memref<1x64xi32, #tpu.memory_space<vmem>>
      %dma_wait3A_211 = tpu.memref_squeeze %dma_wait3A_210 : memref<1x64xi32, #tpu.memory_space<vmem>> -> memref<64xi32, #tpu.memory_space<vmem>>
      tpu.wait_dma2 semaphore(%run_scoped3A_197 : memref<!tpu.dma_semaphore, #tpu.memory_space<semaphore_mem>>) src(%dma_wait3A_211 : memref<64xi32, #tpu.memory_space<vmem>>) dst(%dma_wait3A_208 : memref<64xi32, #tpu.memory_space<hbm>>)
      tpu.yield
    }) : () -> ()
    %add3A_103 = arith.constant 960 : i32
    %add3A_104 = arith.addi %add3A_58, %add3A_103 : i32
    %run_scoped3A_105 = arith.constant 0 : i32
    "tpu.region"() ({
      %run_scoped3A_197 = tpu.sem_alloc : memref<!tpu.dma_semaphore, #tpu.memory_space<semaphore_mem>>
      %dma_start3A = arith.constant 0 : i32
      %dma_start3A_198 = tpu.memref_slice %arg13[%run_scoped3A_105, %dma_start3A] : memref<2x64xi32, #tpu.memory_space<vmem>> -> memref<1x64xi32, #tpu.memory_space<vmem>>
      %dma_start3A_199 = tpu.memref_squeeze %dma_start3A_198 : memref<1x64xi32, #tpu.memory_space<vmem>> -> memref<64xi32, #tpu.memory_space<vmem>>
      %dma_start3A_200 = tpu.memref_slice %arg6[%add3A_104] : memref<36864xi32, #tpu.memory_space<hbm>> -> memref<64xi32, #tpu.memory_space<hbm>>
      %dma_start3A_201 = tpu.memref_slice %arg6[%add3A_104] : memref<36864xi32, #tpu.memory_space<hbm>> -> memref<64xi32, #tpu.memory_space<hbm>>
      %dma_start3A_202 = arith.constant 0 : i32
      %dma_start3A_203 = tpu.memref_slice %arg13[%run_scoped3A_105, %dma_start3A_202] : memref<2x64xi32, #tpu.memory_space<vmem>> -> memref<1x64xi32, #tpu.memory_space<vmem>>
      %dma_start3A_204 = tpu.memref_squeeze %dma_start3A_203 : memref<1x64xi32, #tpu.memory_space<vmem>> -> memref<64xi32, #tpu.memory_space<vmem>>
      tpu.enqueue_dma source(%dma_start3A_204 : memref<64xi32, #tpu.memory_space<vmem>>) target(%dma_start3A_201 : memref<64xi32, #tpu.memory_space<hbm>>) target_semaphore(%run_scoped3A_197 : memref<!tpu.dma_semaphore, #tpu.memory_space<semaphore_mem>>)
      %dma_wait3A = arith.constant 0 : i32
      %dma_wait3A_205 = tpu.memref_slice %arg13[%run_scoped3A_105, %dma_wait3A] : memref<2x64xi32, #tpu.memory_space<vmem>> -> memref<1x64xi32, #tpu.memory_space<vmem>>
      %dma_wait3A_206 = tpu.memref_squeeze %dma_wait3A_205 : memref<1x64xi32, #tpu.memory_space<vmem>> -> memref<64xi32, #tpu.memory_space<vmem>>
      %dma_wait3A_207 = tpu.memref_slice %arg6[%add3A_104] : memref<36864xi32, #tpu.memory_space<hbm>> -> memref<64xi32, #tpu.memory_space<hbm>>
      %dma_wait3A_208 = tpu.memref_slice %arg6[%add3A_104] : memref<36864xi32, #tpu.memory_space<hbm>> -> memref<64xi32, #tpu.memory_space<hbm>>
      %dma_wait3A_209 = arith.constant 0 : i32
      %dma_wait3A_210 = tpu.memref_slice %arg13[%run_scoped3A_105, %dma_wait3A_209] : memref<2x64xi32, #tpu.memory_space<vmem>> -> memref<1x64xi32, #tpu.memory_space<vmem>>
      %dma_wait3A_211 = tpu.memref_squeeze %dma_wait3A_210 : memref<1x64xi32, #tpu.memory_space<vmem>> -> memref<64xi32, #tpu.memory_space<vmem>>
      tpu.wait_dma2 semaphore(%run_scoped3A_197 : memref<!tpu.dma_semaphore, #tpu.memory_space<semaphore_mem>>) src(%dma_wait3A_211 : memref<64xi32, #tpu.memory_space<vmem>>) dst(%dma_wait3A_208 : memref<64xi32, #tpu.memory_space<hbm>>)
      tpu.yield
    }) : () -> ()
    %add3A_106 = arith.constant 1024 : i32
    %add3A_107 = arith.addi %add3A_58, %add3A_106 : i32
    %run_scoped3A_108 = arith.constant 0 : i32
    "tpu.region"() ({
      %run_scoped3A_197 = tpu.sem_alloc : memref<!tpu.dma_semaphore, #tpu.memory_space<semaphore_mem>>
      %dma_start3A = arith.constant 0 : i32
      %dma_start3A_198 = tpu.memref_slice %arg13[%run_scoped3A_108, %dma_start3A] : memref<2x64xi32, #tpu.memory_space<vmem>> -> memref<1x64xi32, #tpu.memory_space<vmem>>
      %dma_start3A_199 = tpu.memref_squeeze %dma_start3A_198 : memref<1x64xi32, #tpu.memory_space<vmem>> -> memref<64xi32, #tpu.memory_space<vmem>>
      %dma_start3A_200 = tpu.memref_slice %arg6[%add3A_107] : memref<36864xi32, #tpu.memory_space<hbm>> -> memref<64xi32, #tpu.memory_space<hbm>>
      %dma_start3A_201 = tpu.memref_slice %arg6[%add3A_107] : memref<36864xi32, #tpu.memory_space<hbm>> -> memref<64xi32, #tpu.memory_space<hbm>>
      %dma_start3A_202 = arith.constant 0 : i32
      %dma_start3A_203 = tpu.memref_slice %arg13[%run_scoped3A_108, %dma_start3A_202] : memref<2x64xi32, #tpu.memory_space<vmem>> -> memref<1x64xi32, #tpu.memory_space<vmem>>
      %dma_start3A_204 = tpu.memref_squeeze %dma_start3A_203 : memref<1x64xi32, #tpu.memory_space<vmem>> -> memref<64xi32, #tpu.memory_space<vmem>>
      tpu.enqueue_dma source(%dma_start3A_204 : memref<64xi32, #tpu.memory_space<vmem>>) target(%dma_start3A_201 : memref<64xi32, #tpu.memory_space<hbm>>) target_semaphore(%run_scoped3A_197 : memref<!tpu.dma_semaphore, #tpu.memory_space<semaphore_mem>>)
      %dma_wait3A = arith.constant 0 : i32
      %dma_wait3A_205 = tpu.memref_slice %arg13[%run_scoped3A_108, %dma_wait3A] : memref<2x64xi32, #tpu.memory_space<vmem>> -> memref<1x64xi32, #tpu.memory_space<vmem>>
      %dma_wait3A_206 = tpu.memref_squeeze %dma_wait3A_205 : memref<1x64xi32, #tpu.memory_space<vmem>> -> memref<64xi32, #tpu.memory_space<vmem>>
      %dma_wait3A_207 = tpu.memref_slice %arg6[%add3A_107] : memref<36864xi32, #tpu.memory_space<hbm>> -> memref<64xi32, #tpu.memory_space<hbm>>
      %dma_wait3A_208 = tpu.memref_slice %arg6[%add3A_107] : memref<36864xi32, #tpu.memory_space<hbm>> -> memref<64xi32, #tpu.memory_space<hbm>>
      %dma_wait3A_209 = arith.constant 0 : i32
      %dma_wait3A_210 = tpu.memref_slice %arg13[%run_scoped3A_108, %dma_wait3A_209] : memref<2x64xi32, #tpu.memory_space<vmem>> -> memref<1x64xi32, #tpu.memory_space<vmem>>
      %dma_wait3A_211 = tpu.memref_squeeze %dma_wait3A_210 : memref<1x64xi32, #tpu.memory_space<vmem>> -> memref<64xi32, #tpu.memory_space<vmem>>
      tpu.wait_dma2 semaphore(%run_scoped3A_197 : memref<!tpu.dma_semaphore, #tpu.memory_space<semaphore_mem>>) src(%dma_wait3A_211 : memref<64xi32, #tpu.memory_space<vmem>>) dst(%dma_wait3A_208 : memref<64xi32, #tpu.memory_space<hbm>>)
      tpu.yield
    }) : () -> ()
    %add3A_109 = arith.constant 1088 : i32
    %add3A_110 = arith.addi %add3A_58, %add3A_109 : i32
    %run_scoped3A_111 = arith.constant 0 : i32
    "tpu.region"() ({
      %run_scoped3A_197 = tpu.sem_alloc : memref<!tpu.dma_semaphore, #tpu.memory_space<semaphore_mem>>
      %dma_start3A = arith.constant 0 : i32
      %dma_start3A_198 = tpu.memref_slice %arg13[%run_scoped3A_111, %dma_start3A] : memref<2x64xi32, #tpu.memory_space<vmem>> -> memref<1x64xi32, #tpu.memory_space<vmem>>
      %dma_start3A_199 = tpu.memref_squeeze %dma_start3A_198 : memref<1x64xi32, #tpu.memory_space<vmem>> -> memref<64xi32, #tpu.memory_space<vmem>>
      %dma_start3A_200 = tpu.memref_slice %arg6[%add3A_110] : memref<36864xi32, #tpu.memory_space<hbm>> -> memref<64xi32, #tpu.memory_space<hbm>>
      %dma_start3A_201 = tpu.memref_slice %arg6[%add3A_110] : memref<36864xi32, #tpu.memory_space<hbm>> -> memref<64xi32, #tpu.memory_space<hbm>>
      %dma_start3A_202 = arith.constant 0 : i32
      %dma_start3A_203 = tpu.memref_slice %arg13[%run_scoped3A_111, %dma_start3A_202] : memref<2x64xi32, #tpu.memory_space<vmem>> -> memref<1x64xi32, #tpu.memory_space<vmem>>
      %dma_start3A_204 = tpu.memref_squeeze %dma_start3A_203 : memref<1x64xi32, #tpu.memory_space<vmem>> -> memref<64xi32, #tpu.memory_space<vmem>>
      tpu.enqueue_dma source(%dma_start3A_204 : memref<64xi32, #tpu.memory_space<vmem>>) target(%dma_start3A_201 : memref<64xi32, #tpu.memory_space<hbm>>) target_semaphore(%run_scoped3A_197 : memref<!tpu.dma_semaphore, #tpu.memory_space<semaphore_mem>>)
      %dma_wait3A = arith.constant 0 : i32
      %dma_wait3A_205 = tpu.memref_slice %arg13[%run_scoped3A_111, %dma_wait3A] : memref<2x64xi32, #tpu.memory_space<vmem>> -> memref<1x64xi32, #tpu.memory_space<vmem>>
      %dma_wait3A_206 = tpu.memref_squeeze %dma_wait3A_205 : memref<1x64xi32, #tpu.memory_space<vmem>> -> memref<64xi32, #tpu.memory_space<vmem>>
      %dma_wait3A_207 = tpu.memref_slice %arg6[%add3A_110] : memref<36864xi32, #tpu.memory_space<hbm>> -> memref<64xi32, #tpu.memory_space<hbm>>
      %dma_wait3A_208 = tpu.memref_slice %arg6[%add3A_110] : memref<36864xi32, #tpu.memory_space<hbm>> -> memref<64xi32, #tpu.memory_space<hbm>>
      %dma_wait3A_209 = arith.constant 0 : i32
      %dma_wait3A_210 = tpu.memref_slice %arg13[%run_scoped3A_111, %dma_wait3A_209] : memref<2x64xi32, #tpu.memory_space<vmem>> -> memref<1x64xi32, #tpu.memory_space<vmem>>
      %dma_wait3A_211 = tpu.memref_squeeze %dma_wait3A_210 : memref<1x64xi32, #tpu.memory_space<vmem>> -> memref<64xi32, #tpu.memory_space<vmem>>
      tpu.wait_dma2 semaphore(%run_scoped3A_197 : memref<!tpu.dma_semaphore, #tpu.memory_space<semaphore_mem>>) src(%dma_wait3A_211 : memref<64xi32, #tpu.memory_space<vmem>>) dst(%dma_wait3A_208 : memref<64xi32, #tpu.memory_space<hbm>>)
      tpu.yield
    }) : () -> ()
    %eq3A_112 = arith.constant 0 : i32
    %eq3A_113 = arith.cmpi eq, %arg1, %eq3A_112 : i32
    %convert_element_type3A = arith.extui %eq3A_113 : i1 to i32
    %cond3A = arith.constant 0 : i32
    %cond3A_114 = arith.cmpi ne, %convert_element_type3A, %cond3A : i32
    scf.if %cond3A_114 {
      %swap3A_197 = arith.constant 0 : i32
      %swap3A_198 = arith.constant 0 : i32
      %swap3A_199 = arith.index_cast %swap3A_198 : i32 to index
      %swap3A_200 = memref.load %arg14[%swap3A_199] : memref<1xi32, #tpu.memory_space<smem>>
      memref.store %swap3A_197, %arg14[%swap3A_199] : memref<1xi32, #tpu.memory_space<smem>>
    } else {
    }
    %barrier3A = arith.constant 0 : index
    tpu.barrier barrier_id(%barrier3A)
    %add3A_115 = arith.constant 63 : i32
    %add3A_116 = arith.addi %scan3A_10, %add3A_115 : i32
    %jit3A_117 = arith.constant 64 : i32
    %div3A_118 = arith.divsi %add3A_116, %jit3A_117 : i32
    %sign3A_119 = arith.constant 0 : i32
    %sign3A_120 = arith.cmpi sgt, %add3A_116, %sign3A_119 : i32
    %sign3A_121 = arith.extui %sign3A_120 : i1 to i32
    %sign3A_122 = arith.constant 0 : i32
    %sign3A_123 = arith.cmpi slt, %add3A_116, %sign3A_122 : i32
    %sign3A_124 = arith.extui %sign3A_123 : i1 to i32
    %sign3A_125 = arith.subi %sign3A_121, %sign3A_124 : i32
    %sign3A_126 = arith.constant 0 : i32
    %sign3A_127 = arith.cmpi sgt, %jit3A_117, %sign3A_126 : i32
    %sign3A_128 = arith.extui %sign3A_127 : i1 to i32
    %sign3A_129 = arith.constant 0 : i32
    %sign3A_130 = arith.cmpi slt, %jit3A_117, %sign3A_129 : i32
    %sign3A_131 = arith.extui %sign3A_130 : i1 to i32
    %sign3A_132 = arith.subi %sign3A_128, %sign3A_131 : i32
    %ne3A_133 = arith.cmpi ne, %sign3A_125, %sign3A_132 : i32
    %rem3A_134 = arith.remsi %add3A_116, %jit3A_117 : i32
    %ne3A_135 = arith.constant 0 : i32
    %ne3A_136 = arith.cmpi ne, %rem3A_134, %ne3A_135 : i32
    %and3A_137 = arith.andi %ne3A_133, %ne3A_136 : i1
    %sub3A_138 = arith.constant 1 : i32
    %sub3A_139 = arith.subi %div3A_118, %sub3A_138 : i32
    %select_n3A_140 = arith.select %and3A_137, %sub3A_139, %div3A_118 : i32
    %mul3A_141 = arith.constant 64 : i32
    %mul3A_142 = arith.muli %select_n3A_140, %mul3A_141 : i32
    %sc_fetch_and_add3A = arith.constant 0 : i32
    %sc_fetch_and_add3A_143 = arith.constant 0 : i32
    %sc_fetch_and_add3A_144 = tpu.fetch_and_add_sync %arg14[%sc_fetch_and_add3A], %mul3A_142, %sc_fetch_and_add3A_143 : memref<1xi32, #tpu.memory_space<smem>>, i32 -> i32
    %mul3A_145 = arith.constant 18432 : i32
    %mul3A_146 = arith.muli %arg0, %mul3A_145 : i32
    %add3A_147 = arith.addi %mul3A_146, %sc_fetch_and_add3A_144 : i32
    %eq3A_148 = arith.constant 31 : i32
    %eq3A_149 = arith.cmpi eq, %add3A, %eq3A_148 : i32
    %jit3A_150 = arith.constant 63 : i32
    %jit3A_151 = arith.constant 61 : i32
    %select_n3A_152 = arith.select %eq3A_149, %jit3A_150, %jit3A_151 : i32
    %while3A = arith.constant 0 : i32
    %while3A_153 = arith.constant 0 : i32
    %while3A_154 = arith.constant 0 : i32
    %while3A_155 = arith.constant 0 : i32
    %while3A_156 = arith.constant 0 : i32
    %while3A_157 = arith.subi %select_n3A_152, %while3A : i32
    %while3A_158 = arith.addi %while3A, %while3A_157 : i32
    %while3A_159 = arith.constant 1 : i32
    %while3A_160 = arith.divsi %while3A_157, %while3A_159 : i32
    %while3A_161 = arith.muli %while3A_160, %while3A_159 : i32
    %while3A_162 = arith.addi %while3A, %while3A_161 : i32
    %while3A_163 = arith.constant 1 : i32
    %while3A_164:4 = scf.for %while3A_197 = %while3A to %while3A_162 step %while3A_163 iter_args(%while3A_198 = %while3A_153, %while3A_199 = %while3A_154, %while3A_200 = %while3A_155, %while3A_201 = %while3A_156) -> (i32, i32, i32, i32)  : i32 {
      %mul3A_202 = arith.constant 512 : i32
      %mul3A_203 = arith.muli %while3A_197, %mul3A_202 : i32
      %add3A_204 = arith.addi %mul3A_2, %mul3A_203 : i32
      %lt3A = arith.constant 62 : i32
      %lt3A_205 = arith.cmpi slt, %while3A_197, %lt3A : i32
      %convert_element_type3A_206 = arith.extui %lt3A_205 : i1 to i32
      %cond3A_207 = arith.constant 0 : i32
      %cond3A_208 = arith.cmpi ne, %convert_element_type3A_206, %cond3A_207 : i32
      scf.if %cond3A_208 {
        %multiple_of3A = tpu.assume_multiple %add3A_204, 128 : i32
        %dma_start3A = arith.constant 0 : i32
        %dma_start3A_265 = arith.constant 0 : i32
        %dma_start3A_266 = tpu.memref_slice %arg11[%dma_start3A, %dma_start3A_265] : memref<64x512xf32, #tpu.memory_space<vmem>> -> memref<8x512xf32, #tpu.memory_space<vmem>>
        %dma_start3A_267 = arith.constant 0 : i32
        %dma_start3A_268 = tpu.memref_slice %arg3[%dma_start3A_267, %multiple_of3A] : memref<64x1000000xf32, #tpu.memory_space<hbm>> -> memref<8x512xf32, #tpu.memory_space<hbm>>
        %dma_start3A_269 = arith.constant 0 : i32
        %dma_start3A_270 = arith.constant 0 : i32
        %dma_start3A_271 = tpu.memref_slice %arg11[%dma_start3A_269, %dma_start3A_270] : memref<64x512xf32, #tpu.memory_space<vmem>> -> memref<8x512xf32, #tpu.memory_space<vmem>>
        %dma_start3A_272 = arith.constant 0 : i32
        %dma_start3A_273 = tpu.memref_slice %arg3[%dma_start3A_272, %multiple_of3A] : memref<64x1000000xf32, #tpu.memory_space<hbm>> -> memref<8x512xf32, #tpu.memory_space<hbm>>
        tpu.enqueue_dma source(%dma_start3A_273 : memref<8x512xf32, #tpu.memory_space<hbm>>) target(%dma_start3A_271 : memref<8x512xf32, #tpu.memory_space<vmem>>) target_semaphore(%arg15 : memref<!tpu.dma_semaphore, #tpu.memory_space<semaphore_mem>>)
        %multiple_of3A_274 = tpu.assume_multiple %add3A_204, 128 : i32
        %dma_start3A_275 = arith.constant 8 : i32
        %dma_start3A_276 = arith.constant 0 : i32
        %dma_start3A_277 = tpu.memref_slice %arg11[%dma_start3A_275, %dma_start3A_276] : memref<64x512xf32, #tpu.memory_space<vmem>> -> memref<8x512xf32, #tpu.memory_space<vmem>>
        %dma_start3A_278 = arith.constant 8 : i32
        %dma_start3A_279 = tpu.memref_slice %arg3[%dma_start3A_278, %multiple_of3A_274] : memref<64x1000000xf32, #tpu.memory_space<hbm>> -> memref<8x512xf32, #tpu.memory_space<hbm>>
        %dma_start3A_280 = arith.constant 8 : i32
        %dma_start3A_281 = arith.constant 0 : i32
        %dma_start3A_282 = tpu.memref_slice %arg11[%dma_start3A_280, %dma_start3A_281] : memref<64x512xf32, #tpu.memory_space<vmem>> -> memref<8x512xf32, #tpu.memory_space<vmem>>
        %dma_start3A_283 = arith.constant 8 : i32
        %dma_start3A_284 = tpu.memref_slice %arg3[%dma_start3A_283, %multiple_of3A_274] : memref<64x1000000xf32, #tpu.memory_space<hbm>> -> memref<8x512xf32, #tpu.memory_space<hbm>>
        tpu.enqueue_dma source(%dma_start3A_284 : memref<8x512xf32, #tpu.memory_space<hbm>>) target(%dma_start3A_282 : memref<8x512xf32, #tpu.memory_space<vmem>>) target_semaphore(%arg15 : memref<!tpu.dma_semaphore, #tpu.memory_space<semaphore_mem>>)
        %multiple_of3A_285 = tpu.assume_multiple %add3A_204, 128 : i32
        %dma_start3A_286 = arith.constant 16 : i32
        %dma_start3A_287 = arith.constant 0 : i32
        %dma_start3A_288 = tpu.memref_slice %arg11[%dma_start3A_286, %dma_start3A_287] : memref<64x512xf32, #tpu.memory_space<vmem>> -> memref<8x512xf32, #tpu.memory_space<vmem>>
        %dma_start3A_289 = arith.constant 16 : i32
        %dma_start3A_290 = tpu.memref_slice %arg3[%dma_start3A_289, %multiple_of3A_285] : memref<64x1000000xf32, #tpu.memory_space<hbm>> -> memref<8x512xf32, #tpu.memory_space<hbm>>
        %dma_start3A_291 = arith.constant 16 : i32
        %dma_start3A_292 = arith.constant 0 : i32
        %dma_start3A_293 = tpu.memref_slice %arg11[%dma_start3A_291, %dma_start3A_292] : memref<64x512xf32, #tpu.memory_space<vmem>> -> memref<8x512xf32, #tpu.memory_space<vmem>>
        %dma_start3A_294 = arith.constant 16 : i32
        %dma_start3A_295 = tpu.memref_slice %arg3[%dma_start3A_294, %multiple_of3A_285] : memref<64x1000000xf32, #tpu.memory_space<hbm>> -> memref<8x512xf32, #tpu.memory_space<hbm>>
        tpu.enqueue_dma source(%dma_start3A_295 : memref<8x512xf32, #tpu.memory_space<hbm>>) target(%dma_start3A_293 : memref<8x512xf32, #tpu.memory_space<vmem>>) target_semaphore(%arg15 : memref<!tpu.dma_semaphore, #tpu.memory_space<semaphore_mem>>)
        %multiple_of3A_296 = tpu.assume_multiple %add3A_204, 128 : i32
        %dma_start3A_297 = arith.constant 24 : i32
        %dma_start3A_298 = arith.constant 0 : i32
        %dma_start3A_299 = tpu.memref_slice %arg11[%dma_start3A_297, %dma_start3A_298] : memref<64x512xf32, #tpu.memory_space<vmem>> -> memref<8x512xf32, #tpu.memory_space<vmem>>
        %dma_start3A_300 = arith.constant 24 : i32
        %dma_start3A_301 = tpu.memref_slice %arg3[%dma_start3A_300, %multiple_of3A_296] : memref<64x1000000xf32, #tpu.memory_space<hbm>> -> memref<8x512xf32, #tpu.memory_space<hbm>>
        %dma_start3A_302 = arith.constant 24 : i32
        %dma_start3A_303 = arith.constant 0 : i32
        %dma_start3A_304 = tpu.memref_slice %arg11[%dma_start3A_302, %dma_start3A_303] : memref<64x512xf32, #tpu.memory_space<vmem>> -> memref<8x512xf32, #tpu.memory_space<vmem>>
        %dma_start3A_305 = arith.constant 24 : i32
        %dma_start3A_306 = tpu.memref_slice %arg3[%dma_start3A_305, %multiple_of3A_296] : memref<64x1000000xf32, #tpu.memory_space<hbm>> -> memref<8x512xf32, #tpu.memory_space<hbm>>
        tpu.enqueue_dma source(%dma_start3A_306 : memref<8x512xf32, #tpu.memory_space<hbm>>) target(%dma_start3A_304 : memref<8x512xf32, #tpu.memory_space<vmem>>) target_semaphore(%arg15 : memref<!tpu.dma_semaphore, #tpu.memory_space<semaphore_mem>>)
        %multiple_of3A_307 = tpu.assume_multiple %add3A_204, 128 : i32
        %dma_start3A_308 = arith.constant 32 : i32
        %dma_start3A_309 = arith.constant 0 : i32
        %dma_start3A_310 = tpu.memref_slice %arg11[%dma_start3A_308, %dma_start3A_309] : memref<64x512xf32, #tpu.memory_space<vmem>> -> memref<8x512xf32, #tpu.memory_space<vmem>>
        %dma_start3A_311 = arith.constant 32 : i32
        %dma_start3A_312 = tpu.memref_slice %arg3[%dma_start3A_311, %multiple_of3A_307] : memref<64x1000000xf32, #tpu.memory_space<hbm>> -> memref<8x512xf32, #tpu.memory_space<hbm>>
        %dma_start3A_313 = arith.constant 32 : i32
        %dma_start3A_314 = arith.constant 0 : i32
        %dma_start3A_315 = tpu.memref_slice %arg11[%dma_start3A_313, %dma_start3A_314] : memref<64x512xf32, #tpu.memory_space<vmem>> -> memref<8x512xf32, #tpu.memory_space<vmem>>
        %dma_start3A_316 = arith.constant 32 : i32
        %dma_start3A_317 = tpu.memref_slice %arg3[%dma_start3A_316, %multiple_of3A_307] : memref<64x1000000xf32, #tpu.memory_space<hbm>> -> memref<8x512xf32, #tpu.memory_space<hbm>>
        tpu.enqueue_dma source(%dma_start3A_317 : memref<8x512xf32, #tpu.memory_space<hbm>>) target(%dma_start3A_315 : memref<8x512xf32, #tpu.memory_space<vmem>>) target_semaphore(%arg15 : memref<!tpu.dma_semaphore, #tpu.memory_space<semaphore_mem>>)
        %multiple_of3A_318 = tpu.assume_multiple %add3A_204, 128 : i32
        %dma_start3A_319 = arith.constant 40 : i32
        %dma_start3A_320 = arith.constant 0 : i32
        %dma_start3A_321 = tpu.memref_slice %arg11[%dma_start3A_319, %dma_start3A_320] : memref<64x512xf32, #tpu.memory_space<vmem>> -> memref<8x512xf32, #tpu.memory_space<vmem>>
        %dma_start3A_322 = arith.constant 40 : i32
        %dma_start3A_323 = tpu.memref_slice %arg3[%dma_start3A_322, %multiple_of3A_318] : memref<64x1000000xf32, #tpu.memory_space<hbm>> -> memref<8x512xf32, #tpu.memory_space<hbm>>
        %dma_start3A_324 = arith.constant 40 : i32
        %dma_start3A_325 = arith.constant 0 : i32
        %dma_start3A_326 = tpu.memref_slice %arg11[%dma_start3A_324, %dma_start3A_325] : memref<64x512xf32, #tpu.memory_space<vmem>> -> memref<8x512xf32, #tpu.memory_space<vmem>>
        %dma_start3A_327 = arith.constant 40 : i32
        %dma_start3A_328 = tpu.memref_slice %arg3[%dma_start3A_327, %multiple_of3A_318] : memref<64x1000000xf32, #tpu.memory_space<hbm>> -> memref<8x512xf32, #tpu.memory_space<hbm>>
        tpu.enqueue_dma source(%dma_start3A_328 : memref<8x512xf32, #tpu.memory_space<hbm>>) target(%dma_start3A_326 : memref<8x512xf32, #tpu.memory_space<vmem>>) target_semaphore(%arg15 : memref<!tpu.dma_semaphore, #tpu.memory_space<semaphore_mem>>)
        %multiple_of3A_329 = tpu.assume_multiple %add3A_204, 128 : i32
        %dma_start3A_330 = arith.constant 48 : i32
        %dma_start3A_331 = arith.constant 0 : i32
        %dma_start3A_332 = tpu.memref_slice %arg11[%dma_start3A_330, %dma_start3A_331] : memref<64x512xf32, #tpu.memory_space<vmem>> -> memref<8x512xf32, #tpu.memory_space<vmem>>
        %dma_start3A_333 = arith.constant 48 : i32
        %dma_start3A_334 = tpu.memref_slice %arg3[%dma_start3A_333, %multiple_of3A_329] : memref<64x1000000xf32, #tpu.memory_space<hbm>> -> memref<8x512xf32, #tpu.memory_space<hbm>>
        %dma_start3A_335 = arith.constant 48 : i32
        %dma_start3A_336 = arith.constant 0 : i32
        %dma_start3A_337 = tpu.memref_slice %arg11[%dma_start3A_335, %dma_start3A_336] : memref<64x512xf32, #tpu.memory_space<vmem>> -> memref<8x512xf32, #tpu.memory_space<vmem>>
        %dma_start3A_338 = arith.constant 48 : i32
        %dma_start3A_339 = tpu.memref_slice %arg3[%dma_start3A_338, %multiple_of3A_329] : memref<64x1000000xf32, #tpu.memory_space<hbm>> -> memref<8x512xf32, #tpu.memory_space<hbm>>
        tpu.enqueue_dma source(%dma_start3A_339 : memref<8x512xf32, #tpu.memory_space<hbm>>) target(%dma_start3A_337 : memref<8x512xf32, #tpu.memory_space<vmem>>) target_semaphore(%arg15 : memref<!tpu.dma_semaphore, #tpu.memory_space<semaphore_mem>>)
        %multiple_of3A_340 = tpu.assume_multiple %add3A_204, 128 : i32
        %dma_start3A_341 = arith.constant 56 : i32
        %dma_start3A_342 = arith.constant 0 : i32
        %dma_start3A_343 = tpu.memref_slice %arg11[%dma_start3A_341, %dma_start3A_342] : memref<64x512xf32, #tpu.memory_space<vmem>> -> memref<8x512xf32, #tpu.memory_space<vmem>>
        %dma_start3A_344 = arith.constant 56 : i32
        %dma_start3A_345 = tpu.memref_slice %arg3[%dma_start3A_344, %multiple_of3A_340] : memref<64x1000000xf32, #tpu.memory_space<hbm>> -> memref<8x512xf32, #tpu.memory_space<hbm>>
        %dma_start3A_346 = arith.constant 56 : i32
        %dma_start3A_347 = arith.constant 0 : i32
        %dma_start3A_348 = tpu.memref_slice %arg11[%dma_start3A_346, %dma_start3A_347] : memref<64x512xf32, #tpu.memory_space<vmem>> -> memref<8x512xf32, #tpu.memory_space<vmem>>
        %dma_start3A_349 = arith.constant 56 : i32
        %dma_start3A_350 = tpu.memref_slice %arg3[%dma_start3A_349, %multiple_of3A_340] : memref<64x1000000xf32, #tpu.memory_space<hbm>> -> memref<8x512xf32, #tpu.memory_space<hbm>>
        tpu.enqueue_dma source(%dma_start3A_350 : memref<8x512xf32, #tpu.memory_space<hbm>>) target(%dma_start3A_348 : memref<8x512xf32, #tpu.memory_space<vmem>>) target_semaphore(%arg15 : memref<!tpu.dma_semaphore, #tpu.memory_space<semaphore_mem>>)
        %dma_wait3A = arith.constant 0 : i32
        %dma_wait3A_351 = arith.constant 0 : i32
        %dma_wait3A_352 = tpu.memref_slice %arg11[%dma_wait3A, %dma_wait3A_351] : memref<64x512xf32, #tpu.memory_space<vmem>> -> memref<8x512xf32, #tpu.memory_space<vmem>>
        %dma_wait3A_353 = arith.constant 0 : i32
        %dma_wait3A_354 = tpu.memref_slice %arg3[%dma_wait3A_353, %multiple_of3A] : memref<64x1000000xf32, #tpu.memory_space<hbm>> -> memref<8x512xf32, #tpu.memory_space<hbm>>
        %dma_wait3A_355 = arith.constant 0 : i32
        %dma_wait3A_356 = arith.constant 0 : i32
        %dma_wait3A_357 = tpu.memref_slice %arg11[%dma_wait3A_355, %dma_wait3A_356] : memref<64x512xf32, #tpu.memory_space<vmem>> -> memref<8x512xf32, #tpu.memory_space<vmem>>
        %dma_wait3A_358 = arith.constant 0 : i32
        %dma_wait3A_359 = tpu.memref_slice %arg3[%dma_wait3A_358, %multiple_of3A] : memref<64x1000000xf32, #tpu.memory_space<hbm>> -> memref<8x512xf32, #tpu.memory_space<hbm>>
        tpu.wait_dma2 semaphore(%arg15 : memref<!tpu.dma_semaphore, #tpu.memory_space<semaphore_mem>>) src(%dma_wait3A_359 : memref<8x512xf32, #tpu.memory_space<hbm>>) dst(%dma_wait3A_357 : memref<8x512xf32, #tpu.memory_space<vmem>>)
        %dma_wait3A_360 = arith.constant 8 : i32
        %dma_wait3A_361 = arith.constant 0 : i32
        %dma_wait3A_362 = tpu.memref_slice %arg11[%dma_wait3A_360, %dma_wait3A_361] : memref<64x512xf32, #tpu.memory_space<vmem>> -> memref<8x512xf32, #tpu.memory_space<vmem>>
        %dma_wait3A_363 = arith.constant 8 : i32
        %dma_wait3A_364 = tpu.memref_slice %arg3[%dma_wait3A_363, %multiple_of3A_274] : memref<64x1000000xf32, #tpu.memory_space<hbm>> -> memref<8x512xf32, #tpu.memory_space<hbm>>
        %dma_wait3A_365 = arith.constant 8 : i32
        %dma_wait3A_366 = arith.constant 0 : i32
        %dma_wait3A_367 = tpu.memref_slice %arg11[%dma_wait3A_365, %dma_wait3A_366] : memref<64x512xf32, #tpu.memory_space<vmem>> -> memref<8x512xf32, #tpu.memory_space<vmem>>
        %dma_wait3A_368 = arith.constant 8 : i32
        %dma_wait3A_369 = tpu.memref_slice %arg3[%dma_wait3A_368, %multiple_of3A_274] : memref<64x1000000xf32, #tpu.memory_space<hbm>> -> memref<8x512xf32, #tpu.memory_space<hbm>>
        tpu.wait_dma2 semaphore(%arg15 : memref<!tpu.dma_semaphore, #tpu.memory_space<semaphore_mem>>) src(%dma_wait3A_369 : memref<8x512xf32, #tpu.memory_space<hbm>>) dst(%dma_wait3A_367 : memref<8x512xf32, #tpu.memory_space<vmem>>)
        %dma_wait3A_370 = arith.constant 16 : i32
        %dma_wait3A_371 = arith.constant 0 : i32
        %dma_wait3A_372 = tpu.memref_slice %arg11[%dma_wait3A_370, %dma_wait3A_371] : memref<64x512xf32, #tpu.memory_space<vmem>> -> memref<8x512xf32, #tpu.memory_space<vmem>>
        %dma_wait3A_373 = arith.constant 16 : i32
        %dma_wait3A_374 = tpu.memref_slice %arg3[%dma_wait3A_373, %multiple_of3A_285] : memref<64x1000000xf32, #tpu.memory_space<hbm>> -> memref<8x512xf32, #tpu.memory_space<hbm>>
        %dma_wait3A_375 = arith.constant 16 : i32
        %dma_wait3A_376 = arith.constant 0 : i32
        %dma_wait3A_377 = tpu.memref_slice %arg11[%dma_wait3A_375, %dma_wait3A_376] : memref<64x512xf32, #tpu.memory_space<vmem>> -> memref<8x512xf32, #tpu.memory_space<vmem>>
        %dma_wait3A_378 = arith.constant 16 : i32
        %dma_wait3A_379 = tpu.memref_slice %arg3[%dma_wait3A_378, %multiple_of3A_285] : memref<64x1000000xf32, #tpu.memory_space<hbm>> -> memref<8x512xf32, #tpu.memory_space<hbm>>
        tpu.wait_dma2 semaphore(%arg15 : memref<!tpu.dma_semaphore, #tpu.memory_space<semaphore_mem>>) src(%dma_wait3A_379 : memref<8x512xf32, #tpu.memory_space<hbm>>) dst(%dma_wait3A_377 : memref<8x512xf32, #tpu.memory_space<vmem>>)
        %dma_wait3A_380 = arith.constant 24 : i32
        %dma_wait3A_381 = arith.constant 0 : i32
        %dma_wait3A_382 = tpu.memref_slice %arg11[%dma_wait3A_380, %dma_wait3A_381] : memref<64x512xf32, #tpu.memory_space<vmem>> -> memref<8x512xf32, #tpu.memory_space<vmem>>
        %dma_wait3A_383 = arith.constant 24 : i32
        %dma_wait3A_384 = tpu.memref_slice %arg3[%dma_wait3A_383, %multiple_of3A_296] : memref<64x1000000xf32, #tpu.memory_space<hbm>> -> memref<8x512xf32, #tpu.memory_space<hbm>>
        %dma_wait3A_385 = arith.constant 24 : i32
        %dma_wait3A_386 = arith.constant 0 : i32
        %dma_wait3A_387 = tpu.memref_slice %arg11[%dma_wait3A_385, %dma_wait3A_386] : memref<64x512xf32, #tpu.memory_space<vmem>> -> memref<8x512xf32, #tpu.memory_space<vmem>>
        %dma_wait3A_388 = arith.constant 24 : i32
        %dma_wait3A_389 = tpu.memref_slice %arg3[%dma_wait3A_388, %multiple_of3A_296] : memref<64x1000000xf32, #tpu.memory_space<hbm>> -> memref<8x512xf32, #tpu.memory_space<hbm>>
        tpu.wait_dma2 semaphore(%arg15 : memref<!tpu.dma_semaphore, #tpu.memory_space<semaphore_mem>>) src(%dma_wait3A_389 : memref<8x512xf32, #tpu.memory_space<hbm>>) dst(%dma_wait3A_387 : memref<8x512xf32, #tpu.memory_space<vmem>>)
        %dma_wait3A_390 = arith.constant 32 : i32
        %dma_wait3A_391 = arith.constant 0 : i32
        %dma_wait3A_392 = tpu.memref_slice %arg11[%dma_wait3A_390, %dma_wait3A_391] : memref<64x512xf32, #tpu.memory_space<vmem>> -> memref<8x512xf32, #tpu.memory_space<vmem>>
        %dma_wait3A_393 = arith.constant 32 : i32
        %dma_wait3A_394 = tpu.memref_slice %arg3[%dma_wait3A_393, %multiple_of3A_307] : memref<64x1000000xf32, #tpu.memory_space<hbm>> -> memref<8x512xf32, #tpu.memory_space<hbm>>
        %dma_wait3A_395 = arith.constant 32 : i32
        %dma_wait3A_396 = arith.constant 0 : i32
        %dma_wait3A_397 = tpu.memref_slice %arg11[%dma_wait3A_395, %dma_wait3A_396] : memref<64x512xf32, #tpu.memory_space<vmem>> -> memref<8x512xf32, #tpu.memory_space<vmem>>
        %dma_wait3A_398 = arith.constant 32 : i32
        %dma_wait3A_399 = tpu.memref_slice %arg3[%dma_wait3A_398, %multiple_of3A_307] : memref<64x1000000xf32, #tpu.memory_space<hbm>> -> memref<8x512xf32, #tpu.memory_space<hbm>>
        tpu.wait_dma2 semaphore(%arg15 : memref<!tpu.dma_semaphore, #tpu.memory_space<semaphore_mem>>) src(%dma_wait3A_399 : memref<8x512xf32, #tpu.memory_space<hbm>>) dst(%dma_wait3A_397 : memref<8x512xf32, #tpu.memory_space<vmem>>)
        %dma_wait3A_400 = arith.constant 40 : i32
        %dma_wait3A_401 = arith.constant 0 : i32
        %dma_wait3A_402 = tpu.memref_slice %arg11[%dma_wait3A_400, %dma_wait3A_401] : memref<64x512xf32, #tpu.memory_space<vmem>> -> memref<8x512xf32, #tpu.memory_space<vmem>>
        %dma_wait3A_403 = arith.constant 40 : i32
        %dma_wait3A_404 = tpu.memref_slice %arg3[%dma_wait3A_403, %multiple_of3A_318] : memref<64x1000000xf32, #tpu.memory_space<hbm>> -> memref<8x512xf32, #tpu.memory_space<hbm>>
        %dma_wait3A_405 = arith.constant 40 : i32
        %dma_wait3A_406 = arith.constant 0 : i32
        %dma_wait3A_407 = tpu.memref_slice %arg11[%dma_wait3A_405, %dma_wait3A_406] : memref<64x512xf32, #tpu.memory_space<vmem>> -> memref<8x512xf32, #tpu.memory_space<vmem>>
        %dma_wait3A_408 = arith.constant 40 : i32
        %dma_wait3A_409 = tpu.memref_slice %arg3[%dma_wait3A_408, %multiple_of3A_318] : memref<64x1000000xf32, #tpu.memory_space<hbm>> -> memref<8x512xf32, #tpu.memory_space<hbm>>
        tpu.wait_dma2 semaphore(%arg15 : memref<!tpu.dma_semaphore, #tpu.memory_space<semaphore_mem>>) src(%dma_wait3A_409 : memref<8x512xf32, #tpu.memory_space<hbm>>) dst(%dma_wait3A_407 : memref<8x512xf32, #tpu.memory_space<vmem>>)
        %dma_wait3A_410 = arith.constant 48 : i32
        %dma_wait3A_411 = arith.constant 0 : i32
        %dma_wait3A_412 = tpu.memref_slice %arg11[%dma_wait3A_410, %dma_wait3A_411] : memref<64x512xf32, #tpu.memory_space<vmem>> -> memref<8x512xf32, #tpu.memory_space<vmem>>
        %dma_wait3A_413 = arith.constant 48 : i32
        %dma_wait3A_414 = tpu.memref_slice %arg3[%dma_wait3A_413, %multiple_of3A_329] : memref<64x1000000xf32, #tpu.memory_space<hbm>> -> memref<8x512xf32, #tpu.memory_space<hbm>>
        %dma_wait3A_415 = arith.constant 48 : i32
        %dma_wait3A_416 = arith.constant 0 : i32
        %dma_wait3A_417 = tpu.memref_slice %arg11[%dma_wait3A_415, %dma_wait3A_416] : memref<64x512xf32, #tpu.memory_space<vmem>> -> memref<8x512xf32, #tpu.memory_space<vmem>>
        %dma_wait3A_418 = arith.constant 48 : i32
        %dma_wait3A_419 = tpu.memref_slice %arg3[%dma_wait3A_418, %multiple_of3A_329] : memref<64x1000000xf32, #tpu.memory_space<hbm>> -> memref<8x512xf32, #tpu.memory_space<hbm>>
        tpu.wait_dma2 semaphore(%arg15 : memref<!tpu.dma_semaphore, #tpu.memory_space<semaphore_mem>>) src(%dma_wait3A_419 : memref<8x512xf32, #tpu.memory_space<hbm>>) dst(%dma_wait3A_417 : memref<8x512xf32, #tpu.memory_space<vmem>>)
        %dma_wait3A_420 = arith.constant 56 : i32
        %dma_wait3A_421 = arith.constant 0 : i32
        %dma_wait3A_422 = tpu.memref_slice %arg11[%dma_wait3A_420, %dma_wait3A_421] : memref<64x512xf32, #tpu.memory_space<vmem>> -> memref<8x512xf32, #tpu.memory_space<vmem>>
        %dma_wait3A_423 = arith.constant 56 : i32
        %dma_wait3A_424 = tpu.memref_slice %arg3[%dma_wait3A_423, %multiple_of3A_340] : memref<64x1000000xf32, #tpu.memory_space<hbm>> -> memref<8x512xf32, #tpu.memory_space<hbm>>
        %dma_wait3A_425 = arith.constant 56 : i32
        %dma_wait3A_426 = arith.constant 0 : i32
        %dma_wait3A_427 = tpu.memref_slice %arg11[%dma_wait3A_425, %dma_wait3A_426] : memref<64x512xf32, #tpu.memory_space<vmem>> -> memref<8x512xf32, #tpu.memory_space<vmem>>
        %dma_wait3A_428 = arith.constant 56 : i32
        %dma_wait3A_429 = tpu.memref_slice %arg3[%dma_wait3A_428, %multiple_of3A_340] : memref<64x1000000xf32, #tpu.memory_space<hbm>> -> memref<8x512xf32, #tpu.memory_space<hbm>>
        tpu.wait_dma2 semaphore(%arg15 : memref<!tpu.dma_semaphore, #tpu.memory_space<semaphore_mem>>) src(%dma_wait3A_429 : memref<8x512xf32, #tpu.memory_space<hbm>>) dst(%dma_wait3A_427 : memref<8x512xf32, #tpu.memory_space<vmem>>)
      } else {
      }
      %eq3A_209 = arith.constant 62 : i32
      %eq3A_210 = arith.cmpi eq, %while3A_197, %eq3A_209 : i32
      %convert_element_type3A_211 = arith.extui %eq3A_210 : i1 to i32
      %cond3A_212 = arith.constant 0 : i32
      %cond3A_213 = arith.cmpi ne, %convert_element_type3A_211, %cond3A_212 : i32
      scf.if %cond3A_213 {
        "tpu.region"() ({
          %run_scoped3A_265 = tpu.sem_alloc : memref<!tpu.dma_semaphore, #tpu.memory_space<semaphore_mem>>
          %dma_start3A = arith.constant 0 : i32
          %dma_start3A_266 = arith.constant 0 : i32
          %dma_start3A_267 = tpu.memref_slice %arg11[%dma_start3A, %dma_start3A_266] : memref<64x512xf32, #tpu.memory_space<vmem>> -> memref<64x128xf32, #tpu.memory_space<vmem>>
          %dma_start3A_268 = arith.constant 0 : i32
          %dma_start3A_269 = arith.constant 0 : i32
          %dma_start3A_270 = tpu.memref_slice %arg11[%dma_start3A_268, %dma_start3A_269] : memref<64x512xf32, #tpu.memory_space<vmem>> -> memref<64x128xf32, #tpu.memory_space<vmem>>
          tpu.enqueue_dma source(%arg4 : memref<64x128xf32, #tpu.memory_space<hbm>>) target(%dma_start3A_270 : memref<64x128xf32, #tpu.memory_space<vmem>>) target_semaphore(%run_scoped3A_265 : memref<!tpu.dma_semaphore, #tpu.memory_space<semaphore_mem>>)
          %dma_wait3A = arith.constant 0 : i32
          %dma_wait3A_271 = arith.constant 0 : i32
          %dma_wait3A_272 = tpu.memref_slice %arg11[%dma_wait3A, %dma_wait3A_271] : memref<64x512xf32, #tpu.memory_space<vmem>> -> memref<64x128xf32, #tpu.memory_space<vmem>>
          %dma_wait3A_273 = arith.constant 0 : i32
          %dma_wait3A_274 = arith.constant 0 : i32
          %dma_wait3A_275 = tpu.memref_slice %arg11[%dma_wait3A_273, %dma_wait3A_274] : memref<64x512xf32, #tpu.memory_space<vmem>> -> memref<64x128xf32, #tpu.memory_space<vmem>>
          tpu.wait_dma2 semaphore(%run_scoped3A_265 : memref<!tpu.dma_semaphore, #tpu.memory_space<semaphore_mem>>) src(%arg4 : memref<64x128xf32, #tpu.memory_space<hbm>>) dst(%dma_wait3A_275 : memref<64x128xf32, #tpu.memory_space<vmem>>)
          tpu.yield
        }) : () -> ()
      } else {
      }
      %add3A_214 = arith.constant 512 : i32
      %add3A_215 = arith.addi %add3A_204, %add3A_214 : i32
      %while3A_216 = arith.constant 0 : i32
      %while3A_217 = arith.constant 0 : i32
      %while3A_218 = arith.subi %select_n3A_31, %while3A_216 : i32
      %while3A_219 = arith.addi %while3A_216, %while3A_218 : i32
      %while3A_220 = arith.constant 1 : i32
      %while3A_221 = arith.divsi %while3A_218, %while3A_220 : i32
      %while3A_222 = arith.muli %while3A_221, %while3A_220 : i32
      %while3A_223 = arith.addi %while3A_216, %while3A_222 : i32
      %while3A_224 = arith.constant 1 : i32
      %while3A_225 = scf.for %while3A_265 = %while3A_216 to %while3A_223 step %while3A_224 iter_args(%while3A_266 = %while3A_217) -> (i32)  : i32 {
        %mul3A_267 = arith.constant 16 : i32
        %mul3A_268 = arith.muli %while3A_265, %mul3A_267 : i32
        %add3A_269 = vector.broadcast %mul3A_268 : i32 to vector<16xi32>
        %add3A_270 = arith.addi %add3A_269, %iota3A : vector<16xi32>
        %lt3A_271 = vector.broadcast %scan3A_10 : i32 to vector<16xi32>
        %lt3A_272 = arith.cmpi slt, %add3A_270, %lt3A_271 : vector<16xi32>
        %mul3A_273 = arith.constant 16 : i32
        %mul3A_274 = arith.muli %while3A_265, %mul3A_273 : i32
        %get3A = arith.index_cast %mul3A_274 : i32 to index
        %get3A_275 = tpu.vector_load %arg8[%get3A] {strides = array<i32>} : memref<16400xi32, #tpu.memory_space<vmem>>, vector<16xi32>,
        %jit3A_276 = arith.constant 0 : i32
        %broadcast_in_dim3A_277 = vector.broadcast %jit3A_276 : i32 to vector<16xi32>
        %select_n3A_278 = arith.select %lt3A_272, %get3A_275, %broadcast_in_dim3A_277 : vector<16xi1>, vector<16xi32>
        %gather3A = tpu.vector_load_idx %arg7[%select_n3A_278] : memref<16384xi32, #tpu.memory_space<vmem>>[vector<16xi32>], vector<16xi32>,
        %ge3A_279 = vector.broadcast %add3A_204 : i32 to vector<16xi32>
        %ge3A_280 = arith.cmpi sge, %gather3A, %ge3A_279 : vector<16xi32>
        %and3A_281 = arith.andi %lt3A_272, %ge3A_280 : vector<16xi1>
        %lt3A_282 = vector.broadcast %add3A_215 : i32 to vector<16xi32>
        %lt3A_283 = arith.cmpi slt, %gather3A, %lt3A_282 : vector<16xi32>
        %and3A_284 = arith.andi %and3A_281, %lt3A_283 : vector<16xi1>
        %swap3A_285 = arith.index_cast %while3A_266 : i32 to index
        %swap3A_286 = tpu.vector_load %arg9[%swap3A_285] masked %and3A_284 {strides = array<i32>} : memref<16400xi32, #tpu.memory_space<vmem>>, vector<16xi32>, vector<16xi1>
        tpu.vector_store %arg9[%swap3A_285], %select_n3A_278 masked %and3A_284 {strides = array<i32>} : memref<16400xi32, #tpu.memory_space<vmem>>, vector<16xi32>, vector<16xi1>
        %swap3A_287 = arith.index_cast %while3A_266 : i32 to index
        %swap3A_288 = tpu.vector_load %arg10[%swap3A_287] masked %and3A_284 {strides = array<i32>} : memref<16400xi32, #tpu.memory_space<vmem>>, vector<16xi32>, vector<16xi1>
        tpu.vector_store %arg10[%swap3A_287], %gather3A masked %and3A_284 {strides = array<i32>} : memref<16400xi32, #tpu.memory_space<vmem>>, vector<16xi32>, vector<16xi1>
        %all_reduce_population_count3A = tpu.all_reduce %and3A_284 {dim = 0 : i64, kind = #tpu.reduction_kind<sum>} : vector<16xi1> -> vector<16xi32>
        %slice3A = vector.extract_strided_slice %all_reduce_population_count3A {offsets = [0], sizes = [1], strides = [1]} : vector<16xi32> to vector<1xi32>
        %squeeze3A = vector.extract %slice3A[0] : i32 from vector<1xi32>
        %add3A_289 = arith.addi %while3A_266, %squeeze3A : i32
        scf.yield %add3A_289 : i32
      }
      %while3A_226 = arith.constant 1 : i32
      %while3A_227 = scf.for %while3A_265 = %while3A_223 to %while3A_219 step %while3A_226 iter_args(%while3A_266 = %while3A_225) -> (i32)  : i32 {
        %mul3A_267 = arith.constant 16 : i32
        %mul3A_268 = arith.muli %while3A_265, %mul3A_267 : i32
        %add3A_269 = vector.broadcast %mul3A_268 : i32 to vector<16xi32>
        %add3A_270 = arith.addi %add3A_269, %iota3A : vector<16xi32>
        %lt3A_271 = vector.broadcast %scan3A_10 : i32 to vector<16xi32>
        %lt3A_272 = arith.cmpi slt, %add3A_270, %lt3A_271 : vector<16xi32>
        %mul3A_273 = arith.constant 16 : i32
        %mul3A_274 = arith.muli %while3A_265, %mul3A_273 : i32
        %get3A = arith.index_cast %mul3A_274 : i32 to index
        %get3A_275 = tpu.vector_load %arg8[%get3A] {strides = array<i32>} : memref<16400xi32, #tpu.memory_space<vmem>>, vector<16xi32>,
        %jit3A_276 = arith.constant 0 : i32
        %broadcast_in_dim3A_277 = vector.broadcast %jit3A_276 : i32 to vector<16xi32>
        %select_n3A_278 = arith.select %lt3A_272, %get3A_275, %broadcast_in_dim3A_277 : vector<16xi1>, vector<16xi32>
        %gather3A = tpu.vector_load_idx %arg7[%select_n3A_278] : memref<16384xi32, #tpu.memory_space<vmem>>[vector<16xi32>], vector<16xi32>,
        %ge3A_279 = vector.broadcast %add3A_204 : i32 to vector<16xi32>
        %ge3A_280 = arith.cmpi sge, %gather3A, %ge3A_279 : vector<16xi32>
        %and3A_281 = arith.andi %lt3A_272, %ge3A_280 : vector<16xi1>
        %lt3A_282 = vector.broadcast %add3A_215 : i32 to vector<16xi32>
        %lt3A_283 = arith.cmpi slt, %gather3A, %lt3A_282 : vector<16xi32>
        %and3A_284 = arith.andi %and3A_281, %lt3A_283 : vector<16xi1>
        %swap3A_285 = arith.index_cast %while3A_266 : i32 to index
        %swap3A_286 = tpu.vector_load %arg9[%swap3A_285] masked %and3A_284 {strides = array<i32>} : memref<16400xi32, #tpu.memory_space<vmem>>, vector<16xi32>, vector<16xi1>
        tpu.vector_store %arg9[%swap3A_285], %select_n3A_278 masked %and3A_284 {strides = array<i32>} : memref<16400xi32, #tpu.memory_space<vmem>>, vector<16xi32>, vector<16xi1>
        %swap3A_287 = arith.index_cast %while3A_266 : i32 to index
        %swap3A_288 = tpu.vector_load %arg10[%swap3A_287] masked %and3A_284 {strides = array<i32>} : memref<16400xi32, #tpu.memory_space<vmem>>, vector<16xi32>, vector<16xi1>
        tpu.vector_store %arg10[%swap3A_287], %gather3A masked %and3A_284 {strides = array<i32>} : memref<16400xi32, #tpu.memory_space<vmem>>, vector<16xi32>, vector<16xi1>
        %all_reduce_population_count3A = tpu.all_reduce %and3A_284 {dim = 0 : i64, kind = #tpu.reduction_kind<sum>} : vector<16xi1> -> vector<16xi32>
        %slice3A = vector.extract_strided_slice %all_reduce_population_count3A {offsets = [0], sizes = [1], strides = [1]} : vector<16xi32> to vector<1xi32>
        %squeeze3A = vector.extract %slice3A[0] : i32 from vector<1xi32>
        %add3A_289 = arith.addi %while3A_266, %squeeze3A : i32
        scf.yield %add3A_289 : i32
      }
      %add3A_228 = arith.constant 15 : i32
      %add3A_229 = arith.addi %while3A_227, %add3A_228 : i32
      %jit3A_230 = arith.constant 16 : i32
      %div3A_231 = arith.divsi %add3A_229, %jit3A_230 : i32
      %sign3A_232 = arith.constant 0 : i32
      %sign3A_233 = arith.cmpi sgt, %add3A_229, %sign3A_232 : i32
      %sign3A_234 = arith.extui %sign3A_233 : i1 to i32
      %sign3A_235 = arith.constant 0 : i32
      %sign3A_236 = arith.cmpi slt, %add3A_229, %sign3A_235 : i32
      %sign3A_237 = arith.extui %sign3A_236 : i1 to i32
      %sign3A_238 = arith.subi %sign3A_234, %sign3A_237 : i32
      %sign3A_239 = arith.constant 0 : i32
      %sign3A_240 = arith.cmpi sgt, %jit3A_230, %sign3A_239 : i32
      %sign3A_241 = arith.extui %sign3A_240 : i1 to i32
      %sign3A_242 = arith.constant 0 : i32
      %sign3A_243 = arith.cmpi slt, %jit3A_230, %sign3A_242 : i32
      %sign3A_244 = arith.extui %sign3A_243 : i1 to i32
      %sign3A_245 = arith.subi %sign3A_241, %sign3A_244 : i32
      %ne3A_246 = arith.cmpi ne, %sign3A_238, %sign3A_245 : i32
      %rem3A_247 = arith.remsi %add3A_229, %jit3A_230 : i32
      %ne3A_248 = arith.constant 0 : i32
      %ne3A_249 = arith.cmpi ne, %rem3A_247, %ne3A_248 : i32
      %and3A_250 = arith.andi %ne3A_246, %ne3A_249 : i1
      %sub3A_251 = arith.constant 1 : i32
      %sub3A_252 = arith.subi %div3A_231, %sub3A_251 : i32
      %select_n3A_253 = arith.select %and3A_250, %sub3A_252, %div3A_231 : i32
      %while3A_254 = arith.constant 0 : i32
      %while3A_255 = arith.subi %select_n3A_253, %while3A_254 : i32
      %while3A_256 = arith.addi %while3A_254, %while3A_255 : i32
      %while3A_257 = arith.constant 1 : i32
      %while3A_258 = arith.divsi %while3A_255, %while3A_257 : i32
      %while3A_259 = arith.muli %while3A_258, %while3A_257 : i32
      %while3A_260 = arith.addi %while3A_254, %while3A_259 : i32
      %while3A_261 = arith.constant 1 : i32
      %while3A_262:4 = scf.for %while3A_265 = %while3A_254 to %while3A_260 step %while3A_261 iter_args(%while3A_266 = %while3A_198, %while3A_267 = %while3A_199, %while3A_268 = %while3A_200, %while3A_269 = %while3A_201) -> (i32, i32, i32, i32)  : i32 {
        %eq3A_270 = arith.constant 0 : i32
        %eq3A_271 = arith.cmpi eq, %while3A_266, %eq3A_270 : i32
        %ge3A_272 = arith.constant 2 : i32
        %ge3A_273 = arith.cmpi sge, %while3A_268, %ge3A_272 : i32
        %and3A_274 = arith.andi %eq3A_271, %ge3A_273 : i1
        %convert_element_type3A_275 = arith.extui %and3A_274 : i1 to i32
        %cond3A_276 = arith.constant 0 : i32
        %cond3A_277 = arith.cmpi ne, %convert_element_type3A_275, %cond3A_276 : i32
        scf.if %cond3A_277 {
          %dma_wait3A = arith.constant 0 : i32
          %dma_wait3A_330 = arith.constant 0 : i32
          %dma_wait3A_331 = arith.constant 0 : i32
          %dma_wait3A_332 = tpu.memref_slice %arg12[%dma_wait3A, %dma_wait3A_330, %dma_wait3A_331] : memref<2x64x128xf32, #tpu.memory_space<vmem>> -> memref<1x64x128xf32, #tpu.memory_space<vmem>>
          %dma_wait3A_333 = tpu.memref_squeeze %dma_wait3A_332 : memref<1x64x128xf32, #tpu.memory_space<vmem>> -> memref<64x128xf32, #tpu.memory_space<vmem>>
          %dma_wait3A_334 = arith.constant 0 : i32
          %dma_wait3A_335 = arith.constant 0 : i32
          %dma_wait3A_336 = tpu.memref_slice %arg3[%dma_wait3A_334, %dma_wait3A_335] : memref<64x1000000xf32, #tpu.memory_space<hbm>> -> memref<64x128xf32, #tpu.memory_space<hbm>>
          %dma_wait3A_337 = arith.constant 0 : i32
          %dma_wait3A_338 = arith.constant 0 : i32
          %dma_wait3A_339 = tpu.memref_slice %arg12[%dma_wait3A, %dma_wait3A_337, %dma_wait3A_338] : memref<2x64x128xf32, #tpu.memory_space<vmem>> -> memref<1x64x128xf32, #tpu.memory_space<vmem>>
          %dma_wait3A_340 = tpu.memref_squeeze %dma_wait3A_339 : memref<1x64x128xf32, #tpu.memory_space<vmem>> -> memref<64x128xf32, #tpu.memory_space<vmem>>
          %dma_wait3A_341 = arith.constant 0 : i32
          %dma_wait3A_342 = arith.constant 0 : i32
          %dma_wait3A_343 = tpu.memref_slice %arg3[%dma_wait3A_341, %dma_wait3A_342] : memref<64x1000000xf32, #tpu.memory_space<hbm>> -> memref<64x128xf32, #tpu.memory_space<hbm>>
          tpu.wait_dma2 semaphore(%arg16 : memref<!tpu.dma_semaphore, #tpu.memory_space<semaphore_mem>>) src(%dma_wait3A_343 : memref<64x128xf32, #tpu.memory_space<hbm>>) dst(%dma_wait3A_340 : memref<64x128xf32, #tpu.memory_space<vmem>>)
          %dma_wait3A_344 = arith.constant 0 : i32
          %dma_wait3A_345 = arith.constant 0 : i32
          %dma_wait3A_346 = tpu.memref_slice %arg13[%dma_wait3A_344, %dma_wait3A_345] : memref<2x64xi32, #tpu.memory_space<vmem>> -> memref<1x64xi32, #tpu.memory_space<vmem>>
          %dma_wait3A_347 = tpu.memref_squeeze %dma_wait3A_346 : memref<1x64xi32, #tpu.memory_space<vmem>> -> memref<64xi32, #tpu.memory_space<vmem>>
          %dma_wait3A_348 = arith.constant 0 : i32
          %dma_wait3A_349 = tpu.memref_slice %arg2[%dma_wait3A_348] : memref<16384xi32, #tpu.memory_space<hbm>> -> memref<64xi32, #tpu.memory_space<hbm>>
          %dma_wait3A_350 = arith.constant 0 : i32
          %dma_wait3A_351 = tpu.memref_slice %arg13[%dma_wait3A_344, %dma_wait3A_350] : memref<2x64xi32, #tpu.memory_space<vmem>> -> memref<1x64xi32, #tpu.memory_space<vmem>>
          %dma_wait3A_352 = tpu.memref_squeeze %dma_wait3A_351 : memref<1x64xi32, #tpu.memory_space<vmem>> -> memref<64xi32, #tpu.memory_space<vmem>>
          %dma_wait3A_353 = arith.constant 0 : i32
          %dma_wait3A_354 = tpu.memref_slice %arg2[%dma_wait3A_353] : memref<16384xi32, #tpu.memory_space<hbm>> -> memref<64xi32, #tpu.memory_space<hbm>>
          tpu.wait_dma2 semaphore(%arg16 : memref<!tpu.dma_semaphore, #tpu.memory_space<semaphore_mem>>) src(%dma_wait3A_354 : memref<64xi32, #tpu.memory_space<hbm>>) dst(%dma_wait3A_352 : memref<64xi32, #tpu.memory_space<vmem>>)
        } else {
        }
        %sub3A_278 = arith.constant 1 : i32
        %sub3A_279 = arith.subi %while3A_268, %sub3A_278 : i32
        %select_n3A_280 = arith.select %and3A_274, %sub3A_279, %while3A_268 : i32
        %mul3A_281 = arith.constant 16 : i32
        %mul3A_282 = arith.muli %while3A_265, %mul3A_281 : i32
        %get3A = arith.index_cast %mul3A_282 : i32 to index
        %get3A_283 = tpu.vector_load %arg9[%get3A] {strides = array<i32>} : memref<16400xi32, #tpu.memory_space<vmem>>, vector<16xi32>,
        %mul3A_284 = arith.constant 16 : i32
        %mul3A_285 = arith.muli %while3A_265, %mul3A_284 : i32
        %get3A_286 = arith.index_cast %mul3A_285 : i32 to index
        %get3A_287 = tpu.vector_load %arg10[%get3A_286] {strides = array<i32>} : memref<16400xi32, #tpu.memory_space<vmem>>, vector<16xi32>,
        %sub3A_288 = vector.broadcast %add3A_204 : i32 to vector<16xi32>
        %sub3A_289 = arith.subi %get3A_287, %sub3A_288 : vector<16xi32>
        %mul3A_290 = arith.constant 16 : i32
        %mul3A_291 = arith.muli %while3A_265, %mul3A_290 : i32
        %add3A_292 = vector.broadcast %mul3A_291 : i32 to vector<16xi32>
        %add3A_293 = arith.addi %add3A_292, %iota3A : vector<16xi32>
        %lt3A_294 = vector.broadcast %while3A_227 : i32 to vector<16xi32>
        %lt3A_295 = arith.cmpi slt, %add3A_293, %lt3A_294 : vector<16xi32>
        %jit3A_296 = arith.constant 0 : i32
        %broadcast_in_dim3A_297 = vector.broadcast %jit3A_296 : i32 to vector<16xi32>
        %select_n3A_298 = arith.select %lt3A_295, %sub3A_289, %broadcast_in_dim3A_297 : vector<16xi1>, vector<16xi32>
        %broadcast_in_dim3A_299 = arith.constant 0 : i32
        %broadcast_in_dim3A_300 = vector.broadcast %broadcast_in_dim3A_299 : i32 to vector<16xi32>
        %add3A_301 = vector.broadcast %while3A_267 : i32 to vector<16xi32>
        %add3A_302 = arith.addi %broadcast_in_dim3A_300, %add3A_301 : vector<16xi32>
        %add3A_303 = vector.broadcast %while3A_266 : i32 to vector<16xi32>
        %add3A_304 = arith.addi %add3A_303, %iota3A : vector<16xi32>
        %scan3A_305 = arith.constant 0 : i32
        %scan3A_306 = arith.constant 0 : i32
        %scan3A_307 = arith.constant 64 : i32
        %scan3A_308 = arith.addi %scan3A_306, %scan3A_307 : i32
        %scan3A_309 = arith.constant 1 : i32
        %scan3A_310 = scf.for %scan3A_330 = %scan3A_306 to %scan3A_308 step %scan3A_309 iter_args(%scan3A_331 = %scan3A_305) -> (i32)  : i32 {
          %broadcast_in_dim3A_332 = arith.constant 0 : i32
          %broadcast_in_dim3A_333 = vector.broadcast %broadcast_in_dim3A_332 : i32 to vector<16xi32>
          %add3A_334 = vector.broadcast %scan3A_330 : i32 to vector<16xi32>
          %add3A_335 = arith.addi %broadcast_in_dim3A_333, %add3A_334 : vector<16xi32>
          %gather3A = tpu.vector_load_idx %arg11[%add3A_335, %select_n3A_298] masked %lt3A_295 : memref<64x512xf32, #tpu.memory_space<vmem>>[vector<16xi32>, vector<16xi32>], vector<16xf32>, vector<16xi1>
          tpu.vector_store_idx %arg12[%add3A_302, %add3A_304, %add3A_335], %gather3A masked %lt3A_295 : memref<2x64x128xf32, #tpu.memory_space<vmem>>[vector<16xi32>, vector<16xi32>, vector<16xi32>], vector<16xf32>, vector<16xi1>
          %scan3A_336 = arith.constant 0 : i32
          scf.yield %scan3A_336 : i32
        }
        %scan3A_311 = arith.constant 64 : i32
        %jit3A_312 = arith.constant 16384 : i32
        %broadcast_in_dim3A_313 = vector.broadcast %jit3A_312 : i32 to vector<16xi32>
        %select_n3A_314 = arith.select %lt3A_295, %get3A_283, %broadcast_in_dim3A_313 : vector<16xi1>, vector<16xi32>
        tpu.vector_store_idx %arg13[%add3A_302, %add3A_304], %select_n3A_314 : memref<2x64xi32, #tpu.memory_space<vmem>>[vector<16xi32>, vector<16xi32>], vector<16xi32>,
        %add3A_315 = arith.constant 16 : i32
        %add3A_316 = arith.addi %while3A_266, %add3A_315 : i32
        %eq3A_317 = arith.constant 64 : i32
        %eq3A_318 = arith.cmpi eq, %add3A_316, %eq3A_317 : i32
        %convert_element_type3A_319 = arith.extui %eq3A_318 : i1 to i32
        %cond3A_320 = arith.constant 0 : i32
        %cond3A_321 = arith.cmpi ne, %convert_element_type3A_319, %cond3A_320 : i32
        scf.if %cond3A_321 {
          %mul3A_330 = arith.constant 64 : i32
          %mul3A_331 = arith.muli %while3A_269, %mul3A_330 : i32
          %add3A_332 = arith.addi %add3A_147, %mul3A_331 : i32
          %multiple_of3A = tpu.assume_multiple %add3A_332, 8 : i32
          %dma_start3A = arith.constant 0 : i32
          %dma_start3A_333 = arith.constant 0 : i32
          %dma_start3A_334 = tpu.memref_slice %arg12[%while3A_267, %dma_start3A, %dma_start3A_333] : memref<2x64x128xf32, #tpu.memory_space<vmem>> -> memref<1x64x128xf32, #tpu.memory_space<vmem>>
          %dma_start3A_335 = tpu.memref_squeeze %dma_start3A_334 : memref<1x64x128xf32, #tpu.memory_space<vmem>> -> memref<64x128xf32, #tpu.memory_space<vmem>>
          %dma_start3A_336 = arith.constant 0 : i32
          %dma_start3A_337 = tpu.memref_slice %arg5[%multiple_of3A, %dma_start3A_336] : memref<36864x128xf32, #tpu.memory_space<hbm>> -> memref<64x128xf32, #tpu.memory_space<hbm>>
          %dma_start3A_338 = arith.constant 0 : i32
          %dma_start3A_339 = tpu.memref_slice %arg5[%multiple_of3A, %dma_start3A_338] : memref<36864x128xf32, #tpu.memory_space<hbm>> -> memref<64x128xf32, #tpu.memory_space<hbm>>
          %dma_start3A_340 = arith.constant 0 : i32
          %dma_start3A_341 = arith.constant 0 : i32
          %dma_start3A_342 = tpu.memref_slice %arg12[%while3A_267, %dma_start3A_340, %dma_start3A_341] : memref<2x64x128xf32, #tpu.memory_space<vmem>> -> memref<1x64x128xf32, #tpu.memory_space<vmem>>
          %dma_start3A_343 = tpu.memref_squeeze %dma_start3A_342 : memref<1x64x128xf32, #tpu.memory_space<vmem>> -> memref<64x128xf32, #tpu.memory_space<vmem>>
          tpu.enqueue_dma source(%dma_start3A_343 : memref<64x128xf32, #tpu.memory_space<vmem>>) target(%dma_start3A_339 : memref<64x128xf32, #tpu.memory_space<hbm>>) target_semaphore(%arg16 : memref<!tpu.dma_semaphore, #tpu.memory_space<semaphore_mem>>)
          %dma_start3A_344 = arith.constant 0 : i32
          %dma_start3A_345 = tpu.memref_slice %arg13[%while3A_267, %dma_start3A_344] : memref<2x64xi32, #tpu.memory_space<vmem>> -> memref<1x64xi32, #tpu.memory_space<vmem>>
          %dma_start3A_346 = tpu.memref_squeeze %dma_start3A_345 : memref<1x64xi32, #tpu.memory_space<vmem>> -> memref<64xi32, #tpu.memory_space<vmem>>
          %dma_start3A_347 = tpu.memref_slice %arg6[%multiple_of3A] : memref<36864xi32, #tpu.memory_space<hbm>> -> memref<64xi32, #tpu.memory_space<hbm>>
          %dma_start3A_348 = tpu.memref_slice %arg6[%multiple_of3A] : memref<36864xi32, #tpu.memory_space<hbm>> -> memref<64xi32, #tpu.memory_space<hbm>>
          %dma_start3A_349 = arith.constant 0 : i32
          %dma_start3A_350 = tpu.memref_slice %arg13[%while3A_267, %dma_start3A_349] : memref<2x64xi32, #tpu.memory_space<vmem>> -> memref<1x64xi32, #tpu.memory_space<vmem>>
          %dma_start3A_351 = tpu.memref_squeeze %dma_start3A_350 : memref<1x64xi32, #tpu.memory_space<vmem>> -> memref<64xi32, #tpu.memory_space<vmem>>
          tpu.enqueue_dma source(%dma_start3A_351 : memref<64xi32, #tpu.memory_space<vmem>>) target(%dma_start3A_348 : memref<64xi32, #tpu.memory_space<hbm>>) target_semaphore(%arg16 : memref<!tpu.dma_semaphore, #tpu.memory_space<semaphore_mem>>)
        } else {
        }
        %convert_element_type3A_322 = arith.extui %eq3A_318 : i1 to i32
        %jit3A_323 = arith.constant 0 : i32
        %select_n3A_324 = arith.select %eq3A_318, %jit3A_323, %add3A_316 : i32
        %sub3A_325 = arith.constant 1 : i32
        %sub3A_326 = arith.subi %sub3A_325, %while3A_267 : i32
        %select_n3A_327 = arith.select %eq3A_318, %sub3A_326, %while3A_267 : i32
        %add3A_328 = arith.addi %select_n3A_280, %convert_element_type3A_322 : i32
        %add3A_329 = arith.addi %while3A_269, %convert_element_type3A_322 : i32
        scf.yield %select_n3A_324, %select_n3A_327, %add3A_328, %add3A_329 : i32, i32, i32, i32
      }
      %while3A_263 = arith.constant 1 : i32
      %while3A_264:4 = scf.for %while3A_265 = %while3A_260 to %while3A_256 step %while3A_263 iter_args(%while3A_266 = %while3A_262#0, %while3A_267 = %while3A_262#1, %while3A_268 = %while3A_262#2, %while3A_269 = %while3A_262#3) -> (i32, i32, i32, i32)  : i32 {
        %eq3A_270 = arith.constant 0 : i32
        %eq3A_271 = arith.cmpi eq, %while3A_266, %eq3A_270 : i32
        %ge3A_272 = arith.constant 2 : i32
        %ge3A_273 = arith.cmpi sge, %while3A_268, %ge3A_272 : i32
        %and3A_274 = arith.andi %eq3A_271, %ge3A_273 : i1
        %convert_element_type3A_275 = arith.extui %and3A_274 : i1 to i32
        %cond3A_276 = arith.constant 0 : i32
        %cond3A_277 = arith.cmpi ne, %convert_element_type3A_275, %cond3A_276 : i32
        scf.if %cond3A_277 {
          %dma_wait3A = arith.constant 0 : i32
          %dma_wait3A_330 = arith.constant 0 : i32
          %dma_wait3A_331 = arith.constant 0 : i32
          %dma_wait3A_332 = tpu.memref_slice %arg12[%dma_wait3A, %dma_wait3A_330, %dma_wait3A_331] : memref<2x64x128xf32, #tpu.memory_space<vmem>> -> memref<1x64x128xf32, #tpu.memory_space<vmem>>
          %dma_wait3A_333 = tpu.memref_squeeze %dma_wait3A_332 : memref<1x64x128xf32, #tpu.memory_space<vmem>> -> memref<64x128xf32, #tpu.memory_space<vmem>>
          %dma_wait3A_334 = arith.constant 0 : i32
          %dma_wait3A_335 = arith.constant 0 : i32
          %dma_wait3A_336 = tpu.memref_slice %arg3[%dma_wait3A_334, %dma_wait3A_335] : memref<64x1000000xf32, #tpu.memory_space<hbm>> -> memref<64x128xf32, #tpu.memory_space<hbm>>
          %dma_wait3A_337 = arith.constant 0 : i32
          %dma_wait3A_338 = arith.constant 0 : i32
          %dma_wait3A_339 = tpu.memref_slice %arg12[%dma_wait3A, %dma_wait3A_337, %dma_wait3A_338] : memref<2x64x128xf32, #tpu.memory_space<vmem>> -> memref<1x64x128xf32, #tpu.memory_space<vmem>>
          %dma_wait3A_340 = tpu.memref_squeeze %dma_wait3A_339 : memref<1x64x128xf32, #tpu.memory_space<vmem>> -> memref<64x128xf32, #tpu.memory_space<vmem>>
          %dma_wait3A_341 = arith.constant 0 : i32
          %dma_wait3A_342 = arith.constant 0 : i32
          %dma_wait3A_343 = tpu.memref_slice %arg3[%dma_wait3A_341, %dma_wait3A_342] : memref<64x1000000xf32, #tpu.memory_space<hbm>> -> memref<64x128xf32, #tpu.memory_space<hbm>>
          tpu.wait_dma2 semaphore(%arg16 : memref<!tpu.dma_semaphore, #tpu.memory_space<semaphore_mem>>) src(%dma_wait3A_343 : memref<64x128xf32, #tpu.memory_space<hbm>>) dst(%dma_wait3A_340 : memref<64x128xf32, #tpu.memory_space<vmem>>)
          %dma_wait3A_344 = arith.constant 0 : i32
          %dma_wait3A_345 = arith.constant 0 : i32
          %dma_wait3A_346 = tpu.memref_slice %arg13[%dma_wait3A_344, %dma_wait3A_345] : memref<2x64xi32, #tpu.memory_space<vmem>> -> memref<1x64xi32, #tpu.memory_space<vmem>>
          %dma_wait3A_347 = tpu.memref_squeeze %dma_wait3A_346 : memref<1x64xi32, #tpu.memory_space<vmem>> -> memref<64xi32, #tpu.memory_space<vmem>>
          %dma_wait3A_348 = arith.constant 0 : i32
          %dma_wait3A_349 = tpu.memref_slice %arg2[%dma_wait3A_348] : memref<16384xi32, #tpu.memory_space<hbm>> -> memref<64xi32, #tpu.memory_space<hbm>>
          %dma_wait3A_350 = arith.constant 0 : i32
          %dma_wait3A_351 = tpu.memref_slice %arg13[%dma_wait3A_344, %dma_wait3A_350] : memref<2x64xi32, #tpu.memory_space<vmem>> -> memref<1x64xi32, #tpu.memory_space<vmem>>
          %dma_wait3A_352 = tpu.memref_squeeze %dma_wait3A_351 : memref<1x64xi32, #tpu.memory_space<vmem>> -> memref<64xi32, #tpu.memory_space<vmem>>
          %dma_wait3A_353 = arith.constant 0 : i32
          %dma_wait3A_354 = tpu.memref_slice %arg2[%dma_wait3A_353] : memref<16384xi32, #tpu.memory_space<hbm>> -> memref<64xi32, #tpu.memory_space<hbm>>
          tpu.wait_dma2 semaphore(%arg16 : memref<!tpu.dma_semaphore, #tpu.memory_space<semaphore_mem>>) src(%dma_wait3A_354 : memref<64xi32, #tpu.memory_space<hbm>>) dst(%dma_wait3A_352 : memref<64xi32, #tpu.memory_space<vmem>>)
        } else {
        }
        %sub3A_278 = arith.constant 1 : i32
        %sub3A_279 = arith.subi %while3A_268, %sub3A_278 : i32
        %select_n3A_280 = arith.select %and3A_274, %sub3A_279, %while3A_268 : i32
        %mul3A_281 = arith.constant 16 : i32
        %mul3A_282 = arith.muli %while3A_265, %mul3A_281 : i32
        %get3A = arith.index_cast %mul3A_282 : i32 to index
        %get3A_283 = tpu.vector_load %arg9[%get3A] {strides = array<i32>} : memref<16400xi32, #tpu.memory_space<vmem>>, vector<16xi32>,
        %mul3A_284 = arith.constant 16 : i32
        %mul3A_285 = arith.muli %while3A_265, %mul3A_284 : i32
        %get3A_286 = arith.index_cast %mul3A_285 : i32 to index
        %get3A_287 = tpu.vector_load %arg10[%get3A_286] {strides = array<i32>} : memref<16400xi32, #tpu.memory_space<vmem>>, vector<16xi32>,
        %sub3A_288 = vector.broadcast %add3A_204 : i32 to vector<16xi32>
        %sub3A_289 = arith.subi %get3A_287, %sub3A_288 : vector<16xi32>
        %mul3A_290 = arith.constant 16 : i32
        %mul3A_291 = arith.muli %while3A_265, %mul3A_290 : i32
        %add3A_292 = vector.broadcast %mul3A_291 : i32 to vector<16xi32>
        %add3A_293 = arith.addi %add3A_292, %iota3A : vector<16xi32>
        %lt3A_294 = vector.broadcast %while3A_227 : i32 to vector<16xi32>
        %lt3A_295 = arith.cmpi slt, %add3A_293, %lt3A_294 : vector<16xi32>
        %jit3A_296 = arith.constant 0 : i32
        %broadcast_in_dim3A_297 = vector.broadcast %jit3A_296 : i32 to vector<16xi32>
        %select_n3A_298 = arith.select %lt3A_295, %sub3A_289, %broadcast_in_dim3A_297 : vector<16xi1>, vector<16xi32>
        %broadcast_in_dim3A_299 = arith.constant 0 : i32
        %broadcast_in_dim3A_300 = vector.broadcast %broadcast_in_dim3A_299 : i32 to vector<16xi32>
        %add3A_301 = vector.broadcast %while3A_267 : i32 to vector<16xi32>
        %add3A_302 = arith.addi %broadcast_in_dim3A_300, %add3A_301 : vector<16xi32>
        %add3A_303 = vector.broadcast %while3A_266 : i32 to vector<16xi32>
        %add3A_304 = arith.addi %add3A_303, %iota3A : vector<16xi32>
        %scan3A_305 = arith.constant 0 : i32
        %scan3A_306 = arith.constant 0 : i32
        %scan3A_307 = arith.constant 64 : i32
        %scan3A_308 = arith.addi %scan3A_306, %scan3A_307 : i32
        %scan3A_309 = arith.constant 1 : i32
        %scan3A_310 = scf.for %scan3A_330 = %scan3A_306 to %scan3A_308 step %scan3A_309 iter_args(%scan3A_331 = %scan3A_305) -> (i32)  : i32 {
          %broadcast_in_dim3A_332 = arith.constant 0 : i32
          %broadcast_in_dim3A_333 = vector.broadcast %broadcast_in_dim3A_332 : i32 to vector<16xi32>
          %add3A_334 = vector.broadcast %scan3A_330 : i32 to vector<16xi32>
          %add3A_335 = arith.addi %broadcast_in_dim3A_333, %add3A_334 : vector<16xi32>
          %gather3A = tpu.vector_load_idx %arg11[%add3A_335, %select_n3A_298] masked %lt3A_295 : memref<64x512xf32, #tpu.memory_space<vmem>>[vector<16xi32>, vector<16xi32>], vector<16xf32>, vector<16xi1>
          tpu.vector_store_idx %arg12[%add3A_302, %add3A_304, %add3A_335], %gather3A masked %lt3A_295 : memref<2x64x128xf32, #tpu.memory_space<vmem>>[vector<16xi32>, vector<16xi32>, vector<16xi32>], vector<16xf32>, vector<16xi1>
          %scan3A_336 = arith.constant 0 : i32
          scf.yield %scan3A_336 : i32
        }
        %scan3A_311 = arith.constant 64 : i32
        %jit3A_312 = arith.constant 16384 : i32
        %broadcast_in_dim3A_313 = vector.broadcast %jit3A_312 : i32 to vector<16xi32>
        %select_n3A_314 = arith.select %lt3A_295, %get3A_283, %broadcast_in_dim3A_313 : vector<16xi1>, vector<16xi32>
        tpu.vector_store_idx %arg13[%add3A_302, %add3A_304], %select_n3A_314 : memref<2x64xi32, #tpu.memory_space<vmem>>[vector<16xi32>, vector<16xi32>], vector<16xi32>,
        %add3A_315 = arith.constant 16 : i32
        %add3A_316 = arith.addi %while3A_266, %add3A_315 : i32
        %eq3A_317 = arith.constant 64 : i32
        %eq3A_318 = arith.cmpi eq, %add3A_316, %eq3A_317 : i32
        %convert_element_type3A_319 = arith.extui %eq3A_318 : i1 to i32
        %cond3A_320 = arith.constant 0 : i32
        %cond3A_321 = arith.cmpi ne, %convert_element_type3A_319, %cond3A_320 : i32
        scf.if %cond3A_321 {
          %mul3A_330 = arith.constant 64 : i32
          %mul3A_331 = arith.muli %while3A_269, %mul3A_330 : i32
          %add3A_332 = arith.addi %add3A_147, %mul3A_331 : i32
          %multiple_of3A = tpu.assume_multiple %add3A_332, 8 : i32
          %dma_start3A = arith.constant 0 : i32
          %dma_start3A_333 = arith.constant 0 : i32
          %dma_start3A_334 = tpu.memref_slice %arg12[%while3A_267, %dma_start3A, %dma_start3A_333] : memref<2x64x128xf32, #tpu.memory_space<vmem>> -> memref<1x64x128xf32, #tpu.memory_space<vmem>>
          %dma_start3A_335 = tpu.memref_squeeze %dma_start3A_334 : memref<1x64x128xf32, #tpu.memory_space<vmem>> -> memref<64x128xf32, #tpu.memory_space<vmem>>
          %dma_start3A_336 = arith.constant 0 : i32
          %dma_start3A_337 = tpu.memref_slice %arg5[%multiple_of3A, %dma_start3A_336] : memref<36864x128xf32, #tpu.memory_space<hbm>> -> memref<64x128xf32, #tpu.memory_space<hbm>>
          %dma_start3A_338 = arith.constant 0 : i32
          %dma_start3A_339 = tpu.memref_slice %arg5[%multiple_of3A, %dma_start3A_338] : memref<36864x128xf32, #tpu.memory_space<hbm>> -> memref<64x128xf32, #tpu.memory_space<hbm>>
          %dma_start3A_340 = arith.constant 0 : i32
          %dma_start3A_341 = arith.constant 0 : i32
          %dma_start3A_342 = tpu.memref_slice %arg12[%while3A_267, %dma_start3A_340, %dma_start3A_341] : memref<2x64x128xf32, #tpu.memory_space<vmem>> -> memref<1x64x128xf32, #tpu.memory_space<vmem>>
          %dma_start3A_343 = tpu.memref_squeeze %dma_start3A_342 : memref<1x64x128xf32, #tpu.memory_space<vmem>> -> memref<64x128xf32, #tpu.memory_space<vmem>>
          tpu.enqueue_dma source(%dma_start3A_343 : memref<64x128xf32, #tpu.memory_space<vmem>>) target(%dma_start3A_339 : memref<64x128xf32, #tpu.memory_space<hbm>>) target_semaphore(%arg16 : memref<!tpu.dma_semaphore, #tpu.memory_space<semaphore_mem>>)
          %dma_start3A_344 = arith.constant 0 : i32
          %dma_start3A_345 = tpu.memref_slice %arg13[%while3A_267, %dma_start3A_344] : memref<2x64xi32, #tpu.memory_space<vmem>> -> memref<1x64xi32, #tpu.memory_space<vmem>>
          %dma_start3A_346 = tpu.memref_squeeze %dma_start3A_345 : memref<1x64xi32, #tpu.memory_space<vmem>> -> memref<64xi32, #tpu.memory_space<vmem>>
          %dma_start3A_347 = tpu.memref_slice %arg6[%multiple_of3A] : memref<36864xi32, #tpu.memory_space<hbm>> -> memref<64xi32, #tpu.memory_space<hbm>>
          %dma_start3A_348 = tpu.memref_slice %arg6[%multiple_of3A] : memref<36864xi32, #tpu.memory_space<hbm>> -> memref<64xi32, #tpu.memory_space<hbm>>
          %dma_start3A_349 = arith.constant 0 : i32
          %dma_start3A_350 = tpu.memref_slice %arg13[%while3A_267, %dma_start3A_349] : memref<2x64xi32, #tpu.memory_space<vmem>> -> memref<1x64xi32, #tpu.memory_space<vmem>>
          %dma_start3A_351 = tpu.memref_squeeze %dma_start3A_350 : memref<1x64xi32, #tpu.memory_space<vmem>> -> memref<64xi32, #tpu.memory_space<vmem>>
          tpu.enqueue_dma source(%dma_start3A_351 : memref<64xi32, #tpu.memory_space<vmem>>) target(%dma_start3A_348 : memref<64xi32, #tpu.memory_space<hbm>>) target_semaphore(%arg16 : memref<!tpu.dma_semaphore, #tpu.memory_space<semaphore_mem>>)
        } else {
        }
        %convert_element_type3A_322 = arith.extui %eq3A_318 : i1 to i32
        %jit3A_323 = arith.constant 0 : i32
        %select_n3A_324 = arith.select %eq3A_318, %jit3A_323, %add3A_316 : i32
        %sub3A_325 = arith.constant 1 : i32
        %sub3A_326 = arith.subi %sub3A_325, %while3A_267 : i32
        %select_n3A_327 = arith.select %eq3A_318, %sub3A_326, %while3A_267 : i32
        %add3A_328 = arith.addi %select_n3A_280, %convert_element_type3A_322 : i32
        %add3A_329 = arith.addi %while3A_269, %convert_element_type3A_322 : i32
        scf.yield %select_n3A_324, %select_n3A_327, %add3A_328, %add3A_329 : i32, i32, i32, i32
      }
      scf.yield %while3A_264#0, %while3A_264#1, %while3A_264#2, %while3A_264#3 : i32, i32, i32, i32
    }
    %while3A_165 = arith.constant 1 : i32
    %while3A_166:4 = scf.for %while3A_197 = %while3A_162 to %while3A_158 step %while3A_165 iter_args(%while3A_198 = %while3A_164#0, %while3A_199 = %while3A_164#1, %while3A_200 = %while3A_164#2, %while3A_201 = %while3A_164#3) -> (i32, i32, i32, i32)  : i32 {
      %mul3A_202 = arith.constant 512 : i32
      %mul3A_203 = arith.muli %while3A_197, %mul3A_202 : i32
      %add3A_204 = arith.addi %mul3A_2, %mul3A_203 : i32
      %lt3A = arith.constant 62 : i32
      %lt3A_205 = arith.cmpi slt, %while3A_197, %lt3A : i32
      %convert_element_type3A_206 = arith.extui %lt3A_205 : i1 to i32
      %cond3A_207 = arith.constant 0 : i32
      %cond3A_208 = arith.cmpi ne, %convert_element_type3A_206, %cond3A_207 : i32
      scf.if %cond3A_208 {
        %multiple_of3A = tpu.assume_multiple %add3A_204, 128 : i32
        %dma_start3A = arith.constant 0 : i32
        %dma_start3A_265 = arith.constant 0 : i32
        %dma_start3A_266 = tpu.memref_slice %arg11[%dma_start3A, %dma_start3A_265] : memref<64x512xf32, #tpu.memory_space<vmem>> -> memref<8x512xf32, #tpu.memory_space<vmem>>
        %dma_start3A_267 = arith.constant 0 : i32
        %dma_start3A_268 = tpu.memref_slice %arg3[%dma_start3A_267, %multiple_of3A] : memref<64x1000000xf32, #tpu.memory_space<hbm>> -> memref<8x512xf32, #tpu.memory_space<hbm>>
        %dma_start3A_269 = arith.constant 0 : i32
        %dma_start3A_270 = arith.constant 0 : i32
        %dma_start3A_271 = tpu.memref_slice %arg11[%dma_start3A_269, %dma_start3A_270] : memref<64x512xf32, #tpu.memory_space<vmem>> -> memref<8x512xf32, #tpu.memory_space<vmem>>
        %dma_start3A_272 = arith.constant 0 : i32
        %dma_start3A_273 = tpu.memref_slice %arg3[%dma_start3A_272, %multiple_of3A] : memref<64x1000000xf32, #tpu.memory_space<hbm>> -> memref<8x512xf32, #tpu.memory_space<hbm>>
        tpu.enqueue_dma source(%dma_start3A_273 : memref<8x512xf32, #tpu.memory_space<hbm>>) target(%dma_start3A_271 : memref<8x512xf32, #tpu.memory_space<vmem>>) target_semaphore(%arg15 : memref<!tpu.dma_semaphore, #tpu.memory_space<semaphore_mem>>)
        %multiple_of3A_274 = tpu.assume_multiple %add3A_204, 128 : i32
        %dma_start3A_275 = arith.constant 8 : i32
        %dma_start3A_276 = arith.constant 0 : i32
        %dma_start3A_277 = tpu.memref_slice %arg11[%dma_start3A_275, %dma_start3A_276] : memref<64x512xf32, #tpu.memory_space<vmem>> -> memref<8x512xf32, #tpu.memory_space<vmem>>
        %dma_start3A_278 = arith.constant 8 : i32
        %dma_start3A_279 = tpu.memref_slice %arg3[%dma_start3A_278, %multiple_of3A_274] : memref<64x1000000xf32, #tpu.memory_space<hbm>> -> memref<8x512xf32, #tpu.memory_space<hbm>>
        %dma_start3A_280 = arith.constant 8 : i32
        %dma_start3A_281 = arith.constant 0 : i32
        %dma_start3A_282 = tpu.memref_slice %arg11[%dma_start3A_280, %dma_start3A_281] : memref<64x512xf32, #tpu.memory_space<vmem>> -> memref<8x512xf32, #tpu.memory_space<vmem>>
        %dma_start3A_283 = arith.constant 8 : i32
        %dma_start3A_284 = tpu.memref_slice %arg3[%dma_start3A_283, %multiple_of3A_274] : memref<64x1000000xf32, #tpu.memory_space<hbm>> -> memref<8x512xf32, #tpu.memory_space<hbm>>
        tpu.enqueue_dma source(%dma_start3A_284 : memref<8x512xf32, #tpu.memory_space<hbm>>) target(%dma_start3A_282 : memref<8x512xf32, #tpu.memory_space<vmem>>) target_semaphore(%arg15 : memref<!tpu.dma_semaphore, #tpu.memory_space<semaphore_mem>>)
        %multiple_of3A_285 = tpu.assume_multiple %add3A_204, 128 : i32
        %dma_start3A_286 = arith.constant 16 : i32
        %dma_start3A_287 = arith.constant 0 : i32
        %dma_start3A_288 = tpu.memref_slice %arg11[%dma_start3A_286, %dma_start3A_287] : memref<64x512xf32, #tpu.memory_space<vmem>> -> memref<8x512xf32, #tpu.memory_space<vmem>>
        %dma_start3A_289 = arith.constant 16 : i32
        %dma_start3A_290 = tpu.memref_slice %arg3[%dma_start3A_289, %multiple_of3A_285] : memref<64x1000000xf32, #tpu.memory_space<hbm>> -> memref<8x512xf32, #tpu.memory_space<hbm>>
        %dma_start3A_291 = arith.constant 16 : i32
        %dma_start3A_292 = arith.constant 0 : i32
        %dma_start3A_293 = tpu.memref_slice %arg11[%dma_start3A_291, %dma_start3A_292] : memref<64x512xf32, #tpu.memory_space<vmem>> -> memref<8x512xf32, #tpu.memory_space<vmem>>
        %dma_start3A_294 = arith.constant 16 : i32
        %dma_start3A_295 = tpu.memref_slice %arg3[%dma_start3A_294, %multiple_of3A_285] : memref<64x1000000xf32, #tpu.memory_space<hbm>> -> memref<8x512xf32, #tpu.memory_space<hbm>>
        tpu.enqueue_dma source(%dma_start3A_295 : memref<8x512xf32, #tpu.memory_space<hbm>>) target(%dma_start3A_293 : memref<8x512xf32, #tpu.memory_space<vmem>>) target_semaphore(%arg15 : memref<!tpu.dma_semaphore, #tpu.memory_space<semaphore_mem>>)
        %multiple_of3A_296 = tpu.assume_multiple %add3A_204, 128 : i32
        %dma_start3A_297 = arith.constant 24 : i32
        %dma_start3A_298 = arith.constant 0 : i32
        %dma_start3A_299 = tpu.memref_slice %arg11[%dma_start3A_297, %dma_start3A_298] : memref<64x512xf32, #tpu.memory_space<vmem>> -> memref<8x512xf32, #tpu.memory_space<vmem>>
        %dma_start3A_300 = arith.constant 24 : i32
        %dma_start3A_301 = tpu.memref_slice %arg3[%dma_start3A_300, %multiple_of3A_296] : memref<64x1000000xf32, #tpu.memory_space<hbm>> -> memref<8x512xf32, #tpu.memory_space<hbm>>
        %dma_start3A_302 = arith.constant 24 : i32
        %dma_start3A_303 = arith.constant 0 : i32
        %dma_start3A_304 = tpu.memref_slice %arg11[%dma_start3A_302, %dma_start3A_303] : memref<64x512xf32, #tpu.memory_space<vmem>> -> memref<8x512xf32, #tpu.memory_space<vmem>>
        %dma_start3A_305 = arith.constant 24 : i32
        %dma_start3A_306 = tpu.memref_slice %arg3[%dma_start3A_305, %multiple_of3A_296] : memref<64x1000000xf32, #tpu.memory_space<hbm>> -> memref<8x512xf32, #tpu.memory_space<hbm>>
        tpu.enqueue_dma source(%dma_start3A_306 : memref<8x512xf32, #tpu.memory_space<hbm>>) target(%dma_start3A_304 : memref<8x512xf32, #tpu.memory_space<vmem>>) target_semaphore(%arg15 : memref<!tpu.dma_semaphore, #tpu.memory_space<semaphore_mem>>)
        %multiple_of3A_307 = tpu.assume_multiple %add3A_204, 128 : i32
        %dma_start3A_308 = arith.constant 32 : i32
        %dma_start3A_309 = arith.constant 0 : i32
        %dma_start3A_310 = tpu.memref_slice %arg11[%dma_start3A_308, %dma_start3A_309] : memref<64x512xf32, #tpu.memory_space<vmem>> -> memref<8x512xf32, #tpu.memory_space<vmem>>
        %dma_start3A_311 = arith.constant 32 : i32
        %dma_start3A_312 = tpu.memref_slice %arg3[%dma_start3A_311, %multiple_of3A_307] : memref<64x1000000xf32, #tpu.memory_space<hbm>> -> memref<8x512xf32, #tpu.memory_space<hbm>>
        %dma_start3A_313 = arith.constant 32 : i32
        %dma_start3A_314 = arith.constant 0 : i32
        %dma_start3A_315 = tpu.memref_slice %arg11[%dma_start3A_313, %dma_start3A_314] : memref<64x512xf32, #tpu.memory_space<vmem>> -> memref<8x512xf32, #tpu.memory_space<vmem>>
        %dma_start3A_316 = arith.constant 32 : i32
        %dma_start3A_317 = tpu.memref_slice %arg3[%dma_start3A_316, %multiple_of3A_307] : memref<64x1000000xf32, #tpu.memory_space<hbm>> -> memref<8x512xf32, #tpu.memory_space<hbm>>
        tpu.enqueue_dma source(%dma_start3A_317 : memref<8x512xf32, #tpu.memory_space<hbm>>) target(%dma_start3A_315 : memref<8x512xf32, #tpu.memory_space<vmem>>) target_semaphore(%arg15 : memref<!tpu.dma_semaphore, #tpu.memory_space<semaphore_mem>>)
        %multiple_of3A_318 = tpu.assume_multiple %add3A_204, 128 : i32
        %dma_start3A_319 = arith.constant 40 : i32
        %dma_start3A_320 = arith.constant 0 : i32
        %dma_start3A_321 = tpu.memref_slice %arg11[%dma_start3A_319, %dma_start3A_320] : memref<64x512xf32, #tpu.memory_space<vmem>> -> memref<8x512xf32, #tpu.memory_space<vmem>>
        %dma_start3A_322 = arith.constant 40 : i32
        %dma_start3A_323 = tpu.memref_slice %arg3[%dma_start3A_322, %multiple_of3A_318] : memref<64x1000000xf32, #tpu.memory_space<hbm>> -> memref<8x512xf32, #tpu.memory_space<hbm>>
        %dma_start3A_324 = arith.constant 40 : i32
        %dma_start3A_325 = arith.constant 0 : i32
        %dma_start3A_326 = tpu.memref_slice %arg11[%dma_start3A_324, %dma_start3A_325] : memref<64x512xf32, #tpu.memory_space<vmem>> -> memref<8x512xf32, #tpu.memory_space<vmem>>
        %dma_start3A_327 = arith.constant 40 : i32
        %dma_start3A_328 = tpu.memref_slice %arg3[%dma_start3A_327, %multiple_of3A_318] : memref<64x1000000xf32, #tpu.memory_space<hbm>> -> memref<8x512xf32, #tpu.memory_space<hbm>>
        tpu.enqueue_dma source(%dma_start3A_328 : memref<8x512xf32, #tpu.memory_space<hbm>>) target(%dma_start3A_326 : memref<8x512xf32, #tpu.memory_space<vmem>>) target_semaphore(%arg15 : memref<!tpu.dma_semaphore, #tpu.memory_space<semaphore_mem>>)
        %multiple_of3A_329 = tpu.assume_multiple %add3A_204, 128 : i32
        %dma_start3A_330 = arith.constant 48 : i32
        %dma_start3A_331 = arith.constant 0 : i32
        %dma_start3A_332 = tpu.memref_slice %arg11[%dma_start3A_330, %dma_start3A_331] : memref<64x512xf32, #tpu.memory_space<vmem>> -> memref<8x512xf32, #tpu.memory_space<vmem>>
        %dma_start3A_333 = arith.constant 48 : i32
        %dma_start3A_334 = tpu.memref_slice %arg3[%dma_start3A_333, %multiple_of3A_329] : memref<64x1000000xf32, #tpu.memory_space<hbm>> -> memref<8x512xf32, #tpu.memory_space<hbm>>
        %dma_start3A_335 = arith.constant 48 : i32
        %dma_start3A_336 = arith.constant 0 : i32
        %dma_start3A_337 = tpu.memref_slice %arg11[%dma_start3A_335, %dma_start3A_336] : memref<64x512xf32, #tpu.memory_space<vmem>> -> memref<8x512xf32, #tpu.memory_space<vmem>>
        %dma_start3A_338 = arith.constant 48 : i32
        %dma_start3A_339 = tpu.memref_slice %arg3[%dma_start3A_338, %multiple_of3A_329] : memref<64x1000000xf32, #tpu.memory_space<hbm>> -> memref<8x512xf32, #tpu.memory_space<hbm>>
        tpu.enqueue_dma source(%dma_start3A_339 : memref<8x512xf32, #tpu.memory_space<hbm>>) target(%dma_start3A_337 : memref<8x512xf32, #tpu.memory_space<vmem>>) target_semaphore(%arg15 : memref<!tpu.dma_semaphore, #tpu.memory_space<semaphore_mem>>)
        %multiple_of3A_340 = tpu.assume_multiple %add3A_204, 128 : i32
        %dma_start3A_341 = arith.constant 56 : i32
        %dma_start3A_342 = arith.constant 0 : i32
        %dma_start3A_343 = tpu.memref_slice %arg11[%dma_start3A_341, %dma_start3A_342] : memref<64x512xf32, #tpu.memory_space<vmem>> -> memref<8x512xf32, #tpu.memory_space<vmem>>
        %dma_start3A_344 = arith.constant 56 : i32
        %dma_start3A_345 = tpu.memref_slice %arg3[%dma_start3A_344, %multiple_of3A_340] : memref<64x1000000xf32, #tpu.memory_space<hbm>> -> memref<8x512xf32, #tpu.memory_space<hbm>>
        %dma_start3A_346 = arith.constant 56 : i32
        %dma_start3A_347 = arith.constant 0 : i32
        %dma_start3A_348 = tpu.memref_slice %arg11[%dma_start3A_346, %dma_start3A_347] : memref<64x512xf32, #tpu.memory_space<vmem>> -> memref<8x512xf32, #tpu.memory_space<vmem>>
        %dma_start3A_349 = arith.constant 56 : i32
        %dma_start3A_350 = tpu.memref_slice %arg3[%dma_start3A_349, %multiple_of3A_340] : memref<64x1000000xf32, #tpu.memory_space<hbm>> -> memref<8x512xf32, #tpu.memory_space<hbm>>
        tpu.enqueue_dma source(%dma_start3A_350 : memref<8x512xf32, #tpu.memory_space<hbm>>) target(%dma_start3A_348 : memref<8x512xf32, #tpu.memory_space<vmem>>) target_semaphore(%arg15 : memref<!tpu.dma_semaphore, #tpu.memory_space<semaphore_mem>>)
        %dma_wait3A = arith.constant 0 : i32
        %dma_wait3A_351 = arith.constant 0 : i32
        %dma_wait3A_352 = tpu.memref_slice %arg11[%dma_wait3A, %dma_wait3A_351] : memref<64x512xf32, #tpu.memory_space<vmem>> -> memref<8x512xf32, #tpu.memory_space<vmem>>
        %dma_wait3A_353 = arith.constant 0 : i32
        %dma_wait3A_354 = tpu.memref_slice %arg3[%dma_wait3A_353, %multiple_of3A] : memref<64x1000000xf32, #tpu.memory_space<hbm>> -> memref<8x512xf32, #tpu.memory_space<hbm>>
        %dma_wait3A_355 = arith.constant 0 : i32
        %dma_wait3A_356 = arith.constant 0 : i32
        %dma_wait3A_357 = tpu.memref_slice %arg11[%dma_wait3A_355, %dma_wait3A_356] : memref<64x512xf32, #tpu.memory_space<vmem>> -> memref<8x512xf32, #tpu.memory_space<vmem>>
        %dma_wait3A_358 = arith.constant 0 : i32
        %dma_wait3A_359 = tpu.memref_slice %arg3[%dma_wait3A_358, %multiple_of3A] : memref<64x1000000xf32, #tpu.memory_space<hbm>> -> memref<8x512xf32, #tpu.memory_space<hbm>>
        tpu.wait_dma2 semaphore(%arg15 : memref<!tpu.dma_semaphore, #tpu.memory_space<semaphore_mem>>) src(%dma_wait3A_359 : memref<8x512xf32, #tpu.memory_space<hbm>>) dst(%dma_wait3A_357 : memref<8x512xf32, #tpu.memory_space<vmem>>)
        %dma_wait3A_360 = arith.constant 8 : i32
        %dma_wait3A_361 = arith.constant 0 : i32
        %dma_wait3A_362 = tpu.memref_slice %arg11[%dma_wait3A_360, %dma_wait3A_361] : memref<64x512xf32, #tpu.memory_space<vmem>> -> memref<8x512xf32, #tpu.memory_space<vmem>>
        %dma_wait3A_363 = arith.constant 8 : i32
        %dma_wait3A_364 = tpu.memref_slice %arg3[%dma_wait3A_363, %multiple_of3A_274] : memref<64x1000000xf32, #tpu.memory_space<hbm>> -> memref<8x512xf32, #tpu.memory_space<hbm>>
        %dma_wait3A_365 = arith.constant 8 : i32
        %dma_wait3A_366 = arith.constant 0 : i32
        %dma_wait3A_367 = tpu.memref_slice %arg11[%dma_wait3A_365, %dma_wait3A_366] : memref<64x512xf32, #tpu.memory_space<vmem>> -> memref<8x512xf32, #tpu.memory_space<vmem>>
        %dma_wait3A_368 = arith.constant 8 : i32
        %dma_wait3A_369 = tpu.memref_slice %arg3[%dma_wait3A_368, %multiple_of3A_274] : memref<64x1000000xf32, #tpu.memory_space<hbm>> -> memref<8x512xf32, #tpu.memory_space<hbm>>
        tpu.wait_dma2 semaphore(%arg15 : memref<!tpu.dma_semaphore, #tpu.memory_space<semaphore_mem>>) src(%dma_wait3A_369 : memref<8x512xf32, #tpu.memory_space<hbm>>) dst(%dma_wait3A_367 : memref<8x512xf32, #tpu.memory_space<vmem>>)
        %dma_wait3A_370 = arith.constant 16 : i32
        %dma_wait3A_371 = arith.constant 0 : i32
        %dma_wait3A_372 = tpu.memref_slice %arg11[%dma_wait3A_370, %dma_wait3A_371] : memref<64x512xf32, #tpu.memory_space<vmem>> -> memref<8x512xf32, #tpu.memory_space<vmem>>
        %dma_wait3A_373 = arith.constant 16 : i32
        %dma_wait3A_374 = tpu.memref_slice %arg3[%dma_wait3A_373, %multiple_of3A_285] : memref<64x1000000xf32, #tpu.memory_space<hbm>> -> memref<8x512xf32, #tpu.memory_space<hbm>>
        %dma_wait3A_375 = arith.constant 16 : i32
        %dma_wait3A_376 = arith.constant 0 : i32
        %dma_wait3A_377 = tpu.memref_slice %arg11[%dma_wait3A_375, %dma_wait3A_376] : memref<64x512xf32, #tpu.memory_space<vmem>> -> memref<8x512xf32, #tpu.memory_space<vmem>>
        %dma_wait3A_378 = arith.constant 16 : i32
        %dma_wait3A_379 = tpu.memref_slice %arg3[%dma_wait3A_378, %multiple_of3A_285] : memref<64x1000000xf32, #tpu.memory_space<hbm>> -> memref<8x512xf32, #tpu.memory_space<hbm>>
        tpu.wait_dma2 semaphore(%arg15 : memref<!tpu.dma_semaphore, #tpu.memory_space<semaphore_mem>>) src(%dma_wait3A_379 : memref<8x512xf32, #tpu.memory_space<hbm>>) dst(%dma_wait3A_377 : memref<8x512xf32, #tpu.memory_space<vmem>>)
        %dma_wait3A_380 = arith.constant 24 : i32
        %dma_wait3A_381 = arith.constant 0 : i32
        %dma_wait3A_382 = tpu.memref_slice %arg11[%dma_wait3A_380, %dma_wait3A_381] : memref<64x512xf32, #tpu.memory_space<vmem>> -> memref<8x512xf32, #tpu.memory_space<vmem>>
        %dma_wait3A_383 = arith.constant 24 : i32
        %dma_wait3A_384 = tpu.memref_slice %arg3[%dma_wait3A_383, %multiple_of3A_296] : memref<64x1000000xf32, #tpu.memory_space<hbm>> -> memref<8x512xf32, #tpu.memory_space<hbm>>
        %dma_wait3A_385 = arith.constant 24 : i32
        %dma_wait3A_386 = arith.constant 0 : i32
        %dma_wait3A_387 = tpu.memref_slice %arg11[%dma_wait3A_385, %dma_wait3A_386] : memref<64x512xf32, #tpu.memory_space<vmem>> -> memref<8x512xf32, #tpu.memory_space<vmem>>
        %dma_wait3A_388 = arith.constant 24 : i32
        %dma_wait3A_389 = tpu.memref_slice %arg3[%dma_wait3A_388, %multiple_of3A_296] : memref<64x1000000xf32, #tpu.memory_space<hbm>> -> memref<8x512xf32, #tpu.memory_space<hbm>>
        tpu.wait_dma2 semaphore(%arg15 : memref<!tpu.dma_semaphore, #tpu.memory_space<semaphore_mem>>) src(%dma_wait3A_389 : memref<8x512xf32, #tpu.memory_space<hbm>>) dst(%dma_wait3A_387 : memref<8x512xf32, #tpu.memory_space<vmem>>)
        %dma_wait3A_390 = arith.constant 32 : i32
        %dma_wait3A_391 = arith.constant 0 : i32
        %dma_wait3A_392 = tpu.memref_slice %arg11[%dma_wait3A_390, %dma_wait3A_391] : memref<64x512xf32, #tpu.memory_space<vmem>> -> memref<8x512xf32, #tpu.memory_space<vmem>>
        %dma_wait3A_393 = arith.constant 32 : i32
        %dma_wait3A_394 = tpu.memref_slice %arg3[%dma_wait3A_393, %multiple_of3A_307] : memref<64x1000000xf32, #tpu.memory_space<hbm>> -> memref<8x512xf32, #tpu.memory_space<hbm>>
        %dma_wait3A_395 = arith.constant 32 : i32
        %dma_wait3A_396 = arith.constant 0 : i32
        %dma_wait3A_397 = tpu.memref_slice %arg11[%dma_wait3A_395, %dma_wait3A_396] : memref<64x512xf32, #tpu.memory_space<vmem>> -> memref<8x512xf32, #tpu.memory_space<vmem>>
        %dma_wait3A_398 = arith.constant 32 : i32
        %dma_wait3A_399 = tpu.memref_slice %arg3[%dma_wait3A_398, %multiple_of3A_307] : memref<64x1000000xf32, #tpu.memory_space<hbm>> -> memref<8x512xf32, #tpu.memory_space<hbm>>
        tpu.wait_dma2 semaphore(%arg15 : memref<!tpu.dma_semaphore, #tpu.memory_space<semaphore_mem>>) src(%dma_wait3A_399 : memref<8x512xf32, #tpu.memory_space<hbm>>) dst(%dma_wait3A_397 : memref<8x512xf32, #tpu.memory_space<vmem>>)
        %dma_wait3A_400 = arith.constant 40 : i32
        %dma_wait3A_401 = arith.constant 0 : i32
        %dma_wait3A_402 = tpu.memref_slice %arg11[%dma_wait3A_400, %dma_wait3A_401] : memref<64x512xf32, #tpu.memory_space<vmem>> -> memref<8x512xf32, #tpu.memory_space<vmem>>
        %dma_wait3A_403 = arith.constant 40 : i32
        %dma_wait3A_404 = tpu.memref_slice %arg3[%dma_wait3A_403, %multiple_of3A_318] : memref<64x1000000xf32, #tpu.memory_space<hbm>> -> memref<8x512xf32, #tpu.memory_space<hbm>>
        %dma_wait3A_405 = arith.constant 40 : i32
        %dma_wait3A_406 = arith.constant 0 : i32
        %dma_wait3A_407 = tpu.memref_slice %arg11[%dma_wait3A_405, %dma_wait3A_406] : memref<64x512xf32, #tpu.memory_space<vmem>> -> memref<8x512xf32, #tpu.memory_space<vmem>>
        %dma_wait3A_408 = arith.constant 40 : i32
        %dma_wait3A_409 = tpu.memref_slice %arg3[%dma_wait3A_408, %multiple_of3A_318] : memref<64x1000000xf32, #tpu.memory_space<hbm>> -> memref<8x512xf32, #tpu.memory_space<hbm>>
        tpu.wait_dma2 semaphore(%arg15 : memref<!tpu.dma_semaphore, #tpu.memory_space<semaphore_mem>>) src(%dma_wait3A_409 : memref<8x512xf32, #tpu.memory_space<hbm>>) dst(%dma_wait3A_407 : memref<8x512xf32, #tpu.memory_space<vmem>>)
        %dma_wait3A_410 = arith.constant 48 : i32
        %dma_wait3A_411 = arith.constant 0 : i32
        %dma_wait3A_412 = tpu.memref_slice %arg11[%dma_wait3A_410, %dma_wait3A_411] : memref<64x512xf32, #tpu.memory_space<vmem>> -> memref<8x512xf32, #tpu.memory_space<vmem>>
        %dma_wait3A_413 = arith.constant 48 : i32
        %dma_wait3A_414 = tpu.memref_slice %arg3[%dma_wait3A_413, %multiple_of3A_329] : memref<64x1000000xf32, #tpu.memory_space<hbm>> -> memref<8x512xf32, #tpu.memory_space<hbm>>
        %dma_wait3A_415 = arith.constant 48 : i32
        %dma_wait3A_416 = arith.constant 0 : i32
        %dma_wait3A_417 = tpu.memref_slice %arg11[%dma_wait3A_415, %dma_wait3A_416] : memref<64x512xf32, #tpu.memory_space<vmem>> -> memref<8x512xf32, #tpu.memory_space<vmem>>
        %dma_wait3A_418 = arith.constant 48 : i32
        %dma_wait3A_419 = tpu.memref_slice %arg3[%dma_wait3A_418, %multiple_of3A_329] : memref<64x1000000xf32, #tpu.memory_space<hbm>> -> memref<8x512xf32, #tpu.memory_space<hbm>>
        tpu.wait_dma2 semaphore(%arg15 : memref<!tpu.dma_semaphore, #tpu.memory_space<semaphore_mem>>) src(%dma_wait3A_419 : memref<8x512xf32, #tpu.memory_space<hbm>>) dst(%dma_wait3A_417 : memref<8x512xf32, #tpu.memory_space<vmem>>)
        %dma_wait3A_420 = arith.constant 56 : i32
        %dma_wait3A_421 = arith.constant 0 : i32
        %dma_wait3A_422 = tpu.memref_slice %arg11[%dma_wait3A_420, %dma_wait3A_421] : memref<64x512xf32, #tpu.memory_space<vmem>> -> memref<8x512xf32, #tpu.memory_space<vmem>>
        %dma_wait3A_423 = arith.constant 56 : i32
        %dma_wait3A_424 = tpu.memref_slice %arg3[%dma_wait3A_423, %multiple_of3A_340] : memref<64x1000000xf32, #tpu.memory_space<hbm>> -> memref<8x512xf32, #tpu.memory_space<hbm>>
        %dma_wait3A_425 = arith.constant 56 : i32
        %dma_wait3A_426 = arith.constant 0 : i32
        %dma_wait3A_427 = tpu.memref_slice %arg11[%dma_wait3A_425, %dma_wait3A_426] : memref<64x512xf32, #tpu.memory_space<vmem>> -> memref<8x512xf32, #tpu.memory_space<vmem>>
        %dma_wait3A_428 = arith.constant 56 : i32
        %dma_wait3A_429 = tpu.memref_slice %arg3[%dma_wait3A_428, %multiple_of3A_340] : memref<64x1000000xf32, #tpu.memory_space<hbm>> -> memref<8x512xf32, #tpu.memory_space<hbm>>
        tpu.wait_dma2 semaphore(%arg15 : memref<!tpu.dma_semaphore, #tpu.memory_space<semaphore_mem>>) src(%dma_wait3A_429 : memref<8x512xf32, #tpu.memory_space<hbm>>) dst(%dma_wait3A_427 : memref<8x512xf32, #tpu.memory_space<vmem>>)
      } else {
      }
      %eq3A_209 = arith.constant 62 : i32
      %eq3A_210 = arith.cmpi eq, %while3A_197, %eq3A_209 : i32
      %convert_element_type3A_211 = arith.extui %eq3A_210 : i1 to i32
      %cond3A_212 = arith.constant 0 : i32
      %cond3A_213 = arith.cmpi ne, %convert_element_type3A_211, %cond3A_212 : i32
      scf.if %cond3A_213 {
        "tpu.region"() ({
          %run_scoped3A_265 = tpu.sem_alloc : memref<!tpu.dma_semaphore, #tpu.memory_space<semaphore_mem>>
          %dma_start3A = arith.constant 0 : i32
          %dma_start3A_266 = arith.constant 0 : i32
          %dma_start3A_267 = tpu.memref_slice %arg11[%dma_start3A, %dma_start3A_266] : memref<64x512xf32, #tpu.memory_space<vmem>> -> memref<64x128xf32, #tpu.memory_space<vmem>>
          %dma_start3A_268 = arith.constant 0 : i32
          %dma_start3A_269 = arith.constant 0 : i32
          %dma_start3A_270 = tpu.memref_slice %arg11[%dma_start3A_268, %dma_start3A_269] : memref<64x512xf32, #tpu.memory_space<vmem>> -> memref<64x128xf32, #tpu.memory_space<vmem>>
          tpu.enqueue_dma source(%arg4 : memref<64x128xf32, #tpu.memory_space<hbm>>) target(%dma_start3A_270 : memref<64x128xf32, #tpu.memory_space<vmem>>) target_semaphore(%run_scoped3A_265 : memref<!tpu.dma_semaphore, #tpu.memory_space<semaphore_mem>>)
          %dma_wait3A = arith.constant 0 : i32
          %dma_wait3A_271 = arith.constant 0 : i32
          %dma_wait3A_272 = tpu.memref_slice %arg11[%dma_wait3A, %dma_wait3A_271] : memref<64x512xf32, #tpu.memory_space<vmem>> -> memref<64x128xf32, #tpu.memory_space<vmem>>
          %dma_wait3A_273 = arith.constant 0 : i32
          %dma_wait3A_274 = arith.constant 0 : i32
          %dma_wait3A_275 = tpu.memref_slice %arg11[%dma_wait3A_273, %dma_wait3A_274] : memref<64x512xf32, #tpu.memory_space<vmem>> -> memref<64x128xf32, #tpu.memory_space<vmem>>
          tpu.wait_dma2 semaphore(%run_scoped3A_265 : memref<!tpu.dma_semaphore, #tpu.memory_space<semaphore_mem>>) src(%arg4 : memref<64x128xf32, #tpu.memory_space<hbm>>) dst(%dma_wait3A_275 : memref<64x128xf32, #tpu.memory_space<vmem>>)
          tpu.yield
        }) : () -> ()
      } else {
      }
      %add3A_214 = arith.constant 512 : i32
      %add3A_215 = arith.addi %add3A_204, %add3A_214 : i32
      %while3A_216 = arith.constant 0 : i32
      %while3A_217 = arith.constant 0 : i32
      %while3A_218 = arith.subi %select_n3A_31, %while3A_216 : i32
      %while3A_219 = arith.addi %while3A_216, %while3A_218 : i32
      %while3A_220 = arith.constant 1 : i32
      %while3A_221 = arith.divsi %while3A_218, %while3A_220 : i32
      %while3A_222 = arith.muli %while3A_221, %while3A_220 : i32
      %while3A_223 = arith.addi %while3A_216, %while3A_222 : i32
      %while3A_224 = arith.constant 1 : i32
      %while3A_225 = scf.for %while3A_265 = %while3A_216 to %while3A_223 step %while3A_224 iter_args(%while3A_266 = %while3A_217) -> (i32)  : i32 {
        %mul3A_267 = arith.constant 16 : i32
        %mul3A_268 = arith.muli %while3A_265, %mul3A_267 : i32
        %add3A_269 = vector.broadcast %mul3A_268 : i32 to vector<16xi32>
        %add3A_270 = arith.addi %add3A_269, %iota3A : vector<16xi32>
        %lt3A_271 = vector.broadcast %scan3A_10 : i32 to vector<16xi32>
        %lt3A_272 = arith.cmpi slt, %add3A_270, %lt3A_271 : vector<16xi32>
        %mul3A_273 = arith.constant 16 : i32
        %mul3A_274 = arith.muli %while3A_265, %mul3A_273 : i32
        %get3A = arith.index_cast %mul3A_274 : i32 to index
        %get3A_275 = tpu.vector_load %arg8[%get3A] {strides = array<i32>} : memref<16400xi32, #tpu.memory_space<vmem>>, vector<16xi32>,
        %jit3A_276 = arith.constant 0 : i32
        %broadcast_in_dim3A_277 = vector.broadcast %jit3A_276 : i32 to vector<16xi32>
        %select_n3A_278 = arith.select %lt3A_272, %get3A_275, %broadcast_in_dim3A_277 : vector<16xi1>, vector<16xi32>
        %gather3A = tpu.vector_load_idx %arg7[%select_n3A_278] : memref<16384xi32, #tpu.memory_space<vmem>>[vector<16xi32>], vector<16xi32>,
        %ge3A_279 = vector.broadcast %add3A_204 : i32 to vector<16xi32>
        %ge3A_280 = arith.cmpi sge, %gather3A, %ge3A_279 : vector<16xi32>
        %and3A_281 = arith.andi %lt3A_272, %ge3A_280 : vector<16xi1>
        %lt3A_282 = vector.broadcast %add3A_215 : i32 to vector<16xi32>
        %lt3A_283 = arith.cmpi slt, %gather3A, %lt3A_282 : vector<16xi32>
        %and3A_284 = arith.andi %and3A_281, %lt3A_283 : vector<16xi1>
        %swap3A_285 = arith.index_cast %while3A_266 : i32 to index
        %swap3A_286 = tpu.vector_load %arg9[%swap3A_285] masked %and3A_284 {strides = array<i32>} : memref<16400xi32, #tpu.memory_space<vmem>>, vector<16xi32>, vector<16xi1>
        tpu.vector_store %arg9[%swap3A_285], %select_n3A_278 masked %and3A_284 {strides = array<i32>} : memref<16400xi32, #tpu.memory_space<vmem>>, vector<16xi32>, vector<16xi1>
        %swap3A_287 = arith.index_cast %while3A_266 : i32 to index
        %swap3A_288 = tpu.vector_load %arg10[%swap3A_287] masked %and3A_284 {strides = array<i32>} : memref<16400xi32, #tpu.memory_space<vmem>>, vector<16xi32>, vector<16xi1>
        tpu.vector_store %arg10[%swap3A_287], %gather3A masked %and3A_284 {strides = array<i32>} : memref<16400xi32, #tpu.memory_space<vmem>>, vector<16xi32>, vector<16xi1>
        %all_reduce_population_count3A = tpu.all_reduce %and3A_284 {dim = 0 : i64, kind = #tpu.reduction_kind<sum>} : vector<16xi1> -> vector<16xi32>
        %slice3A = vector.extract_strided_slice %all_reduce_population_count3A {offsets = [0], sizes = [1], strides = [1]} : vector<16xi32> to vector<1xi32>
        %squeeze3A = vector.extract %slice3A[0] : i32 from vector<1xi32>
        %add3A_289 = arith.addi %while3A_266, %squeeze3A : i32
        scf.yield %add3A_289 : i32
      }
      %while3A_226 = arith.constant 1 : i32
      %while3A_227 = scf.for %while3A_265 = %while3A_223 to %while3A_219 step %while3A_226 iter_args(%while3A_266 = %while3A_225) -> (i32)  : i32 {
        %mul3A_267 = arith.constant 16 : i32
        %mul3A_268 = arith.muli %while3A_265, %mul3A_267 : i32
        %add3A_269 = vector.broadcast %mul3A_268 : i32 to vector<16xi32>
        %add3A_270 = arith.addi %add3A_269, %iota3A : vector<16xi32>
        %lt3A_271 = vector.broadcast %scan3A_10 : i32 to vector<16xi32>
        %lt3A_272 = arith.cmpi slt, %add3A_270, %lt3A_271 : vector<16xi32>
        %mul3A_273 = arith.constant 16 : i32
        %mul3A_274 = arith.muli %while3A_265, %mul3A_273 : i32
        %get3A = arith.index_cast %mul3A_274 : i32 to index
        %get3A_275 = tpu.vector_load %arg8[%get3A] {strides = array<i32>} : memref<16400xi32, #tpu.memory_space<vmem>>, vector<16xi32>,
        %jit3A_276 = arith.constant 0 : i32
        %broadcast_in_dim3A_277 = vector.broadcast %jit3A_276 : i32 to vector<16xi32>
        %select_n3A_278 = arith.select %lt3A_272, %get3A_275, %broadcast_in_dim3A_277 : vector<16xi1>, vector<16xi32>
        %gather3A = tpu.vector_load_idx %arg7[%select_n3A_278] : memref<16384xi32, #tpu.memory_space<vmem>>[vector<16xi32>], vector<16xi32>,
        %ge3A_279 = vector.broadcast %add3A_204 : i32 to vector<16xi32>
        %ge3A_280 = arith.cmpi sge, %gather3A, %ge3A_279 : vector<16xi32>
        %and3A_281 = arith.andi %lt3A_272, %ge3A_280 : vector<16xi1>
        %lt3A_282 = vector.broadcast %add3A_215 : i32 to vector<16xi32>
        %lt3A_283 = arith.cmpi slt, %gather3A, %lt3A_282 : vector<16xi32>
        %and3A_284 = arith.andi %and3A_281, %lt3A_283 : vector<16xi1>
        %swap3A_285 = arith.index_cast %while3A_266 : i32 to index
        %swap3A_286 = tpu.vector_load %arg9[%swap3A_285] masked %and3A_284 {strides = array<i32>} : memref<16400xi32, #tpu.memory_space<vmem>>, vector<16xi32>, vector<16xi1>
        tpu.vector_store %arg9[%swap3A_285], %select_n3A_278 masked %and3A_284 {strides = array<i32>} : memref<16400xi32, #tpu.memory_space<vmem>>, vector<16xi32>, vector<16xi1>
        %swap3A_287 = arith.index_cast %while3A_266 : i32 to index
        %swap3A_288 = tpu.vector_load %arg10[%swap3A_287] masked %and3A_284 {strides = array<i32>} : memref<16400xi32, #tpu.memory_space<vmem>>, vector<16xi32>, vector<16xi1>
        tpu.vector_store %arg10[%swap3A_287], %gather3A masked %and3A_284 {strides = array<i32>} : memref<16400xi32, #tpu.memory_space<vmem>>, vector<16xi32>, vector<16xi1>
        %all_reduce_population_count3A = tpu.all_reduce %and3A_284 {dim = 0 : i64, kind = #tpu.reduction_kind<sum>} : vector<16xi1> -> vector<16xi32>
        %slice3A = vector.extract_strided_slice %all_reduce_population_count3A {offsets = [0], sizes = [1], strides = [1]} : vector<16xi32> to vector<1xi32>
        %squeeze3A = vector.extract %slice3A[0] : i32 from vector<1xi32>
        %add3A_289 = arith.addi %while3A_266, %squeeze3A : i32
        scf.yield %add3A_289 : i32
      }
      %add3A_228 = arith.constant 15 : i32
      %add3A_229 = arith.addi %while3A_227, %add3A_228 : i32
      %jit3A_230 = arith.constant 16 : i32
      %div3A_231 = arith.divsi %add3A_229, %jit3A_230 : i32
      %sign3A_232 = arith.constant 0 : i32
      %sign3A_233 = arith.cmpi sgt, %add3A_229, %sign3A_232 : i32
      %sign3A_234 = arith.extui %sign3A_233 : i1 to i32
      %sign3A_235 = arith.constant 0 : i32
      %sign3A_236 = arith.cmpi slt, %add3A_229, %sign3A_235 : i32
      %sign3A_237 = arith.extui %sign3A_236 : i1 to i32
      %sign3A_238 = arith.subi %sign3A_234, %sign3A_237 : i32
      %sign3A_239 = arith.constant 0 : i32
      %sign3A_240 = arith.cmpi sgt, %jit3A_230, %sign3A_239 : i32
      %sign3A_241 = arith.extui %sign3A_240 : i1 to i32
      %sign3A_242 = arith.constant 0 : i32
      %sign3A_243 = arith.cmpi slt, %jit3A_230, %sign3A_242 : i32
      %sign3A_244 = arith.extui %sign3A_243 : i1 to i32
      %sign3A_245 = arith.subi %sign3A_241, %sign3A_244 : i32
      %ne3A_246 = arith.cmpi ne, %sign3A_238, %sign3A_245 : i32
      %rem3A_247 = arith.remsi %add3A_229, %jit3A_230 : i32
      %ne3A_248 = arith.constant 0 : i32
      %ne3A_249 = arith.cmpi ne, %rem3A_247, %ne3A_248 : i32
      %and3A_250 = arith.andi %ne3A_246, %ne3A_249 : i1
      %sub3A_251 = arith.constant 1 : i32
      %sub3A_252 = arith.subi %div3A_231, %sub3A_251 : i32
      %select_n3A_253 = arith.select %and3A_250, %sub3A_252, %div3A_231 : i32
      %while3A_254 = arith.constant 0 : i32
      %while3A_255 = arith.subi %select_n3A_253, %while3A_254 : i32
      %while3A_256 = arith.addi %while3A_254, %while3A_255 : i32
      %while3A_257 = arith.constant 1 : i32
      %while3A_258 = arith.divsi %while3A_255, %while3A_257 : i32
      %while3A_259 = arith.muli %while3A_258, %while3A_257 : i32
      %while3A_260 = arith.addi %while3A_254, %while3A_259 : i32
      %while3A_261 = arith.constant 1 : i32
      %while3A_262:4 = scf.for %while3A_265 = %while3A_254 to %while3A_260 step %while3A_261 iter_args(%while3A_266 = %while3A_198, %while3A_267 = %while3A_199, %while3A_268 = %while3A_200, %while3A_269 = %while3A_201) -> (i32, i32, i32, i32)  : i32 {
        %eq3A_270 = arith.constant 0 : i32
        %eq3A_271 = arith.cmpi eq, %while3A_266, %eq3A_270 : i32
        %ge3A_272 = arith.constant 2 : i32
        %ge3A_273 = arith.cmpi sge, %while3A_268, %ge3A_272 : i32
        %and3A_274 = arith.andi %eq3A_271, %ge3A_273 : i1
        %convert_element_type3A_275 = arith.extui %and3A_274 : i1 to i32
        %cond3A_276 = arith.constant 0 : i32
        %cond3A_277 = arith.cmpi ne, %convert_element_type3A_275, %cond3A_276 : i32
        scf.if %cond3A_277 {
          %dma_wait3A = arith.constant 0 : i32
          %dma_wait3A_330 = arith.constant 0 : i32
          %dma_wait3A_331 = arith.constant 0 : i32
          %dma_wait3A_332 = tpu.memref_slice %arg12[%dma_wait3A, %dma_wait3A_330, %dma_wait3A_331] : memref<2x64x128xf32, #tpu.memory_space<vmem>> -> memref<1x64x128xf32, #tpu.memory_space<vmem>>
          %dma_wait3A_333 = tpu.memref_squeeze %dma_wait3A_332 : memref<1x64x128xf32, #tpu.memory_space<vmem>> -> memref<64x128xf32, #tpu.memory_space<vmem>>
          %dma_wait3A_334 = arith.constant 0 : i32
          %dma_wait3A_335 = arith.constant 0 : i32
          %dma_wait3A_336 = tpu.memref_slice %arg3[%dma_wait3A_334, %dma_wait3A_335] : memref<64x1000000xf32, #tpu.memory_space<hbm>> -> memref<64x128xf32, #tpu.memory_space<hbm>>
          %dma_wait3A_337 = arith.constant 0 : i32
          %dma_wait3A_338 = arith.constant 0 : i32
          %dma_wait3A_339 = tpu.memref_slice %arg12[%dma_wait3A, %dma_wait3A_337, %dma_wait3A_338] : memref<2x64x128xf32, #tpu.memory_space<vmem>> -> memref<1x64x128xf32, #tpu.memory_space<vmem>>
          %dma_wait3A_340 = tpu.memref_squeeze %dma_wait3A_339 : memref<1x64x128xf32, #tpu.memory_space<vmem>> -> memref<64x128xf32, #tpu.memory_space<vmem>>
          %dma_wait3A_341 = arith.constant 0 : i32
          %dma_wait3A_342 = arith.constant 0 : i32
          %dma_wait3A_343 = tpu.memref_slice %arg3[%dma_wait3A_341, %dma_wait3A_342] : memref<64x1000000xf32, #tpu.memory_space<hbm>> -> memref<64x128xf32, #tpu.memory_space<hbm>>
          tpu.wait_dma2 semaphore(%arg16 : memref<!tpu.dma_semaphore, #tpu.memory_space<semaphore_mem>>) src(%dma_wait3A_343 : memref<64x128xf32, #tpu.memory_space<hbm>>) dst(%dma_wait3A_340 : memref<64x128xf32, #tpu.memory_space<vmem>>)
          %dma_wait3A_344 = arith.constant 0 : i32
          %dma_wait3A_345 = arith.constant 0 : i32
          %dma_wait3A_346 = tpu.memref_slice %arg13[%dma_wait3A_344, %dma_wait3A_345] : memref<2x64xi32, #tpu.memory_space<vmem>> -> memref<1x64xi32, #tpu.memory_space<vmem>>
          %dma_wait3A_347 = tpu.memref_squeeze %dma_wait3A_346 : memref<1x64xi32, #tpu.memory_space<vmem>> -> memref<64xi32, #tpu.memory_space<vmem>>
          %dma_wait3A_348 = arith.constant 0 : i32
          %dma_wait3A_349 = tpu.memref_slice %arg2[%dma_wait3A_348] : memref<16384xi32, #tpu.memory_space<hbm>> -> memref<64xi32, #tpu.memory_space<hbm>>
          %dma_wait3A_350 = arith.constant 0 : i32
          %dma_wait3A_351 = tpu.memref_slice %arg13[%dma_wait3A_344, %dma_wait3A_350] : memref<2x64xi32, #tpu.memory_space<vmem>> -> memref<1x64xi32, #tpu.memory_space<vmem>>
          %dma_wait3A_352 = tpu.memref_squeeze %dma_wait3A_351 : memref<1x64xi32, #tpu.memory_space<vmem>> -> memref<64xi32, #tpu.memory_space<vmem>>
          %dma_wait3A_353 = arith.constant 0 : i32
          %dma_wait3A_354 = tpu.memref_slice %arg2[%dma_wait3A_353] : memref<16384xi32, #tpu.memory_space<hbm>> -> memref<64xi32, #tpu.memory_space<hbm>>
          tpu.wait_dma2 semaphore(%arg16 : memref<!tpu.dma_semaphore, #tpu.memory_space<semaphore_mem>>) src(%dma_wait3A_354 : memref<64xi32, #tpu.memory_space<hbm>>) dst(%dma_wait3A_352 : memref<64xi32, #tpu.memory_space<vmem>>)
        } else {
        }
        %sub3A_278 = arith.constant 1 : i32
        %sub3A_279 = arith.subi %while3A_268, %sub3A_278 : i32
        %select_n3A_280 = arith.select %and3A_274, %sub3A_279, %while3A_268 : i32
        %mul3A_281 = arith.constant 16 : i32
        %mul3A_282 = arith.muli %while3A_265, %mul3A_281 : i32
        %get3A = arith.index_cast %mul3A_282 : i32 to index
        %get3A_283 = tpu.vector_load %arg9[%get3A] {strides = array<i32>} : memref<16400xi32, #tpu.memory_space<vmem>>, vector<16xi32>,
        %mul3A_284 = arith.constant 16 : i32
        %mul3A_285 = arith.muli %while3A_265, %mul3A_284 : i32
        %get3A_286 = arith.index_cast %mul3A_285 : i32 to index
        %get3A_287 = tpu.vector_load %arg10[%get3A_286] {strides = array<i32>} : memref<16400xi32, #tpu.memory_space<vmem>>, vector<16xi32>,
        %sub3A_288 = vector.broadcast %add3A_204 : i32 to vector<16xi32>
        %sub3A_289 = arith.subi %get3A_287, %sub3A_288 : vector<16xi32>
        %mul3A_290 = arith.constant 16 : i32
        %mul3A_291 = arith.muli %while3A_265, %mul3A_290 : i32
        %add3A_292 = vector.broadcast %mul3A_291 : i32 to vector<16xi32>
        %add3A_293 = arith.addi %add3A_292, %iota3A : vector<16xi32>
        %lt3A_294 = vector.broadcast %while3A_227 : i32 to vector<16xi32>
        %lt3A_295 = arith.cmpi slt, %add3A_293, %lt3A_294 : vector<16xi32>
        %jit3A_296 = arith.constant 0 : i32
        %broadcast_in_dim3A_297 = vector.broadcast %jit3A_296 : i32 to vector<16xi32>
        %select_n3A_298 = arith.select %lt3A_295, %sub3A_289, %broadcast_in_dim3A_297 : vector<16xi1>, vector<16xi32>
        %broadcast_in_dim3A_299 = arith.constant 0 : i32
        %broadcast_in_dim3A_300 = vector.broadcast %broadcast_in_dim3A_299 : i32 to vector<16xi32>
        %add3A_301 = vector.broadcast %while3A_267 : i32 to vector<16xi32>
        %add3A_302 = arith.addi %broadcast_in_dim3A_300, %add3A_301 : vector<16xi32>
        %add3A_303 = vector.broadcast %while3A_266 : i32 to vector<16xi32>
        %add3A_304 = arith.addi %add3A_303, %iota3A : vector<16xi32>
        %scan3A_305 = arith.constant 0 : i32
        %scan3A_306 = arith.constant 0 : i32
        %scan3A_307 = arith.constant 64 : i32
        %scan3A_308 = arith.addi %scan3A_306, %scan3A_307 : i32
        %scan3A_309 = arith.constant 1 : i32
        %scan3A_310 = scf.for %scan3A_330 = %scan3A_306 to %scan3A_308 step %scan3A_309 iter_args(%scan3A_331 = %scan3A_305) -> (i32)  : i32 {
          %broadcast_in_dim3A_332 = arith.constant 0 : i32
          %broadcast_in_dim3A_333 = vector.broadcast %broadcast_in_dim3A_332 : i32 to vector<16xi32>
          %add3A_334 = vector.broadcast %scan3A_330 : i32 to vector<16xi32>
          %add3A_335 = arith.addi %broadcast_in_dim3A_333, %add3A_334 : vector<16xi32>
          %gather3A = tpu.vector_load_idx %arg11[%add3A_335, %select_n3A_298] masked %lt3A_295 : memref<64x512xf32, #tpu.memory_space<vmem>>[vector<16xi32>, vector<16xi32>], vector<16xf32>, vector<16xi1>
          tpu.vector_store_idx %arg12[%add3A_302, %add3A_304, %add3A_335], %gather3A masked %lt3A_295 : memref<2x64x128xf32, #tpu.memory_space<vmem>>[vector<16xi32>, vector<16xi32>, vector<16xi32>], vector<16xf32>, vector<16xi1>
          %scan3A_336 = arith.constant 0 : i32
          scf.yield %scan3A_336 : i32
        }
        %scan3A_311 = arith.constant 64 : i32
        %jit3A_312 = arith.constant 16384 : i32
        %broadcast_in_dim3A_313 = vector.broadcast %jit3A_312 : i32 to vector<16xi32>
        %select_n3A_314 = arith.select %lt3A_295, %get3A_283, %broadcast_in_dim3A_313 : vector<16xi1>, vector<16xi32>
        tpu.vector_store_idx %arg13[%add3A_302, %add3A_304], %select_n3A_314 : memref<2x64xi32, #tpu.memory_space<vmem>>[vector<16xi32>, vector<16xi32>], vector<16xi32>,
        %add3A_315 = arith.constant 16 : i32
        %add3A_316 = arith.addi %while3A_266, %add3A_315 : i32
        %eq3A_317 = arith.constant 64 : i32
        %eq3A_318 = arith.cmpi eq, %add3A_316, %eq3A_317 : i32
        %convert_element_type3A_319 = arith.extui %eq3A_318 : i1 to i32
        %cond3A_320 = arith.constant 0 : i32
        %cond3A_321 = arith.cmpi ne, %convert_element_type3A_319, %cond3A_320 : i32
        scf.if %cond3A_321 {
          %mul3A_330 = arith.constant 64 : i32
          %mul3A_331 = arith.muli %while3A_269, %mul3A_330 : i32
          %add3A_332 = arith.addi %add3A_147, %mul3A_331 : i32
          %multiple_of3A = tpu.assume_multiple %add3A_332, 8 : i32
          %dma_start3A = arith.constant 0 : i32
          %dma_start3A_333 = arith.constant 0 : i32
          %dma_start3A_334 = tpu.memref_slice %arg12[%while3A_267, %dma_start3A, %dma_start3A_333] : memref<2x64x128xf32, #tpu.memory_space<vmem>> -> memref<1x64x128xf32, #tpu.memory_space<vmem>>
          %dma_start3A_335 = tpu.memref_squeeze %dma_start3A_334 : memref<1x64x128xf32, #tpu.memory_space<vmem>> -> memref<64x128xf32, #tpu.memory_space<vmem>>
          %dma_start3A_336 = arith.constant 0 : i32
          %dma_start3A_337 = tpu.memref_slice %arg5[%multiple_of3A, %dma_start3A_336] : memref<36864x128xf32, #tpu.memory_space<hbm>> -> memref<64x128xf32, #tpu.memory_space<hbm>>
          %dma_start3A_338 = arith.constant 0 : i32
          %dma_start3A_339 = tpu.memref_slice %arg5[%multiple_of3A, %dma_start3A_338] : memref<36864x128xf32, #tpu.memory_space<hbm>> -> memref<64x128xf32, #tpu.memory_space<hbm>>
          %dma_start3A_340 = arith.constant 0 : i32
          %dma_start3A_341 = arith.constant 0 : i32
          %dma_start3A_342 = tpu.memref_slice %arg12[%while3A_267, %dma_start3A_340, %dma_start3A_341] : memref<2x64x128xf32, #tpu.memory_space<vmem>> -> memref<1x64x128xf32, #tpu.memory_space<vmem>>
          %dma_start3A_343 = tpu.memref_squeeze %dma_start3A_342 : memref<1x64x128xf32, #tpu.memory_space<vmem>> -> memref<64x128xf32, #tpu.memory_space<vmem>>
          tpu.enqueue_dma source(%dma_start3A_343 : memref<64x128xf32, #tpu.memory_space<vmem>>) target(%dma_start3A_339 : memref<64x128xf32, #tpu.memory_space<hbm>>) target_semaphore(%arg16 : memref<!tpu.dma_semaphore, #tpu.memory_space<semaphore_mem>>)
          %dma_start3A_344 = arith.constant 0 : i32
          %dma_start3A_345 = tpu.memref_slice %arg13[%while3A_267, %dma_start3A_344] : memref<2x64xi32, #tpu.memory_space<vmem>> -> memref<1x64xi32, #tpu.memory_space<vmem>>
          %dma_start3A_346 = tpu.memref_squeeze %dma_start3A_345 : memref<1x64xi32, #tpu.memory_space<vmem>> -> memref<64xi32, #tpu.memory_space<vmem>>
          %dma_start3A_347 = tpu.memref_slice %arg6[%multiple_of3A] : memref<36864xi32, #tpu.memory_space<hbm>> -> memref<64xi32, #tpu.memory_space<hbm>>
          %dma_start3A_348 = tpu.memref_slice %arg6[%multiple_of3A] : memref<36864xi32, #tpu.memory_space<hbm>> -> memref<64xi32, #tpu.memory_space<hbm>>
          %dma_start3A_349 = arith.constant 0 : i32
          %dma_start3A_350 = tpu.memref_slice %arg13[%while3A_267, %dma_start3A_349] : memref<2x64xi32, #tpu.memory_space<vmem>> -> memref<1x64xi32, #tpu.memory_space<vmem>>
          %dma_start3A_351 = tpu.memref_squeeze %dma_start3A_350 : memref<1x64xi32, #tpu.memory_space<vmem>> -> memref<64xi32, #tpu.memory_space<vmem>>
          tpu.enqueue_dma source(%dma_start3A_351 : memref<64xi32, #tpu.memory_space<vmem>>) target(%dma_start3A_348 : memref<64xi32, #tpu.memory_space<hbm>>) target_semaphore(%arg16 : memref<!tpu.dma_semaphore, #tpu.memory_space<semaphore_mem>>)
        } else {
        }
        %convert_element_type3A_322 = arith.extui %eq3A_318 : i1 to i32
        %jit3A_323 = arith.constant 0 : i32
        %select_n3A_324 = arith.select %eq3A_318, %jit3A_323, %add3A_316 : i32
        %sub3A_325 = arith.constant 1 : i32
        %sub3A_326 = arith.subi %sub3A_325, %while3A_267 : i32
        %select_n3A_327 = arith.select %eq3A_318, %sub3A_326, %while3A_267 : i32
        %add3A_328 = arith.addi %select_n3A_280, %convert_element_type3A_322 : i32
        %add3A_329 = arith.addi %while3A_269, %convert_element_type3A_322 : i32
        scf.yield %select_n3A_324, %select_n3A_327, %add3A_328, %add3A_329 : i32, i32, i32, i32
      }
      %while3A_263 = arith.constant 1 : i32
      %while3A_264:4 = scf.for %while3A_265 = %while3A_260 to %while3A_256 step %while3A_263 iter_args(%while3A_266 = %while3A_262#0, %while3A_267 = %while3A_262#1, %while3A_268 = %while3A_262#2, %while3A_269 = %while3A_262#3) -> (i32, i32, i32, i32)  : i32 {
        %eq3A_270 = arith.constant 0 : i32
        %eq3A_271 = arith.cmpi eq, %while3A_266, %eq3A_270 : i32
        %ge3A_272 = arith.constant 2 : i32
        %ge3A_273 = arith.cmpi sge, %while3A_268, %ge3A_272 : i32
        %and3A_274 = arith.andi %eq3A_271, %ge3A_273 : i1
        %convert_element_type3A_275 = arith.extui %and3A_274 : i1 to i32
        %cond3A_276 = arith.constant 0 : i32
        %cond3A_277 = arith.cmpi ne, %convert_element_type3A_275, %cond3A_276 : i32
        scf.if %cond3A_277 {
          %dma_wait3A = arith.constant 0 : i32
          %dma_wait3A_330 = arith.constant 0 : i32
          %dma_wait3A_331 = arith.constant 0 : i32
          %dma_wait3A_332 = tpu.memref_slice %arg12[%dma_wait3A, %dma_wait3A_330, %dma_wait3A_331] : memref<2x64x128xf32, #tpu.memory_space<vmem>> -> memref<1x64x128xf32, #tpu.memory_space<vmem>>
          %dma_wait3A_333 = tpu.memref_squeeze %dma_wait3A_332 : memref<1x64x128xf32, #tpu.memory_space<vmem>> -> memref<64x128xf32, #tpu.memory_space<vmem>>
          %dma_wait3A_334 = arith.constant 0 : i32
          %dma_wait3A_335 = arith.constant 0 : i32
          %dma_wait3A_336 = tpu.memref_slice %arg3[%dma_wait3A_334, %dma_wait3A_335] : memref<64x1000000xf32, #tpu.memory_space<hbm>> -> memref<64x128xf32, #tpu.memory_space<hbm>>
          %dma_wait3A_337 = arith.constant 0 : i32
          %dma_wait3A_338 = arith.constant 0 : i32
          %dma_wait3A_339 = tpu.memref_slice %arg12[%dma_wait3A, %dma_wait3A_337, %dma_wait3A_338] : memref<2x64x128xf32, #tpu.memory_space<vmem>> -> memref<1x64x128xf32, #tpu.memory_space<vmem>>
          %dma_wait3A_340 = tpu.memref_squeeze %dma_wait3A_339 : memref<1x64x128xf32, #tpu.memory_space<vmem>> -> memref<64x128xf32, #tpu.memory_space<vmem>>
          %dma_wait3A_341 = arith.constant 0 : i32
          %dma_wait3A_342 = arith.constant 0 : i32
          %dma_wait3A_343 = tpu.memref_slice %arg3[%dma_wait3A_341, %dma_wait3A_342] : memref<64x1000000xf32, #tpu.memory_space<hbm>> -> memref<64x128xf32, #tpu.memory_space<hbm>>
          tpu.wait_dma2 semaphore(%arg16 : memref<!tpu.dma_semaphore, #tpu.memory_space<semaphore_mem>>) src(%dma_wait3A_343 : memref<64x128xf32, #tpu.memory_space<hbm>>) dst(%dma_wait3A_340 : memref<64x128xf32, #tpu.memory_space<vmem>>)
          %dma_wait3A_344 = arith.constant 0 : i32
          %dma_wait3A_345 = arith.constant 0 : i32
          %dma_wait3A_346 = tpu.memref_slice %arg13[%dma_wait3A_344, %dma_wait3A_345] : memref<2x64xi32, #tpu.memory_space<vmem>> -> memref<1x64xi32, #tpu.memory_space<vmem>>
          %dma_wait3A_347 = tpu.memref_squeeze %dma_wait3A_346 : memref<1x64xi32, #tpu.memory_space<vmem>> -> memref<64xi32, #tpu.memory_space<vmem>>
          %dma_wait3A_348 = arith.constant 0 : i32
          %dma_wait3A_349 = tpu.memref_slice %arg2[%dma_wait3A_348] : memref<16384xi32, #tpu.memory_space<hbm>> -> memref<64xi32, #tpu.memory_space<hbm>>
          %dma_wait3A_350 = arith.constant 0 : i32
          %dma_wait3A_351 = tpu.memref_slice %arg13[%dma_wait3A_344, %dma_wait3A_350] : memref<2x64xi32, #tpu.memory_space<vmem>> -> memref<1x64xi32, #tpu.memory_space<vmem>>
          %dma_wait3A_352 = tpu.memref_squeeze %dma_wait3A_351 : memref<1x64xi32, #tpu.memory_space<vmem>> -> memref<64xi32, #tpu.memory_space<vmem>>
          %dma_wait3A_353 = arith.constant 0 : i32
          %dma_wait3A_354 = tpu.memref_slice %arg2[%dma_wait3A_353] : memref<16384xi32, #tpu.memory_space<hbm>> -> memref<64xi32, #tpu.memory_space<hbm>>
          tpu.wait_dma2 semaphore(%arg16 : memref<!tpu.dma_semaphore, #tpu.memory_space<semaphore_mem>>) src(%dma_wait3A_354 : memref<64xi32, #tpu.memory_space<hbm>>) dst(%dma_wait3A_352 : memref<64xi32, #tpu.memory_space<vmem>>)
        } else {
        }
        %sub3A_278 = arith.constant 1 : i32
        %sub3A_279 = arith.subi %while3A_268, %sub3A_278 : i32
        %select_n3A_280 = arith.select %and3A_274, %sub3A_279, %while3A_268 : i32
        %mul3A_281 = arith.constant 16 : i32
        %mul3A_282 = arith.muli %while3A_265, %mul3A_281 : i32
        %get3A = arith.index_cast %mul3A_282 : i32 to index
        %get3A_283 = tpu.vector_load %arg9[%get3A] {strides = array<i32>} : memref<16400xi32, #tpu.memory_space<vmem>>, vector<16xi32>,
        %mul3A_284 = arith.constant 16 : i32
        %mul3A_285 = arith.muli %while3A_265, %mul3A_284 : i32
        %get3A_286 = arith.index_cast %mul3A_285 : i32 to index
        %get3A_287 = tpu.vector_load %arg10[%get3A_286] {strides = array<i32>} : memref<16400xi32, #tpu.memory_space<vmem>>, vector<16xi32>,
        %sub3A_288 = vector.broadcast %add3A_204 : i32 to vector<16xi32>
        %sub3A_289 = arith.subi %get3A_287, %sub3A_288 : vector<16xi32>
        %mul3A_290 = arith.constant 16 : i32
        %mul3A_291 = arith.muli %while3A_265, %mul3A_290 : i32
        %add3A_292 = vector.broadcast %mul3A_291 : i32 to vector<16xi32>
        %add3A_293 = arith.addi %add3A_292, %iota3A : vector<16xi32>
        %lt3A_294 = vector.broadcast %while3A_227 : i32 to vector<16xi32>
        %lt3A_295 = arith.cmpi slt, %add3A_293, %lt3A_294 : vector<16xi32>
        %jit3A_296 = arith.constant 0 : i32
        %broadcast_in_dim3A_297 = vector.broadcast %jit3A_296 : i32 to vector<16xi32>
        %select_n3A_298 = arith.select %lt3A_295, %sub3A_289, %broadcast_in_dim3A_297 : vector<16xi1>, vector<16xi32>
        %broadcast_in_dim3A_299 = arith.constant 0 : i32
        %broadcast_in_dim3A_300 = vector.broadcast %broadcast_in_dim3A_299 : i32 to vector<16xi32>
        %add3A_301 = vector.broadcast %while3A_267 : i32 to vector<16xi32>
        %add3A_302 = arith.addi %broadcast_in_dim3A_300, %add3A_301 : vector<16xi32>
        %add3A_303 = vector.broadcast %while3A_266 : i32 to vector<16xi32>
        %add3A_304 = arith.addi %add3A_303, %iota3A : vector<16xi32>
        %scan3A_305 = arith.constant 0 : i32
        %scan3A_306 = arith.constant 0 : i32
        %scan3A_307 = arith.constant 64 : i32
        %scan3A_308 = arith.addi %scan3A_306, %scan3A_307 : i32
        %scan3A_309 = arith.constant 1 : i32
        %scan3A_310 = scf.for %scan3A_330 = %scan3A_306 to %scan3A_308 step %scan3A_309 iter_args(%scan3A_331 = %scan3A_305) -> (i32)  : i32 {
          %broadcast_in_dim3A_332 = arith.constant 0 : i32
          %broadcast_in_dim3A_333 = vector.broadcast %broadcast_in_dim3A_332 : i32 to vector<16xi32>
          %add3A_334 = vector.broadcast %scan3A_330 : i32 to vector<16xi32>
          %add3A_335 = arith.addi %broadcast_in_dim3A_333, %add3A_334 : vector<16xi32>
          %gather3A = tpu.vector_load_idx %arg11[%add3A_335, %select_n3A_298] masked %lt3A_295 : memref<64x512xf32, #tpu.memory_space<vmem>>[vector<16xi32>, vector<16xi32>], vector<16xf32>, vector<16xi1>
          tpu.vector_store_idx %arg12[%add3A_302, %add3A_304, %add3A_335], %gather3A masked %lt3A_295 : memref<2x64x128xf32, #tpu.memory_space<vmem>>[vector<16xi32>, vector<16xi32>, vector<16xi32>], vector<16xf32>, vector<16xi1>
          %scan3A_336 = arith.constant 0 : i32
          scf.yield %scan3A_336 : i32
        }
        %scan3A_311 = arith.constant 64 : i32
        %jit3A_312 = arith.constant 16384 : i32
        %broadcast_in_dim3A_313 = vector.broadcast %jit3A_312 : i32 to vector<16xi32>
        %select_n3A_314 = arith.select %lt3A_295, %get3A_283, %broadcast_in_dim3A_313 : vector<16xi1>, vector<16xi32>
        tpu.vector_store_idx %arg13[%add3A_302, %add3A_304], %select_n3A_314 : memref<2x64xi32, #tpu.memory_space<vmem>>[vector<16xi32>, vector<16xi32>], vector<16xi32>,
        %add3A_315 = arith.constant 16 : i32
        %add3A_316 = arith.addi %while3A_266, %add3A_315 : i32
        %eq3A_317 = arith.constant 64 : i32
        %eq3A_318 = arith.cmpi eq, %add3A_316, %eq3A_317 : i32
        %convert_element_type3A_319 = arith.extui %eq3A_318 : i1 to i32
        %cond3A_320 = arith.constant 0 : i32
        %cond3A_321 = arith.cmpi ne, %convert_element_type3A_319, %cond3A_320 : i32
        scf.if %cond3A_321 {
          %mul3A_330 = arith.constant 64 : i32
          %mul3A_331 = arith.muli %while3A_269, %mul3A_330 : i32
          %add3A_332 = arith.addi %add3A_147, %mul3A_331 : i32
          %multiple_of3A = tpu.assume_multiple %add3A_332, 8 : i32
          %dma_start3A = arith.constant 0 : i32
          %dma_start3A_333 = arith.constant 0 : i32
          %dma_start3A_334 = tpu.memref_slice %arg12[%while3A_267, %dma_start3A, %dma_start3A_333] : memref<2x64x128xf32, #tpu.memory_space<vmem>> -> memref<1x64x128xf32, #tpu.memory_space<vmem>>
          %dma_start3A_335 = tpu.memref_squeeze %dma_start3A_334 : memref<1x64x128xf32, #tpu.memory_space<vmem>> -> memref<64x128xf32, #tpu.memory_space<vmem>>
          %dma_start3A_336 = arith.constant 0 : i32
          %dma_start3A_337 = tpu.memref_slice %arg5[%multiple_of3A, %dma_start3A_336] : memref<36864x128xf32, #tpu.memory_space<hbm>> -> memref<64x128xf32, #tpu.memory_space<hbm>>
          %dma_start3A_338 = arith.constant 0 : i32
          %dma_start3A_339 = tpu.memref_slice %arg5[%multiple_of3A, %dma_start3A_338] : memref<36864x128xf32, #tpu.memory_space<hbm>> -> memref<64x128xf32, #tpu.memory_space<hbm>>
          %dma_start3A_340 = arith.constant 0 : i32
          %dma_start3A_341 = arith.constant 0 : i32
          %dma_start3A_342 = tpu.memref_slice %arg12[%while3A_267, %dma_start3A_340, %dma_start3A_341] : memref<2x64x128xf32, #tpu.memory_space<vmem>> -> memref<1x64x128xf32, #tpu.memory_space<vmem>>
          %dma_start3A_343 = tpu.memref_squeeze %dma_start3A_342 : memref<1x64x128xf32, #tpu.memory_space<vmem>> -> memref<64x128xf32, #tpu.memory_space<vmem>>
          tpu.enqueue_dma source(%dma_start3A_343 : memref<64x128xf32, #tpu.memory_space<vmem>>) target(%dma_start3A_339 : memref<64x128xf32, #tpu.memory_space<hbm>>) target_semaphore(%arg16 : memref<!tpu.dma_semaphore, #tpu.memory_space<semaphore_mem>>)
          %dma_start3A_344 = arith.constant 0 : i32
          %dma_start3A_345 = tpu.memref_slice %arg13[%while3A_267, %dma_start3A_344] : memref<2x64xi32, #tpu.memory_space<vmem>> -> memref<1x64xi32, #tpu.memory_space<vmem>>
          %dma_start3A_346 = tpu.memref_squeeze %dma_start3A_345 : memref<1x64xi32, #tpu.memory_space<vmem>> -> memref<64xi32, #tpu.memory_space<vmem>>
          %dma_start3A_347 = tpu.memref_slice %arg6[%multiple_of3A] : memref<36864xi32, #tpu.memory_space<hbm>> -> memref<64xi32, #tpu.memory_space<hbm>>
          %dma_start3A_348 = tpu.memref_slice %arg6[%multiple_of3A] : memref<36864xi32, #tpu.memory_space<hbm>> -> memref<64xi32, #tpu.memory_space<hbm>>
          %dma_start3A_349 = arith.constant 0 : i32
          %dma_start3A_350 = tpu.memref_slice %arg13[%while3A_267, %dma_start3A_349] : memref<2x64xi32, #tpu.memory_space<vmem>> -> memref<1x64xi32, #tpu.memory_space<vmem>>
          %dma_start3A_351 = tpu.memref_squeeze %dma_start3A_350 : memref<1x64xi32, #tpu.memory_space<vmem>> -> memref<64xi32, #tpu.memory_space<vmem>>
          tpu.enqueue_dma source(%dma_start3A_351 : memref<64xi32, #tpu.memory_space<vmem>>) target(%dma_start3A_348 : memref<64xi32, #tpu.memory_space<hbm>>) target_semaphore(%arg16 : memref<!tpu.dma_semaphore, #tpu.memory_space<semaphore_mem>>)
        } else {
        }
        %convert_element_type3A_322 = arith.extui %eq3A_318 : i1 to i32
        %jit3A_323 = arith.constant 0 : i32
        %select_n3A_324 = arith.select %eq3A_318, %jit3A_323, %add3A_316 : i32
        %sub3A_325 = arith.constant 1 : i32
        %sub3A_326 = arith.subi %sub3A_325, %while3A_267 : i32
        %select_n3A_327 = arith.select %eq3A_318, %sub3A_326, %while3A_267 : i32
        %add3A_328 = arith.addi %select_n3A_280, %convert_element_type3A_322 : i32
        %add3A_329 = arith.addi %while3A_269, %convert_element_type3A_322 : i32
        scf.yield %select_n3A_324, %select_n3A_327, %add3A_328, %add3A_329 : i32, i32, i32, i32
      }
      scf.yield %while3A_264#0, %while3A_264#1, %while3A_264#2, %while3A_264#3 : i32, i32, i32, i32
    }
    %gt3A = arith.constant 0 : i32
    %gt3A_167 = arith.cmpi sgt, %while3A_166#0, %gt3A : i32
    %ge3A = arith.constant 2 : i32
    %ge3A_168 = arith.cmpi sge, %while3A_166#2, %ge3A : i32
    %and3A_169 = arith.andi %gt3A_167, %ge3A_168 : i1
    %convert_element_type3A_170 = arith.extui %and3A_169 : i1 to i32
    %cond3A_171 = arith.constant 0 : i32
    %cond3A_172 = arith.cmpi ne, %convert_element_type3A_170, %cond3A_171 : i32
    scf.if %cond3A_172 {
      %dma_wait3A = arith.constant 0 : i32
      %dma_wait3A_197 = arith.constant 0 : i32
      %dma_wait3A_198 = arith.constant 0 : i32
      %dma_wait3A_199 = tpu.memref_slice %arg12[%dma_wait3A, %dma_wait3A_197, %dma_wait3A_198] : memref<2x64x128xf32, #tpu.memory_space<vmem>> -> memref<1x64x128xf32, #tpu.memory_space<vmem>>
      %dma_wait3A_200 = tpu.memref_squeeze %dma_wait3A_199 : memref<1x64x128xf32, #tpu.memory_space<vmem>> -> memref<64x128xf32, #tpu.memory_space<vmem>>
      %dma_wait3A_201 = arith.constant 0 : i32
      %dma_wait3A_202 = arith.constant 0 : i32
      %dma_wait3A_203 = tpu.memref_slice %arg3[%dma_wait3A_201, %dma_wait3A_202] : memref<64x1000000xf32, #tpu.memory_space<hbm>> -> memref<64x128xf32, #tpu.memory_space<hbm>>
      %dma_wait3A_204 = arith.constant 0 : i32
      %dma_wait3A_205 = arith.constant 0 : i32
      %dma_wait3A_206 = tpu.memref_slice %arg12[%dma_wait3A, %dma_wait3A_204, %dma_wait3A_205] : memref<2x64x128xf32, #tpu.memory_space<vmem>> -> memref<1x64x128xf32, #tpu.memory_space<vmem>>
      %dma_wait3A_207 = tpu.memref_squeeze %dma_wait3A_206 : memref<1x64x128xf32, #tpu.memory_space<vmem>> -> memref<64x128xf32, #tpu.memory_space<vmem>>
      %dma_wait3A_208 = arith.constant 0 : i32
      %dma_wait3A_209 = arith.constant 0 : i32
      %dma_wait3A_210 = tpu.memref_slice %arg3[%dma_wait3A_208, %dma_wait3A_209] : memref<64x1000000xf32, #tpu.memory_space<hbm>> -> memref<64x128xf32, #tpu.memory_space<hbm>>
      tpu.wait_dma2 semaphore(%arg16 : memref<!tpu.dma_semaphore, #tpu.memory_space<semaphore_mem>>) src(%dma_wait3A_210 : memref<64x128xf32, #tpu.memory_space<hbm>>) dst(%dma_wait3A_207 : memref<64x128xf32, #tpu.memory_space<vmem>>)
      %dma_wait3A_211 = arith.constant 0 : i32
      %dma_wait3A_212 = arith.constant 0 : i32
      %dma_wait3A_213 = tpu.memref_slice %arg13[%dma_wait3A_211, %dma_wait3A_212] : memref<2x64xi32, #tpu.memory_space<vmem>> -> memref<1x64xi32, #tpu.memory_space<vmem>>
      %dma_wait3A_214 = tpu.memref_squeeze %dma_wait3A_213 : memref<1x64xi32, #tpu.memory_space<vmem>> -> memref<64xi32, #tpu.memory_space<vmem>>
      %dma_wait3A_215 = arith.constant 0 : i32
      %dma_wait3A_216 = tpu.memref_slice %arg2[%dma_wait3A_215] : memref<16384xi32, #tpu.memory_space<hbm>> -> memref<64xi32, #tpu.memory_space<hbm>>
      %dma_wait3A_217 = arith.constant 0 : i32
      %dma_wait3A_218 = tpu.memref_slice %arg13[%dma_wait3A_211, %dma_wait3A_217] : memref<2x64xi32, #tpu.memory_space<vmem>> -> memref<1x64xi32, #tpu.memory_space<vmem>>
      %dma_wait3A_219 = tpu.memref_squeeze %dma_wait3A_218 : memref<1x64xi32, #tpu.memory_space<vmem>> -> memref<64xi32, #tpu.memory_space<vmem>>
      %dma_wait3A_220 = arith.constant 0 : i32
      %dma_wait3A_221 = tpu.memref_slice %arg2[%dma_wait3A_220] : memref<16384xi32, #tpu.memory_space<hbm>> -> memref<64xi32, #tpu.memory_space<hbm>>
      tpu.wait_dma2 semaphore(%arg16 : memref<!tpu.dma_semaphore, #tpu.memory_space<semaphore_mem>>) src(%dma_wait3A_221 : memref<64xi32, #tpu.memory_space<hbm>>) dst(%dma_wait3A_219 : memref<64xi32, #tpu.memory_space<vmem>>)
    } else {
    }
    %sub3A_173 = arith.constant 1 : i32
    %sub3A_174 = arith.subi %while3A_166#2, %sub3A_173 : i32
    %select_n3A_175 = arith.select %and3A_169, %sub3A_174, %while3A_166#2 : i32
    %gt3A_176 = arith.constant 0 : i32
    %gt3A_177 = arith.cmpi sgt, %while3A_166#0, %gt3A_176 : i32
    %convert_element_type3A_178 = arith.extui %gt3A_177 : i1 to i32
    %cond3A_179 = arith.constant 0 : i32
    %cond3A_180 = arith.cmpi ne, %convert_element_type3A_178, %cond3A_179 : i32
    scf.if %cond3A_180 {
      %broadcast_in_dim3A_197 = arith.constant 0 : i32
      %broadcast_in_dim3A_198 = vector.broadcast %broadcast_in_dim3A_197 : i32 to vector<16xi32>
      %add3A_199 = vector.broadcast %while3A_166#1 : i32 to vector<16xi32>
      %add3A_200 = arith.addi %broadcast_in_dim3A_198, %add3A_199 : vector<16xi32>
      %sub3A_201 = arith.constant 64 : i32
      %sub3A_202 = arith.subi %sub3A_201, %while3A_166#0 : i32
      %jit3A_203 = arith.constant 16 : i32
      %div3A_204 = arith.divsi %sub3A_202, %jit3A_203 : i32
      %sign3A_205 = arith.constant 0 : i32
      %sign3A_206 = arith.cmpi sgt, %sub3A_202, %sign3A_205 : i32
      %sign3A_207 = arith.extui %sign3A_206 : i1 to i32
      %sign3A_208 = arith.constant 0 : i32
      %sign3A_209 = arith.cmpi slt, %sub3A_202, %sign3A_208 : i32
      %sign3A_210 = arith.extui %sign3A_209 : i1 to i32
      %sign3A_211 = arith.subi %sign3A_207, %sign3A_210 : i32
      %sign3A_212 = arith.constant 0 : i32
      %sign3A_213 = arith.cmpi sgt, %jit3A_203, %sign3A_212 : i32
      %sign3A_214 = arith.extui %sign3A_213 : i1 to i32
      %sign3A_215 = arith.constant 0 : i32
      %sign3A_216 = arith.cmpi slt, %jit3A_203, %sign3A_215 : i32
      %sign3A_217 = arith.extui %sign3A_216 : i1 to i32
      %sign3A_218 = arith.subi %sign3A_214, %sign3A_217 : i32
      %ne3A_219 = arith.cmpi ne, %sign3A_211, %sign3A_218 : i32
      %rem3A_220 = arith.remsi %sub3A_202, %jit3A_203 : i32
      %ne3A_221 = arith.constant 0 : i32
      %ne3A_222 = arith.cmpi ne, %rem3A_220, %ne3A_221 : i32
      %and3A_223 = arith.andi %ne3A_219, %ne3A_222 : i1
      %sub3A_224 = arith.constant 1 : i32
      %sub3A_225 = arith.subi %div3A_204, %sub3A_224 : i32
      %select_n3A_226 = arith.select %and3A_223, %sub3A_225, %div3A_204 : i32
      %while3A_227 = arith.constant 0 : i32
      %while3A_228 = arith.constant 0 : i32
      %while3A_229 = arith.subi %select_n3A_226, %while3A_227 : i32
      %while3A_230 = arith.addi %while3A_227, %while3A_229 : i32
      %while3A_231 = arith.constant 1 : i32
      %while3A_232 = arith.divsi %while3A_229, %while3A_231 : i32
      %while3A_233 = arith.muli %while3A_232, %while3A_231 : i32
      %while3A_234 = arith.addi %while3A_227, %while3A_233 : i32
      %while3A_235 = arith.constant 1 : i32
      %while3A_236 = scf.for %while3A_261 = %while3A_227 to %while3A_234 step %while3A_235 iter_args(%while3A_262 = %while3A_228) -> (i32)  : i32 {
        %mul3A_263 = arith.constant 16 : i32
        %mul3A_264 = arith.muli %while3A_261, %mul3A_263 : i32
        %add3A_265 = arith.addi %while3A_166#0, %mul3A_264 : i32
        %add3A_266 = vector.broadcast %add3A_265 : i32 to vector<16xi32>
        %add3A_267 = arith.addi %add3A_266, %iota3A : vector<16xi32>
        %broadcast_in_dim3A_268 = arith.constant 16384 : i32
        %broadcast_in_dim3A_269 = vector.broadcast %broadcast_in_dim3A_268 : i32 to vector<16xi32>
        tpu.vector_store_idx %arg13[%add3A_200, %add3A_267], %broadcast_in_dim3A_269 : memref<2x64xi32, #tpu.memory_space<vmem>>[vector<16xi32>, vector<16xi32>], vector<16xi32>,
        %while3A_270 = arith.constant 0 : i32
        scf.yield %while3A_270 : i32
      }
      %while3A_237 = arith.constant 1 : i32
      %while3A_238 = scf.for %while3A_261 = %while3A_234 to %while3A_230 step %while3A_237 iter_args(%while3A_262 = %while3A_236) -> (i32)  : i32 {
        %mul3A_263 = arith.constant 16 : i32
        %mul3A_264 = arith.muli %while3A_261, %mul3A_263 : i32
        %add3A_265 = arith.addi %while3A_166#0, %mul3A_264 : i32
        %add3A_266 = vector.broadcast %add3A_265 : i32 to vector<16xi32>
        %add3A_267 = arith.addi %add3A_266, %iota3A : vector<16xi32>
        %broadcast_in_dim3A_268 = arith.constant 16384 : i32
        %broadcast_in_dim3A_269 = vector.broadcast %broadcast_in_dim3A_268 : i32 to vector<16xi32>
        tpu.vector_store_idx %arg13[%add3A_200, %add3A_267], %broadcast_in_dim3A_269 : memref<2x64xi32, #tpu.memory_space<vmem>>[vector<16xi32>, vector<16xi32>], vector<16xi32>,
        %while3A_270 = arith.constant 0 : i32
        scf.yield %while3A_270 : i32
      }
      %mul3A_239 = arith.constant 64 : i32
      %mul3A_240 = arith.muli %while3A_166#3, %mul3A_239 : i32
      %add3A_241 = arith.addi %add3A_147, %mul3A_240 : i32
      %multiple_of3A = tpu.assume_multiple %add3A_241, 8 : i32
      %dma_start3A = arith.constant 0 : i32
      %dma_start3A_242 = arith.constant 0 : i32
      %dma_start3A_243 = tpu.memref_slice %arg12[%while3A_166#1, %dma_start3A, %dma_start3A_242] : memref<2x64x128xf32, #tpu.memory_space<vmem>> -> memref<1x64x128xf32, #tpu.memory_space<vmem>>
      %dma_start3A_244 = tpu.memref_squeeze %dma_start3A_243 : memref<1x64x128xf32, #tpu.memory_space<vmem>> -> memref<64x128xf32, #tpu.memory_space<vmem>>
      %dma_start3A_245 = arith.constant 0 : i32
      %dma_start3A_246 = tpu.memref_slice %arg5[%multiple_of3A, %dma_start3A_245] : memref<36864x128xf32, #tpu.memory_space<hbm>> -> memref<64x128xf32, #tpu.memory_space<hbm>>
      %dma_start3A_247 = arith.constant 0 : i32
      %dma_start3A_248 = tpu.memref_slice %arg5[%multiple_of3A, %dma_start3A_247] : memref<36864x128xf32, #tpu.memory_space<hbm>> -> memref<64x128xf32, #tpu.memory_space<hbm>>
      %dma_start3A_249 = arith.constant 0 : i32
      %dma_start3A_250 = arith.constant 0 : i32
      %dma_start3A_251 = tpu.memref_slice %arg12[%while3A_166#1, %dma_start3A_249, %dma_start3A_250] : memref<2x64x128xf32, #tpu.memory_space<vmem>> -> memref<1x64x128xf32, #tpu.memory_space<vmem>>
      %dma_start3A_252 = tpu.memref_squeeze %dma_start3A_251 : memref<1x64x128xf32, #tpu.memory_space<vmem>> -> memref<64x128xf32, #tpu.memory_space<vmem>>
      tpu.enqueue_dma source(%dma_start3A_252 : memref<64x128xf32, #tpu.memory_space<vmem>>) target(%dma_start3A_248 : memref<64x128xf32, #tpu.memory_space<hbm>>) target_semaphore(%arg16 : memref<!tpu.dma_semaphore, #tpu.memory_space<semaphore_mem>>)
      %dma_start3A_253 = arith.constant 0 : i32
      %dma_start3A_254 = tpu.memref_slice %arg13[%while3A_166#1, %dma_start3A_253] : memref<2x64xi32, #tpu.memory_space<vmem>> -> memref<1x64xi32, #tpu.memory_space<vmem>>
      %dma_start3A_255 = tpu.memref_squeeze %dma_start3A_254 : memref<1x64xi32, #tpu.memory_space<vmem>> -> memref<64xi32, #tpu.memory_space<vmem>>
      %dma_start3A_256 = tpu.memref_slice %arg6[%multiple_of3A] : memref<36864xi32, #tpu.memory_space<hbm>> -> memref<64xi32, #tpu.memory_space<hbm>>
      %dma_start3A_257 = tpu.memref_slice %arg6[%multiple_of3A] : memref<36864xi32, #tpu.memory_space<hbm>> -> memref<64xi32, #tpu.memory_space<hbm>>
      %dma_start3A_258 = arith.constant 0 : i32
      %dma_start3A_259 = tpu.memref_slice %arg13[%while3A_166#1, %dma_start3A_258] : memref<2x64xi32, #tpu.memory_space<vmem>> -> memref<1x64xi32, #tpu.memory_space<vmem>>
      %dma_start3A_260 = tpu.memref_squeeze %dma_start3A_259 : memref<1x64xi32, #tpu.memory_space<vmem>> -> memref<64xi32, #tpu.memory_space<vmem>>
      tpu.enqueue_dma source(%dma_start3A_260 : memref<64xi32, #tpu.memory_space<vmem>>) target(%dma_start3A_257 : memref<64xi32, #tpu.memory_space<hbm>>) target_semaphore(%arg16 : memref<!tpu.dma_semaphore, #tpu.memory_space<semaphore_mem>>)
    } else {
    }
    %gt3A_181 = arith.constant 0 : i32
    %gt3A_182 = arith.cmpi sgt, %while3A_166#0, %gt3A_181 : i32
    %convert_element_type3A_183 = arith.extui %gt3A_182 : i1 to i32
    %add3A_184 = arith.addi %select_n3A_175, %convert_element_type3A_183 : i32
    %while3A_185 = arith.constant 0 : i32
    %while3A_186 = arith.constant 0 : i32
    %while3A_187 = arith.subi %add3A_184, %while3A_185 : i32
    %while3A_188 = arith.addi %while3A_185, %while3A_187 : i32
    %while3A_189 = arith.constant 1 : i32
    %while3A_190 = arith.divsi %while3A_187, %while3A_189 : i32
    %while3A_191 = arith.muli %while3A_190, %while3A_189 : i32
    %while3A_192 = arith.addi %while3A_185, %while3A_191 : i32
    %while3A_193 = arith.constant 1 : i32
    %while3A_194 = scf.for %while3A_197 = %while3A_185 to %while3A_192 step %while3A_193 iter_args(%while3A_198 = %while3A_186) -> (i32)  : i32 {
      %dma_wait3A = arith.constant 0 : i32
      %dma_wait3A_199 = arith.constant 0 : i32
      %dma_wait3A_200 = arith.constant 0 : i32
      %dma_wait3A_201 = tpu.memref_slice %arg12[%dma_wait3A, %dma_wait3A_199, %dma_wait3A_200] : memref<2x64x128xf32, #tpu.memory_space<vmem>> -> memref<1x64x128xf32, #tpu.memory_space<vmem>>
      %dma_wait3A_202 = tpu.memref_squeeze %dma_wait3A_201 : memref<1x64x128xf32, #tpu.memory_space<vmem>> -> memref<64x128xf32, #tpu.memory_space<vmem>>
      %dma_wait3A_203 = arith.constant 0 : i32
      %dma_wait3A_204 = arith.constant 0 : i32
      %dma_wait3A_205 = tpu.memref_slice %arg3[%dma_wait3A_203, %dma_wait3A_204] : memref<64x1000000xf32, #tpu.memory_space<hbm>> -> memref<64x128xf32, #tpu.memory_space<hbm>>
      %dma_wait3A_206 = arith.constant 0 : i32
      %dma_wait3A_207 = arith.constant 0 : i32
      %dma_wait3A_208 = tpu.memref_slice %arg12[%dma_wait3A, %dma_wait3A_206, %dma_wait3A_207] : memref<2x64x128xf32, #tpu.memory_space<vmem>> -> memref<1x64x128xf32, #tpu.memory_space<vmem>>
      %dma_wait3A_209 = tpu.memref_squeeze %dma_wait3A_208 : memref<1x64x128xf32, #tpu.memory_space<vmem>> -> memref<64x128xf32, #tpu.memory_space<vmem>>
      %dma_wait3A_210 = arith.constant 0 : i32
      %dma_wait3A_211 = arith.constant 0 : i32
      %dma_wait3A_212 = tpu.memref_slice %arg3[%dma_wait3A_210, %dma_wait3A_211] : memref<64x1000000xf32, #tpu.memory_space<hbm>> -> memref<64x128xf32, #tpu.memory_space<hbm>>
      tpu.wait_dma2 semaphore(%arg16 : memref<!tpu.dma_semaphore, #tpu.memory_space<semaphore_mem>>) src(%dma_wait3A_212 : memref<64x128xf32, #tpu.memory_space<hbm>>) dst(%dma_wait3A_209 : memref<64x128xf32, #tpu.memory_space<vmem>>)
      %dma_wait3A_213 = arith.constant 0 : i32
      %dma_wait3A_214 = arith.constant 0 : i32
      %dma_wait3A_215 = tpu.memref_slice %arg13[%dma_wait3A_213, %dma_wait3A_214] : memref<2x64xi32, #tpu.memory_space<vmem>> -> memref<1x64xi32, #tpu.memory_space<vmem>>
      %dma_wait3A_216 = tpu.memref_squeeze %dma_wait3A_215 : memref<1x64xi32, #tpu.memory_space<vmem>> -> memref<64xi32, #tpu.memory_space<vmem>>
      %dma_wait3A_217 = arith.constant 0 : i32
      %dma_wait3A_218 = tpu.memref_slice %arg2[%dma_wait3A_217] : memref<16384xi32, #tpu.memory_space<hbm>> -> memref<64xi32, #tpu.memory_space<hbm>>
      %dma_wait3A_219 = arith.constant 0 : i32
      %dma_wait3A_220 = tpu.memref_slice %arg13[%dma_wait3A_213, %dma_wait3A_219] : memref<2x64xi32, #tpu.memory_space<vmem>> -> memref<1x64xi32, #tpu.memory_space<vmem>>
      %dma_wait3A_221 = tpu.memref_squeeze %dma_wait3A_220 : memref<1x64xi32, #tpu.memory_space<vmem>> -> memref<64xi32, #tpu.memory_space<vmem>>
      %dma_wait3A_222 = arith.constant 0 : i32
      %dma_wait3A_223 = tpu.memref_slice %arg2[%dma_wait3A_222] : memref<16384xi32, #tpu.memory_space<hbm>> -> memref<64xi32, #tpu.memory_space<hbm>>
      tpu.wait_dma2 semaphore(%arg16 : memref<!tpu.dma_semaphore, #tpu.memory_space<semaphore_mem>>) src(%dma_wait3A_223 : memref<64xi32, #tpu.memory_space<hbm>>) dst(%dma_wait3A_221 : memref<64xi32, #tpu.memory_space<vmem>>)
      %while3A_224 = arith.constant 0 : i32
      scf.yield %while3A_224 : i32
    }
    %while3A_195 = arith.constant 1 : i32
    %while3A_196 = scf.for %while3A_197 = %while3A_192 to %while3A_188 step %while3A_195 iter_args(%while3A_198 = %while3A_194) -> (i32)  : i32 {
      %dma_wait3A = arith.constant 0 : i32
      %dma_wait3A_199 = arith.constant 0 : i32
      %dma_wait3A_200 = arith.constant 0 : i32
      %dma_wait3A_201 = tpu.memref_slice %arg12[%dma_wait3A, %dma_wait3A_199, %dma_wait3A_200] : memref<2x64x128xf32, #tpu.memory_space<vmem>> -> memref<1x64x128xf32, #tpu.memory_space<vmem>>
      %dma_wait3A_202 = tpu.memref_squeeze %dma_wait3A_201 : memref<1x64x128xf32, #tpu.memory_space<vmem>> -> memref<64x128xf32, #tpu.memory_space<vmem>>
      %dma_wait3A_203 = arith.constant 0 : i32
      %dma_wait3A_204 = arith.constant 0 : i32
      %dma_wait3A_205 = tpu.memref_slice %arg3[%dma_wait3A_203, %dma_wait3A_204] : memref<64x1000000xf32, #tpu.memory_space<hbm>> -> memref<64x128xf32, #tpu.memory_space<hbm>>
      %dma_wait3A_206 = arith.constant 0 : i32
      %dma_wait3A_207 = arith.constant 0 : i32
      %dma_wait3A_208 = tpu.memref_slice %arg12[%dma_wait3A, %dma_wait3A_206, %dma_wait3A_207] : memref<2x64x128xf32, #tpu.memory_space<vmem>> -> memref<1x64x128xf32, #tpu.memory_space<vmem>>
      %dma_wait3A_209 = tpu.memref_squeeze %dma_wait3A_208 : memref<1x64x128xf32, #tpu.memory_space<vmem>> -> memref<64x128xf32, #tpu.memory_space<vmem>>
      %dma_wait3A_210 = arith.constant 0 : i32
      %dma_wait3A_211 = arith.constant 0 : i32
      %dma_wait3A_212 = tpu.memref_slice %arg3[%dma_wait3A_210, %dma_wait3A_211] : memref<64x1000000xf32, #tpu.memory_space<hbm>> -> memref<64x128xf32, #tpu.memory_space<hbm>>
      tpu.wait_dma2 semaphore(%arg16 : memref<!tpu.dma_semaphore, #tpu.memory_space<semaphore_mem>>) src(%dma_wait3A_212 : memref<64x128xf32, #tpu.memory_space<hbm>>) dst(%dma_wait3A_209 : memref<64x128xf32, #tpu.memory_space<vmem>>)
      %dma_wait3A_213 = arith.constant 0 : i32
      %dma_wait3A_214 = arith.constant 0 : i32
      %dma_wait3A_215 = tpu.memref_slice %arg13[%dma_wait3A_213, %dma_wait3A_214] : memref<2x64xi32, #tpu.memory_space<vmem>> -> memref<1x64xi32, #tpu.memory_space<vmem>>
      %dma_wait3A_216 = tpu.memref_squeeze %dma_wait3A_215 : memref<1x64xi32, #tpu.memory_space<vmem>> -> memref<64xi32, #tpu.memory_space<vmem>>
      %dma_wait3A_217 = arith.constant 0 : i32
      %dma_wait3A_218 = tpu.memref_slice %arg2[%dma_wait3A_217] : memref<16384xi32, #tpu.memory_space<hbm>> -> memref<64xi32, #tpu.memory_space<hbm>>
      %dma_wait3A_219 = arith.constant 0 : i32
      %dma_wait3A_220 = tpu.memref_slice %arg13[%dma_wait3A_213, %dma_wait3A_219] : memref<2x64xi32, #tpu.memory_space<vmem>> -> memref<1x64xi32, #tpu.memory_space<vmem>>
      %dma_wait3A_221 = tpu.memref_squeeze %dma_wait3A_220 : memref<1x64xi32, #tpu.memory_space<vmem>> -> memref<64xi32, #tpu.memory_space<vmem>>
      %dma_wait3A_222 = arith.constant 0 : i32
      %dma_wait3A_223 = tpu.memref_slice %arg2[%dma_wait3A_222] : memref<16384xi32, #tpu.memory_space<hbm>> -> memref<64xi32, #tpu.memory_space<hbm>>
      tpu.wait_dma2 semaphore(%arg16 : memref<!tpu.dma_semaphore, #tpu.memory_space<semaphore_mem>>) src(%dma_wait3A_223 : memref<64xi32, #tpu.memory_space<hbm>>) dst(%dma_wait3A_221 : memref<64xi32, #tpu.memory_space<vmem>>)
      %while3A_224 = arith.constant 0 : i32
      scf.yield %while3A_224 : i32
    }
    return
  }
}

#map = affine_map<(d0, d1) -> (0, 0)>
#map1 = affine_map<(d0, d1) -> (0)>
module attributes {stable_mosaic.version = 14 : i64} {
  func.func @_route_out(%arg0: i32, %arg1: i32, %arg2: memref<36864x128xf32, #tpu.memory_space<hbm>>, %arg3: memref<36864xi32, #tpu.memory_space<hbm>>, %arg4: memref<64x16384xf32, #tpu.memory_space<hbm>>, %arg5: memref<18432xi32, #tpu.memory_space<vmem>>, %arg6: memref<528xi32, #tpu.memory_space<vmem>>, %arg7: memref<528xi32, #tpu.memory_space<vmem>>, %arg8: memref<512x128xf32, #tpu.memory_space<vmem>>, %arg9: memref<64x512xf32, #tpu.memory_space<vmem>>, %arg10: memref<!tpu.dma_semaphore, #tpu.memory_space<semaphore_mem>>) attributes {dimension_semantics = [#tpu.dimension_semantics<core_parallel>, #tpu.dimension_semantics<subcore_parallel>], iteration_bounds = array<i64: 2, 16>, scalar_prefetch = 0 : i64, scratch_operands = 6 : i64, tpu.core_type = #tpu.core_type<sc_vector_subcore>, window_params = [{transform_indices = #map}, {transform_indices = #map1}, {transform_indices = #map}]} {
    %mul3A = arith.constant 2 : i32
    %mul3A_0 = arith.muli %arg1, %mul3A : i32
    %add3A = arith.addi %mul3A_0, %arg0 : i32
    %mul3A_1 = arith.constant 512 : i32
    %mul3A_2 = arith.muli %add3A, %mul3A_1 : i32
    %iota3A = tpu.iota {dimensions = array<i32: 0>} : vector<16xi32>
    %scan3A = arith.constant 0 : i32
    %scan3A_3 = arith.constant 0 : i32
    %scan3A_4 = arith.constant 32 : i32
    %scan3A_5 = arith.addi %scan3A_3, %scan3A_4 : i32
    %scan3A_6 = arith.constant 1 : i32
    %scan3A_7 = scf.for %scan3A_91 = %scan3A_3 to %scan3A_5 step %scan3A_6 iter_args(%scan3A_92 = %scan3A) -> (i32)  : i32 {
      %broadcast_in_dim3A = arith.constant 0 : i32
      %broadcast_in_dim3A_93 = vector.broadcast %broadcast_in_dim3A : i32 to vector<16xi32>
      %mul3A_94 = arith.constant 16 : i32
      %mul3A_95 = arith.muli %scan3A_91, %mul3A_94 : i32
      %swap3A = arith.index_cast %mul3A_95 : i32 to index
      %swap3A_96 = tpu.vector_load %arg6[%swap3A] {strides = array<i32>} : memref<528xi32, #tpu.memory_space<vmem>>, vector<16xi32>,
      tpu.vector_store %arg6[%swap3A], %broadcast_in_dim3A_93 {strides = array<i32>} : memref<528xi32, #tpu.memory_space<vmem>>, vector<16xi32>,
      %broadcast_in_dim3A_97 = arith.constant 16384 : i32
      %broadcast_in_dim3A_98 = vector.broadcast %broadcast_in_dim3A_97 : i32 to vector<16xi32>
      %mul3A_99 = arith.constant 16 : i32
      %mul3A_100 = arith.muli %scan3A_91, %mul3A_99 : i32
      %swap3A_101 = arith.index_cast %mul3A_100 : i32 to index
      %swap3A_102 = tpu.vector_load %arg7[%swap3A_101] {strides = array<i32>} : memref<528xi32, #tpu.memory_space<vmem>>, vector<16xi32>,
      tpu.vector_store %arg7[%swap3A_101], %broadcast_in_dim3A_98 {strides = array<i32>} : memref<528xi32, #tpu.memory_space<vmem>>, vector<16xi32>,
      %scan3A_103 = arith.constant 0 : i32
      scf.yield %scan3A_103 : i32
    }
    %scan3A_8 = arith.constant 32 : i32
    "tpu.region"() ({
      %run_scoped3A = tpu.sem_alloc : memref<!tpu.dma_semaphore, #tpu.memory_space<semaphore_mem>>
      %dma_start3A_91 = arith.constant 0 : i32
      %dma_start3A_92 = tpu.memref_slice %arg3[%dma_start3A_91] : memref<36864xi32, #tpu.memory_space<hbm>> -> memref<18432xi32, #tpu.memory_space<hbm>>
      %dma_start3A_93 = arith.constant 0 : i32
      %dma_start3A_94 = tpu.memref_slice %arg3[%dma_start3A_93] : memref<36864xi32, #tpu.memory_space<hbm>> -> memref<18432xi32, #tpu.memory_space<hbm>>
      tpu.enqueue_dma source(%dma_start3A_94 : memref<18432xi32, #tpu.memory_space<hbm>>) target(%arg5 : memref<18432xi32, #tpu.memory_space<vmem>>) target_semaphore(%run_scoped3A : memref<!tpu.dma_semaphore, #tpu.memory_space<semaphore_mem>>)
      %dma_wait3A_95 = arith.constant 0 : i32
      %dma_wait3A_96 = tpu.memref_slice %arg3[%dma_wait3A_95] : memref<36864xi32, #tpu.memory_space<hbm>> -> memref<18432xi32, #tpu.memory_space<hbm>>
      %dma_wait3A_97 = arith.constant 0 : i32
      %dma_wait3A_98 = tpu.memref_slice %arg3[%dma_wait3A_97] : memref<36864xi32, #tpu.memory_space<hbm>> -> memref<18432xi32, #tpu.memory_space<hbm>>
      tpu.wait_dma2 semaphore(%run_scoped3A : memref<!tpu.dma_semaphore, #tpu.memory_space<semaphore_mem>>) src(%dma_wait3A_98 : memref<18432xi32, #tpu.memory_space<hbm>>) dst(%arg5 : memref<18432xi32, #tpu.memory_space<vmem>>)
      tpu.yield
    }) : () -> ()
    %scan3A_9 = arith.constant 0 : i32
    %scan3A_10 = arith.constant 0 : i32
    %scan3A_11 = arith.constant 1152 : i32
    %scan3A_12 = arith.addi %scan3A_10, %scan3A_11 : i32
    %scan3A_13 = arith.constant 1 : i32
    %scan3A_14 = scf.for %scan3A_91 = %scan3A_10 to %scan3A_12 step %scan3A_13 iter_args(%scan3A_92 = %scan3A_9) -> (i32)  : i32 {
      %mul3A_93 = arith.constant 16 : i32
      %mul3A_94 = arith.muli %scan3A_91, %mul3A_93 : i32
      %get3A = arith.index_cast %mul3A_94 : i32 to index
      %get3A_95 = tpu.vector_load %arg5[%get3A] {strides = array<i32>} : memref<18432xi32, #tpu.memory_space<vmem>>, vector<16xi32>,
      %ge3A = vector.broadcast %mul3A_2 : i32 to vector<16xi32>
      %ge3A_96 = arith.cmpi sge, %get3A_95, %ge3A : vector<16xi32>
      %add3A_97 = arith.constant 512 : i32
      %add3A_98 = arith.addi %mul3A_2, %add3A_97 : i32
      %lt3A = vector.broadcast %add3A_98 : i32 to vector<16xi32>
      %lt3A_99 = arith.cmpi slt, %get3A_95, %lt3A : vector<16xi32>
      %and3A = arith.andi %ge3A_96, %lt3A_99 : vector<16xi1>
      %mul3A_100 = arith.constant 16 : i32
      %mul3A_101 = arith.muli %scan3A_91, %mul3A_100 : i32
      %add3A_102 = arith.constant 0 : i32
      %add3A_103 = arith.addi %add3A_102, %mul3A_101 : i32
      %add3A_104 = vector.broadcast %add3A_103 : i32 to vector<16xi32>
      %add3A_105 = arith.addi %add3A_104, %iota3A : vector<16xi32>
      %swap3A = arith.index_cast %scan3A_92 : i32 to index
      %swap3A_106 = tpu.vector_load %arg6[%swap3A] masked %and3A {strides = array<i32>} : memref<528xi32, #tpu.memory_space<vmem>>, vector<16xi32>, vector<16xi1>
      tpu.vector_store %arg6[%swap3A], %add3A_105 masked %and3A {strides = array<i32>} : memref<528xi32, #tpu.memory_space<vmem>>, vector<16xi32>, vector<16xi1>
      %swap3A_107 = arith.index_cast %scan3A_92 : i32 to index
      %swap3A_108 = tpu.vector_load %arg7[%swap3A_107] masked %and3A {strides = array<i32>} : memref<528xi32, #tpu.memory_space<vmem>>, vector<16xi32>, vector<16xi1>
      tpu.vector_store %arg7[%swap3A_107], %get3A_95 masked %and3A {strides = array<i32>} : memref<528xi32, #tpu.memory_space<vmem>>, vector<16xi32>, vector<16xi1>
      %all_reduce_population_count3A = tpu.all_reduce %and3A {dim = 0 : i64, kind = #tpu.reduction_kind<sum>} : vector<16xi1> -> vector<16xi32>
      %slice3A = vector.extract_strided_slice %all_reduce_population_count3A {offsets = [0], sizes = [1], strides = [1]} : vector<16xi32> to vector<1xi32>
      %squeeze3A = vector.extract %slice3A[0] : i32 from vector<1xi32>
      %add3A_109 = arith.addi %scan3A_92, %squeeze3A : i32
      scf.yield %add3A_109 : i32
    }
    %scan3A_15 = arith.constant 1152 : i32
    "tpu.region"() ({
      %run_scoped3A = tpu.sem_alloc : memref<!tpu.dma_semaphore, #tpu.memory_space<semaphore_mem>>
      %dma_start3A_91 = arith.constant 18432 : i32
      %dma_start3A_92 = tpu.memref_slice %arg3[%dma_start3A_91] : memref<36864xi32, #tpu.memory_space<hbm>> -> memref<18432xi32, #tpu.memory_space<hbm>>
      %dma_start3A_93 = arith.constant 18432 : i32
      %dma_start3A_94 = tpu.memref_slice %arg3[%dma_start3A_93] : memref<36864xi32, #tpu.memory_space<hbm>> -> memref<18432xi32, #tpu.memory_space<hbm>>
      tpu.enqueue_dma source(%dma_start3A_94 : memref<18432xi32, #tpu.memory_space<hbm>>) target(%arg5 : memref<18432xi32, #tpu.memory_space<vmem>>) target_semaphore(%run_scoped3A : memref<!tpu.dma_semaphore, #tpu.memory_space<semaphore_mem>>)
      %dma_wait3A_95 = arith.constant 18432 : i32
      %dma_wait3A_96 = tpu.memref_slice %arg3[%dma_wait3A_95] : memref<36864xi32, #tpu.memory_space<hbm>> -> memref<18432xi32, #tpu.memory_space<hbm>>
      %dma_wait3A_97 = arith.constant 18432 : i32
      %dma_wait3A_98 = tpu.memref_slice %arg3[%dma_wait3A_97] : memref<36864xi32, #tpu.memory_space<hbm>> -> memref<18432xi32, #tpu.memory_space<hbm>>
      tpu.wait_dma2 semaphore(%run_scoped3A : memref<!tpu.dma_semaphore, #tpu.memory_space<semaphore_mem>>) src(%dma_wait3A_98 : memref<18432xi32, #tpu.memory_space<hbm>>) dst(%arg5 : memref<18432xi32, #tpu.memory_space<vmem>>)
      tpu.yield
    }) : () -> ()
    %scan3A_16 = arith.constant 0 : i32
    %scan3A_17 = arith.constant 1152 : i32
    %scan3A_18 = arith.addi %scan3A_16, %scan3A_17 : i32
    %scan3A_19 = arith.constant 1 : i32
    %scan3A_20 = scf.for %scan3A_91 = %scan3A_16 to %scan3A_18 step %scan3A_19 iter_args(%scan3A_92 = %scan3A_14) -> (i32)  : i32 {
      %mul3A_93 = arith.constant 16 : i32
      %mul3A_94 = arith.muli %scan3A_91, %mul3A_93 : i32
      %get3A = arith.index_cast %mul3A_94 : i32 to index
      %get3A_95 = tpu.vector_load %arg5[%get3A] {strides = array<i32>} : memref<18432xi32, #tpu.memory_space<vmem>>, vector<16xi32>,
      %ge3A = vector.broadcast %mul3A_2 : i32 to vector<16xi32>
      %ge3A_96 = arith.cmpi sge, %get3A_95, %ge3A : vector<16xi32>
      %add3A_97 = arith.constant 512 : i32
      %add3A_98 = arith.addi %mul3A_2, %add3A_97 : i32
      %lt3A = vector.broadcast %add3A_98 : i32 to vector<16xi32>
      %lt3A_99 = arith.cmpi slt, %get3A_95, %lt3A : vector<16xi32>
      %and3A = arith.andi %ge3A_96, %lt3A_99 : vector<16xi1>
      %mul3A_100 = arith.constant 16 : i32
      %mul3A_101 = arith.muli %scan3A_91, %mul3A_100 : i32
      %add3A_102 = arith.constant 18432 : i32
      %add3A_103 = arith.addi %add3A_102, %mul3A_101 : i32
      %add3A_104 = vector.broadcast %add3A_103 : i32 to vector<16xi32>
      %add3A_105 = arith.addi %add3A_104, %iota3A : vector<16xi32>
      %swap3A = arith.index_cast %scan3A_92 : i32 to index
      %swap3A_106 = tpu.vector_load %arg6[%swap3A] masked %and3A {strides = array<i32>} : memref<528xi32, #tpu.memory_space<vmem>>, vector<16xi32>, vector<16xi1>
      tpu.vector_store %arg6[%swap3A], %add3A_105 masked %and3A {strides = array<i32>} : memref<528xi32, #tpu.memory_space<vmem>>, vector<16xi32>, vector<16xi1>
      %swap3A_107 = arith.index_cast %scan3A_92 : i32 to index
      %swap3A_108 = tpu.vector_load %arg7[%swap3A_107] masked %and3A {strides = array<i32>} : memref<528xi32, #tpu.memory_space<vmem>>, vector<16xi32>, vector<16xi1>
      tpu.vector_store %arg7[%swap3A_107], %get3A_95 masked %and3A {strides = array<i32>} : memref<528xi32, #tpu.memory_space<vmem>>, vector<16xi32>, vector<16xi1>
      %all_reduce_population_count3A = tpu.all_reduce %and3A {dim = 0 : i64, kind = #tpu.reduction_kind<sum>} : vector<16xi1> -> vector<16xi32>
      %slice3A = vector.extract_strided_slice %all_reduce_population_count3A {offsets = [0], sizes = [1], strides = [1]} : vector<16xi32> to vector<1xi32>
      %squeeze3A = vector.extract %slice3A[0] : i32 from vector<1xi32>
      %add3A_109 = arith.addi %scan3A_92, %squeeze3A : i32
      scf.yield %add3A_109 : i32
    }
    %scan3A_21 = arith.constant 1152 : i32
    %dma_start3A = arith.constant 0 : i32
    %dma_start3A_22 = arith.constant 0 : i32
    %dma_start3A_23 = tpu.memref_slice %arg8[%dma_start3A, %dma_start3A_22] : memref<512x128xf32, #tpu.memory_space<vmem>> -> memref<128x128xf32, #tpu.memory_space<vmem>>
    %dma_start3A_24 = arith.constant 0 : i32
    %dma_start3A_25 = tpu.memref_slice %arg6[%dma_start3A_24] : memref<528xi32, #tpu.memory_space<vmem>> -> memref<128xi32, #tpu.memory_space<vmem>>
    %dma_start3A_26 = arith.constant 0 : i32
    %dma_start3A_27 = arith.constant 0 : i32
    %dma_start3A_28 = tpu.memref_slice %arg2[%dma_start3A_26, %dma_start3A_27] : memref<36864x128xf32, #tpu.memory_space<hbm>> -> memref<36864x128xf32, #tpu.memory_space<hbm>>
    tpu.enqueue_indirect_dma source(%dma_start3A_28 : memref<36864x128xf32, #tpu.memory_space<hbm>>) target(%dma_start3A_23 : memref<128x128xf32, #tpu.memory_space<vmem>>) offsets(%dma_start3A_25 : memref<128xi32, #tpu.memory_space<vmem>>) semaphore(%arg10 : memref<!tpu.dma_semaphore, #tpu.memory_space<semaphore_mem>>)
    %dma_start3A_29 = arith.constant 128 : i32
    %dma_start3A_30 = arith.constant 0 : i32
    %dma_start3A_31 = tpu.memref_slice %arg8[%dma_start3A_29, %dma_start3A_30] : memref<512x128xf32, #tpu.memory_space<vmem>> -> memref<128x128xf32, #tpu.memory_space<vmem>>
    %dma_start3A_32 = arith.constant 128 : i32
    %dma_start3A_33 = tpu.memref_slice %arg6[%dma_start3A_32] : memref<528xi32, #tpu.memory_space<vmem>> -> memref<128xi32, #tpu.memory_space<vmem>>
    %dma_start3A_34 = arith.constant 0 : i32
    %dma_start3A_35 = arith.constant 0 : i32
    %dma_start3A_36 = tpu.memref_slice %arg2[%dma_start3A_34, %dma_start3A_35] : memref<36864x128xf32, #tpu.memory_space<hbm>> -> memref<36864x128xf32, #tpu.memory_space<hbm>>
    tpu.enqueue_indirect_dma source(%dma_start3A_36 : memref<36864x128xf32, #tpu.memory_space<hbm>>) target(%dma_start3A_31 : memref<128x128xf32, #tpu.memory_space<vmem>>) offsets(%dma_start3A_33 : memref<128xi32, #tpu.memory_space<vmem>>) semaphore(%arg10 : memref<!tpu.dma_semaphore, #tpu.memory_space<semaphore_mem>>)
    %dma_start3A_37 = arith.constant 256 : i32
    %dma_start3A_38 = arith.constant 0 : i32
    %dma_start3A_39 = tpu.memref_slice %arg8[%dma_start3A_37, %dma_start3A_38] : memref<512x128xf32, #tpu.memory_space<vmem>> -> memref<128x128xf32, #tpu.memory_space<vmem>>
    %dma_start3A_40 = arith.constant 256 : i32
    %dma_start3A_41 = tpu.memref_slice %arg6[%dma_start3A_40] : memref<528xi32, #tpu.memory_space<vmem>> -> memref<128xi32, #tpu.memory_space<vmem>>
    %dma_start3A_42 = arith.constant 0 : i32
    %dma_start3A_43 = arith.constant 0 : i32
    %dma_start3A_44 = tpu.memref_slice %arg2[%dma_start3A_42, %dma_start3A_43] : memref<36864x128xf32, #tpu.memory_space<hbm>> -> memref<36864x128xf32, #tpu.memory_space<hbm>>
    tpu.enqueue_indirect_dma source(%dma_start3A_44 : memref<36864x128xf32, #tpu.memory_space<hbm>>) target(%dma_start3A_39 : memref<128x128xf32, #tpu.memory_space<vmem>>) offsets(%dma_start3A_41 : memref<128xi32, #tpu.memory_space<vmem>>) semaphore(%arg10 : memref<!tpu.dma_semaphore, #tpu.memory_space<semaphore_mem>>)
    %dma_start3A_45 = arith.constant 384 : i32
    %dma_start3A_46 = arith.constant 0 : i32
    %dma_start3A_47 = tpu.memref_slice %arg8[%dma_start3A_45, %dma_start3A_46] : memref<512x128xf32, #tpu.memory_space<vmem>> -> memref<128x128xf32, #tpu.memory_space<vmem>>
    %dma_start3A_48 = arith.constant 384 : i32
    %dma_start3A_49 = tpu.memref_slice %arg6[%dma_start3A_48] : memref<528xi32, #tpu.memory_space<vmem>> -> memref<128xi32, #tpu.memory_space<vmem>>
    %dma_start3A_50 = arith.constant 0 : i32
    %dma_start3A_51 = arith.constant 0 : i32
    %dma_start3A_52 = tpu.memref_slice %arg2[%dma_start3A_50, %dma_start3A_51] : memref<36864x128xf32, #tpu.memory_space<hbm>> -> memref<36864x128xf32, #tpu.memory_space<hbm>>
    tpu.enqueue_indirect_dma source(%dma_start3A_52 : memref<36864x128xf32, #tpu.memory_space<hbm>>) target(%dma_start3A_47 : memref<128x128xf32, #tpu.memory_space<vmem>>) offsets(%dma_start3A_49 : memref<128xi32, #tpu.memory_space<vmem>>) semaphore(%arg10 : memref<!tpu.dma_semaphore, #tpu.memory_space<semaphore_mem>>)
    %dma_wait3A = arith.constant 0 : i32
    %dma_wait3A_53 = arith.constant 0 : i32
    %dma_wait3A_54 = tpu.memref_slice %arg8[%dma_wait3A, %dma_wait3A_53] : memref<512x128xf32, #tpu.memory_space<vmem>> -> memref<128x128xf32, #tpu.memory_space<vmem>>
    %dma_wait3A_55 = arith.constant 0 : i32
    %dma_wait3A_56 = tpu.memref_slice %arg6[%dma_wait3A_55] : memref<528xi32, #tpu.memory_space<vmem>> -> memref<128xi32, #tpu.memory_space<vmem>>
    %dma_wait3A_57 = arith.constant 0 : i32
    %dma_wait3A_58 = arith.constant 0 : i32
    %dma_wait3A_59 = tpu.memref_slice %arg2[%dma_wait3A_57, %dma_wait3A_58] : memref<36864x128xf32, #tpu.memory_space<hbm>> -> memref<36864x128xf32, #tpu.memory_space<hbm>>
    tpu.wait_indirect_dma semaphore(%arg10 : memref<!tpu.dma_semaphore, #tpu.memory_space<semaphore_mem>>) src(%dma_wait3A_59 : memref<36864x128xf32, #tpu.memory_space<hbm>>) dst(%dma_wait3A_54 : memref<128x128xf32, #tpu.memory_space<vmem>>)
    %dma_wait3A_60 = arith.constant 128 : i32
    %dma_wait3A_61 = arith.constant 0 : i32
    %dma_wait3A_62 = tpu.memref_slice %arg8[%dma_wait3A_60, %dma_wait3A_61] : memref<512x128xf32, #tpu.memory_space<vmem>> -> memref<128x128xf32, #tpu.memory_space<vmem>>
    %dma_wait3A_63 = arith.constant 128 : i32
    %dma_wait3A_64 = tpu.memref_slice %arg6[%dma_wait3A_63] : memref<528xi32, #tpu.memory_space<vmem>> -> memref<128xi32, #tpu.memory_space<vmem>>
    %dma_wait3A_65 = arith.constant 0 : i32
    %dma_wait3A_66 = arith.constant 0 : i32
    %dma_wait3A_67 = tpu.memref_slice %arg2[%dma_wait3A_65, %dma_wait3A_66] : memref<36864x128xf32, #tpu.memory_space<hbm>> -> memref<36864x128xf32, #tpu.memory_space<hbm>>
    tpu.wait_indirect_dma semaphore(%arg10 : memref<!tpu.dma_semaphore, #tpu.memory_space<semaphore_mem>>) src(%dma_wait3A_67 : memref<36864x128xf32, #tpu.memory_space<hbm>>) dst(%dma_wait3A_62 : memref<128x128xf32, #tpu.memory_space<vmem>>)
    %dma_wait3A_68 = arith.constant 256 : i32
    %dma_wait3A_69 = arith.constant 0 : i32
    %dma_wait3A_70 = tpu.memref_slice %arg8[%dma_wait3A_68, %dma_wait3A_69] : memref<512x128xf32, #tpu.memory_space<vmem>> -> memref<128x128xf32, #tpu.memory_space<vmem>>
    %dma_wait3A_71 = arith.constant 256 : i32
    %dma_wait3A_72 = tpu.memref_slice %arg6[%dma_wait3A_71] : memref<528xi32, #tpu.memory_space<vmem>> -> memref<128xi32, #tpu.memory_space<vmem>>
    %dma_wait3A_73 = arith.constant 0 : i32
    %dma_wait3A_74 = arith.constant 0 : i32
    %dma_wait3A_75 = tpu.memref_slice %arg2[%dma_wait3A_73, %dma_wait3A_74] : memref<36864x128xf32, #tpu.memory_space<hbm>> -> memref<36864x128xf32, #tpu.memory_space<hbm>>
    tpu.wait_indirect_dma semaphore(%arg10 : memref<!tpu.dma_semaphore, #tpu.memory_space<semaphore_mem>>) src(%dma_wait3A_75 : memref<36864x128xf32, #tpu.memory_space<hbm>>) dst(%dma_wait3A_70 : memref<128x128xf32, #tpu.memory_space<vmem>>)
    %dma_wait3A_76 = arith.constant 384 : i32
    %dma_wait3A_77 = arith.constant 0 : i32
    %dma_wait3A_78 = tpu.memref_slice %arg8[%dma_wait3A_76, %dma_wait3A_77] : memref<512x128xf32, #tpu.memory_space<vmem>> -> memref<128x128xf32, #tpu.memory_space<vmem>>
    %dma_wait3A_79 = arith.constant 384 : i32
    %dma_wait3A_80 = tpu.memref_slice %arg6[%dma_wait3A_79] : memref<528xi32, #tpu.memory_space<vmem>> -> memref<128xi32, #tpu.memory_space<vmem>>
    %dma_wait3A_81 = arith.constant 0 : i32
    %dma_wait3A_82 = arith.constant 0 : i32
    %dma_wait3A_83 = tpu.memref_slice %arg2[%dma_wait3A_81, %dma_wait3A_82] : memref<36864x128xf32, #tpu.memory_space<hbm>> -> memref<36864x128xf32, #tpu.memory_space<hbm>>
    tpu.wait_indirect_dma semaphore(%arg10 : memref<!tpu.dma_semaphore, #tpu.memory_space<semaphore_mem>>) src(%dma_wait3A_83 : memref<36864x128xf32, #tpu.memory_space<hbm>>) dst(%dma_wait3A_78 : memref<128x128xf32, #tpu.memory_space<vmem>>)
    %scan3A_84 = arith.constant 0 : i32
    %scan3A_85 = arith.constant 0 : i32
    %scan3A_86 = arith.constant 32 : i32
    %scan3A_87 = arith.addi %scan3A_85, %scan3A_86 : i32
    %scan3A_88 = arith.constant 1 : i32
    %scan3A_89 = scf.for %scan3A_91 = %scan3A_85 to %scan3A_87 step %scan3A_88 iter_args(%scan3A_92 = %scan3A_84) -> (i32)  : i32 {
      %mul3A_93 = arith.constant 16 : i32
      %mul3A_94 = arith.muli %scan3A_91, %mul3A_93 : i32
      %add3A_95 = vector.broadcast %mul3A_94 : i32 to vector<16xi32>
      %add3A_96 = arith.addi %add3A_95, %iota3A : vector<16xi32>
      %mul3A_97 = arith.constant 16 : i32
      %mul3A_98 = arith.muli %scan3A_91, %mul3A_97 : i32
      %get3A = arith.index_cast %mul3A_98 : i32 to index
      %get3A_99 = tpu.vector_load %arg7[%get3A] {strides = array<i32>} : memref<528xi32, #tpu.memory_space<vmem>>, vector<16xi32>,
      %sub3A = vector.broadcast %mul3A_2 : i32 to vector<16xi32>
      %sub3A_100 = arith.subi %get3A_99, %sub3A : vector<16xi32>
      %ge3A = arith.constant 0 : i32
      %ge3A_101 = vector.broadcast %ge3A : i32 to vector<16xi32>
      %ge3A_102 = arith.cmpi sge, %sub3A_100, %ge3A_101 : vector<16xi32>
      %lt3A = arith.constant 512 : i32
      %lt3A_103 = vector.broadcast %lt3A : i32 to vector<16xi32>
      %lt3A_104 = arith.cmpi slt, %sub3A_100, %lt3A_103 : vector<16xi32>
      %and3A = arith.andi %ge3A_102, %lt3A_104 : vector<16xi1>
      %jit3A = arith.constant 0 : i32
      %broadcast_in_dim3A = vector.broadcast %jit3A : i32 to vector<16xi32>
      %select_n3A = arith.select %and3A, %sub3A_100, %broadcast_in_dim3A : vector<16xi1>, vector<16xi32>
      %broadcast_in_dim3A_105 = arith.constant 0 : i32
      %broadcast_in_dim3A_106 = vector.broadcast %broadcast_in_dim3A_105 : i32 to vector<16xi32>
      %gather3A = tpu.vector_load_idx %arg8[%add3A_96, %broadcast_in_dim3A_106] masked %and3A : memref<512x128xf32, #tpu.memory_space<vmem>>[vector<16xi32>, vector<16xi32>], vector<16xf32>, vector<16xi1>
      tpu.vector_store_idx %arg9[%broadcast_in_dim3A_106, %select_n3A], %gather3A masked %and3A : memref<64x512xf32, #tpu.memory_space<vmem>>[vector<16xi32>, vector<16xi32>], vector<16xf32>, vector<16xi1>
      %broadcast_in_dim3A_107 = arith.constant 1 : i32
      %broadcast_in_dim3A_108 = vector.broadcast %broadcast_in_dim3A_107 : i32 to vector<16xi32>
      %gather3A_109 = tpu.vector_load_idx %arg8[%add3A_96, %broadcast_in_dim3A_108] masked %and3A : memref<512x128xf32, #tpu.memory_space<vmem>>[vector<16xi32>, vector<16xi32>], vector<16xf32>, vector<16xi1>
      tpu.vector_store_idx %arg9[%broadcast_in_dim3A_108, %select_n3A], %gather3A_109 masked %and3A : memref<64x512xf32, #tpu.memory_space<vmem>>[vector<16xi32>, vector<16xi32>], vector<16xf32>, vector<16xi1>
      %broadcast_in_dim3A_110 = arith.constant 2 : i32
      %broadcast_in_dim3A_111 = vector.broadcast %broadcast_in_dim3A_110 : i32 to vector<16xi32>
      %gather3A_112 = tpu.vector_load_idx %arg8[%add3A_96, %broadcast_in_dim3A_111] masked %and3A : memref<512x128xf32, #tpu.memory_space<vmem>>[vector<16xi32>, vector<16xi32>], vector<16xf32>, vector<16xi1>
      tpu.vector_store_idx %arg9[%broadcast_in_dim3A_111, %select_n3A], %gather3A_112 masked %and3A : memref<64x512xf32, #tpu.memory_space<vmem>>[vector<16xi32>, vector<16xi32>], vector<16xf32>, vector<16xi1>
      %broadcast_in_dim3A_113 = arith.constant 3 : i32
      %broadcast_in_dim3A_114 = vector.broadcast %broadcast_in_dim3A_113 : i32 to vector<16xi32>
      %gather3A_115 = tpu.vector_load_idx %arg8[%add3A_96, %broadcast_in_dim3A_114] masked %and3A : memref<512x128xf32, #tpu.memory_space<vmem>>[vector<16xi32>, vector<16xi32>], vector<16xf32>, vector<16xi1>
      tpu.vector_store_idx %arg9[%broadcast_in_dim3A_114, %select_n3A], %gather3A_115 masked %and3A : memref<64x512xf32, #tpu.memory_space<vmem>>[vector<16xi32>, vector<16xi32>], vector<16xf32>, vector<16xi1>
      %broadcast_in_dim3A_116 = arith.constant 4 : i32
      %broadcast_in_dim3A_117 = vector.broadcast %broadcast_in_dim3A_116 : i32 to vector<16xi32>
      %gather3A_118 = tpu.vector_load_idx %arg8[%add3A_96, %broadcast_in_dim3A_117] masked %and3A : memref<512x128xf32, #tpu.memory_space<vmem>>[vector<16xi32>, vector<16xi32>], vector<16xf32>, vector<16xi1>
      tpu.vector_store_idx %arg9[%broadcast_in_dim3A_117, %select_n3A], %gather3A_118 masked %and3A : memref<64x512xf32, #tpu.memory_space<vmem>>[vector<16xi32>, vector<16xi32>], vector<16xf32>, vector<16xi1>
      %broadcast_in_dim3A_119 = arith.constant 5 : i32
      %broadcast_in_dim3A_120 = vector.broadcast %broadcast_in_dim3A_119 : i32 to vector<16xi32>
      %gather3A_121 = tpu.vector_load_idx %arg8[%add3A_96, %broadcast_in_dim3A_120] masked %and3A : memref<512x128xf32, #tpu.memory_space<vmem>>[vector<16xi32>, vector<16xi32>], vector<16xf32>, vector<16xi1>
      tpu.vector_store_idx %arg9[%broadcast_in_dim3A_120, %select_n3A], %gather3A_121 masked %and3A : memref<64x512xf32, #tpu.memory_space<vmem>>[vector<16xi32>, vector<16xi32>], vector<16xf32>, vector<16xi1>
      %broadcast_in_dim3A_122 = arith.constant 6 : i32
      %broadcast_in_dim3A_123 = vector.broadcast %broadcast_in_dim3A_122 : i32 to vector<16xi32>
      %gather3A_124 = tpu.vector_load_idx %arg8[%add3A_96, %broadcast_in_dim3A_123] masked %and3A : memref<512x128xf32, #tpu.memory_space<vmem>>[vector<16xi32>, vector<16xi32>], vector<16xf32>, vector<16xi1>
      tpu.vector_store_idx %arg9[%broadcast_in_dim3A_123, %select_n3A], %gather3A_124 masked %and3A : memref<64x512xf32, #tpu.memory_space<vmem>>[vector<16xi32>, vector<16xi32>], vector<16xf32>, vector<16xi1>
      %broadcast_in_dim3A_125 = arith.constant 7 : i32
      %broadcast_in_dim3A_126 = vector.broadcast %broadcast_in_dim3A_125 : i32 to vector<16xi32>
      %gather3A_127 = tpu.vector_load_idx %arg8[%add3A_96, %broadcast_in_dim3A_126] masked %and3A : memref<512x128xf32, #tpu.memory_space<vmem>>[vector<16xi32>, vector<16xi32>], vector<16xf32>, vector<16xi1>
      tpu.vector_store_idx %arg9[%broadcast_in_dim3A_126, %select_n3A], %gather3A_127 masked %and3A : memref<64x512xf32, #tpu.memory_space<vmem>>[vector<16xi32>, vector<16xi32>], vector<16xf32>, vector<16xi1>
      %broadcast_in_dim3A_128 = arith.constant 8 : i32
      %broadcast_in_dim3A_129 = vector.broadcast %broadcast_in_dim3A_128 : i32 to vector<16xi32>
      %gather3A_130 = tpu.vector_load_idx %arg8[%add3A_96, %broadcast_in_dim3A_129] masked %and3A : memref<512x128xf32, #tpu.memory_space<vmem>>[vector<16xi32>, vector<16xi32>], vector<16xf32>, vector<16xi1>
      tpu.vector_store_idx %arg9[%broadcast_in_dim3A_129, %select_n3A], %gather3A_130 masked %and3A : memref<64x512xf32, #tpu.memory_space<vmem>>[vector<16xi32>, vector<16xi32>], vector<16xf32>, vector<16xi1>
      %broadcast_in_dim3A_131 = arith.constant 9 : i32
      %broadcast_in_dim3A_132 = vector.broadcast %broadcast_in_dim3A_131 : i32 to vector<16xi32>
      %gather3A_133 = tpu.vector_load_idx %arg8[%add3A_96, %broadcast_in_dim3A_132] masked %and3A : memref<512x128xf32, #tpu.memory_space<vmem>>[vector<16xi32>, vector<16xi32>], vector<16xf32>, vector<16xi1>
      tpu.vector_store_idx %arg9[%broadcast_in_dim3A_132, %select_n3A], %gather3A_133 masked %and3A : memref<64x512xf32, #tpu.memory_space<vmem>>[vector<16xi32>, vector<16xi32>], vector<16xf32>, vector<16xi1>
      %broadcast_in_dim3A_134 = arith.constant 10 : i32
      %broadcast_in_dim3A_135 = vector.broadcast %broadcast_in_dim3A_134 : i32 to vector<16xi32>
      %gather3A_136 = tpu.vector_load_idx %arg8[%add3A_96, %broadcast_in_dim3A_135] masked %and3A : memref<512x128xf32, #tpu.memory_space<vmem>>[vector<16xi32>, vector<16xi32>], vector<16xf32>, vector<16xi1>
      tpu.vector_store_idx %arg9[%broadcast_in_dim3A_135, %select_n3A], %gather3A_136 masked %and3A : memref<64x512xf32, #tpu.memory_space<vmem>>[vector<16xi32>, vector<16xi32>], vector<16xf32>, vector<16xi1>
      %broadcast_in_dim3A_137 = arith.constant 11 : i32
      %broadcast_in_dim3A_138 = vector.broadcast %broadcast_in_dim3A_137 : i32 to vector<16xi32>
      %gather3A_139 = tpu.vector_load_idx %arg8[%add3A_96, %broadcast_in_dim3A_138] masked %and3A : memref<512x128xf32, #tpu.memory_space<vmem>>[vector<16xi32>, vector<16xi32>], vector<16xf32>, vector<16xi1>
      tpu.vector_store_idx %arg9[%broadcast_in_dim3A_138, %select_n3A], %gather3A_139 masked %and3A : memref<64x512xf32, #tpu.memory_space<vmem>>[vector<16xi32>, vector<16xi32>], vector<16xf32>, vector<16xi1>
      %broadcast_in_dim3A_140 = arith.constant 12 : i32
      %broadcast_in_dim3A_141 = vector.broadcast %broadcast_in_dim3A_140 : i32 to vector<16xi32>
      %gather3A_142 = tpu.vector_load_idx %arg8[%add3A_96, %broadcast_in_dim3A_141] masked %and3A : memref<512x128xf32, #tpu.memory_space<vmem>>[vector<16xi32>, vector<16xi32>], vector<16xf32>, vector<16xi1>
      tpu.vector_store_idx %arg9[%broadcast_in_dim3A_141, %select_n3A], %gather3A_142 masked %and3A : memref<64x512xf32, #tpu.memory_space<vmem>>[vector<16xi32>, vector<16xi32>], vector<16xf32>, vector<16xi1>
      %broadcast_in_dim3A_143 = arith.constant 13 : i32
      %broadcast_in_dim3A_144 = vector.broadcast %broadcast_in_dim3A_143 : i32 to vector<16xi32>
      %gather3A_145 = tpu.vector_load_idx %arg8[%add3A_96, %broadcast_in_dim3A_144] masked %and3A : memref<512x128xf32, #tpu.memory_space<vmem>>[vector<16xi32>, vector<16xi32>], vector<16xf32>, vector<16xi1>
      tpu.vector_store_idx %arg9[%broadcast_in_dim3A_144, %select_n3A], %gather3A_145 masked %and3A : memref<64x512xf32, #tpu.memory_space<vmem>>[vector<16xi32>, vector<16xi32>], vector<16xf32>, vector<16xi1>
      %broadcast_in_dim3A_146 = arith.constant 14 : i32
      %broadcast_in_dim3A_147 = vector.broadcast %broadcast_in_dim3A_146 : i32 to vector<16xi32>
      %gather3A_148 = tpu.vector_load_idx %arg8[%add3A_96, %broadcast_in_dim3A_147] masked %and3A : memref<512x128xf32, #tpu.memory_space<vmem>>[vector<16xi32>, vector<16xi32>], vector<16xf32>, vector<16xi1>
      tpu.vector_store_idx %arg9[%broadcast_in_dim3A_147, %select_n3A], %gather3A_148 masked %and3A : memref<64x512xf32, #tpu.memory_space<vmem>>[vector<16xi32>, vector<16xi32>], vector<16xf32>, vector<16xi1>
      %broadcast_in_dim3A_149 = arith.constant 15 : i32
      %broadcast_in_dim3A_150 = vector.broadcast %broadcast_in_dim3A_149 : i32 to vector<16xi32>
      %gather3A_151 = tpu.vector_load_idx %arg8[%add3A_96, %broadcast_in_dim3A_150] masked %and3A : memref<512x128xf32, #tpu.memory_space<vmem>>[vector<16xi32>, vector<16xi32>], vector<16xf32>, vector<16xi1>
      tpu.vector_store_idx %arg9[%broadcast_in_dim3A_150, %select_n3A], %gather3A_151 masked %and3A : memref<64x512xf32, #tpu.memory_space<vmem>>[vector<16xi32>, vector<16xi32>], vector<16xf32>, vector<16xi1>
      %broadcast_in_dim3A_152 = arith.constant 16 : i32
      %broadcast_in_dim3A_153 = vector.broadcast %broadcast_in_dim3A_152 : i32 to vector<16xi32>
      %gather3A_154 = tpu.vector_load_idx %arg8[%add3A_96, %broadcast_in_dim3A_153] masked %and3A : memref<512x128xf32, #tpu.memory_space<vmem>>[vector<16xi32>, vector<16xi32>], vector<16xf32>, vector<16xi1>
      tpu.vector_store_idx %arg9[%broadcast_in_dim3A_153, %select_n3A], %gather3A_154 masked %and3A : memref<64x512xf32, #tpu.memory_space<vmem>>[vector<16xi32>, vector<16xi32>], vector<16xf32>, vector<16xi1>
      %broadcast_in_dim3A_155 = arith.constant 17 : i32
      %broadcast_in_dim3A_156 = vector.broadcast %broadcast_in_dim3A_155 : i32 to vector<16xi32>
      %gather3A_157 = tpu.vector_load_idx %arg8[%add3A_96, %broadcast_in_dim3A_156] masked %and3A : memref<512x128xf32, #tpu.memory_space<vmem>>[vector<16xi32>, vector<16xi32>], vector<16xf32>, vector<16xi1>
      tpu.vector_store_idx %arg9[%broadcast_in_dim3A_156, %select_n3A], %gather3A_157 masked %and3A : memref<64x512xf32, #tpu.memory_space<vmem>>[vector<16xi32>, vector<16xi32>], vector<16xf32>, vector<16xi1>
      %broadcast_in_dim3A_158 = arith.constant 18 : i32
      %broadcast_in_dim3A_159 = vector.broadcast %broadcast_in_dim3A_158 : i32 to vector<16xi32>
      %gather3A_160 = tpu.vector_load_idx %arg8[%add3A_96, %broadcast_in_dim3A_159] masked %and3A : memref<512x128xf32, #tpu.memory_space<vmem>>[vector<16xi32>, vector<16xi32>], vector<16xf32>, vector<16xi1>
      tpu.vector_store_idx %arg9[%broadcast_in_dim3A_159, %select_n3A], %gather3A_160 masked %and3A : memref<64x512xf32, #tpu.memory_space<vmem>>[vector<16xi32>, vector<16xi32>], vector<16xf32>, vector<16xi1>
      %broadcast_in_dim3A_161 = arith.constant 19 : i32
      %broadcast_in_dim3A_162 = vector.broadcast %broadcast_in_dim3A_161 : i32 to vector<16xi32>
      %gather3A_163 = tpu.vector_load_idx %arg8[%add3A_96, %broadcast_in_dim3A_162] masked %and3A : memref<512x128xf32, #tpu.memory_space<vmem>>[vector<16xi32>, vector<16xi32>], vector<16xf32>, vector<16xi1>
      tpu.vector_store_idx %arg9[%broadcast_in_dim3A_162, %select_n3A], %gather3A_163 masked %and3A : memref<64x512xf32, #tpu.memory_space<vmem>>[vector<16xi32>, vector<16xi32>], vector<16xf32>, vector<16xi1>
      %broadcast_in_dim3A_164 = arith.constant 20 : i32
      %broadcast_in_dim3A_165 = vector.broadcast %broadcast_in_dim3A_164 : i32 to vector<16xi32>
      %gather3A_166 = tpu.vector_load_idx %arg8[%add3A_96, %broadcast_in_dim3A_165] masked %and3A : memref<512x128xf32, #tpu.memory_space<vmem>>[vector<16xi32>, vector<16xi32>], vector<16xf32>, vector<16xi1>
      tpu.vector_store_idx %arg9[%broadcast_in_dim3A_165, %select_n3A], %gather3A_166 masked %and3A : memref<64x512xf32, #tpu.memory_space<vmem>>[vector<16xi32>, vector<16xi32>], vector<16xf32>, vector<16xi1>
      %broadcast_in_dim3A_167 = arith.constant 21 : i32
      %broadcast_in_dim3A_168 = vector.broadcast %broadcast_in_dim3A_167 : i32 to vector<16xi32>
      %gather3A_169 = tpu.vector_load_idx %arg8[%add3A_96, %broadcast_in_dim3A_168] masked %and3A : memref<512x128xf32, #tpu.memory_space<vmem>>[vector<16xi32>, vector<16xi32>], vector<16xf32>, vector<16xi1>
      tpu.vector_store_idx %arg9[%broadcast_in_dim3A_168, %select_n3A], %gather3A_169 masked %and3A : memref<64x512xf32, #tpu.memory_space<vmem>>[vector<16xi32>, vector<16xi32>], vector<16xf32>, vector<16xi1>
      %broadcast_in_dim3A_170 = arith.constant 22 : i32
      %broadcast_in_dim3A_171 = vector.broadcast %broadcast_in_dim3A_170 : i32 to vector<16xi32>
      %gather3A_172 = tpu.vector_load_idx %arg8[%add3A_96, %broadcast_in_dim3A_171] masked %and3A : memref<512x128xf32, #tpu.memory_space<vmem>>[vector<16xi32>, vector<16xi32>], vector<16xf32>, vector<16xi1>
      tpu.vector_store_idx %arg9[%broadcast_in_dim3A_171, %select_n3A], %gather3A_172 masked %and3A : memref<64x512xf32, #tpu.memory_space<vmem>>[vector<16xi32>, vector<16xi32>], vector<16xf32>, vector<16xi1>
      %broadcast_in_dim3A_173 = arith.constant 23 : i32
      %broadcast_in_dim3A_174 = vector.broadcast %broadcast_in_dim3A_173 : i32 to vector<16xi32>
      %gather3A_175 = tpu.vector_load_idx %arg8[%add3A_96, %broadcast_in_dim3A_174] masked %and3A : memref<512x128xf32, #tpu.memory_space<vmem>>[vector<16xi32>, vector<16xi32>], vector<16xf32>, vector<16xi1>
      tpu.vector_store_idx %arg9[%broadcast_in_dim3A_174, %select_n3A], %gather3A_175 masked %and3A : memref<64x512xf32, #tpu.memory_space<vmem>>[vector<16xi32>, vector<16xi32>], vector<16xf32>, vector<16xi1>
      %broadcast_in_dim3A_176 = arith.constant 24 : i32
      %broadcast_in_dim3A_177 = vector.broadcast %broadcast_in_dim3A_176 : i32 to vector<16xi32>
      %gather3A_178 = tpu.vector_load_idx %arg8[%add3A_96, %broadcast_in_dim3A_177] masked %and3A : memref<512x128xf32, #tpu.memory_space<vmem>>[vector<16xi32>, vector<16xi32>], vector<16xf32>, vector<16xi1>
      tpu.vector_store_idx %arg9[%broadcast_in_dim3A_177, %select_n3A], %gather3A_178 masked %and3A : memref<64x512xf32, #tpu.memory_space<vmem>>[vector<16xi32>, vector<16xi32>], vector<16xf32>, vector<16xi1>
      %broadcast_in_dim3A_179 = arith.constant 25 : i32
      %broadcast_in_dim3A_180 = vector.broadcast %broadcast_in_dim3A_179 : i32 to vector<16xi32>
      %gather3A_181 = tpu.vector_load_idx %arg8[%add3A_96, %broadcast_in_dim3A_180] masked %and3A : memref<512x128xf32, #tpu.memory_space<vmem>>[vector<16xi32>, vector<16xi32>], vector<16xf32>, vector<16xi1>
      tpu.vector_store_idx %arg9[%broadcast_in_dim3A_180, %select_n3A], %gather3A_181 masked %and3A : memref<64x512xf32, #tpu.memory_space<vmem>>[vector<16xi32>, vector<16xi32>], vector<16xf32>, vector<16xi1>
      %broadcast_in_dim3A_182 = arith.constant 26 : i32
      %broadcast_in_dim3A_183 = vector.broadcast %broadcast_in_dim3A_182 : i32 to vector<16xi32>
      %gather3A_184 = tpu.vector_load_idx %arg8[%add3A_96, %broadcast_in_dim3A_183] masked %and3A : memref<512x128xf32, #tpu.memory_space<vmem>>[vector<16xi32>, vector<16xi32>], vector<16xf32>, vector<16xi1>
      tpu.vector_store_idx %arg9[%broadcast_in_dim3A_183, %select_n3A], %gather3A_184 masked %and3A : memref<64x512xf32, #tpu.memory_space<vmem>>[vector<16xi32>, vector<16xi32>], vector<16xf32>, vector<16xi1>
      %broadcast_in_dim3A_185 = arith.constant 27 : i32
      %broadcast_in_dim3A_186 = vector.broadcast %broadcast_in_dim3A_185 : i32 to vector<16xi32>
      %gather3A_187 = tpu.vector_load_idx %arg8[%add3A_96, %broadcast_in_dim3A_186] masked %and3A : memref<512x128xf32, #tpu.memory_space<vmem>>[vector<16xi32>, vector<16xi32>], vector<16xf32>, vector<16xi1>
      tpu.vector_store_idx %arg9[%broadcast_in_dim3A_186, %select_n3A], %gather3A_187 masked %and3A : memref<64x512xf32, #tpu.memory_space<vmem>>[vector<16xi32>, vector<16xi32>], vector<16xf32>, vector<16xi1>
      %broadcast_in_dim3A_188 = arith.constant 28 : i32
      %broadcast_in_dim3A_189 = vector.broadcast %broadcast_in_dim3A_188 : i32 to vector<16xi32>
      %gather3A_190 = tpu.vector_load_idx %arg8[%add3A_96, %broadcast_in_dim3A_189] masked %and3A : memref<512x128xf32, #tpu.memory_space<vmem>>[vector<16xi32>, vector<16xi32>], vector<16xf32>, vector<16xi1>
      tpu.vector_store_idx %arg9[%broadcast_in_dim3A_189, %select_n3A], %gather3A_190 masked %and3A : memref<64x512xf32, #tpu.memory_space<vmem>>[vector<16xi32>, vector<16xi32>], vector<16xf32>, vector<16xi1>
      %broadcast_in_dim3A_191 = arith.constant 29 : i32
      %broadcast_in_dim3A_192 = vector.broadcast %broadcast_in_dim3A_191 : i32 to vector<16xi32>
      %gather3A_193 = tpu.vector_load_idx %arg8[%add3A_96, %broadcast_in_dim3A_192] masked %and3A : memref<512x128xf32, #tpu.memory_space<vmem>>[vector<16xi32>, vector<16xi32>], vector<16xf32>, vector<16xi1>
      tpu.vector_store_idx %arg9[%broadcast_in_dim3A_192, %select_n3A], %gather3A_193 masked %and3A : memref<64x512xf32, #tpu.memory_space<vmem>>[vector<16xi32>, vector<16xi32>], vector<16xf32>, vector<16xi1>
      %broadcast_in_dim3A_194 = arith.constant 30 : i32
      %broadcast_in_dim3A_195 = vector.broadcast %broadcast_in_dim3A_194 : i32 to vector<16xi32>
      %gather3A_196 = tpu.vector_load_idx %arg8[%add3A_96, %broadcast_in_dim3A_195] masked %and3A : memref<512x128xf32, #tpu.memory_space<vmem>>[vector<16xi32>, vector<16xi32>], vector<16xf32>, vector<16xi1>
      tpu.vector_store_idx %arg9[%broadcast_in_dim3A_195, %select_n3A], %gather3A_196 masked %and3A : memref<64x512xf32, #tpu.memory_space<vmem>>[vector<16xi32>, vector<16xi32>], vector<16xf32>, vector<16xi1>
      %broadcast_in_dim3A_197 = arith.constant 31 : i32
      %broadcast_in_dim3A_198 = vector.broadcast %broadcast_in_dim3A_197 : i32 to vector<16xi32>
      %gather3A_199 = tpu.vector_load_idx %arg8[%add3A_96, %broadcast_in_dim3A_198] masked %and3A : memref<512x128xf32, #tpu.memory_space<vmem>>[vector<16xi32>, vector<16xi32>], vector<16xf32>, vector<16xi1>
      tpu.vector_store_idx %arg9[%broadcast_in_dim3A_198, %select_n3A], %gather3A_199 masked %and3A : memref<64x512xf32, #tpu.memory_space<vmem>>[vector<16xi32>, vector<16xi32>], vector<16xf32>, vector<16xi1>
      %broadcast_in_dim3A_200 = arith.constant 32 : i32
      %broadcast_in_dim3A_201 = vector.broadcast %broadcast_in_dim3A_200 : i32 to vector<16xi32>
      %gather3A_202 = tpu.vector_load_idx %arg8[%add3A_96, %broadcast_in_dim3A_201] masked %and3A : memref<512x128xf32, #tpu.memory_space<vmem>>[vector<16xi32>, vector<16xi32>], vector<16xf32>, vector<16xi1>
      tpu.vector_store_idx %arg9[%broadcast_in_dim3A_201, %select_n3A], %gather3A_202 masked %and3A : memref<64x512xf32, #tpu.memory_space<vmem>>[vector<16xi32>, vector<16xi32>], vector<16xf32>, vector<16xi1>
      %broadcast_in_dim3A_203 = arith.constant 33 : i32
      %broadcast_in_dim3A_204 = vector.broadcast %broadcast_in_dim3A_203 : i32 to vector<16xi32>
      %gather3A_205 = tpu.vector_load_idx %arg8[%add3A_96, %broadcast_in_dim3A_204] masked %and3A : memref<512x128xf32, #tpu.memory_space<vmem>>[vector<16xi32>, vector<16xi32>], vector<16xf32>, vector<16xi1>
      tpu.vector_store_idx %arg9[%broadcast_in_dim3A_204, %select_n3A], %gather3A_205 masked %and3A : memref<64x512xf32, #tpu.memory_space<vmem>>[vector<16xi32>, vector<16xi32>], vector<16xf32>, vector<16xi1>
      %broadcast_in_dim3A_206 = arith.constant 34 : i32
      %broadcast_in_dim3A_207 = vector.broadcast %broadcast_in_dim3A_206 : i32 to vector<16xi32>
      %gather3A_208 = tpu.vector_load_idx %arg8[%add3A_96, %broadcast_in_dim3A_207] masked %and3A : memref<512x128xf32, #tpu.memory_space<vmem>>[vector<16xi32>, vector<16xi32>], vector<16xf32>, vector<16xi1>
      tpu.vector_store_idx %arg9[%broadcast_in_dim3A_207, %select_n3A], %gather3A_208 masked %and3A : memref<64x512xf32, #tpu.memory_space<vmem>>[vector<16xi32>, vector<16xi32>], vector<16xf32>, vector<16xi1>
      %broadcast_in_dim3A_209 = arith.constant 35 : i32
      %broadcast_in_dim3A_210 = vector.broadcast %broadcast_in_dim3A_209 : i32 to vector<16xi32>
      %gather3A_211 = tpu.vector_load_idx %arg8[%add3A_96, %broadcast_in_dim3A_210] masked %and3A : memref<512x128xf32, #tpu.memory_space<vmem>>[vector<16xi32>, vector<16xi32>], vector<16xf32>, vector<16xi1>
      tpu.vector_store_idx %arg9[%broadcast_in_dim3A_210, %select_n3A], %gather3A_211 masked %and3A : memref<64x512xf32, #tpu.memory_space<vmem>>[vector<16xi32>, vector<16xi32>], vector<16xf32>, vector<16xi1>
      %broadcast_in_dim3A_212 = arith.constant 36 : i32
      %broadcast_in_dim3A_213 = vector.broadcast %broadcast_in_dim3A_212 : i32 to vector<16xi32>
      %gather3A_214 = tpu.vector_load_idx %arg8[%add3A_96, %broadcast_in_dim3A_213] masked %and3A : memref<512x128xf32, #tpu.memory_space<vmem>>[vector<16xi32>, vector<16xi32>], vector<16xf32>, vector<16xi1>
      tpu.vector_store_idx %arg9[%broadcast_in_dim3A_213, %select_n3A], %gather3A_214 masked %and3A : memref<64x512xf32, #tpu.memory_space<vmem>>[vector<16xi32>, vector<16xi32>], vector<16xf32>, vector<16xi1>
      %broadcast_in_dim3A_215 = arith.constant 37 : i32
      %broadcast_in_dim3A_216 = vector.broadcast %broadcast_in_dim3A_215 : i32 to vector<16xi32>
      %gather3A_217 = tpu.vector_load_idx %arg8[%add3A_96, %broadcast_in_dim3A_216] masked %and3A : memref<512x128xf32, #tpu.memory_space<vmem>>[vector<16xi32>, vector<16xi32>], vector<16xf32>, vector<16xi1>
      tpu.vector_store_idx %arg9[%broadcast_in_dim3A_216, %select_n3A], %gather3A_217 masked %and3A : memref<64x512xf32, #tpu.memory_space<vmem>>[vector<16xi32>, vector<16xi32>], vector<16xf32>, vector<16xi1>
      %broadcast_in_dim3A_218 = arith.constant 38 : i32
      %broadcast_in_dim3A_219 = vector.broadcast %broadcast_in_dim3A_218 : i32 to vector<16xi32>
      %gather3A_220 = tpu.vector_load_idx %arg8[%add3A_96, %broadcast_in_dim3A_219] masked %and3A : memref<512x128xf32, #tpu.memory_space<vmem>>[vector<16xi32>, vector<16xi32>], vector<16xf32>, vector<16xi1>
      tpu.vector_store_idx %arg9[%broadcast_in_dim3A_219, %select_n3A], %gather3A_220 masked %and3A : memref<64x512xf32, #tpu.memory_space<vmem>>[vector<16xi32>, vector<16xi32>], vector<16xf32>, vector<16xi1>
      %broadcast_in_dim3A_221 = arith.constant 39 : i32
      %broadcast_in_dim3A_222 = vector.broadcast %broadcast_in_dim3A_221 : i32 to vector<16xi32>
      %gather3A_223 = tpu.vector_load_idx %arg8[%add3A_96, %broadcast_in_dim3A_222] masked %and3A : memref<512x128xf32, #tpu.memory_space<vmem>>[vector<16xi32>, vector<16xi32>], vector<16xf32>, vector<16xi1>
      tpu.vector_store_idx %arg9[%broadcast_in_dim3A_222, %select_n3A], %gather3A_223 masked %and3A : memref<64x512xf32, #tpu.memory_space<vmem>>[vector<16xi32>, vector<16xi32>], vector<16xf32>, vector<16xi1>
      %broadcast_in_dim3A_224 = arith.constant 40 : i32
      %broadcast_in_dim3A_225 = vector.broadcast %broadcast_in_dim3A_224 : i32 to vector<16xi32>
      %gather3A_226 = tpu.vector_load_idx %arg8[%add3A_96, %broadcast_in_dim3A_225] masked %and3A : memref<512x128xf32, #tpu.memory_space<vmem>>[vector<16xi32>, vector<16xi32>], vector<16xf32>, vector<16xi1>
      tpu.vector_store_idx %arg9[%broadcast_in_dim3A_225, %select_n3A], %gather3A_226 masked %and3A : memref<64x512xf32, #tpu.memory_space<vmem>>[vector<16xi32>, vector<16xi32>], vector<16xf32>, vector<16xi1>
      %broadcast_in_dim3A_227 = arith.constant 41 : i32
      %broadcast_in_dim3A_228 = vector.broadcast %broadcast_in_dim3A_227 : i32 to vector<16xi32>
      %gather3A_229 = tpu.vector_load_idx %arg8[%add3A_96, %broadcast_in_dim3A_228] masked %and3A : memref<512x128xf32, #tpu.memory_space<vmem>>[vector<16xi32>, vector<16xi32>], vector<16xf32>, vector<16xi1>
      tpu.vector_store_idx %arg9[%broadcast_in_dim3A_228, %select_n3A], %gather3A_229 masked %and3A : memref<64x512xf32, #tpu.memory_space<vmem>>[vector<16xi32>, vector<16xi32>], vector<16xf32>, vector<16xi1>
      %broadcast_in_dim3A_230 = arith.constant 42 : i32
      %broadcast_in_dim3A_231 = vector.broadcast %broadcast_in_dim3A_230 : i32 to vector<16xi32>
      %gather3A_232 = tpu.vector_load_idx %arg8[%add3A_96, %broadcast_in_dim3A_231] masked %and3A : memref<512x128xf32, #tpu.memory_space<vmem>>[vector<16xi32>, vector<16xi32>], vector<16xf32>, vector<16xi1>
      tpu.vector_store_idx %arg9[%broadcast_in_dim3A_231, %select_n3A], %gather3A_232 masked %and3A : memref<64x512xf32, #tpu.memory_space<vmem>>[vector<16xi32>, vector<16xi32>], vector<16xf32>, vector<16xi1>
      %broadcast_in_dim3A_233 = arith.constant 43 : i32
      %broadcast_in_dim3A_234 = vector.broadcast %broadcast_in_dim3A_233 : i32 to vector<16xi32>
      %gather3A_235 = tpu.vector_load_idx %arg8[%add3A_96, %broadcast_in_dim3A_234] masked %and3A : memref<512x128xf32, #tpu.memory_space<vmem>>[vector<16xi32>, vector<16xi32>], vector<16xf32>, vector<16xi1>
      tpu.vector_store_idx %arg9[%broadcast_in_dim3A_234, %select_n3A], %gather3A_235 masked %and3A : memref<64x512xf32, #tpu.memory_space<vmem>>[vector<16xi32>, vector<16xi32>], vector<16xf32>, vector<16xi1>
      %broadcast_in_dim3A_236 = arith.constant 44 : i32
      %broadcast_in_dim3A_237 = vector.broadcast %broadcast_in_dim3A_236 : i32 to vector<16xi32>
      %gather3A_238 = tpu.vector_load_idx %arg8[%add3A_96, %broadcast_in_dim3A_237] masked %and3A : memref<512x128xf32, #tpu.memory_space<vmem>>[vector<16xi32>, vector<16xi32>], vector<16xf32>, vector<16xi1>
      tpu.vector_store_idx %arg9[%broadcast_in_dim3A_237, %select_n3A], %gather3A_238 masked %and3A : memref<64x512xf32, #tpu.memory_space<vmem>>[vector<16xi32>, vector<16xi32>], vector<16xf32>, vector<16xi1>
      %broadcast_in_dim3A_239 = arith.constant 45 : i32
      %broadcast_in_dim3A_240 = vector.broadcast %broadcast_in_dim3A_239 : i32 to vector<16xi32>
      %gather3A_241 = tpu.vector_load_idx %arg8[%add3A_96, %broadcast_in_dim3A_240] masked %and3A : memref<512x128xf32, #tpu.memory_space<vmem>>[vector<16xi32>, vector<16xi32>], vector<16xf32>, vector<16xi1>
      tpu.vector_store_idx %arg9[%broadcast_in_dim3A_240, %select_n3A], %gather3A_241 masked %and3A : memref<64x512xf32, #tpu.memory_space<vmem>>[vector<16xi32>, vector<16xi32>], vector<16xf32>, vector<16xi1>
      %broadcast_in_dim3A_242 = arith.constant 46 : i32
      %broadcast_in_dim3A_243 = vector.broadcast %broadcast_in_dim3A_242 : i32 to vector<16xi32>
      %gather3A_244 = tpu.vector_load_idx %arg8[%add3A_96, %broadcast_in_dim3A_243] masked %and3A : memref<512x128xf32, #tpu.memory_space<vmem>>[vector<16xi32>, vector<16xi32>], vector<16xf32>, vector<16xi1>
      tpu.vector_store_idx %arg9[%broadcast_in_dim3A_243, %select_n3A], %gather3A_244 masked %and3A : memref<64x512xf32, #tpu.memory_space<vmem>>[vector<16xi32>, vector<16xi32>], vector<16xf32>, vector<16xi1>
      %broadcast_in_dim3A_245 = arith.constant 47 : i32
      %broadcast_in_dim3A_246 = vector.broadcast %broadcast_in_dim3A_245 : i32 to vector<16xi32>
      %gather3A_247 = tpu.vector_load_idx %arg8[%add3A_96, %broadcast_in_dim3A_246] masked %and3A : memref<512x128xf32, #tpu.memory_space<vmem>>[vector<16xi32>, vector<16xi32>], vector<16xf32>, vector<16xi1>
      tpu.vector_store_idx %arg9[%broadcast_in_dim3A_246, %select_n3A], %gather3A_247 masked %and3A : memref<64x512xf32, #tpu.memory_space<vmem>>[vector<16xi32>, vector<16xi32>], vector<16xf32>, vector<16xi1>
      %broadcast_in_dim3A_248 = arith.constant 48 : i32
      %broadcast_in_dim3A_249 = vector.broadcast %broadcast_in_dim3A_248 : i32 to vector<16xi32>
      %gather3A_250 = tpu.vector_load_idx %arg8[%add3A_96, %broadcast_in_dim3A_249] masked %and3A : memref<512x128xf32, #tpu.memory_space<vmem>>[vector<16xi32>, vector<16xi32>], vector<16xf32>, vector<16xi1>
      tpu.vector_store_idx %arg9[%broadcast_in_dim3A_249, %select_n3A], %gather3A_250 masked %and3A : memref<64x512xf32, #tpu.memory_space<vmem>>[vector<16xi32>, vector<16xi32>], vector<16xf32>, vector<16xi1>
      %broadcast_in_dim3A_251 = arith.constant 49 : i32
      %broadcast_in_dim3A_252 = vector.broadcast %broadcast_in_dim3A_251 : i32 to vector<16xi32>
      %gather3A_253 = tpu.vector_load_idx %arg8[%add3A_96, %broadcast_in_dim3A_252] masked %and3A : memref<512x128xf32, #tpu.memory_space<vmem>>[vector<16xi32>, vector<16xi32>], vector<16xf32>, vector<16xi1>
      tpu.vector_store_idx %arg9[%broadcast_in_dim3A_252, %select_n3A], %gather3A_253 masked %and3A : memref<64x512xf32, #tpu.memory_space<vmem>>[vector<16xi32>, vector<16xi32>], vector<16xf32>, vector<16xi1>
      %broadcast_in_dim3A_254 = arith.constant 50 : i32
      %broadcast_in_dim3A_255 = vector.broadcast %broadcast_in_dim3A_254 : i32 to vector<16xi32>
      %gather3A_256 = tpu.vector_load_idx %arg8[%add3A_96, %broadcast_in_dim3A_255] masked %and3A : memref<512x128xf32, #tpu.memory_space<vmem>>[vector<16xi32>, vector<16xi32>], vector<16xf32>, vector<16xi1>
      tpu.vector_store_idx %arg9[%broadcast_in_dim3A_255, %select_n3A], %gather3A_256 masked %and3A : memref<64x512xf32, #tpu.memory_space<vmem>>[vector<16xi32>, vector<16xi32>], vector<16xf32>, vector<16xi1>
      %broadcast_in_dim3A_257 = arith.constant 51 : i32
      %broadcast_in_dim3A_258 = vector.broadcast %broadcast_in_dim3A_257 : i32 to vector<16xi32>
      %gather3A_259 = tpu.vector_load_idx %arg8[%add3A_96, %broadcast_in_dim3A_258] masked %and3A : memref<512x128xf32, #tpu.memory_space<vmem>>[vector<16xi32>, vector<16xi32>], vector<16xf32>, vector<16xi1>
      tpu.vector_store_idx %arg9[%broadcast_in_dim3A_258, %select_n3A], %gather3A_259 masked %and3A : memref<64x512xf32, #tpu.memory_space<vmem>>[vector<16xi32>, vector<16xi32>], vector<16xf32>, vector<16xi1>
      %broadcast_in_dim3A_260 = arith.constant 52 : i32
      %broadcast_in_dim3A_261 = vector.broadcast %broadcast_in_dim3A_260 : i32 to vector<16xi32>
      %gather3A_262 = tpu.vector_load_idx %arg8[%add3A_96, %broadcast_in_dim3A_261] masked %and3A : memref<512x128xf32, #tpu.memory_space<vmem>>[vector<16xi32>, vector<16xi32>], vector<16xf32>, vector<16xi1>
      tpu.vector_store_idx %arg9[%broadcast_in_dim3A_261, %select_n3A], %gather3A_262 masked %and3A : memref<64x512xf32, #tpu.memory_space<vmem>>[vector<16xi32>, vector<16xi32>], vector<16xf32>, vector<16xi1>
      %broadcast_in_dim3A_263 = arith.constant 53 : i32
      %broadcast_in_dim3A_264 = vector.broadcast %broadcast_in_dim3A_263 : i32 to vector<16xi32>
      %gather3A_265 = tpu.vector_load_idx %arg8[%add3A_96, %broadcast_in_dim3A_264] masked %and3A : memref<512x128xf32, #tpu.memory_space<vmem>>[vector<16xi32>, vector<16xi32>], vector<16xf32>, vector<16xi1>
      tpu.vector_store_idx %arg9[%broadcast_in_dim3A_264, %select_n3A], %gather3A_265 masked %and3A : memref<64x512xf32, #tpu.memory_space<vmem>>[vector<16xi32>, vector<16xi32>], vector<16xf32>, vector<16xi1>
      %broadcast_in_dim3A_266 = arith.constant 54 : i32
      %broadcast_in_dim3A_267 = vector.broadcast %broadcast_in_dim3A_266 : i32 to vector<16xi32>
      %gather3A_268 = tpu.vector_load_idx %arg8[%add3A_96, %broadcast_in_dim3A_267] masked %and3A : memref<512x128xf32, #tpu.memory_space<vmem>>[vector<16xi32>, vector<16xi32>], vector<16xf32>, vector<16xi1>
      tpu.vector_store_idx %arg9[%broadcast_in_dim3A_267, %select_n3A], %gather3A_268 masked %and3A : memref<64x512xf32, #tpu.memory_space<vmem>>[vector<16xi32>, vector<16xi32>], vector<16xf32>, vector<16xi1>
      %broadcast_in_dim3A_269 = arith.constant 55 : i32
      %broadcast_in_dim3A_270 = vector.broadcast %broadcast_in_dim3A_269 : i32 to vector<16xi32>
      %gather3A_271 = tpu.vector_load_idx %arg8[%add3A_96, %broadcast_in_dim3A_270] masked %and3A : memref<512x128xf32, #tpu.memory_space<vmem>>[vector<16xi32>, vector<16xi32>], vector<16xf32>, vector<16xi1>
      tpu.vector_store_idx %arg9[%broadcast_in_dim3A_270, %select_n3A], %gather3A_271 masked %and3A : memref<64x512xf32, #tpu.memory_space<vmem>>[vector<16xi32>, vector<16xi32>], vector<16xf32>, vector<16xi1>
      %broadcast_in_dim3A_272 = arith.constant 56 : i32
      %broadcast_in_dim3A_273 = vector.broadcast %broadcast_in_dim3A_272 : i32 to vector<16xi32>
      %gather3A_274 = tpu.vector_load_idx %arg8[%add3A_96, %broadcast_in_dim3A_273] masked %and3A : memref<512x128xf32, #tpu.memory_space<vmem>>[vector<16xi32>, vector<16xi32>], vector<16xf32>, vector<16xi1>
      tpu.vector_store_idx %arg9[%broadcast_in_dim3A_273, %select_n3A], %gather3A_274 masked %and3A : memref<64x512xf32, #tpu.memory_space<vmem>>[vector<16xi32>, vector<16xi32>], vector<16xf32>, vector<16xi1>
      %broadcast_in_dim3A_275 = arith.constant 57 : i32
      %broadcast_in_dim3A_276 = vector.broadcast %broadcast_in_dim3A_275 : i32 to vector<16xi32>
      %gather3A_277 = tpu.vector_load_idx %arg8[%add3A_96, %broadcast_in_dim3A_276] masked %and3A : memref<512x128xf32, #tpu.memory_space<vmem>>[vector<16xi32>, vector<16xi32>], vector<16xf32>, vector<16xi1>
      tpu.vector_store_idx %arg9[%broadcast_in_dim3A_276, %select_n3A], %gather3A_277 masked %and3A : memref<64x512xf32, #tpu.memory_space<vmem>>[vector<16xi32>, vector<16xi32>], vector<16xf32>, vector<16xi1>
      %broadcast_in_dim3A_278 = arith.constant 58 : i32
      %broadcast_in_dim3A_279 = vector.broadcast %broadcast_in_dim3A_278 : i32 to vector<16xi32>
      %gather3A_280 = tpu.vector_load_idx %arg8[%add3A_96, %broadcast_in_dim3A_279] masked %and3A : memref<512x128xf32, #tpu.memory_space<vmem>>[vector<16xi32>, vector<16xi32>], vector<16xf32>, vector<16xi1>
      tpu.vector_store_idx %arg9[%broadcast_in_dim3A_279, %select_n3A], %gather3A_280 masked %and3A : memref<64x512xf32, #tpu.memory_space<vmem>>[vector<16xi32>, vector<16xi32>], vector<16xf32>, vector<16xi1>
      %broadcast_in_dim3A_281 = arith.constant 59 : i32
      %broadcast_in_dim3A_282 = vector.broadcast %broadcast_in_dim3A_281 : i32 to vector<16xi32>
      %gather3A_283 = tpu.vector_load_idx %arg8[%add3A_96, %broadcast_in_dim3A_282] masked %and3A : memref<512x128xf32, #tpu.memory_space<vmem>>[vector<16xi32>, vector<16xi32>], vector<16xf32>, vector<16xi1>
      tpu.vector_store_idx %arg9[%broadcast_in_dim3A_282, %select_n3A], %gather3A_283 masked %and3A : memref<64x512xf32, #tpu.memory_space<vmem>>[vector<16xi32>, vector<16xi32>], vector<16xf32>, vector<16xi1>
      %broadcast_in_dim3A_284 = arith.constant 60 : i32
      %broadcast_in_dim3A_285 = vector.broadcast %broadcast_in_dim3A_284 : i32 to vector<16xi32>
      %gather3A_286 = tpu.vector_load_idx %arg8[%add3A_96, %broadcast_in_dim3A_285] masked %and3A : memref<512x128xf32, #tpu.memory_space<vmem>>[vector<16xi32>, vector<16xi32>], vector<16xf32>, vector<16xi1>
      tpu.vector_store_idx %arg9[%broadcast_in_dim3A_285, %select_n3A], %gather3A_286 masked %and3A : memref<64x512xf32, #tpu.memory_space<vmem>>[vector<16xi32>, vector<16xi32>], vector<16xf32>, vector<16xi1>
      %broadcast_in_dim3A_287 = arith.constant 61 : i32
      %broadcast_in_dim3A_288 = vector.broadcast %broadcast_in_dim3A_287 : i32 to vector<16xi32>
      %gather3A_289 = tpu.vector_load_idx %arg8[%add3A_96, %broadcast_in_dim3A_288] masked %and3A : memref<512x128xf32, #tpu.memory_space<vmem>>[vector<16xi32>, vector<16xi32>], vector<16xf32>, vector<16xi1>
      tpu.vector_store_idx %arg9[%broadcast_in_dim3A_288, %select_n3A], %gather3A_289 masked %and3A : memref<64x512xf32, #tpu.memory_space<vmem>>[vector<16xi32>, vector<16xi32>], vector<16xf32>, vector<16xi1>
      %broadcast_in_dim3A_290 = arith.constant 62 : i32
      %broadcast_in_dim3A_291 = vector.broadcast %broadcast_in_dim3A_290 : i32 to vector<16xi32>
      %gather3A_292 = tpu.vector_load_idx %arg8[%add3A_96, %broadcast_in_dim3A_291] masked %and3A : memref<512x128xf32, #tpu.memory_space<vmem>>[vector<16xi32>, vector<16xi32>], vector<16xf32>, vector<16xi1>
      tpu.vector_store_idx %arg9[%broadcast_in_dim3A_291, %select_n3A], %gather3A_292 masked %and3A : memref<64x512xf32, #tpu.memory_space<vmem>>[vector<16xi32>, vector<16xi32>], vector<16xf32>, vector<16xi1>
      %broadcast_in_dim3A_293 = arith.constant 63 : i32
      %broadcast_in_dim3A_294 = vector.broadcast %broadcast_in_dim3A_293 : i32 to vector<16xi32>
      %gather3A_295 = tpu.vector_load_idx %arg8[%add3A_96, %broadcast_in_dim3A_294] masked %and3A : memref<512x128xf32, #tpu.memory_space<vmem>>[vector<16xi32>, vector<16xi32>], vector<16xf32>, vector<16xi1>
      tpu.vector_store_idx %arg9[%broadcast_in_dim3A_294, %select_n3A], %gather3A_295 masked %and3A : memref<64x512xf32, #tpu.memory_space<vmem>>[vector<16xi32>, vector<16xi32>], vector<16xf32>, vector<16xi1>
      %scan3A_296 = arith.constant 0 : i32
      scf.yield %scan3A_296 : i32
    }
    %scan3A_90 = arith.constant 32 : i32
    %multiple_of3A = tpu.assume_multiple %mul3A_2, 128 : i32
    "tpu.region"() ({
      %run_scoped3A = tpu.sem_alloc : memref<!tpu.dma_semaphore, #tpu.memory_space<semaphore_mem>>
      %dma_start3A_91 = arith.constant 0 : i32
      %dma_start3A_92 = tpu.memref_slice %arg4[%dma_start3A_91, %multiple_of3A] : memref<64x16384xf32, #tpu.memory_space<hbm>> -> memref<64x512xf32, #tpu.memory_space<hbm>>
      %dma_start3A_93 = arith.constant 0 : i32
      %dma_start3A_94 = tpu.memref_slice %arg4[%dma_start3A_93, %multiple_of3A] : memref<64x16384xf32, #tpu.memory_space<hbm>> -> memref<64x512xf32, #tpu.memory_space<hbm>>
      tpu.enqueue_dma source(%arg9 : memref<64x512xf32, #tpu.memory_space<vmem>>) target(%dma_start3A_94 : memref<64x512xf32, #tpu.memory_space<hbm>>) target_semaphore(%run_scoped3A : memref<!tpu.dma_semaphore, #tpu.memory_space<semaphore_mem>>)
      %dma_wait3A_95 = arith.constant 0 : i32
      %dma_wait3A_96 = tpu.memref_slice %arg4[%dma_wait3A_95, %multiple_of3A] : memref<64x16384xf32, #tpu.memory_space<hbm>> -> memref<64x512xf32, #tpu.memory_space<hbm>>
      %dma_wait3A_97 = arith.constant 0 : i32
      %dma_wait3A_98 = tpu.memref_slice %arg4[%dma_wait3A_97, %multiple_of3A] : memref<64x16384xf32, #tpu.memory_space<hbm>> -> memref<64x512xf32, #tpu.memory_space<hbm>>
      tpu.wait_dma2 semaphore(%run_scoped3A : memref<!tpu.dma_semaphore, #tpu.memory_space<semaphore_mem>>) src(%arg9 : memref<64x512xf32, #tpu.memory_space<vmem>>) dst(%dma_wait3A_98 : memref<64x512xf32, #tpu.memory_space<hbm>>)
      tpu.yield
    }) : () -> ()
    return
  }
}

</mosaic_0001>

<sc_bundles>
// kernel: kernel.4.cloned.1.call-start
scs
__scs_entry_jumppad:
0x0: {  	(pc) =	sbr.rel $0x88, $3  }
0x1: {  	(tag) =	ssettag $0x0;
	lr =	simm.s32 $0x1  }
0x2: {  	[smem:$0x3F9F] =	sst lr;
	_ =	strace $0xD0000000  }
0x3: {  	_ = 	snop  }
0x4: {  	_ = 	snop  }
0x5: {  	_ = 	snop  }
0x6: {  	_ = 	snop  }
0x7: {  	_ = 	snop  }
__scs_overlays_trampoline_lowered:
0x8: {  	[smem:$0x3FAE] =	sst s0  }
0x9: {  	[smem:$0x3FAF] =	sst s1  }
0xa: {  	[smem:$0x3FB0] =	sst s2  }
0xb: {  	[smem:$0x3FB1] =	sst s3  }
0xc: {  	[smem:$0x3FB2] =	sst s4  }
0xd: {  	[smem:$0x3FB3] =	sst s5  }
0xe: {  	[smem:$0x3FB4] =	sst s6  }
0xf: {  	[smem:$0x3FB5] =	sst s7  }
0x10: {  	[smem:$0x3FB6] =	sst s8  }
0x11: {  	[smem:$0x3FB7] =	sst s9;
	s0 =	simm.s32 @!p0 $0x0  }
0x12: {  	s1 =	sld [smem:$0x3F9D];
	s0 =	simm.s32 @p0 $0x1  }
0x13: {  	[smem:$0x3FB8] =	sst s0;
	s0 =	simm.s32 @!p1 $0x0  }
0x14: {  	s2 =	sld [smem:$0x3F9C];
	s0 =	simm.s32 @p1 $0x1  }
0x15: {  	[smem:$0x3FB9] =	sst s0;
	s0 =	simm.s32 @!p2 $0x0  }
0x16: {  	s3 =	sld [smem:$0x3FDB];
	s0 =	simm.s32 @p2 $0x1  }
0x17: {  	s4 =	simm.s32 $0x1BF5;
	[smem:$0x3FBB] =	sst s0  }
0x18: {  	s0 =	sld [smem:$0x3F9E];
	_ =	swait.ge [sflag:s4], $0x0  }
0x19: {  	s7 =	sld [smem:$0x3F9F]  }
0x1a: {  	s8 =	sadd.s32 $0xFFFFE003, lr  }
0x1b: {  	s9 =	sadd.s32 $0xFFFFFEF7, lr;
	s5 =	simm.s32 $0xFFFFFFFF;
	p2 =	slt.u32 s8, $0xFFFFF086  }
0x1c: {  	p1 =	slt.u32 s9, $0xF7A;
	s5 =	simm.s32 @!p2 $0x0  }
0x1d: {  	s5 =	simm.s32 @p1 $0x1;
	p0 =	seq.s32 s7, s2  }
0x1e: {  	s7 =	smul.u32 @!p0 $0xF7A, s2;
	p2 =	seq.s32 @!p0 s5, $0x0  }
0x1f: {  	s9 =	smul.u32 $0xF7A, s1;
	s8 =	simm.s32 @!p0 $0x1BF5;
	p2 =	por !p2, p0  }
0x20: {  	[sflag:s8] =	ssyncset.s32 @!p0 $0xFFFFF086;
	s6 =	sadd.s32 @!p0 s3, s7;
	s7 =	simm.s32 @!p0 $0x108  }
0x21: {  	s3 =	sadd.s32 s3, s9;
	s6 =	sadd.s32 @!p0 $0x88, s6;
	s7 =	simm.s32 @p2 $0x1082  }
0x22: {  	[simem:s7], [sflag:s8] =	dma.local @!p0 [hbm:s6], $0xF7A  }
0x23: {  	s9 =	sor.u32 $0xD0000000, s2;
	s6 =	simm.s32 $0x108;
	_ =	swait.ge @!p0 [sflag:s8], $0x0  }
0x24: {  	s3 =	sadd.s32 $0x88, s3;
	s6 =	simm.s32 @!p1 $0x1082;
	[sflag:s4] =	ssyncset.s32 $0xFFFFF086  }
0x25: {  	[simem:s6], [sflag:s4] =	dma.local [hbm:s3], $0xF7A  }
0x26: {  	[smem:$0x3F9F] =	sst s1;
	(tag) =	ssettag s2;
	_ =	strace s9  }
0x27: {  	s1 =	sld [smem:$0x3FAF]  }
0x28: {  	s2 =	sld [smem:$0x3FB0]  }
0x29: {  	s4 =	sld [smem:$0x3FB2]  }
0x2a: {  	p0 =	seq.s32 s5, $0x0;
	s5 =	sld [smem:$0x3FB3]  }
0x2b: {  	s6 =	sld [smem:$0x3FB4]  }
0x2c: {  	s7 =	sld [smem:$0x3FB5]  }
0x2d: {  	s3 =	simm.s32 $0x108;
	s8 =	sld [smem:$0x3FB6]  }
0x2e: {  	s3 =	simm.s32 @!p0 $0x1082;
	s9 =	sld [smem:$0x3FB7]  }
0x2f: {  	lr =	sadd.s32 s0, s3;
	s0 =	sld [smem:$0x3FAE]  }
0x30: {  	s3 =	sld [smem:$0x3FB1]  }
0x31: {  	[smem:$0x3FBA] =	sst s10  }
0x32: {  	s10 =	sld [smem:$0x3FB8];
	_ =	sdelay $0x3  }
0x33: {  	p0 =	seq.s32 s10, $0x1;
	s10 =	sld [smem:$0x3FBA];
	_ =	sdelay $0x3  }
0x34: {  	[smem:$0x3FBA] =	sst s10  }
0x35: {  	s10 =	sld [smem:$0x3FB9];
	_ =	sdelay $0x3  }
0x36: {  	p1 =	seq.s32 s10, $0x1;
	s10 =	sld [smem:$0x3FBA];
	_ =	sdelay $0x3  }
0x37: {  	[smem:$0x3FBA] =	sst s10  }
0x38: {  	s10 =	sld [smem:$0x3FBB]  }
0x39: {  	_ = 	snop;
	(pc) =	sbr.ind lr, $3  }
0x3a: {  	_ = 	snop  }
0x3b: {  	_ = 	snop  }
0x3c: {  	p2 =	seq.s32 s10, $0x1;
	s10 =	sld [smem:$0x3FBA]  }
0x3d: {  	_ =	shalt  }
0x3e: {  	_ =	shalt  }
0x3f: {  	_ =	shalt  }
0x40: {  	_ =	shalt  }
0x41: {  	_ =	shalt  }
0x42: {  	_ =	shalt  }
0x43: {  	_ =	shalt  }
0x44: {  	_ =	shalt  }
0x45: {  	_ =	shalt  }
0x46: {  	_ =	shalt  }
0x47: {  	_ =	shalt  }
0x48: {  	_ =	shalt  }
0x49: {  	_ =	shalt  }
0x4a: {  	_ =	shalt  }
0x4b: {  	_ =	shalt  }
0x4c: {  	_ =	shalt  }
0x4d: {  	_ =	shalt  }
0x4e: {  	_ =	shalt  }
0x4f: {  	_ =	shalt  }
0x50: {  	_ =	shalt  }
0x51: {  	_ =	shalt  }
0x52: {  	_ =	shalt  }
0x53: {  	_ =	shalt  }
0x54: {  	_ =	shalt  }
0x55: {  	_ =	shalt  }
0x56: {  	_ =	shalt  }
0x57: {  	_ =	shalt  }
0x58: {  	_ =	shalt  }
0x59: {  	_ =	shalt  }
0x5a: {  	_ =	shalt  }
0x5b: {  	_ =	shalt  }
0x5c: {  	_ =	shalt  }
0x5d: {  	_ =	shalt  }
0x5e: {  	_ =	shalt  }
0x5f: {  	_ =	shalt  }
0x60: {  	_ =	shalt  }
0x61: {  	_ =	shalt  }
0x62: {  	_ =	shalt  }
0x63: {  	_ =	shalt  }
0x64: {  	_ =	shalt  }
0x65: {  	_ =	shalt  }
0x66: {  	_ =	shalt  }
0x67: {  	_ =	shalt  }
0x68: {  	_ =	shalt  }
0x69: {  	_ =	shalt  }
0x6a: {  	_ =	shalt  }
0x6b: {  	_ =	shalt  }
0x6c: {  	_ =	shalt  }
0x6d: {  	_ =	shalt  }
0x6e: {  	_ =	shalt  }
0x6f: {  	_ =	shalt  }
0x70: {  	_ =	shalt  }
0x71: {  	_ =	shalt  }
0x72: {  	_ =	shalt  }
0x73: {  	_ =	shalt  }
0x74: {  	_ =	shalt  }
0x75: {  	_ =	shalt  }
0x76: {  	_ =	shalt  }
0x77: {  	_ =	shalt  }
0x78: {  	_ =	shalt  }
0x79: {  	_ =	shalt  }
0x7a: {  	_ =	shalt  }
0x7b: {  	_ =	shalt  }
0x7c: {  	_ =	shalt  }
0x7d: {  	_ =	shalt  }
0x7e: {  	_ =	shalt  }
0x7f: {  	_ =	shalt  }
0x80: {  	_ =	shalt  }
0x81: {  	_ =	shalt  }
0x82: {  	_ =	shalt  }
0x83: {  	_ =	shalt  }
0x84: {  	_ =	shalt  }
0x85: {  	_ =	shalt  }
0x86: {  	_ =	shalt  }
0x87: {  	_ =	shalt  }
.Lfunc_end0:
.L_simem_size_0:
called_computation_lowered:
.L_overlay_start_0:
0x88: {  	s2 =	sld [smem:$0x3FD9]  }
0x89: {  	s3 =	sld [smem:$0x3FFE];
	_ =	sdelay $0x1  }
0x8a: {  	s1 =	srdreg.scid  }
0x8b: {  	s0 =	sand.u32 $0x1, s1  }
0x8c: {  	s17 =	sshll.u32 s0, $0xA;
	s2 =	sadd.s32 s3, s2  }
0x8d: {  	s2 =	sadd.s32 s2, s17  }
0x8e: {  	[smem:$0x3FC6] =	sst s2  }
0x8f: {  	_ = 	snop  }
0x90: {  	s2 =	sld [smem:$0x3FC9]  }
0x91: {  	s18 =	sld [smem:$0x3FC8]  }
0x92: {  	s4 =	sld [smem:$0x3FD0];
	(tm) =	ssettm $0x1  }
0x93: {  	s5 =	sld [smem:$0x3FFB];
	_ =	sdelay $0x3  }
0x94: {  	_ =	strace s5  }
0x95: {  	s5 =	sld [smem:$0x3FFC];
	_ =	sdelay $0x3  }
0x96: {  	_ =	strace s5  }
0x97: {  	s5 =	sld [smem:$0x3FFD];
	_ =	sdelay $0x3  }
0x98: {  	_ =	strace s5  }
0x99: {  	_ =	strace $0x8FFFFFFF  }
0x9a: {  	s19 =	sld [smem:$0x3FDB];
	_ =	sdelay $0x1  }
0x9b: {  	s6 =	simm.s32 $_scs_section_size  }
0x9c: {  	s7 =	simm.s32 $_size__tile_overlayer_lowered;
	s8 =	simm.s32 $_tile_overlayer_lowered  }
0x9d: {  	s22 =	simm.s32 $0x1BFF;
	s21 =	sshll.u32 s8, $0x1;
	s5 =	sadd.s32 s6, s19  }
0x9e: {  	s9 =	simm.s32 $0x0;
	s20 =	sshll.u32 s7, $0x1;
	s7 =	sadd.s32 s21, s5  }
0x9f: {  	[timem:s9], [sflag:s22] =	dma.local [hbm:s7], s20  }
0xa0: {  	_ =	swait.ge [sflag:s22], s20  }
0xa1: {  	s6 =	ssub.s32 $0x0, s20;
	[sflag:s22] =	ssyncset.done $0x0  }
0xa2: {  	[sflag:s22] =	ssyncadd.s32 s6;
	_ =	sdelay $0x1  }
0xa3: {  	s23 =	simm.s32 $0x1B8B  }
0xa4: {  	_ =	swait.ge [sflag:s23], $0x1  }
0xa5: {  	[sflag:s23] =	ssyncset.done $0x0  }
0xa6: {  	s25 =	simm.s32 $0x1B8E;
	s24 =	sld [smem:$0x3FFE];
	[sflag:s23] =	ssyncadd.s32 $0xFFFFFFFF  }
0xa7: {  	s26 =	simm.s32 $execute0_lowered;
	[smem:$0x3FD2] =	sst s25  }
0xa8: {  	s7 =	sshll.u32 s26, $0x1;
	_ =	strace $0x80000046;
	[dreg:$0x1] =	wrdreg $0xFFFFFFFF  }
0xa9: {  	s28 =	simm.s32 $_size_execute0_lowered;
	s5 =	sadd.s32 s5, s7;
	[dreg:$0x0] =	wrdreg $0x0  }
0xaa: {  	s7 =	sshll.u32 s28, $0x1;
	[dreg:$0x2] =	wrdreg s5  }
0xab: {  	[dreg:$0x3] =	wrdreg s7  }
0xac: {  	[dreg:$0x4] =	wrdreg $0xC0  }
0xad: {  	_ =	task [dreg:s9], $0x5FFFF  }
0xae: {  	[dreg:$0x1] =	wrdreg $0xFFFFFFFF  }
0xaf: {  	[dreg:$0x0] =	wrdreg $0x60  }
0xb0: {  	[dreg:$0x2] =	wrdreg s2  }
0xb1: {  	[dreg:$0x3] =	wrdreg s18  }
0xb2: {  	[dreg:$0x4] =	wrdreg s4  }
0xb3: {  	[dreg:$0x5] =	wrdreg s24  }
0xb4: {  	[dreg:$0x6] =	wrdreg $0x9  }
0xb5: {  	_ =	task.clear_ibuf [dreg:s9], $0x7FFFF;
	_ =	strace $0x90000046  }
0xb6: {  	s29 =	simm.s32 $0x9;
	_ =	strace $0x80000048  }
0xb7: {  	_ =	swait.ge [sflag:s29], $0x1  }
0xb8: {  	[sflag:s29] =	ssyncadd.s32 $0xFFFFFFFF  }
0xb9: {  	_ =	strace $0x90000048  }
0xba: {  	_ =	sfence  }
0xbb: {  	s30 =	sld [smem:$0x0];
	_ =	sdelay $0x2  }
0xbc: {  	s31 =	sshll.u32 s1, $0xD;
	s1 =	sshrl.u32 s1, $0x2  }
0xbd: {  	s3 =	sand.u32 $0x4000, s31;
	s1 =	sadd.s32 s1, s30  }
0xbe: {  	s0 =	sor.u32 s3, s0;
	s1 =	sshll.u32 s1, $0x11  }
0xbf: {  	s0 =	sor.u32 s1, s0  }
0xc0: {  	s0 =	sadd.s32 $0x8F2B, s0  }
0xc1: {  	[sflag:s0] =	ssyncadd.remote.s32 $0x1  }
0xc2: {  	_ =	sfence.sel $0xFFFF  }
0xc3: {  	[dreg:$0x0] =	wrdreg $0xFFFFFFFF;
	(pc) =	sbr.abs _section_cstart, $3  }
0xc4: {  	[dreg:$0x1] =	wrdreg $0xFFFFFFFF  }
0xc5: {  	_ =	task.clear_ibuf [dreg:s9], $0x2FFFF;
	_ =	strace $0x9FFFFFFF  }
0xc6: {  	(tm) =	ssettm $0x7FFFFFFF  }
0xc7: {  	_ =	shalt  }
tec
execute0_lowered:
.L_overlay_start_1:
0x0: {  	(tag) =	ssettag $0x1  }
0x1: {  	s7 =	rddreg [dreg:$0x1]  }
0x2: {  	s9 =	rddreg [dreg:$0x2]  }
0x3: {  	s0 =	rddreg [dreg:$0x3];
	s1 =	srdreg.scid  }
0x4: {  	s4 =	simm.s32 $0x0;
	s2 =	stileid.u32;
	s1 =	sand.u32 $0x1, s1  }
0x5: {  	[smem:$0x7FF] =	sst s4;
	s3 =	sshll.u32 s2, $0x1;
	s5 =	smul.u32 $0x480, s2  }
0x6: {  	s6 =	sadd.s32 $0x800, s0;
	s20 =	sadd.s32 $0xF4280, s7;
	s21 =	sadd.s32 $0x1E8500, s7  }
0x7: {  	s8 =	smul.u32 $0x4800, s1;
	s3 =	sor.u32 s1, s3;
	s1 =	ssub.s32 $0x2, s1  }
0x8: {  	_ =	strace $0x80000047;
	[dreg:$0x18] =	wrdreg s20;
	s23 =	sshrl.u32 s1, $0x1  }
0x9: {  	p0 =	seq.s32 s3, $0x1F;
	[dreg:$0x5] =	wrdreg s8;
	s5 =	sadd.s32 s5, s8  }
0xa: {  	s8 =	sadd.s32 $0x90800, s0;
	s0 =	ssub.s32 s1, s23;
	s1 =	simm.s32 $0x3F  }
0xb: {  	[dreg:$0x19] =	wrdreg s21;
	s1 =	simm.s32 @!p0 $0x3D  }
0xc: {  	s5 =	sshrl.u32 s5, $0x3;
	s0 =	smax.u32 s0, $0x1;
	[dreg:$0x13] =	wrdreg s1  }
0xd: {  	s5 =	sadd.s32 s8, s5;
	[dreg:$0x14] =	wrdreg s0  }
0xe: {  	s24 =	sadd.s32 $0x8, s5;
	[dreg:$0x6] =	wrdreg s5  }
0xf: {  	s25 =	sadd.s32 $0x10, s5;
	[dreg:$0x7] =	wrdreg s24  }
0x10: {  	s26 =	sadd.s32 $0x18, s5;
	[dreg:$0x8] =	wrdreg s25  }
0x11: {  	s29 =	sadd.s32 $0x20, s5;
	[dreg:$0x9] =	wrdreg s26  }
0x12: {  	s30 =	sadd.s32 $0x28, s5;
	[dreg:$0xa] =	wrdreg s29  }
0x13: {  	s31 =	sadd.s32 $0x30, s5;
	[dreg:$0xb] =	wrdreg s30  }
0x14: {  	s11 =	sadd.s32 $0x38, s5;
	[dreg:$0xc] =	wrdreg s31  }
0x15: {  	s12 =	sadd.s32 $0x40, s5;
	[dreg:$0xd] =	wrdreg s11  }
0x16: {  	s13 =	sadd.s32 $0x48, s5;
	[dreg:$0xe] =	wrdreg s12  }
0x17: {  	s14 =	sadd.s32 $0x50, s5;
	[dreg:$0xf] =	wrdreg s13  }
0x18: {  	s28 =	simm.s32 $0x2;
	s15 =	sadd.s32 $0x58, s5;
	[dreg:$0x10] =	wrdreg s14  }
0x19: {  	s21 =	simm.s32 $0x1C180;
	s16 =	sadd.s32 $0x68, s5;
	[dreg:$0x11] =	wrdreg s15  }
0x1a: {  	s10 =	smul.u32 $0x7A00, s3;
	s17 =	sadd.s32 $0x70, s5;
	[dreg:$0x12] =	wrdreg s16  }
0x1b: {  	s23 =	sadd.s32 $0x3FEA, s2;
	s18 =	sadd.s32 $0x78, s5;
	[dreg:$0x15] =	wrdreg s17  }
0x1c: {  	s3 =	sadd.s32 $0x7A00, s10;
	s19 =	sadd.s32 $0x88, s5;
	[dreg:$0x16] =	wrdreg s18  }
0x1d: {  	s3 =	simm.s32 @p0 $0xF4240;
	s22 =	sadd.s32 $0x60, s5;
	[dreg:$0x17] =	wrdreg s19  }
0x1e: {  	p0 =	sne.s32 s2, $0x0;
	[dreg:$0x1a] =	wrdreg s22;
	s24 =	sadd.s32 $0x2DC780, s7  }
0x1f: {  	s25 =	sadd.s32 $0x3D0A00, s7;
	s26 =	sadd.s32 $0x80, s5;
	s29 =	sadd.s32 $0x4C4C80, s7  }
0x20: {  	s30 =	sadd.s32 $0x5B8F00, s7;
	s31 =	sadd.s32 $0x6AD180, s7;
	s14 =	sadd.s32 $0x80, s9  }
0x21: {  	s5 =	sadd.s32 $0x100, s9;
	s15 =	sadd.s32 $0x180, s9;
	[dreg:$0x1b] =	wrdreg s24  }
.Ltmp0:
0x22: {  	s16 =	sadd.s32 $0x200, s9;
	[dreg:$0x1c] =	wrdreg s25;
	(pc) =	sbr.rel .LBB2_1-.Ltmp0, $4  }
0x23: {  	s17 =	sadd.s32 $0x280, s9;
	s18 =	sadd.s32 $0x300, s9;
	[dreg:$0x1d] =	wrdreg s26  }
0x24: {  	s19 =	sadd.s32 $0x380, s9;
	s11 =	simm.s32 $0x4;
	[dreg:$0x1e] =	wrdreg s29  }
0x25: {  	v2 =	vlaneseq.u32;
	s13 =	smov.u32 s10;
	s12 =	simm.s32 $0x0;
	[dreg:$0x1f] =	wrdreg s30  }
0x26: {  	v3 =	vimm.s32 $0x4000;
	v1 =	vmov s10;
	v0 =	vmov s3;
	[smem:$0x7FD] =	sst s31;
	s25 =	simm.s32 $0x10180;
	s26 =	simm.s32 $0x18180  }
.LBB2_28:
0x27: {  	[sflag:s28] =	ssyncadd.s32 $0xFFFFFFC0  }
.LBB2_29:
0x28: {  	s12 =	sadd.s32 $0x1, s12;
	s0 =	rddreg [dreg:$0x14]  }
0x29: {  	p1 =	sne.s32 s12, s0  }
.Ltmp1:
0x2a: {  	_ = 	snop;
	(pc) =	sbr.rel @!p1 .LBB2_30-.Ltmp1, $1  }
0x2b: {  	_ =	sdelay $0x3  }
.LBB2_1:
0x2c: {  	[smem:$0x7FC] =	sst s12  }
0x2d: {  	s0 =	rddreg [dreg:$0x0]  }
0x2e: {  	[tilespmem:s4], [sflag:$0x4] =	stream.linear.gather [hbm4b:s0+s4], $0x4000, $0x38;
	[tilespmem:$0x1C280] =	vst v63  }
0x2f: {  	_ =	swait.ge [sflag:s11], $0x4000  }
0x30: {  	[sflag:s11] =	ssyncset.done $0x0  }
0x31: {  	[sflag:s11] =	ssyncadd.s32 $0xFFFFC000  }
0x32: {  	v4 =	vld [tilespmem:s4+$0x0];
	_ =	sdelay $0x4  }
0x33: {  	vm0 =	vge.s32 v4, v1;
	vm1 =	vlt.s32 v4, v0  }
0x34: {  	vm0 =	vmand vm0, vm1  }
0x35: {  	v4 =	vmpcnt.ones.xlane vm0;
	_ =	sdelay $0x1  }
0x36: {  	(v2sf) =	vpush v4, $0x0;
	_ =	sdelay $0x4  }
0x37: {  	v5 =	vor.u32 s4, v2  }
0x38: {  	s0 =	simm.s32 $0x10;
	[tilespmem:s4+$0x4000] =	vst.msk vm0, v5  }
0x39: {  	s2 =	simm.s32 $0x20;
	s1 =	simm.s32 $0x0;
	s3 =	simm.s32 $0x10;
	v4 =	vld [tilespmem:s0+$0x0]  }
.LBB2_2:
0x3a: {  	p1 =	sne.s32 s2, $0x3FF0;
	_ =	sdelay $0x3  }
0x3b: {  	vm0 =	vge.s32 v4, v1;
	vm1 =	vlt.s32 v4, v0  }
0x3c: {  	vm0 =	vmand vm0, vm1  }
0x3d: {  	v4 =	vmpcnt.ones.xlane vm0  }
0x3e: {  	s7 =	spop (v2sf)  }
0x3f: {  	v5 =	vor.u32 s0, v2;
	s0 =	smov.u32 s2;
	(v2sf) =	vpush v4, $0x0;
	s1 =	sadd.s32 s1, s7  }
0x40: {  	[tilespmem:s1+$0x4000] =	vst.msk vm0, v5;
	_ =	sdelay $0x1  }
.Ltmp2:
0x41: {  	(pc) =	sbr.rel @p1 .LBB2_2-.Ltmp2, $3  }
0x42: {  	_ =	sdelay $0x1  }
0x43: {  	s3 =	sadd.s32 $0x10, s3  }
0x44: {  	s2 =	sadd.s32 $0x10, s2;
	v4 =	vld [tilespmem:s3+$0x0]  }
0x45: {  	_ =	sdelay $0x3  }
0x46: {  	vm0 =	vge.s32 v4, v1;
	vm1 =	vlt.s32 v4, v0  }
0x47: {  	vm0 =	vmand vm0, vm1  }
0x48: {  	v4 =	vmpcnt.ones.xlane vm0;
	_ =	sdelay $0x1  }
0x49: {  	(v2sf) =	vpush v4, $0x0;
	_ =	sdelay $0x6  }
0x4a: {  	s2 =	spop (v2sf)  }
0x4b: {  	v4 =	vor.u32 s0, v2;
	s2 =	sadd.s32 s1, s2  }
0x4c: {  	[tilespmem:s2+$0x4000] =	vst.msk vm0, v4  }
0x4d: {  	[tilespmem:$0x1C180] =	vst v3  }
0x4e: {  	[tilespmem:$0x1C190] =	vst v3  }
0x4f: {  	[tilespmem:$0x1C1A0] =	vst v3  }
0x50: {  	s20 =	rddreg [dreg:$0x6];
	[tilespmem:$0x1C1B0] =	vst v3  }
0x51: {  	[hbm4b:s20+s4] =	stream.linear.scatter [tilespmem:s21], [sflag:$0x4], $0x40, $0x38;
	[tilespmem:$0x1C280] =	vst v63  }
0x52: {  	s3 =	spop (v2sf)  }
0x53: {  	_ =	swait.ge [sflag:s11], $0x40  }
0x54: {  	[sflag:s11] =	ssyncset.done $0x0  }
0x55: {  	s22 =	rddreg [dreg:$0x7];
	[sflag:s11] =	ssyncadd.s32 $0xFFFFFFC0  }
0x56: {  	[hbm4b:s22+s4] =	stream.linear.scatter [tilespmem:s21], [sflag:$0x4], $0x40, $0x38;
	[tilespmem:$0x1C280] =	vst v63  }
0x57: {  	_ =	swait.ge [sflag:s11], $0x40  }
0x58: {  	[sflag:s11] =	ssyncset.done $0x0  }
0x59: {  	s24 =	rddreg [dreg:$0x8];
	[sflag:s11] =	ssyncadd.s32 $0xFFFFFFC0  }
0x5a: {  	[hbm4b:s24+s4] =	stream.linear.scatter [tilespmem:s21], [sflag:$0x4], $0x40, $0x38;
	[tilespmem:$0x1C280] =	vst v63  }
0x5b: {  	_ =	swait.ge [sflag:s11], $0x40  }
0x5c: {  	[sflag:s11] =	ssyncset.done $0x0  }
0x5d: {  	s29 =	rddreg [dreg:$0x9];
	[sflag:s11] =	ssyncadd.s32 $0xFFFFFFC0  }
0x5e: {  	[hbm4b:s29+s4] =	stream.linear.scatter [tilespmem:s21], [sflag:$0x4], $0x40, $0x38;
	[tilespmem:$0x1C280] =	vst v63  }
0x5f: {  	_ =	swait.ge [sflag:s11], $0x40  }
0x60: {  	[sflag:s11] =	ssyncset.done $0x0  }
0x61: {  	s30 =	rddreg [dreg:$0xa];
	[sflag:s11] =	ssyncadd.s32 $0xFFFFFFC0  }
0x62: {  	[hbm4b:s30+s4] =	stream.linear.scatter [tilespmem:s21], [sflag:$0x4], $0x40, $0x38;
	[tilespmem:$0x1C280] =	vst v63  }
0x63: {  	_ =	swait.ge [sflag:s11], $0x40  }
0x64: {  	[sflag:s11] =	ssyncset.done $0x0  }
0x65: {  	s1 =	rddreg [dreg:$0xb];
	[sflag:s11] =	ssyncadd.s32 $0xFFFFFFC0  }
0x66: {  	[hbm4b:s1+s4] =	stream.linear.scatter [tilespmem:s21], [sflag:$0x4], $0x40, $0x38;
	[tilespmem:$0x1C280] =	vst v63  }
0x67: {  	_ =	swait.ge [sflag:s11], $0x40  }
0x68: {  	[sflag:s11] =	ssyncset.done $0x0  }
0x69: {  	s7 =	rddreg [dreg:$0xc];
	[sflag:s11] =	ssyncadd.s32 $0xFFFFFFC0  }
0x6a: {  	[hbm4b:s7+s4] =	stream.linear.scatter [tilespmem:s21], [sflag:$0x4], $0x40, $0x38;
	[tilespmem:$0x1C280] =	vst v63  }
0x6b: {  	_ =	swait.ge [sflag:s11], $0x40  }
0x6c: {  	[sflag:s11] =	ssyncset.done $0x0  }
0x6d: {  	s9 =	rddreg [dreg:$0xd];
	[sflag:s11] =	ssyncadd.s32 $0xFFFFFFC0  }
0x6e: {  	[hbm4b:s9+s4] =	stream.linear.scatter [tilespmem:s21], [sflag:$0x4], $0x40, $0x38;
	[tilespmem:$0x1C280] =	vst v63  }
0x6f: {  	_ =	swait.ge [sflag:s11], $0x40  }
0x70: {  	[sflag:s11] =	ssyncset.done $0x0  }
0x71: {  	s10 =	rddreg [dreg:$0xe];
	[sflag:s11] =	ssyncadd.s32 $0xFFFFFFC0  }
0x72: {  	[hbm4b:s10+s4] =	stream.linear.scatter [tilespmem:s21], [sflag:$0x4], $0x40, $0x38;
	[tilespmem:$0x1C280] =	vst v63  }
0x73: {  	_ =	swait.ge [sflag:s11], $0x40  }
0x74: {  	[sflag:s11] =	ssyncset.done $0x0  }
0x75: {  	s12 =	rddreg [dreg:$0xf];
	[sflag:s11] =	ssyncadd.s32 $0xFFFFFFC0  }
0x76: {  	[hbm4b:s12+s4] =	stream.linear.scatter [tilespmem:s21], [sflag:$0x4], $0x40, $0x38;
	[tilespmem:$0x1C280] =	vst v63  }
0x77: {  	_ =	swait.ge [sflag:s11], $0x40  }
0x78: {  	[sflag:s11] =	ssyncset.done $0x0  }
0x79: {  	s20 =	rddreg [dreg:$0x10];
	[sflag:s11] =	ssyncadd.s32 $0xFFFFFFC0  }
0x7a: {  	[hbm4b:s20+s4] =	stream.linear.scatter [tilespmem:s21], [sflag:$0x4], $0x40, $0x38;
	[tilespmem:$0x1C280] =	vst v63  }
0x7b: {  	_ =	swait.ge [sflag:s11], $0x40  }
0x7c: {  	[sflag:s11] =	ssyncset.done $0x0  }
0x7d: {  	s22 =	rddreg [dreg:$0x11];
	[sflag:s11] =	ssyncadd.s32 $0xFFFFFFC0  }
0x7e: {  	[hbm4b:s22+s4] =	stream.linear.scatter [tilespmem:s21], [sflag:$0x4], $0x40, $0x38;
	[tilespmem:$0x1C280] =	vst v63  }
0x7f: {  	_ =	swait.ge [sflag:s11], $0x40  }
0x80: {  	[sflag:s11] =	ssyncset.done $0x0  }
0x81: {  	s24 =	rddreg [dreg:$0x1a];
	[sflag:s11] =	ssyncadd.s32 $0xFFFFFFC0  }
0x82: {  	[hbm4b:s24+s4] =	stream.linear.scatter [tilespmem:s21], [sflag:$0x4], $0x40, $0x38;
	[tilespmem:$0x1C280] =	vst v63  }
0x83: {  	_ =	swait.ge [sflag:s11], $0x40  }
0x84: {  	[sflag:s11] =	ssyncset.done $0x0  }
0x85: {  	s29 =	rddreg [dreg:$0x12];
	[sflag:s11] =	ssyncadd.s32 $0xFFFFFFC0  }
0x86: {  	[hbm4b:s29+s4] =	stream.linear.scatter [tilespmem:s21], [sflag:$0x4], $0x40, $0x38;
	[tilespmem:$0x1C280] =	vst v63  }
0x87: {  	_ =	swait.ge [sflag:s11], $0x40  }
0x88: {  	[sflag:s11] =	ssyncset.done $0x0  }
0x89: {  	s30 =	rddreg [dreg:$0x15];
	[sflag:s11] =	ssyncadd.s32 $0xFFFFFFC0  }
0x8a: {  	[hbm4b:s30+s4] =	stream.linear.scatter [tilespmem:s21], [sflag:$0x4], $0x40, $0x38;
	[tilespmem:$0x1C280] =	vst v63  }
0x8b: {  	_ =	swait.ge [sflag:s11], $0x40  }
0x8c: {  	[sflag:s11] =	ssyncset.done $0x0  }
0x8d: {  	s1 =	rddreg [dreg:$0x16];
	[sflag:s11] =	ssyncadd.s32 $0xFFFFFFC0  }
0x8e: {  	[hbm4b:s1+s4] =	stream.linear.scatter [tilespmem:s21], [sflag:$0x4], $0x40, $0x38;
	[tilespmem:$0x1C280] =	vst v63  }
0x8f: {  	_ =	swait.ge [sflag:s11], $0x40  }
0x90: {  	[sflag:s11] =	ssyncset.done $0x0  }
0x91: {  	s0 =	sadd.s32 s2, s3;
	s7 =	rddreg [dreg:$0x1d];
	[sflag:s11] =	ssyncadd.s32 $0xFFFFFFC0  }
0x92: {  	[hbm4b:s7+s4] =	stream.linear.scatter [tilespmem:s21], [sflag:$0x4], $0x40, $0x38;
	[tilespmem:$0x1C280] =	vst v63  }
0x93: {  	s2 =	simm.s32 @!p0 $0x0;
	s10 =	sadd.s32 $0x3F, s0;
	_ =	swait.ge [sflag:s11], $0x40  }
0x94: {  	p1 =	slt.s32 s10, $0x1;
	s12 =	sshra.s32 s10, $0x1F;
	[sflag:s11] =	ssyncset.done $0x0  }
0x95: {  	s20 =	sadd.s32 $0xF, s0;
	s9 =	rddreg [dreg:$0x17];
	[sflag:s11] =	ssyncadd.s32 $0xFFFFFFC0  }
0x96: {  	[hbm4b:s9+s4] =	stream.linear.scatter [tilespmem:s21], [sflag:$0x4], $0x40, $0x38;
	[tilespmem:$0x1C280] =	vst v63  }
0x97: {  	s3 =	sshrl.u32 s12, $0x1A;
	s22 =	sshra.s32 s20, $0x1F;
	_ =	swait.ge [sflag:s11], $0x40  }
0x98: {  	p5 =	slt.s32 s20, $0x1;
	s24 =	sshrl.u32 s22, $0x1C;
	[sflag:s11] =	ssyncset.done $0x0  }
0x99: {  	s1 =	sadd.s32 s3, s10;
	[sflag:s11] =	ssyncadd.s32 $0xFFFFFFC0;
	s11 =	sand.u32 $0x3F, s10  }
0x9a: {  	s3 =	simm.s32 $0x1;
	s7 =	sand.u32 $0xF, s20;
	p2 =	sne.s32 s11, $0x0  }
0x9b: {  	s1 =	sshrl.u32 s1, $0x6;
	p6 =	sne.s32 s7, $0x0;
	p1 =	por !p1, !p2  }
0x9c: {  	s7 =	simm.s32 $0x0;
	s9 =	simm.s32 $0x3;
	p1 =	por !p1, !p1  }
0x9d: {  	s10 =	simm.s32 $0x0;
	[smem:$0x0] =	sst @!p0 s2;
	s3 =	simm.s32 @!p1 $0x0  }
0x9e: {  	s2 =	simm.s32 $0x1;
	[bflag:$0x0] =	sbarrier.arrive $0xFFFF;
	s1 =	ssub.s32 s1, s3  }
0x9f: {  	[sflag:s9] =	ssyncset.done $0x0;
	p1 =	por !p5, !p6;
	s1 =	sshll.u32 s1, $0x6  }
0xa0: {  	p1 =	por !p1, !p1;
	s3 =	simm.s32 $0x0;
	[smem:s10], [sflag:$0x3] =	smem.add.s32 s1  }
.Ltmp3:
0xa1: {  	s1 =	sadd.s32 s24, s20;
	_ =	swait.done [sflag:s9];
	(pc) =	sbr.rel .LBB2_4-.Ltmp3, $4  }
0xa2: {  	s2 =	simm.s32 @!p1 $0x0;
	s1 =	sshra.s32 s1, $0x4;
	s29 =	ssyncread [sflag:$0x3]  }
0xa3: {  	[sflag:s9] =	ssyncset.s32 $0x0;
	s20 =	ssub.s32 s1, s2;
	s30 =	rddreg [dreg:$0x5]  }
0xa4: {  	s2 =	simm.s32 $0x0;
	[sflag:s9] =	ssyncset.done $0x0;
	p1 =	slt.s32 s20, $0x1  }
0xa5: {  	v4 =	vmov s0;
	s9 =	simm.s32 $0x0;
	s31 =	sadd.s32 s30, s29;
	s24 =	sand.u32 $0x7, s29  }
.LBB2_16:
0xa6: {  	s7 =	sadd.s32 $0x1, s7;
	s0 =	rddreg [dreg:$0x13]  }
0xa7: {  	p2 =	sne.s32 s7, s0  }
.Ltmp4:
0xa8: {  	_ = 	snop;
	(pc) =	sbr.rel @!p2 .LBB2_17-.Ltmp4, $1  }
0xa9: {  	_ =	sdelay $0x3  }
.LBB2_4:
0xaa: {  	p2 =	sgt.u32 s7, $0x3D  }
0xab: {  	p3 =	sne.s32 @p2 s7, $0x3E  }
0xac: {  	p3 =	por p3, !p2  }
0xad: {  	s11 =	rddreg [dreg:$0x2];
	s0 =	simm.s32 @!p3 $0x0;
	s1 =	simm.s32 @!p3 $0x10180  }
0xae: {  	[tilespmem:s1], [sflag:$0x4] =	stream.linear.gather @!p3 [hbm4b:s11+s0], $0x400, $0x38;
	[tilespmem:$0x1C280] =	vst v63  }
0xaf: {  	s1 =	simm.s32 @!p3 $0x11180  }
0xb0: {  	[tilespmem:s1], [sflag:$0x4] =	stream.linear.gather @!p3 [hbm4b:s14+s0], $0x400, $0x38;
	[tilespmem:$0x1C280] =	vst v63  }
0xb1: {  	s1 =	simm.s32 @!p3 $0x12180  }
0xb2: {  	[tilespmem:s1], [sflag:$0x4] =	stream.linear.gather @!p3 [hbm4b:s5+s0], $0x400, $0x38;
	[tilespmem:$0x1C280] =	vst v63  }
0xb3: {  	s1 =	simm.s32 @!p3 $0x13180  }
0xb4: {  	[tilespmem:s1], [sflag:$0x4] =	stream.linear.gather @!p3 [hbm4b:s15+s0], $0x400, $0x38;
	[tilespmem:$0x1C280] =	vst v63  }
0xb5: {  	s1 =	simm.s32 @!p3 $0x14180  }
0xb6: {  	[tilespmem:s1], [sflag:$0x4] =	stream.linear.gather @!p3 [hbm4b:s16+s0], $0x400, $0x38;
	[tilespmem:$0x1C280] =	vst v63  }
0xb7: {  	s1 =	simm.s32 @!p3 $0x15180  }
0xb8: {  	[tilespmem:s1], [sflag:$0x4] =	stream.linear.gather @!p3 [hbm4b:s17+s0], $0x400, $0x38;
	[tilespmem:$0x1C280] =	vst v63  }
0xb9: {  	s1 =	simm.s32 @!p3 $0x16180  }
0xba: {  	[tilespmem:s1], [sflag:$0x4] =	stream.linear.gather @!p3 [hbm4b:s18+s0], $0x400, $0x38;
	[tilespmem:$0x1C280] =	vst v63  }
0xbb: {  	s1 =	simm.s32 @!p3 $0x17180  }
0xbc: {  	[tilespmem:s1], [sflag:$0x4] =	stream.linear.gather @!p3 [hbm4b:s19+s0], $0x400, $0x38;
	[tilespmem:$0x1C280] =	vst v63  }
0xbd: {  	s0 =	simm.s32 @!p3 $0x4  }
0xbe: {  	_ =	swait.ge @!p3 [sflag:s0], $0x2000  }
0xbf: {  	[sflag:s0] =	ssyncset.done @!p3 $0x0  }
0xc0: {  	s30 =	sshll.u32 s7, $0x9;
	[sflag:s0] =	ssyncadd.s32 @!p3 $0xFFFFE000  }
0xc1: {  	s22 =	sadd.s32 s13, s30;
	s0 =	rddreg [dreg:$0x1]  }
0xc2: {  	s11 =	simm.s32 @!p2 $0x10180;
	s1 =	simm.s32 @!p2 $0x0;
	s0 =	sadd.s32 @!p2 s0, s22  }
0xc3: {  	[tilespmem:s11], [sflag:$0x1] =	stream.linear.gather @!p2 [hbm4b:s0+s1], $0x1000, $0x38;
	[tilespmem:$0x1C280] =	vst v63  }
0xc4: {  	s0 =	rddreg [dreg:$0x18]  }
0xc5: {  	s11 =	simm.s32 @!p2 $0x11180;
	s0 =	sadd.s32 @!p2 s22, s0  }
0xc6: {  	[tilespmem:s11], [sflag:$0x1] =	stream.linear.gather @!p2 [hbm4b:s0+s1], $0x1000, $0x38;
	[tilespmem:$0x1C280] =	vst v63  }
0xc7: {  	s0 =	rddreg [dreg:$0x19]  }
0xc8: {  	s11 =	simm.s32 @!p2 $0x12180;
	s0 =	sadd.s32 @!p2 s22, s0  }
0xc9: {  	[tilespmem:s11], [sflag:$0x1] =	stream.linear.gather @!p2 [hbm4b:s0+s1], $0x1000, $0x38;
	[tilespmem:$0x1C280] =	vst v63  }
0xca: {  	s0 =	rddreg [dreg:$0x1b]  }
0xcb: {  	s11 =	simm.s32 @!p2 $0x13180;
	s0 =	sadd.s32 @!p2 s22, s0  }
0xcc: {  	[tilespmem:s11], [sflag:$0x1] =	stream.linear.gather @!p2 [hbm4b:s0+s1], $0x1000, $0x38;
	[tilespmem:$0x1C280] =	vst v63  }
0xcd: {  	s0 =	rddreg [dreg:$0x1c]  }
0xce: {  	s11 =	simm.s32 @!p2 $0x14180;
	s0 =	sadd.s32 @!p2 s22, s0  }
0xcf: {  	[tilespmem:s11], [sflag:$0x1] =	stream.linear.gather @!p2 [hbm4b:s0+s1], $0x1000, $0x38;
	[tilespmem:$0x1C280] =	vst v63  }
0xd0: {  	s0 =	rddreg [dreg:$0x1e]  }
0xd1: {  	s11 =	simm.s32 @!p2 $0x15180;
	s0 =	sadd.s32 @!p2 s22, s0  }
0xd2: {  	[tilespmem:s11], [sflag:$0x1] =	stream.linear.gather @!p2 [hbm4b:s0+s1], $0x1000, $0x38;
	[tilespmem:$0x1C280] =	vst v63  }
0xd3: {  	s0 =	rddreg [dreg:$0x1f]  }
0xd4: {  	s11 =	simm.s32 @!p2 $0x16180;
	s0 =	sadd.s32 @!p2 s22, s0  }
0xd5: {  	[tilespmem:s11], [sflag:$0x1] =	stream.linear.gather @!p2 [hbm4b:s0+s1], $0x1000, $0x38;
	[tilespmem:$0x1C280] =	vst v63  }
0xd6: {  	s0 =	sld [smem:$0x7FD];
	_ =	sdelay $0x2  }
0xd7: {  	s11 =	simm.s32 @!p2 $0x17180;
	s0 =	sadd.s32 @!p2 s22, s0  }
0xd8: {  	[tilespmem:s11], [sflag:$0x1] =	stream.linear.gather @!p2 [hbm4b:s0+s1], $0x1000, $0x38;
	[tilespmem:$0x1C280] =	vst v63  }
0xd9: {  	s0 =	simm.s32 @!p2 $0x1  }
0xda: {  	_ =	swait.ge @!p2 [sflag:s0], $0x1000  }
0xdb: {  	[sflag:s0] =	ssyncset.done @!p2 $0x0  }
0xdc: {  	[sflag:s0] =	ssyncadd.s32 @!p2 $0xFFFFF000  }
0xdd: {  	_ =	swait.ge @!p2 [sflag:s0], $0x1000  }
0xde: {  	[sflag:s0] =	ssyncset.done @!p2 $0x0  }
0xdf: {  	[sflag:s0] =	ssyncadd.s32 @!p2 $0xFFFFF000  }
0xe0: {  	_ =	swait.ge @!p2 [sflag:s0], $0x1000  }
0xe1: {  	[sflag:s0] =	ssyncset.done @!p2 $0x0  }
0xe2: {  	[sflag:s0] =	ssyncadd.s32 @!p2 $0xFFFFF000  }
0xe3: {  	_ =	swait.ge @!p2 [sflag:s0], $0x1000  }
0xe4: {  	[sflag:s0] =	ssyncset.done @!p2 $0x0  }
0xe5: {  	[sflag:s0] =	ssyncadd.s32 @!p2 $0xFFFFF000  }
0xe6: {  	_ =	swait.ge @!p2 [sflag:s0], $0x1000  }
0xe7: {  	[sflag:s0] =	ssyncset.done @!p2 $0x0  }
0xe8: {  	[sflag:s0] =	ssyncadd.s32 @!p2 $0xFFFFF000  }
0xe9: {  	_ =	swait.ge @!p2 [sflag:s0], $0x1000  }
0xea: {  	[sflag:s0] =	ssyncset.done @!p2 $0x0  }
0xeb: {  	[sflag:s0] =	ssyncadd.s32 @!p2 $0xFFFFF000  }
0xec: {  	_ =	swait.ge @!p2 [sflag:s0], $0x1000  }
.Ltmp5:
0xed: {  	[sflag:s0] =	ssyncset.done @!p2 $0x0;
	(pc) =	sbr.rel @p1 .LBB2_11-.Ltmp5, $4  }
0xee: {  	[sflag:s0] =	ssyncadd.s32 @!p2 $0xFFFFF000  }
0xef: {  	_ =	swait.ge @!p2 [sflag:s0], $0x1000  }
0xf0: {  	[sflag:s0] =	ssyncset.done @!p2 $0x0  }
0xf1: {  	v5 =	vmov s22;
	[sflag:s0] =	ssyncadd.s32 @!p2 $0xFFFFF000;
	s0 =	simm.s32 $0x0  }
0xf2: {  	p3 =	sne.s32 s20, $0x1  }
.Ltmp6:
0xf3: {  	_ = 	snop;
	(pc) =	sbr.rel @!p3 .LBB2_6-.Ltmp6, $3  }
0xf4: {  	_ =	sdelay $0x1  }
0xf5: {  	s0 =	sadd.s32 $0x200, s22;
	s1 =	simm.s32 $0x4000  }
0xf6: {  	s22 =	simm.s32 $0x0;
	p2 =	por $0x0, $0x0;
	v6 =	vmov s0;
	v7 =	vld [tilespmem:s1+$0x0];
	s0 =	sadd.s32 $0xFFFFFFFF, s20  }
0xf7: {  	_ =	sdelay $0x1  }
0xf8: {  	v8 =	vor.u32 s22, v2  }
0xf9: {  	vm0 =	vlt.s32 v8, v4  }
0xfa: {  	v7 =	vnsel vm0, $0x0, v7;
	_ =	sdelay $0x4  }
0xfb: {  	v8 =	vld.idx.msk [tilespmem:v7+s4+$0x0], $0xffff;
	_ =	sdelay $0x4  }
0xfc: {  	p3 =	sne.s32 s0, $0x1;
	vm1 =	vlt.s32 v8, v6  }
.Ltmp7:
0xfd: {  	vm2 =	vge.s32 v8, v5;
	vm0 =	vmand vm1, vm0;
	(pc) =	sbr.rel @!p3 .LBB2_8-.Ltmp7, $4  }
0xfe: {  	vm0 =	vmand vm0, vm2  }
0xff: {  	[tilespmem:s22+$0x8080] =	vst.msk vm0, v7;
	v9 =	vmpcnt.ones.xlane vm0  }
0x100: {  	s30 =	simm.s32 $0x4010;
	s1 =	sadd.s32 $0xFFFFFFFF, s0;
	[tilespmem:s22+$0xC100] =	vst.msk vm0, v8  }
0x101: {  	p2 =	por $0x1, $0x1;
	s0 =	simm.s32 $0x0;
	s29 =	simm.s32 $0x0;
	v7 =	vld [tilespmem:s30+$0x0];
	(v2sf) =	vpush v9, $0x0  }
.LBB2_9:
0x102: {  	p3 =	sne.s32 s1, $0x1  }
0x103: {  	s0 =	sadd.s32 $0x10, s0  }
0x104: {  	v8 =	vor.u32 s0, v2  }
0x105: {  	vm0 =	vlt.s32 v8, v4  }
0x106: {  	v7 =	vnsel vm0, $0x0, v7;
	_ =	sdelay $0x4  }
0x107: {  	v8 =	vld.idx.msk [tilespmem:v7+s4+$0x0], $0xffff;
	_ =	sdelay $0x4  }
0x108: {  	s11 =	spop (v2sf)  }
0x109: {  	vm1 =	vlt.s32 v8, v6;
	s29 =	sadd.s32 s29, s11  }
.Ltmp8:
0x10a: {  	vm2 =	vge.s32 v8, v5;
	vm0 =	vmand vm1, vm0;
	(pc) =	sbr.rel @p3 .LBB2_9-.Ltmp8, $4  }
0x10b: {  	vm0 =	vmand vm0, vm2  }
0x10c: {  	v9 =	vmpcnt.ones.xlane vm0;
	[tilespmem:s29+$0x8080] =	vst.msk vm0, v7  }
0x10d: {  	s30 =	sadd.s32 $0x10, s30;
	[tilespmem:s29+$0xC100] =	vst.msk vm0, v8  }
0x10e: {  	s1 =	sadd.s32 $0xFFFFFFFF, s1;
	v7 =	vld [tilespmem:s30+$0x0];
	(v2sf) =	vpush v9, $0x0  }
.LBB2_10:
0x10f: {  	s0 =	sadd.s32 @p2 $0x10, s0;
	s1 =	simm.s32 $0x0  }
0x110: {  	s1 =	smov.u32 @p2 s0  }
0x111: {  	v8 =	vor.u32 s1, v2  }
0x112: {  	vm0 =	vlt.s32 v8, v4  }
0x113: {  	v7 =	vnsel vm0, $0x0, v7;
	_ =	sdelay $0x4  }
0x114: {  	v63 =	vld.idx.msk [tilespmem:v7+s4+$0x0], $0xffff;
	_ =	sdelay $0x4  }
0x115: {  	vm1 =	vlt.s32 v63, v6  }
0x116: {  	vm2 =	vge.s32 v63, v5;
	vm0 =	vmand vm1, vm0  }
0x117: {  	vm0 =	vmand vm0, vm2  }
0x118: {  	v6 =	vmpcnt.ones.xlane vm0;
	_ =	sdelay $0x1  }
0x119: {  	(v2sf) =	vpush v6, $0x0;
	_ =	sdelay $0xb  }
0x11a: {  	s0 =	spop @p2 (v2sf)  }
0x11b: {  	s0 =	sadd.s32 @p2 s29, s0  }
0x11c: {  	s22 =	smov.u32 @p2 s0  }
0x11d: {  	[tilespmem:s22+$0x8080] =	vst.msk vm0, v7;
	s30 =	spop (v2sf)  }
0x11e: {  	[tilespmem:s22+$0xC100] =	vst.msk vm0, v63;
	s0 =	sadd.s32 s22, s30  }
.LBB2_11:
0x11f: {  	s1 =	sadd.s32 $0xF, s0  }
0x120: {  	s11 =	sand.u32 $0xF, s1  }
0x121: {  	s22 =	sshra.s32 s1, $0x1F;
	p2 =	slt.s32 s1, $0x1;
	p3 =	sne.s32 s11, $0x0  }
0x122: {  	s30 =	sshrl.u32 s22, $0x1C;
	p2 =	por !p2, !p3  }
0x123: {  	s11 =	simm.s32 $0x1;
	s1 =	sadd.s32 s30, s1;
	p2 =	por !p2, !p2  }
0x124: {  	s1 =	sshra.s32 s1, $0x4;
	s11 =	simm.s32 @!p2 $0x0  }
0x125: {  	s22 =	ssub.s32 s1, s11  }
0x126: {  	p2 =	slt.s32 s22, $0x1  }
.Ltmp9:
0x127: {  	_ = 	snop;
	(pc) =	sbr.rel @p2 .LBB2_16-.Ltmp9, $1  }
0x128: {  	_ =	sdelay $0x3  }
0x129: {  	v6 =	vmov s0;
	s29 =	simm.s32 $0x0;
	s30 =	simm.s32 $0x0  }
.LBB2_13:
0x12a: {  	p2 =	seq.s32 s9, $0x0;
	p3 =	sgt.s32 s10, $0x1  }
0x12b: {  	p2 =	por !p2, !p3  }
0x12c: {  	p2 =	por !p2, !p2  }
0x12d: {  	s0 =	simm.s32 @p2 $0x2  }
0x12e: {  	_ =	swait.ge @p2 [sflag:s0], $0x2000  }
0x12f: {  	[sflag:s0] =	ssyncset.done @p2 $0x0  }
0x130: {  	[sflag:s0] =	ssyncadd.s32 @p2 $0xFFFFE000  }
0x131: {  	_ =	swait.ge @p2 [sflag:s0], $0x40  }
0x132: {  	[sflag:s0] =	ssyncset.done @p2 $0x0  }
0x133: {  	s1 =	sshll.u32 s30, $0x4;
	[sflag:s0] =	ssyncadd.s32 @p2 $0xFFFFFFC0  }
0x134: {  	v7 =	vld [tilespmem:s1+$0xC100];
	_ =	sdelay $0x3  }
0x135: {  	v8 =	vor.u32 s1, v2  }
0x136: {  	vm0 =	vlt.s32 v8, v6;
	v7 =	vsub.s32 v7, v5  }
0x137: {  	v8 =	vmov s29;
	v7 =	vnsel vm0, $0x0, v7  }
0x138: {  	v11 =	vshll.u32 v8, $0x9;
	v9 =	vshll.u32 v7, $0x3  }
0x139: {  	v8 =	vshll.u32 v8, $0x7;
	v10 =	vand.u32 $0xFFFFFC00, v9;
	v9 =	vand.u32 $0x7000, v11  }
0x13a: {  	v8 =	vand.u32 $0x380, v8;
	v11 =	vadd.s32 v10, v9  }
0x13b: {  	v9 =	vand.u32 $0x7F, v7;
	v7 =	vor.u32 v8, v11  }
0x13c: {  	s0 =	simm.s32 $0x1;
	v13 =	vor.u32 v9, v7  }
0x13d: {  	v11 =	vmov s2;
	v7 =	vmov s0  }
0x13e: {  	v8 =	vadd.s32 s9, v2;
	v14 =	vshll.u32 v11, $0xD;
	v12 =	vshll.u32 v7, $0x9  }
0x13f: {  	v15 =	vshll.u32 v8, $0x7;
	v7 =	vshll.u32 v7, $0x7;
	v12 =	vand.u32 $0x7000, v12  }
0x140: {  	v17 =	vand.u32 $0x380, v7;
	v16 =	vadd.s32 v10, v12;
	v12 =	vadd.s32 v15, v14  }
0x141: {  	v14 =	vor.u32 v17, v16;
	v15 =	vadd.s32 s29, v12;
	v13 =	vld.idx.msk [tilespmem:v13+s25+$0x0], vm0  }
0x142: {  	v14 =	vor.u32 v9, v14  }
0x143: {  	v7 =	vld [tilespmem:s1+$0x8080];
	s1 =	simm.s32 $0x2  }
0x144: {  	s11 =	simm.s32 $0x3;
	v16 =	vmov s1  }
.LBB2_14:
0x145: {  	p3 =	sne.s32 s11, $0x3F;
	v17 =	vshll.u32 v16, $0x9  }
0x146: {  	v16 =	vshll.u32 v16, $0x7;
	v17 =	vand.u32 $0x7000, v17;
	[tilespmem:v15+s26+$0x0] =	vst.idx.msk vm0, v13  }
.Ltmp10:
0x147: {  	v16 =	vand.u32 $0x380, v16;
	v15 =	vadd.s32 v10, v17;
	v13 =	vld.idx.msk [tilespmem:v14+s25+$0x0], vm0;
	(pc) =	sbr.rel @p3 .LBB2_14-.Ltmp10, $3  }
0x148: {  	v14 =	vor.u32 v16, v15;
	v15 =	vadd.s32 s0, v12;
	s0 =	smov.u32 s1;
	s1 =	smov.u32 s11  }
0x149: {  	v14 =	vor.u32 v9, v14;
	_ =	sdelay $0x1  }
0x14a: {  	s11 =	sadd.s32 $0x1, s11;
	v16 =	vmov s1  }
0x14b: {  	_ =	sdelay $0x2  }
0x14c: {  	v17 =	vshll.u32 v16, $0x9  }
0x14d: {  	v59 =	vshll.u32 v16, $0x7;
	v17 =	vand.u32 $0x7000, v17  }
0x14e: {  	[tilespmem:v15+s26+$0x0] =	vst.idx.msk vm0, v13;
	v60 =	vand.u32 $0x380, v59;
	v10 =	vadd.s32 v10, v17  }
0x14f: {  	v61 =	vadd.s32 s0, v12;
	v14 =	vld.idx.msk [tilespmem:v14+s25+$0x0], vm0;
	v10 =	vor.u32 v60, v10  }
0x150: {  	v9 =	vor.u32 v9, v10;
	_ =	sdelay $0x3  }
0x151: {  	v62 =	vand.u32 $0xFFFFFF80, v8;
	v11 =	vshll.u32 v11, $0x7;
	s9 =	sadd.s32 $0x10, s9;
	[tilespmem:v61+s26+$0x0] =	vst.idx.msk vm0, v14  }
0x152: {  	v63 =	vadd.s32 s1, v12;
	v8 =	vand.u32 $0x7F, v8;
	p3 =	sne.s32 s9, $0x40;
	v10 =	vadd.s32 v62, v11;
	v9 =	vld.idx.msk [tilespmem:v9+s25+$0x0], vm0  }
0x153: {  	s0 =	sld @!p3 [smem:$0x7FF];
	v8 =	vor.u32 v8, v10  }
0x154: {  	p4 =	seq.s32 @!p3 s24, $0x0;
	s1 =	sshll.u32 @!p3 s3, $0x6  }
0x155: {  	s11 =	sshll.u32 @!p3 s2, $0xD;
	s1 =	sadd.s32 @!p3 s31, s1;
	p5 =	por p4, p3  }
0x156: {  	s12 =	sshll.u32 @!p3 s1, $0x4;
	p5 =	sne.s32 @!p5 s0, $0x1;
	s0 =	sand.u32 @!p3 $0x3FFFE000, s11  }
0x157: {  	v7 =	vnsel vm0, $0x4000, v7;
	s11 =	sand.u32 @!p3 $0xFFFFF80, s12;
	s12 =	simm.s32 @!p3 $0x0;
	p4 =	por @!p3 !p5, p4;
	[tilespmem:v63+s26+$0x0] =	vst.idx.msk vm0, v9  }
0x158: {  	s0 =	sadd.s32 @!p3 $0x18180, s0;
	s11 =	sadd.s32 @!p3 s6, s11;
	p4 =	por p4, p3;
	[tilespmem:v8+s21+$0x0] =	vst.idx.msk $0xffff, v7  }
0x159: {  	[hbm4b:s11+s12] =	stream.linear.scatter @!p3 [tilespmem:s0], [sflag:$0x2], $0x2000, $0x38;
	[tilespmem:$0x1C280] =	vst v63  }
0x15a: {  	s0 =	sor.u32 @!p4 $0x100000, s23  }
0x15b: {  	[smem:s0], [sflag:$0x0] =	smem.add.s32 @!p4 $0x18E;
	s0 =	simm.s32 @!p4 $0x0  }
0x15c: {  	s11 =	simm.s32 @!p4 $0x1;
	_ =	swait.done @!p4 [sflag:s0]  }
0x15d: {  	[smem:$0x7FF] =	sst @!p4 s11;
	s11 =	sshll.u32 @!p3 s2, $0x7  }
0x15e: {  	s1 =	sshrl.u32 @!p3 s1, $0x3;
	_ =	sint @!p4 $0x2;
	s11 =	sand.u32 @!p3 $0x3FFFFF80, s11  }
0x15f: {  	_ =	swait.notdone @!p4 [sflag:s0];
	s0 =	sadd.s32 @!p3 s8, s1;
	s1 =	sadd.s32 @!p3 $0x1C180, s11  }
0x160: {  	[hbm4b:s0+s12] =	stream.linear.scatter @!p3 [tilespmem:s1], [sflag:$0x2], $0x40, $0x38;
	[tilespmem:$0x1C280] =	vst v63  }
0x161: {  	s30 =	sadd.s32 $0x1, s30;
	s0 =	simm.s32 $0xFFFFFFFF  }
0x162: {  	s0 =	simm.s32 @!p2 $0x0;
	p2 =	sne.s32 s30, s22  }
.Ltmp11:
0x163: {  	_ = 	snop;
	(pc) =	sbr.rel @p2 .LBB2_13-.Ltmp11, $4  }
.Ltmp12:
0x164: {  	p4 =	seq.s32 s9, $0x40;
	s1 =	simm.s32 $0x1;
	(pc) =	sbr.rel @!p2 .LBB2_16-.Ltmp12, $4  }
0x165: {  	s1 =	simm.s32 @!p4 $0x0  }
0x166: {  	s9 =	simm.s32 @!p3 $0x0;
	s10 =	sadd.s32 s1, s10  }
0x167: {  	s2 =	sxor.u32 s1, s2;
	s3 =	sadd.s32 s1, s3;
	s10 =	sadd.s32 s0, s10  }
0x168: {  	_ = 	snop  }
.LBB2_6:
.Ltmp13:
0x169: {  	(pc) =	sbr.rel .LBB2_10-.Ltmp13, $2  }
0x16a: {  	_ =	sdelay $0x2  }
0x16b: {  	s0 =	simm.s32 $0x0;
	s29 =	simm.s32 $0x0  }
.LBB2_8:
.Ltmp14:
0x16c: {  	(pc) =	sbr.rel .LBB2_10-.Ltmp14, $2  }
0x16d: {  	_ =	sdelay $0x2  }
0x16e: {  	s0 =	simm.s32 $0x0;
	s29 =	simm.s32 $0x0  }
.LBB2_17:
0x16f: {  	p1 =	slt.s32 s9, $0x1  }
0x170: {  	p2 =	slt.s32 @!p1 s10, $0x2  }
0x171: {  	p2 =	por p1, p2  }
.Ltmp15:
0x172: {  	_ = 	snop;
	(pc) =	sbr.rel @p2 .LBB2_19-.Ltmp15, $1  }
0x173: {  	_ =	sdelay $0x3  }
0x174: {  	_ =	swait.ge [sflag:s28], $0x2000  }
.Ltmp16:
0x175: {  	[sflag:s28] =	ssyncset.done $0x0;
	(pc) =	sbr.rel .LBB2_20-.Ltmp16, $4  }
0x176: {  	[sflag:s28] =	ssyncadd.s32 $0xFFFFE000  }
0x177: {  	_ =	swait.ge [sflag:s28], $0x40  }
0x178: {  	s10 =	sadd.s32 $0xFFFFFFFF, s10;
	[sflag:s28] =	ssyncset.done $0x0  }
0x179: {  	s11 =	simm.s32 $0x4;
	s12 =	sld [smem:$0x7FC];
	[sflag:s28] =	ssyncadd.s32 $0xFFFFFFC0  }
.LBB2_19:
.Ltmp17:
0x17a: {  	(pc) =	sbr.rel @p1 .LBB2_25-.Ltmp17, $2  }
0x17b: {  	_ =	sdelay $0x2  }
0x17c: {  	s11 =	simm.s32 $0x4;
	s12 =	sld [smem:$0x7FC]  }
.LBB2_20:
0x17d: {  	s0 =	ssub.s32 $0x40, s9  }
0x17e: {  	s1 =	sand.u32 $0xF, s0  }
0x17f: {  	p1 =	sgt.u32 s9, $0x3F;
	s7 =	sshra.s32 s0, $0x1F;
	p2 =	sne.s32 s1, $0x0  }
0x180: {  	s30 =	sshrl.u32 s7, $0x1C;
	p1 =	por !p1, !p2  }
0x181: {  	s1 =	simm.s32 $0x1;
	s0 =	sadd.s32 s30, s0;
	p1 =	por !p1, !p1  }
0x182: {  	s0 =	sshra.s32 s0, $0x4;
	s1 =	simm.s32 @!p1 $0x0  }
0x183: {  	s0 =	ssub.s32 s0, s1  }
0x184: {  	p1 =	slt.s32 s0, $0x1  }
.Ltmp18:
0x185: {  	_ = 	snop;
	(pc) =	sbr.rel @p1 .LBB2_24-.Ltmp18, $2  }
0x186: {  	_ =	sdelay $0x2  }
0x187: {  	s7 =	sshll.u32 s2, $0x7  }
0x188: {  	v5 =	vadd.s32 s9, v2;
	p1 =	sne.s32 s0, $0x1  }
.Ltmp19:
0x189: {  	v4 =	vmov s7;
	v6 =	vand.u32 $0xFFFFFF80, v5;
	(pc) =	sbr.rel @!p1 .LBB2_23-.Ltmp19, $3  }
0x18a: {  	v5 =	vand.u32 $0x7F, v5;
	v6 =	vadd.s32 v4, v6  }
0x18b: {  	v5 =	vor.u32 v5, v6;
	_ =	sdelay $0x1  }
0x18c: {  	s0 =	sadd.s32 $0xFFFFFFFF, s0;
	s1 =	sadd.s32 $0x10, s9  }
.LBB2_22:
0x18d: {  	v6 =	vadd.s32 s1, v2;
	p1 =	sne.s32 s0, $0x1;
	s0 =	sadd.s32 $0xFFFFFFFF, s0  }
.Ltmp20:
0x18e: {  	v7 =	vand.u32 $0xFFFFFF80, v6;
	(pc) =	sbr.rel @p1 .LBB2_22-.Ltmp20, $3  }
0x18f: {  	v6 =	vand.u32 $0x7F, v6;
	v7 =	vadd.s32 v4, v7;
	[tilespmem:v5+s21+$0x0] =	vst.idx.msk $0xffff, v3  }
0x190: {  	v5 =	vor.u32 v6, v7;
	_ =	sdelay $0x1  }
0x191: {  	s1 =	sadd.s32 $0x10, s1  }
.LBB2_23:
0x192: {  	_ =	sdelay $0x3  }
0x193: {  	[tilespmem:v5+s21+$0x0] =	vst.idx.msk $0xffff, v3  }
.LBB2_24:
0x194: {  	s0 =	sshll.u32 s3, $0x6;
	s3 =	sld [smem:$0x7FF]  }
0x195: {  	s0 =	sadd.s32 s31, s0  }
0x196: {  	s1 =	sshll.u32 s2, $0xD;
	p1 =	seq.s32 s24, $0x0;
	s29 =	sshll.u32 s0, $0x4  }
0x197: {  	s1 =	sand.u32 $0x3FFFE000, s1;
	s2 =	sand.u32 $0xFFFFF80, s29;
	p2 =	sne.s32 @!p1 s3, $0x1  }
0x198: {  	s1 =	sadd.s32 $0x18180, s1;
	s2 =	sadd.s32 s6, s2;
	p1 =	por !p2, p1  }
0x199: {  	[hbm4b:s2+s4] =	stream.linear.scatter [tilespmem:s1], [sflag:$0x2], $0x2000, $0x38;
	[tilespmem:$0x1C280] =	vst v63  }
0x19a: {  	s1 =	sor.u32 @!p1 $0x100000, s23  }
0x19b: {  	[smem:s1], [sflag:$0x0] =	smem.add.s32 @!p1 $0x2EF;
	s1 =	simm.s32 @!p1 $0x0  }
0x19c: {  	s2 =	simm.s32 @!p1 $0x1;
	_ =	swait.done @!p1 [sflag:s1]  }
0x19d: {  	[smem:$0x7FF] =	sst @!p1 s2  }
0x19e: {  	s30 =	sand.u32 $0x3FFFFF80, s7;
	s0 =	sshrl.u32 s0, $0x3;
	_ =	sint @!p1 $0x2  }
0x19f: {  	s31 =	sadd.s32 $0x1C180, s30;
	s0 =	sadd.s32 s8, s0;
	_ =	swait.notdone @!p1 [sflag:s1]  }
0x1a0: {  	[hbm4b:s0+s4] =	stream.linear.scatter [tilespmem:s31], [sflag:$0x2], $0x40, $0x38;
	[tilespmem:$0x1C280] =	vst v63  }
.LBB2_25:
0x1a1: {  	p1 =	sgt.s32 s9, $0x0;
	s0 =	simm.s32 $0x1  }
0x1a2: {  	s0 =	simm.s32 @!p1 $0x0  }
0x1a3: {  	s0 =	sadd.s32 s0, s10  }
0x1a4: {  	p1 =	slt.s32 s0, $0x1  }
.Ltmp21:
0x1a5: {  	_ = 	snop;
	(pc) =	sbr.rel @p1 .LBB2_29-.Ltmp21, $1  }
0x1a6: {  	_ =	sdelay $0x3  }
0x1a7: {  	p1 =	sne.s32 s0, $0x1  }
.Ltmp22:
0x1a8: {  	_ =	swait.ge [sflag:s28], $0x2000;
	(pc) =	sbr.rel @!p1 .LBB2_28-.Ltmp22, $4  }
0x1a9: {  	[sflag:s28] =	ssyncset.done $0x0  }
0x1aa: {  	[sflag:s28] =	ssyncadd.s32 $0xFFFFE000  }
0x1ab: {  	_ =	swait.ge [sflag:s28], $0x40  }
0x1ac: {  	s0 =	sadd.s32 $0xFFFFFFFF, s0;
	[sflag:s28] =	ssyncset.done $0x0  }
.LBB2_27:
0x1ad: {  	p1 =	sne.s32 s0, $0x1;
	s0 =	sadd.s32 $0xFFFFFFFF, s0;
	[sflag:s28] =	ssyncadd.s32 $0xFFFFFFC0  }
.Ltmp23:
0x1ae: {  	_ =	swait.ge [sflag:s28], $0x2000;
	(pc) =	sbr.rel @p1 .LBB2_27-.Ltmp23, $4  }
0x1af: {  	[sflag:s28] =	ssyncset.done $0x0  }
0x1b0: {  	[sflag:s28] =	ssyncadd.s32 $0xFFFFE000  }
0x1b1: {  	_ =	swait.ge [sflag:s28], $0x40  }
0x1b2: {  	[sflag:s28] =	ssyncset.done $0x0  }
.Ltmp24:
0x1b3: {  	_ = 	snop;
	(pc) =	sbr.rel .LBB2_28-.Ltmp24, $1  }
0x1b4: {  	_ =	sdelay $0x3  }
.LBB2_30:
0x1b5: {  	_ =	sfence.sel $0x180000  }
0x1b6: {  	[bflag:$0x0] =	sbarrier.arrive $0xFFFF  }
0x1b7: {  	_ =	strace $0x90000047  }
0x1b8: {  	[bflag:$0x2] =	sbarrier.arrive $0xFFFF  }
0x1b9: {  	s0 =	rddreg [dreg:$0x4]  }
0x1ba: {  	s0 =	sadd.s32 @!p0 $0x100000, s0  }
0x1bb: {  	[sflag:s0] =	ssyncadd.tile.s32 @!p0 $0x1;
	_ =	shalt  }
.Lfunc_end2:
_tile_overlayer_lowered:
.L_overlay_start_2:
0x1bc: {  	(tag) =	ssettag $0x2  }
0x1bd: {  	s0 =	rddreg [dreg:$0x0];
	s2 =	stileid.u32  }
0x1be: {  	s1 =	rddreg [dreg:$0x1];
	p0 =	sne.s32 s2, $0x0  }
0x1bf: {  	s3 =	rddreg [dreg:$0x2];
	[bflag:$0x3] =	sbarrier.arrive $0xFFFF;
	s2 =	simm.s32 @!p0 $0x1C03  }
0x1c0: {  	[timem:s3], [sflag:s2] =	dma.local @!p0 [hbm:s0], s1  }
0x1c1: {  	s0 =	simm.s32 @!p0 $0x3  }
0x1c2: {  	_ =	swait.ge @!p0 [sflag:s0], s1  }
0x1c3: {  	s1 =	ssub.s32 @!p0 $0x0, s1;
	[sflag:s0] =	ssyncset.done @!p0 $0x0  }
0x1c4: {  	[sflag:s0] =	ssyncadd.s32 @!p0 s1  }
0x1c5: {  	[bflag:$0x3] =	sbarrier.arrive $0xFFFF  }
0x1c6: {  	_ =	shalt  }

// kernel: kernel.7.cloned.1.call-start
scs
__scs_entry_jumppad:
0x0: {  	(pc) =	sbr.rel $0x88, $3  }
0x1: {  	(tag) =	ssettag $0x0;
	lr =	simm.s32 $0x1  }
0x2: {  	[smem:$0x3F9F] =	sst lr;
	_ =	strace $0xD0000000  }
0x3: {  	_ = 	snop  }
0x4: {  	_ = 	snop  }
0x5: {  	_ = 	snop  }
0x6: {  	_ = 	snop  }
0x7: {  	_ = 	snop  }
__scs_overlays_trampoline_lowered:
0x8: {  	[smem:$0x3FAE] =	sst s0  }
0x9: {  	[smem:$0x3FAF] =	sst s1  }
0xa: {  	[smem:$0x3FB0] =	sst s2  }
0xb: {  	[smem:$0x3FB1] =	sst s3  }
0xc: {  	[smem:$0x3FB2] =	sst s4  }
0xd: {  	[smem:$0x3FB3] =	sst s5  }
0xe: {  	[smem:$0x3FB4] =	sst s6  }
0xf: {  	[smem:$0x3FB5] =	sst s7  }
0x10: {  	[smem:$0x3FB6] =	sst s8  }
0x11: {  	[smem:$0x3FB7] =	sst s9;
	s0 =	simm.s32 @!p0 $0x0  }
0x12: {  	s1 =	sld [smem:$0x3F9D];
	s0 =	simm.s32 @p0 $0x1  }
0x13: {  	[smem:$0x3FB8] =	sst s0;
	s0 =	simm.s32 @!p1 $0x0  }
0x14: {  	s2 =	sld [smem:$0x3F9C];
	s0 =	simm.s32 @p1 $0x1  }
0x15: {  	[smem:$0x3FB9] =	sst s0;
	s0 =	simm.s32 @!p2 $0x0  }
0x16: {  	s3 =	sld [smem:$0x3FDB];
	s0 =	simm.s32 @p2 $0x1  }
0x17: {  	s4 =	simm.s32 $0x1BF5;
	[smem:$0x3FBB] =	sst s0  }
0x18: {  	s0 =	sld [smem:$0x3F9E];
	_ =	swait.ge [sflag:s4], $0x0  }
0x19: {  	s7 =	sld [smem:$0x3F9F]  }
0x1a: {  	s8 =	sadd.s32 $0xFFFFE003, lr  }
0x1b: {  	s9 =	sadd.s32 $0xFFFFFEF7, lr;
	s5 =	simm.s32 $0xFFFFFFFF;
	p2 =	slt.u32 s8, $0xFFFFF086  }
0x1c: {  	p1 =	slt.u32 s9, $0xF7A;
	s5 =	simm.s32 @!p2 $0x0  }
0x1d: {  	s5 =	simm.s32 @p1 $0x1;
	p0 =	seq.s32 s7, s2  }
0x1e: {  	s7 =	smul.u32 @!p0 $0xF7A, s2;
	p2 =	seq.s32 @!p0 s5, $0x0  }
0x1f: {  	s9 =	smul.u32 $0xF7A, s1;
	s8 =	simm.s32 @!p0 $0x1BF5;
	p2 =	por !p2, p0  }
0x20: {  	[sflag:s8] =	ssyncset.s32 @!p0 $0xFFFFF086;
	s6 =	sadd.s32 @!p0 s3, s7;
	s7 =	simm.s32 @!p0 $0x108  }
0x21: {  	s3 =	sadd.s32 s3, s9;
	s6 =	sadd.s32 @!p0 $0x88, s6;
	s7 =	simm.s32 @p2 $0x1082  }
0x22: {  	[simem:s7], [sflag:s8] =	dma.local @!p0 [hbm:s6], $0xF7A  }
0x23: {  	s9 =	sor.u32 $0xD0000000, s2;
	s6 =	simm.s32 $0x108;
	_ =	swait.ge @!p0 [sflag:s8], $0x0  }
0x24: {  	s3 =	sadd.s32 $0x88, s3;
	s6 =	simm.s32 @!p1 $0x1082;
	[sflag:s4] =	ssyncset.s32 $0xFFFFF086  }
0x25: {  	[simem:s6], [sflag:s4] =	dma.local [hbm:s3], $0xF7A  }
0x26: {  	[smem:$0x3F9F] =	sst s1;
	(tag) =	ssettag s2;
	_ =	strace s9  }
0x27: {  	s1 =	sld [smem:$0x3FAF]  }
0x28: {  	s2 =	sld [smem:$0x3FB0]  }
0x29: {  	s4 =	sld [smem:$0x3FB2]  }
0x2a: {  	p0 =	seq.s32 s5, $0x0;
	s5 =	sld [smem:$0x3FB3]  }
0x2b: {  	s6 =	sld [smem:$0x3FB4]  }
0x2c: {  	s7 =	sld [smem:$0x3FB5]  }
0x2d: {  	s3 =	simm.s32 $0x108;
	s8 =	sld [smem:$0x3FB6]  }
0x2e: {  	s3 =	simm.s32 @!p0 $0x1082;
	s9 =	sld [smem:$0x3FB7]  }
0x2f: {  	lr =	sadd.s32 s0, s3;
	s0 =	sld [smem:$0x3FAE]  }
0x30: {  	s3 =	sld [smem:$0x3FB1]  }
0x31: {  	[smem:$0x3FBA] =	sst s10  }
0x32: {  	s10 =	sld [smem:$0x3FB8];
	_ =	sdelay $0x3  }
0x33: {  	p0 =	seq.s32 s10, $0x1;
	s10 =	sld [smem:$0x3FBA];
	_ =	sdelay $0x3  }
0x34: {  	[smem:$0x3FBA] =	sst s10  }
0x35: {  	s10 =	sld [smem:$0x3FB9];
	_ =	sdelay $0x3  }
0x36: {  	p1 =	seq.s32 s10, $0x1;
	s10 =	sld [smem:$0x3FBA];
	_ =	sdelay $0x3  }
0x37: {  	[smem:$0x3FBA] =	sst s10  }
0x38: {  	s10 =	sld [smem:$0x3FBB]  }
0x39: {  	_ = 	snop;
	(pc) =	sbr.ind lr, $3  }
0x3a: {  	_ = 	snop  }
0x3b: {  	_ = 	snop  }
0x3c: {  	p2 =	seq.s32 s10, $0x1;
	s10 =	sld [smem:$0x3FBA]  }
0x3d: {  	_ =	shalt  }
0x3e: {  	_ =	shalt  }
0x3f: {  	_ =	shalt  }
0x40: {  	_ =	shalt  }
0x41: {  	_ =	shalt  }
0x42: {  	_ =	shalt  }
0x43: {  	_ =	shalt  }
0x44: {  	_ =	shalt  }
0x45: {  	_ =	shalt  }
0x46: {  	_ =	shalt  }
0x47: {  	_ =	shalt  }
0x48: {  	_ =	shalt  }
0x49: {  	_ =	shalt  }
0x4a: {  	_ =	shalt  }
0x4b: {  	_ =	shalt  }
0x4c: {  	_ =	shalt  }
0x4d: {  	_ =	shalt  }
0x4e: {  	_ =	shalt  }
0x4f: {  	_ =	shalt  }
0x50: {  	_ =	shalt  }
0x51: {  	_ =	shalt  }
0x52: {  	_ =	shalt  }
0x53: {  	_ =	shalt  }
0x54: {  	_ =	shalt  }
0x55: {  	_ =	shalt  }
0x56: {  	_ =	shalt  }
0x57: {  	_ =	shalt  }
0x58: {  	_ =	shalt  }
0x59: {  	_ =	shalt  }
0x5a: {  	_ =	shalt  }
0x5b: {  	_ =	shalt  }
0x5c: {  	_ =	shalt  }
0x5d: {  	_ =	shalt  }
0x5e: {  	_ =	shalt  }
0x5f: {  	_ =	shalt  }
0x60: {  	_ =	shalt  }
0x61: {  	_ =	shalt  }
0x62: {  	_ =	shalt  }
0x63: {  	_ =	shalt  }
0x64: {  	_ =	shalt  }
0x65: {  	_ =	shalt  }
0x66: {  	_ =	shalt  }
0x67: {  	_ =	shalt  }
0x68: {  	_ =	shalt  }
0x69: {  	_ =	shalt  }
0x6a: {  	_ =	shalt  }
0x6b: {  	_ =	shalt  }
0x6c: {  	_ =	shalt  }
0x6d: {  	_ =	shalt  }
0x6e: {  	_ =	shalt  }
0x6f: {  	_ =	shalt  }
0x70: {  	_ =	shalt  }
0x71: {  	_ =	shalt  }
0x72: {  	_ =	shalt  }
0x73: {  	_ =	shalt  }
0x74: {  	_ =	shalt  }
0x75: {  	_ =	shalt  }
0x76: {  	_ =	shalt  }
0x77: {  	_ =	shalt  }
0x78: {  	_ =	shalt  }
0x79: {  	_ =	shalt  }
0x7a: {  	_ =	shalt  }
0x7b: {  	_ =	shalt  }
0x7c: {  	_ =	shalt  }
0x7d: {  	_ =	shalt  }
0x7e: {  	_ =	shalt  }
0x7f: {  	_ =	shalt  }
0x80: {  	_ =	shalt  }
0x81: {  	_ =	shalt  }
0x82: {  	_ =	shalt  }
0x83: {  	_ =	shalt  }
0x84: {  	_ =	shalt  }
0x85: {  	_ =	shalt  }
0x86: {  	_ =	shalt  }
0x87: {  	_ =	shalt  }
.Lfunc_end0:
.L_simem_size_0:
called_computation.1_lowered:
.L_overlay_start_0:
0x88: {  	s2 =	sld [smem:$0x3FD9]  }
0x89: {  	s3 =	sld [smem:$0x3FFE];
	_ =	sdelay $0x1  }
0x8a: {  	s1 =	srdreg.scid  }
0x8b: {  	s0 =	sand.u32 $0x1, s1  }
0x8c: {  	s17 =	sshll.u32 s0, $0xA;
	s2 =	sadd.s32 s3, s2  }
0x8d: {  	s2 =	sadd.s32 s2, s17  }
0x8e: {  	[smem:$0x3FC6] =	sst s2  }
0x8f: {  	_ = 	snop  }
0x90: {  	s2 =	sld [smem:$0x3FD0];
	(tm) =	ssettm $0x1  }
0x91: {  	s18 =	sld [smem:$0x3FFB];
	_ =	sdelay $0x3  }
0x92: {  	_ =	strace s18  }
0x93: {  	s3 =	sld [smem:$0x3FFC];
	_ =	sdelay $0x3  }
0x94: {  	_ =	strace s3  }
0x95: {  	s3 =	sld [smem:$0x3FFD];
	_ =	sdelay $0x3  }
0x96: {  	_ =	strace s3  }
0x97: {  	_ =	strace $0x8FFFFFFF  }
0x98: {  	s19 =	sld [smem:$0x3FDB];
	_ =	sdelay $0x1  }
0x99: {  	s4 =	simm.s32 $_scs_section_size  }
0x9a: {  	s5 =	simm.s32 $_size__tile_overlayer_lowered;
	s6 =	simm.s32 $_tile_overlayer_lowered  }
0x9b: {  	s22 =	simm.s32 $0x1BFF;
	s21 =	sshll.u32 s6, $0x1;
	s3 =	sadd.s32 s4, s19  }
0x9c: {  	s7 =	simm.s32 $0x0;
	s20 =	sshll.u32 s5, $0x1;
	s5 =	sadd.s32 s21, s3  }
0x9d: {  	[timem:s7], [sflag:s22] =	dma.local [hbm:s5], s20  }
0x9e: {  	_ =	swait.ge [sflag:s22], s20  }
0x9f: {  	s4 =	ssub.s32 $0x0, s20;
	[sflag:s22] =	ssyncset.done $0x0  }
0xa0: {  	[sflag:s22] =	ssyncadd.s32 s4;
	_ =	sdelay $0x1  }
0xa1: {  	s23 =	simm.s32 $0x1B8B  }
0xa2: {  	_ =	swait.ge [sflag:s23], $0x1  }
0xa3: {  	[sflag:s23] =	ssyncset.done $0x0  }
0xa4: {  	s25 =	simm.s32 $0x1B8E;
	s24 =	sld [smem:$0x3FFE];
	[sflag:s23] =	ssyncadd.s32 $0xFFFFFFFF  }
0xa5: {  	s26 =	simm.s32 $execute0_lowered;
	[smem:$0x3FD2] =	sst s25  }
0xa6: {  	s5 =	sshll.u32 s26, $0x1;
	_ =	strace $0x80000049;
	[dreg:$0x1] =	wrdreg $0xFFFFFFFF  }
0xa7: {  	s28 =	simm.s32 $_size_execute0_lowered;
	s3 =	sadd.s32 s3, s5;
	[dreg:$0x0] =	wrdreg $0x0  }
0xa8: {  	s5 =	sshll.u32 s28, $0x1;
	[dreg:$0x2] =	wrdreg s3  }
0xa9: {  	[dreg:$0x3] =	wrdreg s5  }
0xaa: {  	[dreg:$0x4] =	wrdreg $0xC0  }
0xab: {  	_ =	task [dreg:s7], $0x5FFFF  }
0xac: {  	[dreg:$0x1] =	wrdreg $0xFFFFFFFF  }
0xad: {  	[dreg:$0x0] =	wrdreg $0x60  }
0xae: {  	[dreg:$0x2] =	wrdreg s24  }
0xaf: {  	[dreg:$0x3] =	wrdreg s2  }
0xb0: {  	[dreg:$0x4] =	wrdreg $0x9  }
0xb1: {  	_ =	task.clear_ibuf [dreg:s7], $0x5FFFF;
	_ =	strace $0x90000049  }
0xb2: {  	s29 =	simm.s32 $0x9;
	_ =	strace $0x8000004B  }
0xb3: {  	_ =	swait.ge [sflag:s29], $0x1  }
0xb4: {  	[sflag:s29] =	ssyncadd.s32 $0xFFFFFFFF  }
0xb5: {  	_ =	strace $0x9000004B  }
0xb6: {  	_ =	sfence  }
0xb7: {  	s30 =	sld [smem:$0x0];
	_ =	sdelay $0x2  }
0xb8: {  	s31 =	sshll.u32 s1, $0xD;
	s1 =	sshrl.u32 s1, $0x2  }
0xb9: {  	s3 =	sand.u32 $0x4000, s31;
	s1 =	sadd.s32 s1, s30  }
0xba: {  	s0 =	sor.u32 s3, s0;
	s1 =	sshll.u32 s1, $0x11  }
0xbb: {  	s0 =	sor.u32 s1, s0  }
0xbc: {  	s0 =	sadd.s32 $0x8F2B, s0  }
0xbd: {  	[sflag:s0] =	ssyncadd.remote.s32 $0x1  }
0xbe: {  	_ =	sfence.sel $0xFFFF  }
0xbf: {  	[dreg:$0x0] =	wrdreg $0xFFFFFFFF;
	(pc) =	sbr.abs _section_cstart, $3  }
0xc0: {  	[dreg:$0x1] =	wrdreg $0xFFFFFFFF  }
0xc1: {  	_ =	task.clear_ibuf [dreg:s7], $0x2FFFF;
	_ =	strace $0x9FFFFFFF  }
0xc2: {  	(tm) =	ssettm $0x7FFFFFFF  }
0xc3: {  	_ =	shalt  }
tec
execute0_lowered:
.L_overlay_start_1:
0x0: {  	(tag) =	ssettag $0x1  }
0x1: {  	s5 =	rddreg [dreg:$0x0]  }
0x2: {  	s6 =	rddreg [dreg:$0x1]  }
0x3: {  	s0 =	rddreg [dreg:$0x2];
	s1 =	simm.s32 $0x0;
	s2 =	srdreg.scid  }
0x4: {  	s11 =	simm.s32 $0x4D00;
	s12 =	simm.s32 $0x4880;
	s13 =	simm.s32 $0x8D00  }
0x5: {  	s14 =	simm.s32 $0x4900;
	s15 =	simm.s32 $0xCD00;
	s18 =	simm.s32 $0x1  }
0x6: {  	s19 =	simm.s32 $0x14D00;
	s20 =	simm.s32 $0x1000;
	s21 =	simm.s32 $0x20000  }
0x7: {  	[smem:$0x7FF] =	sst s1;
	s4 =	sand.u32 $0x1, s2;
	s3 =	sadd.s32 $0x800, s5  }
0x8: {  	s2 =	stileid.u32;
	_ =	strace $0x8000004A;
	s7 =	ssub.s32 $0x2, s4  }
0x9: {  	s9 =	sshll.u32 s2, $0xA;
	s10 =	sshll.u32 s4, $0x9;
	s4 =	sadd.s32 $0x90800, s5  }
0xa: {  	s5 =	sadd.s32 $0x91100, s5;
	s8 =	sshrl.u32 s7, $0x1;
	s16 =	sor.u32 s10, s9  }
0xb: {  	s9 =	simm.s32 $0x80;
	s10 =	simm.s32 $0x4800;
	s7 =	ssub.s32 s7, s8  }
0xc: {  	v2 =	vlaneseq.u32;
	v3 =	vimm.s32 $0x0;
	v4 =	vimm.s32 $0x4000;
	s17 =	sadd.s32 $0x200, s16;
	s6 =	sadd.s32 s6, s16;
	s8 =	simm.s32 $0x2  }
0xd: {  	v5 =	vmul.u32 $0x80, v2;
	v0 =	vmov s16;
	s16 =	simm.s32 $0x4980;
	s7 =	smax.u32 s7, $0x1;
	v1 =	vmov s17;
	s17 =	simm.s32 $0x10D00  }
.LBB2_1:
0xe: {  	s22 =	simm.s32 $0x40;
	s23 =	simm.s32 $0x0  }
.LBB2_2:
0xf: {  	p0 =	sne.s32 s22, $0x7C0;
	[tilespmem:s23+$0x4800] =	vst v3;
	s24 =	smov.u32 s22;
	s22 =	sadd.s32 $0x40, s22  }
.Ltmp0:
0x10: {  	[tilespmem:s23+$0x4A80] =	vst v4;
	(pc) =	sbr.rel @p0 .LBB2_2-.Ltmp0, $2  }
0x11: {  	_ =	sdelay $0x2  }
0x12: {  	s23 =	sshra.s32 s24, $0x2  }
0x13: {  	[tilespmem:s23+$0x4800] =	vst v3  }
0x14: {  	[tilespmem:s23+$0x4A80] =	vst v4;
	s22 =	simm.s32 $0x0  }
0x15: {  	[tilespmem:s22], [sflag:$0x2] =	stream.linear.gather [hbm4b:s4+s22], $0x4800, $0x38;
	[tilespmem:$0x1CD00] =	vst v63  }
0x16: {  	_ =	swait.ge [sflag:s8], $0x4800  }
0x17: {  	[sflag:s8] =	ssyncset.done $0x0  }
0x18: {  	[sflag:s8] =	ssyncadd.s32 $0xFFFFB800  }
0x19: {  	v6 =	vld [tilespmem:s22+$0x0];
	_ =	sdelay $0x4  }
0x1a: {  	vm0 =	vge.s32 v6, v0;
	vm1 =	vlt.s32 v6, v1  }
0x1b: {  	vm0 =	vmand vm0, vm1  }
0x1c: {  	v8 =	vmpcnt.ones.xlane vm0;
	_ =	sdelay $0x1  }
0x1d: {  	(v2sf) =	vpush v8, $0x0;
	_ =	sdelay $0x3  }
0x1e: {  	v7 =	vor.u32 s22, v2  }
0x1f: {  	[tilespmem:s22+$0x4800] =	vst.msk vm0, v7  }
0x20: {  	s23 =	simm.s32 $0x10;
	[tilespmem:s22+$0x4A80] =	vst.msk vm0, v6  }
0x21: {  	s24 =	simm.s32 $0x20;
	s25 =	simm.s32 $0x10;
	v6 =	vld [tilespmem:s23+$0x0]  }
.LBB2_4:
0x22: {  	p0 =	sne.s32 s24, $0x47F0;
	_ =	sdelay $0x3  }
0x23: {  	vm0 =	vge.s32 v6, v0;
	vm1 =	vlt.s32 v6, v1  }
0x24: {  	vm0 =	vmand vm0, vm1  }
0x25: {  	v7 =	vmpcnt.ones.xlane vm0  }
0x26: {  	s26 =	spop (v2sf)  }
0x27: {  	v8 =	vor.u32 s23, v2;
	s23 =	smov.u32 s24;
	(v2sf) =	vpush v7, $0x0;
	s22 =	sadd.s32 s22, s26  }
0x28: {  	[tilespmem:s22+$0x4800] =	vst.msk vm0, v8  }
0x29: {  	[tilespmem:s22+$0x4A80] =	vst.msk vm0, v6  }
.Ltmp1:
0x2a: {  	(pc) =	sbr.rel @p0 .LBB2_4-.Ltmp1, $3  }
0x2b: {  	_ =	sdelay $0x1  }
0x2c: {  	s25 =	sadd.s32 $0x10, s25  }
0x2d: {  	s24 =	sadd.s32 $0x10, s24;
	v6 =	vld [tilespmem:s25+$0x0]  }
0x2e: {  	_ =	sdelay $0x3  }
0x2f: {  	vm0 =	vge.s32 v6, v0;
	vm1 =	vlt.s32 v6, v1  }
0x30: {  	vm0 =	vmand vm0, vm1  }
0x31: {  	v7 =	vmpcnt.ones.xlane vm0;
	_ =	sdelay $0x1  }
0x32: {  	(v2sf) =	vpush v7, $0x0;
	_ =	sdelay $0x9  }
0x33: {  	s24 =	spop (v2sf)  }
0x34: {  	v7 =	vor.u32 s23, v2;
	s22 =	sadd.s32 s22, s24  }
0x35: {  	[tilespmem:s22+$0x4800] =	vst.msk vm0, v7  }
0x36: {  	s30 =	simm.s32 $0x0;
	[tilespmem:s22+$0x4A80] =	vst.msk vm0, v6  }
0x37: {  	[tilespmem:s30], [sflag:$0x2] =	stream.linear.gather [hbm4b:s5+s30], $0x4800, $0x38;
	[tilespmem:$0x1CD00] =	vst v63  }
0x38: {  	s29 =	spop (v2sf)  }
0x39: {  	_ =	swait.ge [sflag:s8], $0x4800  }
0x3a: {  	[sflag:s8] =	ssyncset.done $0x0  }
0x3b: {  	[sflag:s8] =	ssyncadd.s32 $0xFFFFB800  }
0x3c: {  	v6 =	vld [tilespmem:s30+$0x0];
	_ =	sdelay $0x4  }
0x3d: {  	vm14 =	vge.s32 v6, v0;
	vm15 =	vlt.s32 v6, v1  }
0x3e: {  	vm0 =	vmand vm14, vm15  }
0x3f: {  	v8 =	vmpcnt.ones.xlane vm0;
	_ =	sdelay $0x1  }
0x40: {  	(v2sf) =	vpush v8, $0x0;
	_ =	sdelay $0x2  }
0x41: {  	s31 =	simm.s32 $0x4800  }
0x42: {  	v7 =	vor.u32 s31, v2;
	s22 =	sadd.s32 s22, s29  }
0x43: {  	[tilespmem:s22+$0x4800] =	vst.msk vm0, v7  }
0x44: {  	s24 =	simm.s32 $0x10;
	[tilespmem:s22+$0x4A80] =	vst.msk vm0, v6  }
0x45: {  	s25 =	simm.s32 $0x4820;
	s23 =	simm.s32 $0x4810;
	v6 =	vld [tilespmem:s24+$0x0]  }
.LBB2_6:
0x46: {  	p0 =	sne.s32 s25, $0x8FF0;
	_ =	sdelay $0x3  }
0x47: {  	vm0 =	vge.s32 v6, v0;
	vm1 =	vlt.s32 v6, v1  }
0x48: {  	vm0 =	vmand vm0, vm1  }
0x49: {  	v7 =	vmpcnt.ones.xlane vm0  }
0x4a: {  	s26 =	spop (v2sf)  }
0x4b: {  	v8 =	vor.u32 s23, v2;
	s23 =	smov.u32 s25;
	(v2sf) =	vpush v7, $0x0;
	s22 =	sadd.s32 s22, s26  }
0x4c: {  	[tilespmem:s22+$0x4800] =	vst.msk vm0, v8  }
0x4d: {  	[tilespmem:s22+$0x4A80] =	vst.msk vm0, v6  }
.Ltmp2:
0x4e: {  	(pc) =	sbr.rel @p0 .LBB2_6-.Ltmp2, $3  }
0x4f: {  	_ =	sdelay $0x1  }
0x50: {  	s24 =	sadd.s32 $0x10, s24  }
0x51: {  	s25 =	sadd.s32 $0x10, s25;
	v6 =	vld [tilespmem:s24+$0x0]  }
0x52: {  	_ =	sdelay $0x3  }
0x53: {  	vm0 =	vge.s32 v6, v0;
	vm1 =	vlt.s32 v6, v1  }
0x54: {  	vm0 =	vmand vm0, vm1  }
0x55: {  	v7 =	vmpcnt.ones.xlane vm0;
	_ =	sdelay $0x1  }
0x56: {  	(v2sf) =	vpush v7, $0x0;
	_ =	sdelay $0x3  }
0x57: {  	s24 =	spop (v2sf)  }
0x58: {  	v7 =	vor.u32 s23, v2;
	s22 =	sadd.s32 s22, s24  }
0x59: {  	[tilespmem:s22+$0x4800] =	vst.msk vm0, v7  }
0x5a: {  	[tilespmem:s22+$0x4A80] =	vst.msk vm0, v6  }
0x5b: {  	[tilespmem:s11], [sflag:$0x1] =	stream.indirect.gather [hbm4b:s3+s9], $0x80, s10, s9, $0xb8;
	[tilespmem:$0x1CD00] =	vst v63  }
0x5c: {  	_ = 	snop  }
0x5d: {  	[tilespmem:s13], [sflag:$0x1] =	stream.indirect.gather [hbm4b:s3+s9], $0x80, s12, s9, $0xb8;
	[tilespmem:$0x1CD00] =	vst v63  }
0x5e: {  	_ = 	snop  }
0x5f: {  	[tilespmem:s15], [sflag:$0x1] =	stream.indirect.gather [hbm4b:s3+s9], $0x80, s14, s9, $0xb8;
	[tilespmem:$0x1CD00] =	vst v63  }
0x60: {  	_ = 	snop  }
0x61: {  	[tilespmem:s17], [sflag:$0x1] =	stream.indirect.gather [hbm4b:s3+s9], $0x80, s16, s9, $0xb8;
	[tilespmem:$0x1CD00] =	vst v63  }
0x62: {  	s31 =	spop (v2sf)  }
0x63: {  	_ =	swait.ge [sflag:s18], $0x4000  }
0x64: {  	[sflag:s18] =	ssyncset.done $0x0  }
0x65: {  	[sflag:s18] =	ssyncadd.s32 $0xFFFFC000  }
0x66: {  	_ =	swait.ge [sflag:s18], $0x4000  }
0x67: {  	[sflag:s18] =	ssyncset.done $0x0  }
0x68: {  	[sflag:s18] =	ssyncadd.s32 $0xFFFFC000  }
0x69: {  	_ =	swait.ge [sflag:s18], $0x4000  }
0x6a: {  	[sflag:s18] =	ssyncset.done $0x0  }
0x6b: {  	[sflag:s18] =	ssyncadd.s32 $0xFFFFC000  }
0x6c: {  	_ =	swait.ge [sflag:s18], $0x4000  }
0x6d: {  	[sflag:s18] =	ssyncset.done $0x0  }
0x6e: {  	s23 =	simm.s32 $0x4A80;
	s22 =	simm.s32 $0x0;
	[sflag:s18] =	ssyncadd.s32 $0xFFFFC000  }
.LBB2_8:
0x6f: {  	v6 =	vld [tilespmem:s23+$0x0];
	_ =	sdelay $0x4  }
0x70: {  	v7 =	vmov s22;
	v8 =	vsub.s32 v6, v0  }
0x71: {  	v6 =	vshll.u32 v7, $0x7;
	vm0 =	vlt.u32 v8, $0x200  }
0x72: {  	v6 =	vor.u32 v5, v6;
	_ =	sdelay $0x1  }
0x73: {  	v7 =	vnsel vm0, $0x0, v8  }
0x74: {  	v8 =	vshll.u32 v7, $0x3  }
0x75: {  	v7 =	vand.u32 $0x7F, v7;
	v8 =	vand.u32 $0xFFFFFC00, v8  }
0x76: {  	v7 =	vor.u32 v7, v8;
	v9 =	vld.idx.msk [tilespmem:v6+s11+$0x0], vm0  }
0x77: {  	v45 =	vor.u32 $0x1, v6;
	_ =	sdelay $0x3  }
0x78: {  	[tilespmem:v7+s19+$0x0] =	vst.idx.msk vm0, v9  }
0x79: {  	v46 =	vor.u32 $0x80, v7;
	v8 =	vld.idx.msk [tilespmem:v45+s11+$0x0], vm0  }
0x7a: {  	v10 =	vor.u32 $0x2, v6;
	_ =	sdelay $0x3  }
0x7b: {  	[tilespmem:v46+s19+$0x0] =	vst.idx.msk vm0, v8  }
0x7c: {  	v47 =	vor.u32 $0x100, v7;
	v8 =	vld.idx.msk [tilespmem:v10+s11+$0x0], vm0  }
0x7d: {  	v48 =	vor.u32 $0x3, v6;
	_ =	sdelay $0x3  }
0x7e: {  	[tilespmem:v47+s19+$0x0] =	vst.idx.msk vm0, v8  }
0x7f: {  	v49 =	vor.u32 $0x180, v7;
	v8 =	vld.idx.msk [tilespmem:v48+s11+$0x0], vm0  }
0x80: {  	v50 =	vor.u32 $0x4, v6;
	_ =	sdelay $0x3  }
0x81: {  	[tilespmem:v49+s19+$0x0] =	vst.idx.msk vm0, v8  }
0x82: {  	v51 =	vor.u32 $0x200, v7;
	v8 =	vld.idx.msk [tilespmem:v50+s11+$0x0], vm0  }
0x83: {  	v52 =	vor.u32 $0x5, v6;
	_ =	sdelay $0x3  }
0x84: {  	[tilespmem:v51+s19+$0x0] =	vst.idx.msk vm0, v8  }
0x85: {  	v53 =	vor.u32 $0x280, v7;
	v8 =	vld.idx.msk [tilespmem:v52+s11+$0x0], vm0  }
0x86: {  	v54 =	vor.u32 $0x6, v6;
	_ =	sdelay $0x3  }
0x87: {  	[tilespmem:v53+s19+$0x0] =	vst.idx.msk vm0, v8  }
0x88: {  	v55 =	vor.u32 $0x300, v7;
	v8 =	vld.idx.msk [tilespmem:v54+s11+$0x0], vm0  }
0x89: {  	v56 =	vor.u32 $0x7, v6;
	_ =	sdelay $0x3  }
0x8a: {  	[tilespmem:v55+s19+$0x0] =	vst.idx.msk vm0, v8  }
0x8b: {  	v57 =	vor.u32 $0x380, v7;
	v8 =	vld.idx.msk [tilespmem:v56+s11+$0x0], vm0  }
0x8c: {  	v58 =	vor.u32 $0x8, v6;
	_ =	sdelay $0x3  }
0x8d: {  	[tilespmem:v57+s19+$0x0] =	vst.idx.msk vm0, v8  }
0x8e: {  	v59 =	vadd.s32 $0x1000, v7;
	v8 =	vld.idx.msk [tilespmem:v58+s11+$0x0], vm0  }
0x8f: {  	v60 =	vor.u32 $0x9, v6;
	_ =	sdelay $0x3  }
0x90: {  	[tilespmem:v59+s19+$0x0] =	vst.idx.msk vm0, v8  }
0x91: {  	v61 =	vadd.s32 $0x1080, v7;
	v8 =	vld.idx.msk [tilespmem:v60+s11+$0x0], vm0  }
0x92: {  	v62 =	vor.u32 $0xA, v6;
	_ =	sdelay $0x3  }
0x93: {  	[tilespmem:v61+s19+$0x0] =	vst.idx.msk vm0, v8  }
0x94: {  	v63 =	vadd.s32 $0x1100, v7;
	v8 =	vld.idx.msk [tilespmem:v62+s11+$0x0], vm0  }
0x95: {  	v12 =	vor.u32 $0xB, v6;
	_ =	sdelay $0x3  }
0x96: {  	[tilespmem:v63+s19+$0x0] =	vst.idx.msk vm0, v8  }
0x97: {  	v13 =	vadd.s32 $0x1180, v7;
	v8 =	vld.idx.msk [tilespmem:v12+s11+$0x0], vm0  }
0x98: {  	v14 =	vor.u32 $0xC, v6;
	_ =	sdelay $0x3  }
0x99: {  	[tilespmem:v13+s19+$0x0] =	vst.idx.msk vm0, v8  }
0x9a: {  	v15 =	vadd.s32 $0x1200, v7;
	v8 =	vld.idx.msk [tilespmem:v14+s11+$0x0], vm0  }
0x9b: {  	v16 =	vor.u32 $0xD, v6;
	_ =	sdelay $0x3  }
0x9c: {  	[tilespmem:v15+s19+$0x0] =	vst.idx.msk vm0, v8  }
0x9d: {  	v17 =	vadd.s32 $0x1280, v7;
	v8 =	vld.idx.msk [tilespmem:v16+s11+$0x0], vm0  }
0x9e: {  	v18 =	vor.u32 $0xE, v6;
	_ =	sdelay $0x3  }
0x9f: {  	[tilespmem:v17+s19+$0x0] =	vst.idx.msk vm0, v8  }
0xa0: {  	v19 =	vadd.s32 $0x1300, v7;
	v8 =	vld.idx.msk [tilespmem:v18+s11+$0x0], vm0  }
0xa1: {  	v20 =	vor.u32 $0xF, v6;
	_ =	sdelay $0x3  }
0xa2: {  	[tilespmem:v19+s19+$0x0] =	vst.idx.msk vm0, v8  }
0xa3: {  	v21 =	vadd.s32 $0x1380, v7;
	v8 =	vld.idx.msk [tilespmem:v20+s11+$0x0], vm0  }
0xa4: {  	v22 =	vor.u32 $0x10, v6;
	_ =	sdelay $0x3  }
0xa5: {  	[tilespmem:v21+s19+$0x0] =	vst.idx.msk vm0, v8  }
0xa6: {  	v23 =	vadd.s32 $0x2000, v7;
	v8 =	vld.idx.msk [tilespmem:v22+s11+$0x0], vm0  }
0xa7: {  	v24 =	vor.u32 $0x11, v6;
	_ =	sdelay $0x3  }
0xa8: {  	[tilespmem:v23+s19+$0x0] =	vst.idx.msk vm0, v8  }
0xa9: {  	v25 =	vadd.s32 $0x2080, v7;
	v8 =	vld.idx.msk [tilespmem:v24+s11+$0x0], vm0  }
0xaa: {  	v26 =	vor.u32 $0x12, v6;
	_ =	sdelay $0x3  }
0xab: {  	[tilespmem:v25+s19+$0x0] =	vst.idx.msk vm0, v8  }
0xac: {  	v27 =	vadd.s32 $0x2100, v7;
	v8 =	vld.idx.msk [tilespmem:v26+s11+$0x0], vm0  }
0xad: {  	v28 =	vor.u32 $0x13, v6;
	_ =	sdelay $0x3  }
0xae: {  	[tilespmem:v27+s19+$0x0] =	vst.idx.msk vm0, v8  }
0xaf: {  	v29 =	vadd.s32 $0x2180, v7;
	v8 =	vld.idx.msk [tilespmem:v28+s11+$0x0], vm0  }
0xb0: {  	v30 =	vor.u32 $0x14, v6;
	_ =	sdelay $0x3  }
0xb1: {  	[tilespmem:v29+s19+$0x0] =	vst.idx.msk vm0, v8  }
0xb2: {  	v31 =	vadd.s32 $0x2200, v7;
	v8 =	vld.idx.msk [tilespmem:v30+s11+$0x0], vm0  }
0xb3: {  	v32 =	vor.u32 $0x15, v6;
	_ =	sdelay $0x3  }
0xb4: {  	[tilespmem:v31+s19+$0x0] =	vst.idx.msk vm0, v8  }
0xb5: {  	v33 =	vadd.s32 $0x2280, v7;
	v8 =	vld.idx.msk [tilespmem:v32+s11+$0x0], vm0  }
0xb6: {  	v34 =	vor.u32 $0x16, v6;
	_ =	sdelay $0x3  }
0xb7: {  	[tilespmem:v33+s19+$0x0] =	vst.idx.msk vm0, v8  }
0xb8: {  	v35 =	vadd.s32 $0x2300, v7;
	v8 =	vld.idx.msk [tilespmem:v34+s11+$0x0], vm0  }
0xb9: {  	v36 =	vor.u32 $0x17, v6;
	_ =	sdelay $0x3  }
0xba: {  	[tilespmem:v35+s19+$0x0] =	vst.idx.msk vm0, v8  }
0xbb: {  	v37 =	vadd.s32 $0x2380, v7;
	v8 =	vld.idx.msk [tilespmem:v36+s11+$0x0], vm0  }
0xbc: {  	v38 =	vor.u32 $0x18, v6;
	_ =	sdelay $0x3  }
0xbd: {  	[tilespmem:v37+s19+$0x0] =	vst.idx.msk vm0, v8  }
0xbe: {  	v39 =	vadd.s32 $0x3000, v7;
	v8 =	vld.idx.msk [tilespmem:v38+s11+$0x0], vm0  }
0xbf: {  	v40 =	vor.u32 $0x19, v6;
	_ =	sdelay $0x3  }
0xc0: {  	[tilespmem:v39+s19+$0x0] =	vst.idx.msk vm0, v8  }
0xc1: {  	v41 =	vadd.s32 $0x3080, v7;
	v8 =	vld.idx.msk [tilespmem:v40+s11+$0x0], vm0  }
0xc2: {  	v42 =	vor.u32 $0x1A, v6;
	_ =	sdelay $0x3  }
0xc3: {  	[tilespmem:v41+s19+$0x0] =	vst.idx.msk vm0, v8  }
0xc4: {  	v43 =	vadd.s32 $0x3100, v7;
	v8 =	vld.idx.msk [tilespmem:v42+s11+$0x0], vm0  }
0xc5: {  	v44 =	vor.u32 $0x1B, v6;
	_ =	sdelay $0x3  }
0xc6: {  	[tilespmem:v43+s19+$0x0] =	vst.idx.msk vm0, v8  }
0xc7: {  	v45 =	vadd.s32 $0x3180, v7;
	v8 =	vld.idx.msk [tilespmem:v44+s11+$0x0], vm0  }
0xc8: {  	v46 =	vor.u32 $0x1C, v6;
	_ =	sdelay $0x3  }
0xc9: {  	[tilespmem:v45+s19+$0x0] =	vst.idx.msk vm0, v8  }
0xca: {  	v47 =	vadd.s32 $0x3200, v7;
	v8 =	vld.idx.msk [tilespmem:v46+s11+$0x0], vm0  }
0xcb: {  	v48 =	vor.u32 $0x1D, v6;
	_ =	sdelay $0x3  }
0xcc: {  	[tilespmem:v47+s19+$0x0] =	vst.idx.msk vm0, v8  }
0xcd: {  	v49 =	vadd.s32 $0x3280, v7;
	v8 =	vld.idx.msk [tilespmem:v48+s11+$0x0], vm0  }
0xce: {  	v50 =	vor.u32 $0x1E, v6;
	_ =	sdelay $0x3  }
0xcf: {  	[tilespmem:v49+s19+$0x0] =	vst.idx.msk vm0, v8  }
0xd0: {  	v51 =	vadd.s32 $0x3300, v7;
	v8 =	vld.idx.msk [tilespmem:v50+s11+$0x0], vm0  }
0xd1: {  	v52 =	vor.u32 $0x1F, v6;
	_ =	sdelay $0x3  }
0xd2: {  	[tilespmem:v51+s19+$0x0] =	vst.idx.msk vm0, v8  }
0xd3: {  	v53 =	vadd.s32 $0x3380, v7;
	v8 =	vld.idx.msk [tilespmem:v52+s11+$0x0], vm0  }
0xd4: {  	v54 =	vor.u32 $0x20, v6;
	_ =	sdelay $0x3  }
0xd5: {  	[tilespmem:v53+s19+$0x0] =	vst.idx.msk vm0, v8  }
0xd6: {  	v55 =	vadd.s32 $0x4000, v7;
	v8 =	vld.idx.msk [tilespmem:v54+s11+$0x0], vm0  }
0xd7: {  	v56 =	vor.u32 $0x21, v6;
	_ =	sdelay $0x3  }
0xd8: {  	[tilespmem:v55+s19+$0x0] =	vst.idx.msk vm0, v8  }
0xd9: {  	v57 =	vadd.s32 $0x4080, v7;
	v8 =	vld.idx.msk [tilespmem:v56+s11+$0x0], vm0  }
0xda: {  	v58 =	vor.u32 $0x22, v6;
	_ =	sdelay $0x3  }
0xdb: {  	[tilespmem:v57+s19+$0x0] =	vst.idx.msk vm0, v8  }
0xdc: {  	v59 =	vadd.s32 $0x4100, v7;
	v8 =	vld.idx.msk [tilespmem:v58+s11+$0x0], vm0  }
0xdd: {  	v60 =	vor.u32 $0x23, v6;
	_ =	sdelay $0x3  }
0xde: {  	[tilespmem:v59+s19+$0x0] =	vst.idx.msk vm0, v8  }
0xdf: {  	v61 =	vadd.s32 $0x4180, v7;
	v8 =	vld.idx.msk [tilespmem:v60+s11+$0x0], vm0  }
0xe0: {  	v62 =	vor.u32 $0x24, v6;
	_ =	sdelay $0x3  }
0xe1: {  	[tilespmem:v61+s19+$0x0] =	vst.idx.msk vm0, v8  }
0xe2: {  	v63 =	vadd.s32 $0x4200, v7;
	v8 =	vld.idx.msk [tilespmem:v62+s11+$0x0], vm0  }
0xe3: {  	v12 =	vor.u32 $0x25, v6;
	_ =	sdelay $0x3  }
0xe4: {  	[tilespmem:v63+s19+$0x0] =	vst.idx.msk vm0, v8  }
0xe5: {  	v13 =	vadd.s32 $0x4280, v7;
	v8 =	vld.idx.msk [tilespmem:v12+s11+$0x0], vm0  }
0xe6: {  	v14 =	vor.u32 $0x26, v6;
	_ =	sdelay $0x3  }
0xe7: {  	[tilespmem:v13+s19+$0x0] =	vst.idx.msk vm0, v8  }
0xe8: {  	v15 =	vadd.s32 $0x4300, v7;
	v8 =	vld.idx.msk [tilespmem:v14+s11+$0x0], vm0  }
0xe9: {  	v16 =	vor.u32 $0x27, v6;
	_ =	sdelay $0x3  }
0xea: {  	[tilespmem:v15+s19+$0x0] =	vst.idx.msk vm0, v8  }
0xeb: {  	v17 =	vadd.s32 $0x4380, v7;
	v8 =	vld.idx.msk [tilespmem:v16+s11+$0x0], vm0  }
0xec: {  	v18 =	vor.u32 $0x28, v6;
	_ =	sdelay $0x3  }
0xed: {  	[tilespmem:v17+s19+$0x0] =	vst.idx.msk vm0, v8  }
0xee: {  	v19 =	vadd.s32 $0x5000, v7;
	v8 =	vld.idx.msk [tilespmem:v18+s11+$0x0], vm0  }
0xef: {  	v20 =	vor.u32 $0x29, v6;
	_ =	sdelay $0x3  }
0xf0: {  	[tilespmem:v19+s19+$0x0] =	vst.idx.msk vm0, v8  }
0xf1: {  	v21 =	vadd.s32 $0x5080, v7;
	v8 =	vld.idx.msk [tilespmem:v20+s11+$0x0], vm0  }
0xf2: {  	v22 =	vor.u32 $0x2A, v6;
	_ =	sdelay $0x3  }
0xf3: {  	[tilespmem:v21+s19+$0x0] =	vst.idx.msk vm0, v8  }
0xf4: {  	v23 =	vadd.s32 $0x5100, v7;
	v8 =	vld.idx.msk [tilespmem:v22+s11+$0x0], vm0  }
0xf5: {  	v24 =	vor.u32 $0x2B, v6;
	_ =	sdelay $0x3  }
0xf6: {  	[tilespmem:v23+s19+$0x0] =	vst.idx.msk vm0, v8  }
0xf7: {  	v25 =	vadd.s32 $0x5180, v7;
	v8 =	vld.idx.msk [tilespmem:v24+s11+$0x0], vm0  }
0xf8: {  	v26 =	vor.u32 $0x2C, v6;
	_ =	sdelay $0x3  }
0xf9: {  	[tilespmem:v25+s19+$0x0] =	vst.idx.msk vm0, v8  }
0xfa: {  	v27 =	vadd.s32 $0x5200, v7;
	v8 =	vld.idx.msk [tilespmem:v26+s11+$0x0], vm0  }
0xfb: {  	v28 =	vor.u32 $0x2D, v6;
	_ =	sdelay $0x3  }
0xfc: {  	[tilespmem:v27+s19+$0x0] =	vst.idx.msk vm0, v8  }
0xfd: {  	v29 =	vadd.s32 $0x5280, v7;
	v8 =	vld.idx.msk [tilespmem:v28+s11+$0x0], vm0  }
0xfe: {  	v30 =	vor.u32 $0x2E, v6;
	_ =	sdelay $0x3  }
0xff: {  	[tilespmem:v29+s19+$0x0] =	vst.idx.msk vm0, v8  }
0x100: {  	v31 =	vadd.s32 $0x5300, v7;
	v8 =	vld.idx.msk [tilespmem:v30+s11+$0x0], vm0  }
0x101: {  	v32 =	vor.u32 $0x2F, v6;
	_ =	sdelay $0x3  }
0x102: {  	[tilespmem:v31+s19+$0x0] =	vst.idx.msk vm0, v8  }
0x103: {  	v33 =	vadd.s32 $0x5380, v7;
	v8 =	vld.idx.msk [tilespmem:v32+s11+$0x0], vm0  }
0x104: {  	v34 =	vor.u32 $0x30, v6;
	_ =	sdelay $0x3  }
0x105: {  	[tilespmem:v33+s19+$0x0] =	vst.idx.msk vm0, v8  }
0x106: {  	v35 =	vadd.s32 $0x6000, v7;
	v8 =	vld.idx.msk [tilespmem:v34+s11+$0x0], vm0  }
0x107: {  	v36 =	vor.u32 $0x31, v6;
	_ =	sdelay $0x3  }
0x108: {  	[tilespmem:v35+s19+$0x0] =	vst.idx.msk vm0, v8  }
0x109: {  	v37 =	vadd.s32 $0x6080, v7;
	v8 =	vld.idx.msk [tilespmem:v36+s11+$0x0], vm0  }
0x10a: {  	v38 =	vor.u32 $0x32, v6;
	_ =	sdelay $0x3  }
0x10b: {  	[tilespmem:v37+s19+$0x0] =	vst.idx.msk vm0, v8  }
0x10c: {  	v39 =	vadd.s32 $0x6100, v7;
	v8 =	vld.idx.msk [tilespmem:v38+s11+$0x0], vm0  }
0x10d: {  	v40 =	vor.u32 $0x33, v6;
	_ =	sdelay $0x3  }
0x10e: {  	[tilespmem:v39+s19+$0x0] =	vst.idx.msk vm0, v8  }
0x10f: {  	v41 =	vadd.s32 $0x6180, v7;
	v8 =	vld.idx.msk [tilespmem:v40+s11+$0x0], vm0  }
0x110: {  	v42 =	vor.u32 $0x34, v6;
	_ =	sdelay $0x3  }
0x111: {  	[tilespmem:v41+s19+$0x0] =	vst.idx.msk vm0, v8  }
0x112: {  	v43 =	vadd.s32 $0x6200, v7;
	v8 =	vld.idx.msk [tilespmem:v42+s11+$0x0], vm0  }
0x113: {  	v44 =	vor.u32 $0x35, v6;
	_ =	sdelay $0x3  }
0x114: {  	[tilespmem:v43+s19+$0x0] =	vst.idx.msk vm0, v8  }
0x115: {  	v45 =	vadd.s32 $0x6280, v7;
	v8 =	vld.idx.msk [tilespmem:v44+s11+$0x0], vm0  }
0x116: {  	v46 =	vor.u32 $0x36, v6;
	_ =	sdelay $0x3  }
0x117: {  	[tilespmem:v45+s19+$0x0] =	vst.idx.msk vm0, v8  }
0x118: {  	v47 =	vadd.s32 $0x6300, v7;
	v8 =	vld.idx.msk [tilespmem:v46+s11+$0x0], vm0  }
0x119: {  	v48 =	vor.u32 $0x37, v6;
	_ =	sdelay $0x3  }
0x11a: {  	[tilespmem:v47+s19+$0x0] =	vst.idx.msk vm0, v8  }
0x11b: {  	v49 =	vadd.s32 $0x6380, v7;
	v8 =	vld.idx.msk [tilespmem:v48+s11+$0x0], vm0  }
0x11c: {  	v50 =	vor.u32 $0x38, v6;
	_ =	sdelay $0x3  }
0x11d: {  	[tilespmem:v49+s19+$0x0] =	vst.idx.msk vm0, v8  }
0x11e: {  	v51 =	vadd.s32 $0x7000, v7;
	v8 =	vld.idx.msk [tilespmem:v50+s11+$0x0], vm0  }
0x11f: {  	v52 =	vor.u32 $0x39, v6;
	_ =	sdelay $0x3  }
0x120: {  	[tilespmem:v51+s19+$0x0] =	vst.idx.msk vm0, v8  }
0x121: {  	v53 =	vadd.s32 $0x7080, v7;
	v8 =	vld.idx.msk [tilespmem:v52+s11+$0x0], vm0  }
0x122: {  	v54 =	vor.u32 $0x3A, v6;
	_ =	sdelay $0x3  }
0x123: {  	[tilespmem:v53+s19+$0x0] =	vst.idx.msk vm0, v8  }
0x124: {  	v55 =	vadd.s32 $0x7100, v7;
	v8 =	vld.idx.msk [tilespmem:v54+s11+$0x0], vm0  }
0x125: {  	v56 =	vor.u32 $0x3B, v6;
	_ =	sdelay $0x3  }
0x126: {  	[tilespmem:v55+s19+$0x0] =	vst.idx.msk vm0, v8  }
0x127: {  	v57 =	vadd.s32 $0x7180, v7;
	v8 =	vld.idx.msk [tilespmem:v56+s11+$0x0], vm0  }
0x128: {  	v58 =	vor.u32 $0x3C, v6;
	_ =	sdelay $0x3  }
0x129: {  	[tilespmem:v57+s19+$0x0] =	vst.idx.msk vm0, v8  }
0x12a: {  	v59 =	vadd.s32 $0x7200, v7;
	v8 =	vld.idx.msk [tilespmem:v58+s11+$0x0], vm0  }
0x12b: {  	v60 =	vor.u32 $0x3D, v6;
	_ =	sdelay $0x3  }
0x12c: {  	[tilespmem:v59+s19+$0x0] =	vst.idx.msk vm0, v8  }
0x12d: {  	v61 =	vadd.s32 $0x7280, v7;
	v8 =	vld.idx.msk [tilespmem:v60+s11+$0x0], vm0  }
0x12e: {  	v62 =	vor.u32 $0x3E, v6;
	_ =	sdelay $0x3  }
0x12f: {  	[tilespmem:v61+s19+$0x0] =	vst.idx.msk vm0, v8  }
0x130: {  	v63 =	vadd.s32 $0x7300, v7;
	v8 =	vld.idx.msk [tilespmem:v62+s11+$0x0], vm0  }
0x131: {  	v6 =	vor.u32 $0x3F, v6;
	_ =	sdelay $0x3  }
0x132: {  	[tilespmem:v63+s19+$0x0] =	vst.idx.msk vm0, v8  }
0x133: {  	p0 =	sne.s32 s22, $0x1F0;
	v7 =	vadd.s32 $0x7380, v7;
	v6 =	vld.idx.msk [tilespmem:v6+s11+$0x0], vm0  }
.Ltmp3:
0x134: {  	_ = 	snop;
	(pc) =	sbr.rel @p0 .LBB2_8-.Ltmp3, $2  }
0x135: {  	_ =	sdelay $0x2  }
0x136: {  	s23 =	sadd.s32 $0x10, s23;
	s22 =	sadd.s32 $0x10, s22;
	[tilespmem:v7+s19+$0x0] =	vst.idx.msk vm0, v6  }
0x137: {  	s1 =	sadd.s32 $0x1, s1  }
0x138: {  	p0 =	sne.s32 s1, s7  }
.Ltmp4:
0x139: {  	_ = 	snop;
	(pc) =	sbr.rel @p0 .LBB2_1-.Ltmp4, $4  }
0x13a: {  	[hbm4b:s6+s20] =	stream.strided.scatter [tilespmem:s19], [sflag:$0x2], $0x8000, s21, s20, $0x38;
	[tilespmem:$0x1CD00] =	vst v63  }
0x13b: {  	_ =	swait.ge [sflag:s8], $0x8000  }
0x13c: {  	[sflag:s8] =	ssyncset.done $0x0  }
0x13d: {  	[sflag:s8] =	ssyncadd.s32 $0xFFFF8000  }
0x13e: {  	_ =	sfence.sel $0x180000  }
0x13f: {  	[bflag:$0x0] =	sbarrier.arrive $0xFFFF  }
0x140: {  	p0 =	sne.s32 s2, $0x0;
	_ =	strace $0x9000004A  }
0x141: {  	s0 =	sadd.s32 @!p0 $0x100000, s0;
	[bflag:$0x2] =	sbarrier.arrive $0xFFFF  }
0x142: {  	[sflag:s0] =	ssyncadd.tile.s32 @!p0 $0x1;
	_ =	shalt  }
.Lfunc_end2:
_tile_overlayer_lowered:
.L_overlay_start_2:
0x143: {  	(tag) =	ssettag $0x2  }
0x144: {  	s0 =	rddreg [dreg:$0x0];
	s2 =	stileid.u32  }
0x145: {  	s1 =	rddreg [dreg:$0x1];
	p0 =	sne.s32 s2, $0x0  }
0x146: {  	s3 =	rddreg [dreg:$0x2];
	[bflag:$0x3] =	sbarrier.arrive $0xFFFF;
	s2 =	simm.s32 @!p0 $0x1C02  }
0x147: {  	[timem:s3], [sflag:s2] =	dma.local @!p0 [hbm:s0], s1  }
0x148: {  	s0 =	simm.s32 @!p0 $0x2  }
0x149: {  	_ =	swait.ge @!p0 [sflag:s0], s1  }
0x14a: {  	s1 =	ssub.s32 @!p0 $0x0, s1;
	[sflag:s0] =	ssyncset.done @!p0 $0x0  }
0x14b: {  	[sflag:s0] =	ssyncadd.s32 @!p0 s1  }
0x14c: {  	[bflag:$0x3] =	sbarrier.arrive $0xFFFF  }
0x14d: {  	_ =	shalt  }

</sc_bundles>
